<compile_context>
chip_gen: v7x
topology: tpu7x:2x2x1
jax: 0.10.2.dev20260603
libtpu: 0.0.44.dev20260713+nightly
codegen_flags: <defaults>
</compile_context>

<pallas_src>
import functools

import jax
import jax.numpy as jnp
from jax import lax
from jax.experimental import pallas as pl
from jax.experimental.pallas import tpu as pltpu
from jax.experimental.pallas import tpu_sc as plsc

NUM_CLASSES = 12
NC = 2
NS = 16
L = 16
NW = NC * NS


@functools.lru_cache(maxsize=None)
def _make_planes(total: int):
    assert total % NW == 0
    per_tile = total // NW
    chunk = 3200
    while per_tile % chunk or (per_tile // chunk) % 2 or per_tile // chunk < 4:
        chunk //= 2
    assert chunk % L == 0
    n_chunks = per_tile // chunk
    out_c = chunk * NUM_CLASSES

    mesh = plsc.VectorSubcoreMesh(core_axis_name="c", subcore_axis_name="s")

    @functools.partial(
        pl.kernel,
        out_type=jax.ShapeDtypeStruct((total * NUM_CLASSES,), jnp.float32),
        mesh=mesh,
        compiler_params=pltpu.CompilerParams(needs_layout_passes=False),
        scratch_types=[
            pltpu.VMEM((chunk,), jnp.float32),
            pltpu.VMEM((chunk,), jnp.float32),
            pltpu.VMEM((out_c,), jnp.float32),
            pltpu.VMEM((out_c,), jnp.float32),
            pltpu.SemaphoreType.DMA,
            pltpu.SemaphoreType.DMA,
            pltpu.SemaphoreType.DMA,
            pltpu.SemaphoreType.DMA,
        ],
    )
    def planes(x_hbm, out_hbm, x0, x1, buf0, buf1, so0, so1, si0, si1):
        wid = lax.axis_index("s") * NC + lax.axis_index("c")
        tile_base = wid * per_tile
        xs = (x0, x1)
        bufs = (buf0, buf1)
        osems = (so0, so1)
        isems = (si0, si1)
        ones = jnp.ones((L,), jnp.float32)
        zeros = jnp.zeros((L,), jnp.float32)

        def start_in(b, k):
            goff = tile_base + k * chunk
            pltpu.async_copy(x_hbm.at[pl.ds(goff, chunk)], xs[b], isems[b])

        def wait_in(b):
            pltpu.make_async_copy(
                x_hbm.at[pl.ds(0, chunk)], xs[b], isems[b]
            ).wait()

        def compute_and_send(b, k):
            goff = tile_base + k * chunk

            @pl.loop(0, chunk // (4 * L))
            def _(t):
                for u in range(4):
                    off = (4 * t + u) * L
                    xv = xs[b][pl.ds(off, L)]
                    for c in range(NUM_CLASSES):
                        ov = jnp.where(xv == float(c), ones, zeros)
                        bufs[b][pl.ds(c * chunk + off, L)] = ov

            for c in range(NUM_CLASSES):
                pltpu.async_copy(
                    bufs[b].at[pl.ds(c * chunk, chunk)],
                    out_hbm.at[pl.ds(c * total + goff, chunk)],
                    osems[b],
                )

        def drain(b):
            for c in range(NUM_CLASSES):
                pltpu.make_async_copy(
                    bufs[b].at[pl.ds(c * chunk, chunk)],
                    out_hbm.at[pl.ds(0, chunk)],
                    osems[b],
                ).wait()

        start_in(0, 0)
        start_in(1, 1)
        for b in range(2):
            wait_in(b)
            compute_and_send(b, b)
            if n_chunks > 2:
                start_in(b, b + 2)

        @pl.loop(2, n_chunks - 2, step=2)
        def _(k):
            for b in range(2):
                drain(b)
                wait_in(b)
                compute_and_send(b, k + b)
                start_in(b, k + b + 2)

        for b in range(2):
            drain(b)
            wait_in(b)
            compute_and_send(b, n_chunks - 2 + b)
        drain(0)
        drain(1)

    return planes


def kernel(x):
    rows, cols = x.shape
    total = x.size
    xt_flat = x.T.reshape(total)
    out_flat = _make_planes(total)(xt_flat)
    out_t = out_flat.reshape(NUM_CLASSES, cols, rows)
    return out_t.transpose(2, 1, 0)

# --- scband reference (transcript-rebuilt; emitter-appended) ---
"""Pipeline reference for scband-one-hot-encoder-14628658610421 (READ-ONLY COPY).

The authoritative reference and input builder live on the scoring server;
editing this copy changes nothing except your own understanding.
"""

import jax, jax.numpy as jnp
import numpy as np

NUM_CLASSES = 12

def setup_inputs(seed: int = 0) -> dict:
    key = jax.random.key(seed)
    # Integer grid observations in [0, num_classes-1], stored as float32 (module casts internally)
    x = jax.random.randint(key, (16384, 200), 0, NUM_CLASSES).astype(jnp.float32)
    return {"x": x}

def reference(x):
    # Faithful translation of OneHotEncoder.__call__
    x_int = x.astype(jnp.int32)
    x_int = jnp.clip(x_int, 0, NUM_CLASSES - 1)
    one_hot = jnp.eye(NUM_CLASSES)[x_int]  # gather from eye table -> (..., 200, 12)
    return one_hot.astype(jnp.float32)

if __name__ == "__main__":
    import jax
    _d = setup_inputs()
    print(jax.jit(kernel)(*tuple(_d.values())))

</pallas_src>

<mosaic_0001>
#map = affine_map<(d0, d1) -> (0)>
module attributes {stable_mosaic.version = 14 : i64} {
  func.func @planes(%arg0: i32, %arg1: i32, %arg2: memref<3276800xf32, #tpu.memory_space<hbm>>, %arg3: memref<39321600xf32, #tpu.memory_space<hbm>>, %arg4: memref<3200xf32, #tpu.memory_space<vmem>>, %arg5: memref<3200xf32, #tpu.memory_space<vmem>>, %arg6: memref<38400xf32, #tpu.memory_space<vmem>>, %arg7: memref<38400xf32, #tpu.memory_space<vmem>>, %arg8: memref<!tpu.dma_semaphore, #tpu.memory_space<semaphore_mem>>, %arg9: memref<!tpu.dma_semaphore, #tpu.memory_space<semaphore_mem>>, %arg10: memref<!tpu.dma_semaphore, #tpu.memory_space<semaphore_mem>>, %arg11: memref<!tpu.dma_semaphore, #tpu.memory_space<semaphore_mem>>) attributes {dimension_semantics = [#tpu.dimension_semantics<core_parallel>, #tpu.dimension_semantics<subcore_parallel>], iteration_bounds = array<i64: 2, 16>, scalar_prefetch = 0 : i64, scratch_operands = 8 : i64, tpu.core_type = #tpu.core_type<sc_vector_subcore>, window_params = [{transform_indices = #map}, {transform_indices = #map}]} {
    %mul3A = arith.constant 2 : i32
    %mul3A_0 = arith.muli %arg1, %mul3A : i32
    %add3A = arith.addi %mul3A_0, %arg0 : i32
    %mul3A_1 = arith.constant 102400 : i32
    %mul3A_2 = arith.muli %add3A, %mul3A_1 : i32
    %broadcast_in_dim3A = arith.constant 1.000000e+00 : f32
    %broadcast_in_dim3A_3 = vector.broadcast %broadcast_in_dim3A : f32 to vector<16xf32>
    %broadcast_in_dim3A_4 = arith.constant 0.000000e+00 : f32
    %broadcast_in_dim3A_5 = vector.broadcast %broadcast_in_dim3A_4 : f32 to vector<16xf32>
    %add3A_6 = arith.constant 0 : i32
    %add3A_7 = arith.addi %mul3A_2, %add3A_6 : i32
    %dma_start3A = tpu.memref_slice %arg2[%add3A_7] : memref<3276800xf32, #tpu.memory_space<hbm>> -> memref<3200xf32, #tpu.memory_space<hbm>>
    %dma_start3A_8 = tpu.memref_slice %arg2[%add3A_7] : memref<3276800xf32, #tpu.memory_space<hbm>> -> memref<3200xf32, #tpu.memory_space<hbm>>
    tpu.enqueue_dma source(%dma_start3A_8 : memref<3200xf32, #tpu.memory_space<hbm>>) target(%arg4 : memref<3200xf32, #tpu.memory_space<vmem>>) target_semaphore(%arg10 : memref<!tpu.dma_semaphore, #tpu.memory_space<semaphore_mem>>)
    %add3A_9 = arith.constant 3200 : i32
    %add3A_10 = arith.addi %mul3A_2, %add3A_9 : i32
    %dma_start3A_11 = tpu.memref_slice %arg2[%add3A_10] : memref<3276800xf32, #tpu.memory_space<hbm>> -> memref<3200xf32, #tpu.memory_space<hbm>>
    %dma_start3A_12 = tpu.memref_slice %arg2[%add3A_10] : memref<3276800xf32, #tpu.memory_space<hbm>> -> memref<3200xf32, #tpu.memory_space<hbm>>
    tpu.enqueue_dma source(%dma_start3A_12 : memref<3200xf32, #tpu.memory_space<hbm>>) target(%arg5 : memref<3200xf32, #tpu.memory_space<vmem>>) target_semaphore(%arg11 : memref<!tpu.dma_semaphore, #tpu.memory_space<semaphore_mem>>)
    %dma_wait3A = arith.constant 0 : i32
    %dma_wait3A_13 = tpu.memref_slice %arg2[%dma_wait3A] : memref<3276800xf32, #tpu.memory_space<hbm>> -> memref<3200xf32, #tpu.memory_space<hbm>>
    %dma_wait3A_14 = arith.constant 0 : i32
    %dma_wait3A_15 = tpu.memref_slice %arg2[%dma_wait3A_14] : memref<3276800xf32, #tpu.memory_space<hbm>> -> memref<3200xf32, #tpu.memory_space<hbm>>
    tpu.wait_dma2 semaphore(%arg10 : memref<!tpu.dma_semaphore, #tpu.memory_space<semaphore_mem>>) src(%dma_wait3A_15 : memref<3200xf32, #tpu.memory_space<hbm>>) dst(%arg4 : memref<3200xf32, #tpu.memory_space<vmem>>)
    %add3A_16 = arith.constant 0 : i32
    %add3A_17 = arith.addi %mul3A_2, %add3A_16 : i32
    %scan3A = arith.constant 0 : i32
    %scan3A_18 = arith.constant 50 : i32
    %scan3A_19 = arith.addi %scan3A, %scan3A_18 : i32
    %scan3A_20 = arith.constant 1 : i32
    scf.for %scan3A_836 = %scan3A to %scan3A_19 step %scan3A_20  : i32 {
      %mul3A_837 = arith.constant 1 : i32
      %mul3A_838 = arith.muli %scan3A_836, %mul3A_837 : i32
      %add3A_839 = arith.constant 0 : i32
      %add3A_840 = arith.addi %add3A_839, %mul3A_838 : i32
      %mul3A_841 = arith.constant 4 : i32
      %mul3A_842 = arith.muli %mul3A_841, %add3A_840 : i32
      %add3A_843 = arith.constant 0 : i32
      %add3A_844 = arith.addi %mul3A_842, %add3A_843 : i32
      %mul3A_845 = arith.constant 16 : i32
      %mul3A_846 = arith.muli %add3A_844, %mul3A_845 : i32
      %get3A = arith.index_cast %mul3A_846 : i32 to index
      %get3A_847 = tpu.vector_load %arg4[%get3A] {strides = array<i32>} : memref<3200xf32, #tpu.memory_space<vmem>>, vector<16xf32>,
      %eq3A = arith.constant 0.000000e+00 : f32
      %eq3A_848 = vector.broadcast %eq3A : f32 to vector<16xf32>
      %eq3A_849 = arith.cmpf oeq, %get3A_847, %eq3A_848 : vector<16xf32>
      %select_n3A = arith.select %eq3A_849, %broadcast_in_dim3A_3, %broadcast_in_dim3A_5 : vector<16xi1>, vector<16xf32>
      %add3A_850 = arith.constant 0 : i32
      %add3A_851 = arith.addi %add3A_850, %mul3A_846 : i32
      %swap3A = arith.index_cast %add3A_851 : i32 to index
      %swap3A_852 = tpu.vector_load %arg6[%swap3A] {strides = array<i32>} : memref<38400xf32, #tpu.memory_space<vmem>>, vector<16xf32>,
      tpu.vector_store %arg6[%swap3A], %select_n3A {strides = array<i32>} : memref<38400xf32, #tpu.memory_space<vmem>>, vector<16xf32>,
      %eq3A_853 = arith.constant 1.000000e+00 : f32
      %eq3A_854 = vector.broadcast %eq3A_853 : f32 to vector<16xf32>
      %eq3A_855 = arith.cmpf oeq, %get3A_847, %eq3A_854 : vector<16xf32>
      %select_n3A_856 = arith.select %eq3A_855, %broadcast_in_dim3A_3, %broadcast_in_dim3A_5 : vector<16xi1>, vector<16xf32>
      %add3A_857 = arith.constant 3200 : i32
      %add3A_858 = arith.addi %add3A_857, %mul3A_846 : i32
      %swap3A_859 = arith.index_cast %add3A_858 : i32 to index
      %swap3A_860 = tpu.vector_load %arg6[%swap3A_859] {strides = array<i32>} : memref<38400xf32, #tpu.memory_space<vmem>>, vector<16xf32>,
      tpu.vector_store %arg6[%swap3A_859], %select_n3A_856 {strides = array<i32>} : memref<38400xf32, #tpu.memory_space<vmem>>, vector<16xf32>,
      %eq3A_861 = arith.constant 2.000000e+00 : f32
      %eq3A_862 = vector.broadcast %eq3A_861 : f32 to vector<16xf32>
      %eq3A_863 = arith.cmpf oeq, %get3A_847, %eq3A_862 : vector<16xf32>
      %select_n3A_864 = arith.select %eq3A_863, %broadcast_in_dim3A_3, %broadcast_in_dim3A_5 : vector<16xi1>, vector<16xf32>
      %add3A_865 = arith.constant 6400 : i32
      %add3A_866 = arith.addi %add3A_865, %mul3A_846 : i32
      %swap3A_867 = arith.index_cast %add3A_866 : i32 to index
      %swap3A_868 = tpu.vector_load %arg6[%swap3A_867] {strides = array<i32>} : memref<38400xf32, #tpu.memory_space<vmem>>, vector<16xf32>,
      tpu.vector_store %arg6[%swap3A_867], %select_n3A_864 {strides = array<i32>} : memref<38400xf32, #tpu.memory_space<vmem>>, vector<16xf32>,
      %eq3A_869 = arith.constant 3.000000e+00 : f32
      %eq3A_870 = vector.broadcast %eq3A_869 : f32 to vector<16xf32>
      %eq3A_871 = arith.cmpf oeq, %get3A_847, %eq3A_870 : vector<16xf32>
      %select_n3A_872 = arith.select %eq3A_871, %broadcast_in_dim3A_3, %broadcast_in_dim3A_5 : vector<16xi1>, vector<16xf32>
      %add3A_873 = arith.constant 9600 : i32
      %add3A_874 = arith.addi %add3A_873, %mul3A_846 : i32
      %swap3A_875 = arith.index_cast %add3A_874 : i32 to index
      %swap3A_876 = tpu.vector_load %arg6[%swap3A_875] {strides = array<i32>} : memref<38400xf32, #tpu.memory_space<vmem>>, vector<16xf32>,
      tpu.vector_store %arg6[%swap3A_875], %select_n3A_872 {strides = array<i32>} : memref<38400xf32, #tpu.memory_space<vmem>>, vector<16xf32>,
      %eq3A_877 = arith.constant 4.000000e+00 : f32
      %eq3A_878 = vector.broadcast %eq3A_877 : f32 to vector<16xf32>
      %eq3A_879 = arith.cmpf oeq, %get3A_847, %eq3A_878 : vector<16xf32>
      %select_n3A_880 = arith.select %eq3A_879, %broadcast_in_dim3A_3, %broadcast_in_dim3A_5 : vector<16xi1>, vector<16xf32>
      %add3A_881 = arith.constant 12800 : i32
      %add3A_882 = arith.addi %add3A_881, %mul3A_846 : i32
      %swap3A_883 = arith.index_cast %add3A_882 : i32 to index
      %swap3A_884 = tpu.vector_load %arg6[%swap3A_883] {strides = array<i32>} : memref<38400xf32, #tpu.memory_space<vmem>>, vector<16xf32>,
      tpu.vector_store %arg6[%swap3A_883], %select_n3A_880 {strides = array<i32>} : memref<38400xf32, #tpu.memory_space<vmem>>, vector<16xf32>,
      %eq3A_885 = arith.constant 5.000000e+00 : f32
      %eq3A_886 = vector.broadcast %eq3A_885 : f32 to vector<16xf32>
      %eq3A_887 = arith.cmpf oeq, %get3A_847, %eq3A_886 : vector<16xf32>
      %select_n3A_888 = arith.select %eq3A_887, %broadcast_in_dim3A_3, %broadcast_in_dim3A_5 : vector<16xi1>, vector<16xf32>
      %add3A_889 = arith.constant 16000 : i32
      %add3A_890 = arith.addi %add3A_889, %mul3A_846 : i32
      %swap3A_891 = arith.index_cast %add3A_890 : i32 to index
      %swap3A_892 = tpu.vector_load %arg6[%swap3A_891] {strides = array<i32>} : memref<38400xf32, #tpu.memory_space<vmem>>, vector<16xf32>,
      tpu.vector_store %arg6[%swap3A_891], %select_n3A_888 {strides = array<i32>} : memref<38400xf32, #tpu.memory_space<vmem>>, vector<16xf32>,
      %eq3A_893 = arith.constant 6.000000e+00 : f32
      %eq3A_894 = vector.broadcast %eq3A_893 : f32 to vector<16xf32>
      %eq3A_895 = arith.cmpf oeq, %get3A_847, %eq3A_894 : vector<16xf32>
      %select_n3A_896 = arith.select %eq3A_895, %broadcast_in_dim3A_3, %broadcast_in_dim3A_5 : vector<16xi1>, vector<16xf32>
      %add3A_897 = arith.constant 19200 : i32
      %add3A_898 = arith.addi %add3A_897, %mul3A_846 : i32
      %swap3A_899 = arith.index_cast %add3A_898 : i32 to index
      %swap3A_900 = tpu.vector_load %arg6[%swap3A_899] {strides = array<i32>} : memref<38400xf32, #tpu.memory_space<vmem>>, vector<16xf32>,
      tpu.vector_store %arg6[%swap3A_899], %select_n3A_896 {strides = array<i32>} : memref<38400xf32, #tpu.memory_space<vmem>>, vector<16xf32>,
      %eq3A_901 = arith.constant 7.000000e+00 : f32
      %eq3A_902 = vector.broadcast %eq3A_901 : f32 to vector<16xf32>
      %eq3A_903 = arith.cmpf oeq, %get3A_847, %eq3A_902 : vector<16xf32>
      %select_n3A_904 = arith.select %eq3A_903, %broadcast_in_dim3A_3, %broadcast_in_dim3A_5 : vector<16xi1>, vector<16xf32>
      %add3A_905 = arith.constant 22400 : i32
      %add3A_906 = arith.addi %add3A_905, %mul3A_846 : i32
      %swap3A_907 = arith.index_cast %add3A_906 : i32 to index
      %swap3A_908 = tpu.vector_load %arg6[%swap3A_907] {strides = array<i32>} : memref<38400xf32, #tpu.memory_space<vmem>>, vector<16xf32>,
      tpu.vector_store %arg6[%swap3A_907], %select_n3A_904 {strides = array<i32>} : memref<38400xf32, #tpu.memory_space<vmem>>, vector<16xf32>,
      %eq3A_909 = arith.constant 8.000000e+00 : f32
      %eq3A_910 = vector.broadcast %eq3A_909 : f32 to vector<16xf32>
      %eq3A_911 = arith.cmpf oeq, %get3A_847, %eq3A_910 : vector<16xf32>
      %select_n3A_912 = arith.select %eq3A_911, %broadcast_in_dim3A_3, %broadcast_in_dim3A_5 : vector<16xi1>, vector<16xf32>
      %add3A_913 = arith.constant 25600 : i32
      %add3A_914 = arith.addi %add3A_913, %mul3A_846 : i32
      %swap3A_915 = arith.index_cast %add3A_914 : i32 to index
      %swap3A_916 = tpu.vector_load %arg6[%swap3A_915] {strides = array<i32>} : memref<38400xf32, #tpu.memory_space<vmem>>, vector<16xf32>,
      tpu.vector_store %arg6[%swap3A_915], %select_n3A_912 {strides = array<i32>} : memref<38400xf32, #tpu.memory_space<vmem>>, vector<16xf32>,
      %eq3A_917 = arith.constant 9.000000e+00 : f32
      %eq3A_918 = vector.broadcast %eq3A_917 : f32 to vector<16xf32>
      %eq3A_919 = arith.cmpf oeq, %get3A_847, %eq3A_918 : vector<16xf32>
      %select_n3A_920 = arith.select %eq3A_919, %broadcast_in_dim3A_3, %broadcast_in_dim3A_5 : vector<16xi1>, vector<16xf32>
      %add3A_921 = arith.constant 28800 : i32
      %add3A_922 = arith.addi %add3A_921, %mul3A_846 : i32
      %swap3A_923 = arith.index_cast %add3A_922 : i32 to index
      %swap3A_924 = tpu.vector_load %arg6[%swap3A_923] {strides = array<i32>} : memref<38400xf32, #tpu.memory_space<vmem>>, vector<16xf32>,
      tpu.vector_store %arg6[%swap3A_923], %select_n3A_920 {strides = array<i32>} : memref<38400xf32, #tpu.memory_space<vmem>>, vector<16xf32>,
      %eq3A_925 = arith.constant 1.000000e+01 : f32
      %eq3A_926 = vector.broadcast %eq3A_925 : f32 to vector<16xf32>
      %eq3A_927 = arith.cmpf oeq, %get3A_847, %eq3A_926 : vector<16xf32>
      %select_n3A_928 = arith.select %eq3A_927, %broadcast_in_dim3A_3, %broadcast_in_dim3A_5 : vector<16xi1>, vector<16xf32>
      %add3A_929 = arith.constant 32000 : i32
      %add3A_930 = arith.addi %add3A_929, %mul3A_846 : i32
      %swap3A_931 = arith.index_cast %add3A_930 : i32 to index
      %swap3A_932 = tpu.vector_load %arg6[%swap3A_931] {strides = array<i32>} : memref<38400xf32, #tpu.memory_space<vmem>>, vector<16xf32>,
      tpu.vector_store %arg6[%swap3A_931], %select_n3A_928 {strides = array<i32>} : memref<38400xf32, #tpu.memory_space<vmem>>, vector<16xf32>,
      %eq3A_933 = arith.constant 1.100000e+01 : f32
      %eq3A_934 = vector.broadcast %eq3A_933 : f32 to vector<16xf32>
      %eq3A_935 = arith.cmpf oeq, %get3A_847, %eq3A_934 : vector<16xf32>
      %select_n3A_936 = arith.select %eq3A_935, %broadcast_in_dim3A_3, %broadcast_in_dim3A_5 : vector<16xi1>, vector<16xf32>
      %add3A_937 = arith.constant 35200 : i32
      %add3A_938 = arith.addi %add3A_937, %mul3A_846 : i32
      %swap3A_939 = arith.index_cast %add3A_938 : i32 to index
      %swap3A_940 = tpu.vector_load %arg6[%swap3A_939] {strides = array<i32>} : memref<38400xf32, #tpu.memory_space<vmem>>, vector<16xf32>,
      tpu.vector_store %arg6[%swap3A_939], %select_n3A_936 {strides = array<i32>} : memref<38400xf32, #tpu.memory_space<vmem>>, vector<16xf32>,
      %mul3A_941 = arith.constant 4 : i32
      %mul3A_942 = arith.muli %mul3A_941, %add3A_840 : i32
      %add3A_943 = arith.constant 1 : i32
      %add3A_944 = arith.addi %mul3A_942, %add3A_943 : i32
      %mul3A_945 = arith.constant 16 : i32
      %mul3A_946 = arith.muli %add3A_944, %mul3A_945 : i32
      %get3A_947 = arith.index_cast %mul3A_946 : i32 to index
      %get3A_948 = tpu.vector_load %arg4[%get3A_947] {strides = array<i32>} : memref<3200xf32, #tpu.memory_space<vmem>>, vector<16xf32>,
      %eq3A_949 = arith.constant 0.000000e+00 : f32
      %eq3A_950 = vector.broadcast %eq3A_949 : f32 to vector<16xf32>
      %eq3A_951 = arith.cmpf oeq, %get3A_948, %eq3A_950 : vector<16xf32>
      %select_n3A_952 = arith.select %eq3A_951, %broadcast_in_dim3A_3, %broadcast_in_dim3A_5 : vector<16xi1>, vector<16xf32>
      %add3A_953 = arith.constant 0 : i32
      %add3A_954 = arith.addi %add3A_953, %mul3A_946 : i32
      %swap3A_955 = arith.index_cast %add3A_954 : i32 to index
      %swap3A_956 = tpu.vector_load %arg6[%swap3A_955] {strides = array<i32>} : memref<38400xf32, #tpu.memory_space<vmem>>, vector<16xf32>,
      tpu.vector_store %arg6[%swap3A_955], %select_n3A_952 {strides = array<i32>} : memref<38400xf32, #tpu.memory_space<vmem>>, vector<16xf32>,
      %eq3A_957 = arith.constant 1.000000e+00 : f32
      %eq3A_958 = vector.broadcast %eq3A_957 : f32 to vector<16xf32>
      %eq3A_959 = arith.cmpf oeq, %get3A_948, %eq3A_958 : vector<16xf32>
      %select_n3A_960 = arith.select %eq3A_959, %broadcast_in_dim3A_3, %broadcast_in_dim3A_5 : vector<16xi1>, vector<16xf32>
      %add3A_961 = arith.constant 3200 : i32
      %add3A_962 = arith.addi %add3A_961, %mul3A_946 : i32
      %swap3A_963 = arith.index_cast %add3A_962 : i32 to index
      %swap3A_964 = tpu.vector_load %arg6[%swap3A_963] {strides = array<i32>} : memref<38400xf32, #tpu.memory_space<vmem>>, vector<16xf32>,
      tpu.vector_store %arg6[%swap3A_963], %select_n3A_960 {strides = array<i32>} : memref<38400xf32, #tpu.memory_space<vmem>>, vector<16xf32>,
      %eq3A_965 = arith.constant 2.000000e+00 : f32
      %eq3A_966 = vector.broadcast %eq3A_965 : f32 to vector<16xf32>
      %eq3A_967 = arith.cmpf oeq, %get3A_948, %eq3A_966 : vector<16xf32>
      %select_n3A_968 = arith.select %eq3A_967, %broadcast_in_dim3A_3, %broadcast_in_dim3A_5 : vector<16xi1>, vector<16xf32>
      %add3A_969 = arith.constant 6400 : i32
      %add3A_970 = arith.addi %add3A_969, %mul3A_946 : i32
      %swap3A_971 = arith.index_cast %add3A_970 : i32 to index
      %swap3A_972 = tpu.vector_load %arg6[%swap3A_971] {strides = array<i32>} : memref<38400xf32, #tpu.memory_space<vmem>>, vector<16xf32>,
      tpu.vector_store %arg6[%swap3A_971], %select_n3A_968 {strides = array<i32>} : memref<38400xf32, #tpu.memory_space<vmem>>, vector<16xf32>,
      %eq3A_973 = arith.constant 3.000000e+00 : f32
      %eq3A_974 = vector.broadcast %eq3A_973 : f32 to vector<16xf32>
      %eq3A_975 = arith.cmpf oeq, %get3A_948, %eq3A_974 : vector<16xf32>
      %select_n3A_976 = arith.select %eq3A_975, %broadcast_in_dim3A_3, %broadcast_in_dim3A_5 : vector<16xi1>, vector<16xf32>
      %add3A_977 = arith.constant 9600 : i32
      %add3A_978 = arith.addi %add3A_977, %mul3A_946 : i32
      %swap3A_979 = arith.index_cast %add3A_978 : i32 to index
      %swap3A_980 = tpu.vector_load %arg6[%swap3A_979] {strides = array<i32>} : memref<38400xf32, #tpu.memory_space<vmem>>, vector<16xf32>,
      tpu.vector_store %arg6[%swap3A_979], %select_n3A_976 {strides = array<i32>} : memref<38400xf32, #tpu.memory_space<vmem>>, vector<16xf32>,
      %eq3A_981 = arith.constant 4.000000e+00 : f32
      %eq3A_982 = vector.broadcast %eq3A_981 : f32 to vector<16xf32>
      %eq3A_983 = arith.cmpf oeq, %get3A_948, %eq3A_982 : vector<16xf32>
      %select_n3A_984 = arith.select %eq3A_983, %broadcast_in_dim3A_3, %broadcast_in_dim3A_5 : vector<16xi1>, vector<16xf32>
      %add3A_985 = arith.constant 12800 : i32
      %add3A_986 = arith.addi %add3A_985, %mul3A_946 : i32
      %swap3A_987 = arith.index_cast %add3A_986 : i32 to index
      %swap3A_988 = tpu.vector_load %arg6[%swap3A_987] {strides = array<i32>} : memref<38400xf32, #tpu.memory_space<vmem>>, vector<16xf32>,
      tpu.vector_store %arg6[%swap3A_987], %select_n3A_984 {strides = array<i32>} : memref<38400xf32, #tpu.memory_space<vmem>>, vector<16xf32>,
      %eq3A_989 = arith.constant 5.000000e+00 : f32
      %eq3A_990 = vector.broadcast %eq3A_989 : f32 to vector<16xf32>
      %eq3A_991 = arith.cmpf oeq, %get3A_948, %eq3A_990 : vector<16xf32>
      %select_n3A_992 = arith.select %eq3A_991, %broadcast_in_dim3A_3, %broadcast_in_dim3A_5 : vector<16xi1>, vector<16xf32>
      %add3A_993 = arith.constant 16000 : i32
      %add3A_994 = arith.addi %add3A_993, %mul3A_946 : i32
      %swap3A_995 = arith.index_cast %add3A_994 : i32 to index
      %swap3A_996 = tpu.vector_load %arg6[%swap3A_995] {strides = array<i32>} : memref<38400xf32, #tpu.memory_space<vmem>>, vector<16xf32>,
      tpu.vector_store %arg6[%swap3A_995], %select_n3A_992 {strides = array<i32>} : memref<38400xf32, #tpu.memory_space<vmem>>, vector<16xf32>,
      %eq3A_997 = arith.constant 6.000000e+00 : f32
      %eq3A_998 = vector.broadcast %eq3A_997 : f32 to vector<16xf32>
      %eq3A_999 = arith.cmpf oeq, %get3A_948, %eq3A_998 : vector<16xf32>
      %select_n3A_1000 = arith.select %eq3A_999, %broadcast_in_dim3A_3, %broadcast_in_dim3A_5 : vector<16xi1>, vector<16xf32>
      %add3A_1001 = arith.constant 19200 : i32
      %add3A_1002 = arith.addi %add3A_1001, %mul3A_946 : i32
      %swap3A_1003 = arith.index_cast %add3A_1002 : i32 to index
      %swap3A_1004 = tpu.vector_load %arg6[%swap3A_1003] {strides = array<i32>} : memref<38400xf32, #tpu.memory_space<vmem>>, vector<16xf32>,
      tpu.vector_store %arg6[%swap3A_1003], %select_n3A_1000 {strides = array<i32>} : memref<38400xf32, #tpu.memory_space<vmem>>, vector<16xf32>,
      %eq3A_1005 = arith.constant 7.000000e+00 : f32
      %eq3A_1006 = vector.broadcast %eq3A_1005 : f32 to vector<16xf32>
      %eq3A_1007 = arith.cmpf oeq, %get3A_948, %eq3A_1006 : vector<16xf32>
      %select_n3A_1008 = arith.select %eq3A_1007, %broadcast_in_dim3A_3, %broadcast_in_dim3A_5 : vector<16xi1>, vector<16xf32>
      %add3A_1009 = arith.constant 22400 : i32
      %add3A_1010 = arith.addi %add3A_1009, %mul3A_946 : i32
      %swap3A_1011 = arith.index_cast %add3A_1010 : i32 to index
      %swap3A_1012 = tpu.vector_load %arg6[%swap3A_1011] {strides = array<i32>} : memref<38400xf32, #tpu.memory_space<vmem>>, vector<16xf32>,
      tpu.vector_store %arg6[%swap3A_1011], %select_n3A_1008 {strides = array<i32>} : memref<38400xf32, #tpu.memory_space<vmem>>, vector<16xf32>,
      %eq3A_1013 = arith.constant 8.000000e+00 : f32
      %eq3A_1014 = vector.broadcast %eq3A_1013 : f32 to vector<16xf32>
      %eq3A_1015 = arith.cmpf oeq, %get3A_948, %eq3A_1014 : vector<16xf32>
      %select_n3A_1016 = arith.select %eq3A_1015, %broadcast_in_dim3A_3, %broadcast_in_dim3A_5 : vector<16xi1>, vector<16xf32>
      %add3A_1017 = arith.constant 25600 : i32
      %add3A_1018 = arith.addi %add3A_1017, %mul3A_946 : i32
      %swap3A_1019 = arith.index_cast %add3A_1018 : i32 to index
      %swap3A_1020 = tpu.vector_load %arg6[%swap3A_1019] {strides = array<i32>} : memref<38400xf32, #tpu.memory_space<vmem>>, vector<16xf32>,
      tpu.vector_store %arg6[%swap3A_1019], %select_n3A_1016 {strides = array<i32>} : memref<38400xf32, #tpu.memory_space<vmem>>, vector<16xf32>,
      %eq3A_1021 = arith.constant 9.000000e+00 : f32
      %eq3A_1022 = vector.broadcast %eq3A_1021 : f32 to vector<16xf32>
      %eq3A_1023 = arith.cmpf oeq, %get3A_948, %eq3A_1022 : vector<16xf32>
      %select_n3A_1024 = arith.select %eq3A_1023, %broadcast_in_dim3A_3, %broadcast_in_dim3A_5 : vector<16xi1>, vector<16xf32>
      %add3A_1025 = arith.constant 28800 : i32
      %add3A_1026 = arith.addi %add3A_1025, %mul3A_946 : i32
      %swap3A_1027 = arith.index_cast %add3A_1026 : i32 to index
      %swap3A_1028 = tpu.vector_load %arg6[%swap3A_1027] {strides = array<i32>} : memref<38400xf32, #tpu.memory_space<vmem>>, vector<16xf32>,
      tpu.vector_store %arg6[%swap3A_1027], %select_n3A_1024 {strides = array<i32>} : memref<38400xf32, #tpu.memory_space<vmem>>, vector<16xf32>,
      %eq3A_1029 = arith.constant 1.000000e+01 : f32
      %eq3A_1030 = vector.broadcast %eq3A_1029 : f32 to vector<16xf32>
      %eq3A_1031 = arith.cmpf oeq, %get3A_948, %eq3A_1030 : vector<16xf32>
      %select_n3A_1032 = arith.select %eq3A_1031, %broadcast_in_dim3A_3, %broadcast_in_dim3A_5 : vector<16xi1>, vector<16xf32>
      %add3A_1033 = arith.constant 32000 : i32
      %add3A_1034 = arith.addi %add3A_1033, %mul3A_946 : i32
      %swap3A_1035 = arith.index_cast %add3A_1034 : i32 to index
      %swap3A_1036 = tpu.vector_load %arg6[%swap3A_1035] {strides = array<i32>} : memref<38400xf32, #tpu.memory_space<vmem>>, vector<16xf32>,
      tpu.vector_store %arg6[%swap3A_1035], %select_n3A_1032 {strides = array<i32>} : memref<38400xf32, #tpu.memory_space<vmem>>, vector<16xf32>,
      %eq3A_1037 = arith.constant 1.100000e+01 : f32
      %eq3A_1038 = vector.broadcast %eq3A_1037 : f32 to vector<16xf32>
      %eq3A_1039 = arith.cmpf oeq, %get3A_948, %eq3A_1038 : vector<16xf32>
      %select_n3A_1040 = arith.select %eq3A_1039, %broadcast_in_dim3A_3, %broadcast_in_dim3A_5 : vector<16xi1>, vector<16xf32>
      %add3A_1041 = arith.constant 35200 : i32
      %add3A_1042 = arith.addi %add3A_1041, %mul3A_946 : i32
      %swap3A_1043 = arith.index_cast %add3A_1042 : i32 to index
      %swap3A_1044 = tpu.vector_load %arg6[%swap3A_1043] {strides = array<i32>} : memref<38400xf32, #tpu.memory_space<vmem>>, vector<16xf32>,
      tpu.vector_store %arg6[%swap3A_1043], %select_n3A_1040 {strides = array<i32>} : memref<38400xf32, #tpu.memory_space<vmem>>, vector<16xf32>,
      %mul3A_1045 = arith.constant 4 : i32
      %mul3A_1046 = arith.muli %mul3A_1045, %add3A_840 : i32
      %add3A_1047 = arith.constant 2 : i32
      %add3A_1048 = arith.addi %mul3A_1046, %add3A_1047 : i32
      %mul3A_1049 = arith.constant 16 : i32
      %mul3A_1050 = arith.muli %add3A_1048, %mul3A_1049 : i32
      %get3A_1051 = arith.index_cast %mul3A_1050 : i32 to index
      %get3A_1052 = tpu.vector_load %arg4[%get3A_1051] {strides = array<i32>} : memref<3200xf32, #tpu.memory_space<vmem>>, vector<16xf32>,
      %eq3A_1053 = arith.constant 0.000000e+00 : f32
      %eq3A_1054 = vector.broadcast %eq3A_1053 : f32 to vector<16xf32>
      %eq3A_1055 = arith.cmpf oeq, %get3A_1052, %eq3A_1054 : vector<16xf32>
      %select_n3A_1056 = arith.select %eq3A_1055, %broadcast_in_dim3A_3, %broadcast_in_dim3A_5 : vector<16xi1>, vector<16xf32>
      %add3A_1057 = arith.constant 0 : i32
      %add3A_1058 = arith.addi %add3A_1057, %mul3A_1050 : i32
      %swap3A_1059 = arith.index_cast %add3A_1058 : i32 to index
      %swap3A_1060 = tpu.vector_load %arg6[%swap3A_1059] {strides = array<i32>} : memref<38400xf32, #tpu.memory_space<vmem>>, vector<16xf32>,
      tpu.vector_store %arg6[%swap3A_1059], %select_n3A_1056 {strides = array<i32>} : memref<38400xf32, #tpu.memory_space<vmem>>, vector<16xf32>,
      %eq3A_1061 = arith.constant 1.000000e+00 : f32
      %eq3A_1062 = vector.broadcast %eq3A_1061 : f32 to vector<16xf32>
      %eq3A_1063 = arith.cmpf oeq, %get3A_1052, %eq3A_1062 : vector<16xf32>
      %select_n3A_1064 = arith.select %eq3A_1063, %broadcast_in_dim3A_3, %broadcast_in_dim3A_5 : vector<16xi1>, vector<16xf32>
      %add3A_1065 = arith.constant 3200 : i32
      %add3A_1066 = arith.addi %add3A_1065, %mul3A_1050 : i32
      %swap3A_1067 = arith.index_cast %add3A_1066 : i32 to index
      %swap3A_1068 = tpu.vector_load %arg6[%swap3A_1067] {strides = array<i32>} : memref<38400xf32, #tpu.memory_space<vmem>>, vector<16xf32>,
      tpu.vector_store %arg6[%swap3A_1067], %select_n3A_1064 {strides = array<i32>} : memref<38400xf32, #tpu.memory_space<vmem>>, vector<16xf32>,
      %eq3A_1069 = arith.constant 2.000000e+00 : f32
      %eq3A_1070 = vector.broadcast %eq3A_1069 : f32 to vector<16xf32>
      %eq3A_1071 = arith.cmpf oeq, %get3A_1052, %eq3A_1070 : vector<16xf32>
      %select_n3A_1072 = arith.select %eq3A_1071, %broadcast_in_dim3A_3, %broadcast_in_dim3A_5 : vector<16xi1>, vector<16xf32>
      %add3A_1073 = arith.constant 6400 : i32
      %add3A_1074 = arith.addi %add3A_1073, %mul3A_1050 : i32
      %swap3A_1075 = arith.index_cast %add3A_1074 : i32 to index
      %swap3A_1076 = tpu.vector_load %arg6[%swap3A_1075] {strides = array<i32>} : memref<38400xf32, #tpu.memory_space<vmem>>, vector<16xf32>,
      tpu.vector_store %arg6[%swap3A_1075], %select_n3A_1072 {strides = array<i32>} : memref<38400xf32, #tpu.memory_space<vmem>>, vector<16xf32>,
      %eq3A_1077 = arith.constant 3.000000e+00 : f32
      %eq3A_1078 = vector.broadcast %eq3A_1077 : f32 to vector<16xf32>
      %eq3A_1079 = arith.cmpf oeq, %get3A_1052, %eq3A_1078 : vector<16xf32>
      %select_n3A_1080 = arith.select %eq3A_1079, %broadcast_in_dim3A_3, %broadcast_in_dim3A_5 : vector<16xi1>, vector<16xf32>
      %add3A_1081 = arith.constant 9600 : i32
      %add3A_1082 = arith.addi %add3A_1081, %mul3A_1050 : i32
      %swap3A_1083 = arith.index_cast %add3A_1082 : i32 to index
      %swap3A_1084 = tpu.vector_load %arg6[%swap3A_1083] {strides = array<i32>} : memref<38400xf32, #tpu.memory_space<vmem>>, vector<16xf32>,
      tpu.vector_store %arg6[%swap3A_1083], %select_n3A_1080 {strides = array<i32>} : memref<38400xf32, #tpu.memory_space<vmem>>, vector<16xf32>,
      %eq3A_1085 = arith.constant 4.000000e+00 : f32
      %eq3A_1086 = vector.broadcast %eq3A_1085 : f32 to vector<16xf32>
      %eq3A_1087 = arith.cmpf oeq, %get3A_1052, %eq3A_1086 : vector<16xf32>
      %select_n3A_1088 = arith.select %eq3A_1087, %broadcast_in_dim3A_3, %broadcast_in_dim3A_5 : vector<16xi1>, vector<16xf32>
      %add3A_1089 = arith.constant 12800 : i32
      %add3A_1090 = arith.addi %add3A_1089, %mul3A_1050 : i32
      %swap3A_1091 = arith.index_cast %add3A_1090 : i32 to index
      %swap3A_1092 = tpu.vector_load %arg6[%swap3A_1091] {strides = array<i32>} : memref<38400xf32, #tpu.memory_space<vmem>>, vector<16xf32>,
      tpu.vector_store %arg6[%swap3A_1091], %select_n3A_1088 {strides = array<i32>} : memref<38400xf32, #tpu.memory_space<vmem>>, vector<16xf32>,
      %eq3A_1093 = arith.constant 5.000000e+00 : f32
      %eq3A_1094 = vector.broadcast %eq3A_1093 : f32 to vector<16xf32>
      %eq3A_1095 = arith.cmpf oeq, %get3A_1052, %eq3A_1094 : vector<16xf32>
      %select_n3A_1096 = arith.select %eq3A_1095, %broadcast_in_dim3A_3, %broadcast_in_dim3A_5 : vector<16xi1>, vector<16xf32>
      %add3A_1097 = arith.constant 16000 : i32
      %add3A_1098 = arith.addi %add3A_1097, %mul3A_1050 : i32
      %swap3A_1099 = arith.index_cast %add3A_1098 : i32 to index
      %swap3A_1100 = tpu.vector_load %arg6[%swap3A_1099] {strides = array<i32>} : memref<38400xf32, #tpu.memory_space<vmem>>, vector<16xf32>,
      tpu.vector_store %arg6[%swap3A_1099], %select_n3A_1096 {strides = array<i32>} : memref<38400xf32, #tpu.memory_space<vmem>>, vector<16xf32>,
      %eq3A_1101 = arith.constant 6.000000e+00 : f32
      %eq3A_1102 = vector.broadcast %eq3A_1101 : f32 to vector<16xf32>
      %eq3A_1103 = arith.cmpf oeq, %get3A_1052, %eq3A_1102 : vector<16xf32>
      %select_n3A_1104 = arith.select %eq3A_1103, %broadcast_in_dim3A_3, %broadcast_in_dim3A_5 : vector<16xi1>, vector<16xf32>
      %add3A_1105 = arith.constant 19200 : i32
      %add3A_1106 = arith.addi %add3A_1105, %mul3A_1050 : i32
      %swap3A_1107 = arith.index_cast %add3A_1106 : i32 to index
      %swap3A_1108 = tpu.vector_load %arg6[%swap3A_1107] {strides = array<i32>} : memref<38400xf32, #tpu.memory_space<vmem>>, vector<16xf32>,
      tpu.vector_store %arg6[%swap3A_1107], %select_n3A_1104 {strides = array<i32>} : memref<38400xf32, #tpu.memory_space<vmem>>, vector<16xf32>,
      %eq3A_1109 = arith.constant 7.000000e+00 : f32
      %eq3A_1110 = vector.broadcast %eq3A_1109 : f32 to vector<16xf32>
      %eq3A_1111 = arith.cmpf oeq, %get3A_1052, %eq3A_1110 : vector<16xf32>
      %select_n3A_1112 = arith.select %eq3A_1111, %broadcast_in_dim3A_3, %broadcast_in_dim3A_5 : vector<16xi1>, vector<16xf32>
      %add3A_1113 = arith.constant 22400 : i32
      %add3A_1114 = arith.addi %add3A_1113, %mul3A_1050 : i32
      %swap3A_1115 = arith.index_cast %add3A_1114 : i32 to index
      %swap3A_1116 = tpu.vector_load %arg6[%swap3A_1115] {strides = array<i32>} : memref<38400xf32, #tpu.memory_space<vmem>>, vector<16xf32>,
      tpu.vector_store %arg6[%swap3A_1115], %select_n3A_1112 {strides = array<i32>} : memref<38400xf32, #tpu.memory_space<vmem>>, vector<16xf32>,
      %eq3A_1117 = arith.constant 8.000000e+00 : f32
      %eq3A_1118 = vector.broadcast %eq3A_1117 : f32 to vector<16xf32>
      %eq3A_1119 = arith.cmpf oeq, %get3A_1052, %eq3A_1118 : vector<16xf32>
      %select_n3A_1120 = arith.select %eq3A_1119, %broadcast_in_dim3A_3, %broadcast_in_dim3A_5 : vector<16xi1>, vector<16xf32>
      %add3A_1121 = arith.constant 25600 : i32
      %add3A_1122 = arith.addi %add3A_1121, %mul3A_1050 : i32
      %swap3A_1123 = arith.index_cast %add3A_1122 : i32 to index
      %swap3A_1124 = tpu.vector_load %arg6[%swap3A_1123] {strides = array<i32>} : memref<38400xf32, #tpu.memory_space<vmem>>, vector<16xf32>,
      tpu.vector_store %arg6[%swap3A_1123], %select_n3A_1120 {strides = array<i32>} : memref<38400xf32, #tpu.memory_space<vmem>>, vector<16xf32>,
      %eq3A_1125 = arith.constant 9.000000e+00 : f32
      %eq3A_1126 = vector.broadcast %eq3A_1125 : f32 to vector<16xf32>
      %eq3A_1127 = arith.cmpf oeq, %get3A_1052, %eq3A_1126 : vector<16xf32>
      %select_n3A_1128 = arith.select %eq3A_1127, %broadcast_in_dim3A_3, %broadcast_in_dim3A_5 : vector<16xi1>, vector<16xf32>
      %add3A_1129 = arith.constant 28800 : i32
      %add3A_1130 = arith.addi %add3A_1129, %mul3A_1050 : i32
      %swap3A_1131 = arith.index_cast %add3A_1130 : i32 to index
      %swap3A_1132 = tpu.vector_load %arg6[%swap3A_1131] {strides = array<i32>} : memref<38400xf32, #tpu.memory_space<vmem>>, vector<16xf32>,
      tpu.vector_store %arg6[%swap3A_1131], %select_n3A_1128 {strides = array<i32>} : memref<38400xf32, #tpu.memory_space<vmem>>, vector<16xf32>,
      %eq3A_1133 = arith.constant 1.000000e+01 : f32
      %eq3A_1134 = vector.broadcast %eq3A_1133 : f32 to vector<16xf32>
      %eq3A_1135 = arith.cmpf oeq, %get3A_1052, %eq3A_1134 : vector<16xf32>
      %select_n3A_1136 = arith.select %eq3A_1135, %broadcast_in_dim3A_3, %broadcast_in_dim3A_5 : vector<16xi1>, vector<16xf32>
      %add3A_1137 = arith.constant 32000 : i32
      %add3A_1138 = arith.addi %add3A_1137, %mul3A_1050 : i32
      %swap3A_1139 = arith.index_cast %add3A_1138 : i32 to index
      %swap3A_1140 = tpu.vector_load %arg6[%swap3A_1139] {strides = array<i32>} : memref<38400xf32, #tpu.memory_space<vmem>>, vector<16xf32>,
      tpu.vector_store %arg6[%swap3A_1139], %select_n3A_1136 {strides = array<i32>} : memref<38400xf32, #tpu.memory_space<vmem>>, vector<16xf32>,
      %eq3A_1141 = arith.constant 1.100000e+01 : f32
      %eq3A_1142 = vector.broadcast %eq3A_1141 : f32 to vector<16xf32>
      %eq3A_1143 = arith.cmpf oeq, %get3A_1052, %eq3A_1142 : vector<16xf32>
      %select_n3A_1144 = arith.select %eq3A_1143, %broadcast_in_dim3A_3, %broadcast_in_dim3A_5 : vector<16xi1>, vector<16xf32>
      %add3A_1145 = arith.constant 35200 : i32
      %add3A_1146 = arith.addi %add3A_1145, %mul3A_1050 : i32
      %swap3A_1147 = arith.index_cast %add3A_1146 : i32 to index
      %swap3A_1148 = tpu.vector_load %arg6[%swap3A_1147] {strides = array<i32>} : memref<38400xf32, #tpu.memory_space<vmem>>, vector<16xf32>,
      tpu.vector_store %arg6[%swap3A_1147], %select_n3A_1144 {strides = array<i32>} : memref<38400xf32, #tpu.memory_space<vmem>>, vector<16xf32>,
      %mul3A_1149 = arith.constant 4 : i32
      %mul3A_1150 = arith.muli %mul3A_1149, %add3A_840 : i32
      %add3A_1151 = arith.constant 3 : i32
      %add3A_1152 = arith.addi %mul3A_1150, %add3A_1151 : i32
      %mul3A_1153 = arith.constant 16 : i32
      %mul3A_1154 = arith.muli %add3A_1152, %mul3A_1153 : i32
      %get3A_1155 = arith.index_cast %mul3A_1154 : i32 to index
      %get3A_1156 = tpu.vector_load %arg4[%get3A_1155] {strides = array<i32>} : memref<3200xf32, #tpu.memory_space<vmem>>, vector<16xf32>,
      %eq3A_1157 = arith.constant 0.000000e+00 : f32
      %eq3A_1158 = vector.broadcast %eq3A_1157 : f32 to vector<16xf32>
      %eq3A_1159 = arith.cmpf oeq, %get3A_1156, %eq3A_1158 : vector<16xf32>
      %select_n3A_1160 = arith.select %eq3A_1159, %broadcast_in_dim3A_3, %broadcast_in_dim3A_5 : vector<16xi1>, vector<16xf32>
      %add3A_1161 = arith.constant 0 : i32
      %add3A_1162 = arith.addi %add3A_1161, %mul3A_1154 : i32
      %swap3A_1163 = arith.index_cast %add3A_1162 : i32 to index
      %swap3A_1164 = tpu.vector_load %arg6[%swap3A_1163] {strides = array<i32>} : memref<38400xf32, #tpu.memory_space<vmem>>, vector<16xf32>,
      tpu.vector_store %arg6[%swap3A_1163], %select_n3A_1160 {strides = array<i32>} : memref<38400xf32, #tpu.memory_space<vmem>>, vector<16xf32>,
      %eq3A_1165 = arith.constant 1.000000e+00 : f32
      %eq3A_1166 = vector.broadcast %eq3A_1165 : f32 to vector<16xf32>
      %eq3A_1167 = arith.cmpf oeq, %get3A_1156, %eq3A_1166 : vector<16xf32>
      %select_n3A_1168 = arith.select %eq3A_1167, %broadcast_in_dim3A_3, %broadcast_in_dim3A_5 : vector<16xi1>, vector<16xf32>
      %add3A_1169 = arith.constant 3200 : i32
      %add3A_1170 = arith.addi %add3A_1169, %mul3A_1154 : i32
      %swap3A_1171 = arith.index_cast %add3A_1170 : i32 to index
      %swap3A_1172 = tpu.vector_load %arg6[%swap3A_1171] {strides = array<i32>} : memref<38400xf32, #tpu.memory_space<vmem>>, vector<16xf32>,
      tpu.vector_store %arg6[%swap3A_1171], %select_n3A_1168 {strides = array<i32>} : memref<38400xf32, #tpu.memory_space<vmem>>, vector<16xf32>,
      %eq3A_1173 = arith.constant 2.000000e+00 : f32
      %eq3A_1174 = vector.broadcast %eq3A_1173 : f32 to vector<16xf32>
      %eq3A_1175 = arith.cmpf oeq, %get3A_1156, %eq3A_1174 : vector<16xf32>
      %select_n3A_1176 = arith.select %eq3A_1175, %broadcast_in_dim3A_3, %broadcast_in_dim3A_5 : vector<16xi1>, vector<16xf32>
      %add3A_1177 = arith.constant 6400 : i32
      %add3A_1178 = arith.addi %add3A_1177, %mul3A_1154 : i32
      %swap3A_1179 = arith.index_cast %add3A_1178 : i32 to index
      %swap3A_1180 = tpu.vector_load %arg6[%swap3A_1179] {strides = array<i32>} : memref<38400xf32, #tpu.memory_space<vmem>>, vector<16xf32>,
      tpu.vector_store %arg6[%swap3A_1179], %select_n3A_1176 {strides = array<i32>} : memref<38400xf32, #tpu.memory_space<vmem>>, vector<16xf32>,
      %eq3A_1181 = arith.constant 3.000000e+00 : f32
      %eq3A_1182 = vector.broadcast %eq3A_1181 : f32 to vector<16xf32>
      %eq3A_1183 = arith.cmpf oeq, %get3A_1156, %eq3A_1182 : vector<16xf32>
      %select_n3A_1184 = arith.select %eq3A_1183, %broadcast_in_dim3A_3, %broadcast_in_dim3A_5 : vector<16xi1>, vector<16xf32>
      %add3A_1185 = arith.constant 9600 : i32
      %add3A_1186 = arith.addi %add3A_1185, %mul3A_1154 : i32
      %swap3A_1187 = arith.index_cast %add3A_1186 : i32 to index
      %swap3A_1188 = tpu.vector_load %arg6[%swap3A_1187] {strides = array<i32>} : memref<38400xf32, #tpu.memory_space<vmem>>, vector<16xf32>,
      tpu.vector_store %arg6[%swap3A_1187], %select_n3A_1184 {strides = array<i32>} : memref<38400xf32, #tpu.memory_space<vmem>>, vector<16xf32>,
      %eq3A_1189 = arith.constant 4.000000e+00 : f32
      %eq3A_1190 = vector.broadcast %eq3A_1189 : f32 to vector<16xf32>
      %eq3A_1191 = arith.cmpf oeq, %get3A_1156, %eq3A_1190 : vector<16xf32>
      %select_n3A_1192 = arith.select %eq3A_1191, %broadcast_in_dim3A_3, %broadcast_in_dim3A_5 : vector<16xi1>, vector<16xf32>
      %add3A_1193 = arith.constant 12800 : i32
      %add3A_1194 = arith.addi %add3A_1193, %mul3A_1154 : i32
      %swap3A_1195 = arith.index_cast %add3A_1194 : i32 to index
      %swap3A_1196 = tpu.vector_load %arg6[%swap3A_1195] {strides = array<i32>} : memref<38400xf32, #tpu.memory_space<vmem>>, vector<16xf32>,
      tpu.vector_store %arg6[%swap3A_1195], %select_n3A_1192 {strides = array<i32>} : memref<38400xf32, #tpu.memory_space<vmem>>, vector<16xf32>,
      %eq3A_1197 = arith.constant 5.000000e+00 : f32
      %eq3A_1198 = vector.broadcast %eq3A_1197 : f32 to vector<16xf32>
      %eq3A_1199 = arith.cmpf oeq, %get3A_1156, %eq3A_1198 : vector<16xf32>
      %select_n3A_1200 = arith.select %eq3A_1199, %broadcast_in_dim3A_3, %broadcast_in_dim3A_5 : vector<16xi1>, vector<16xf32>
      %add3A_1201 = arith.constant 16000 : i32
      %add3A_1202 = arith.addi %add3A_1201, %mul3A_1154 : i32
      %swap3A_1203 = arith.index_cast %add3A_1202 : i32 to index
      %swap3A_1204 = tpu.vector_load %arg6[%swap3A_1203] {strides = array<i32>} : memref<38400xf32, #tpu.memory_space<vmem>>, vector<16xf32>,
      tpu.vector_store %arg6[%swap3A_1203], %select_n3A_1200 {strides = array<i32>} : memref<38400xf32, #tpu.memory_space<vmem>>, vector<16xf32>,
      %eq3A_1205 = arith.constant 6.000000e+00 : f32
      %eq3A_1206 = vector.broadcast %eq3A_1205 : f32 to vector<16xf32>
      %eq3A_1207 = arith.cmpf oeq, %get3A_1156, %eq3A_1206 : vector<16xf32>
      %select_n3A_1208 = arith.select %eq3A_1207, %broadcast_in_dim3A_3, %broadcast_in_dim3A_5 : vector<16xi1>, vector<16xf32>
      %add3A_1209 = arith.constant 19200 : i32
      %add3A_1210 = arith.addi %add3A_1209, %mul3A_1154 : i32
      %swap3A_1211 = arith.index_cast %add3A_1210 : i32 to index
      %swap3A_1212 = tpu.vector_load %arg6[%swap3A_1211] {strides = array<i32>} : memref<38400xf32, #tpu.memory_space<vmem>>, vector<16xf32>,
      tpu.vector_store %arg6[%swap3A_1211], %select_n3A_1208 {strides = array<i32>} : memref<38400xf32, #tpu.memory_space<vmem>>, vector<16xf32>,
      %eq3A_1213 = arith.constant 7.000000e+00 : f32
      %eq3A_1214 = vector.broadcast %eq3A_1213 : f32 to vector<16xf32>
      %eq3A_1215 = arith.cmpf oeq, %get3A_1156, %eq3A_1214 : vector<16xf32>
      %select_n3A_1216 = arith.select %eq3A_1215, %broadcast_in_dim3A_3, %broadcast_in_dim3A_5 : vector<16xi1>, vector<16xf32>
      %add3A_1217 = arith.constant 22400 : i32
      %add3A_1218 = arith.addi %add3A_1217, %mul3A_1154 : i32
      %swap3A_1219 = arith.index_cast %add3A_1218 : i32 to index
      %swap3A_1220 = tpu.vector_load %arg6[%swap3A_1219] {strides = array<i32>} : memref<38400xf32, #tpu.memory_space<vmem>>, vector<16xf32>,
      tpu.vector_store %arg6[%swap3A_1219], %select_n3A_1216 {strides = array<i32>} : memref<38400xf32, #tpu.memory_space<vmem>>, vector<16xf32>,
      %eq3A_1221 = arith.constant 8.000000e+00 : f32
      %eq3A_1222 = vector.broadcast %eq3A_1221 : f32 to vector<16xf32>
      %eq3A_1223 = arith.cmpf oeq, %get3A_1156, %eq3A_1222 : vector<16xf32>
      %select_n3A_1224 = arith.select %eq3A_1223, %broadcast_in_dim3A_3, %broadcast_in_dim3A_5 : vector<16xi1>, vector<16xf32>
      %add3A_1225 = arith.constant 25600 : i32
      %add3A_1226 = arith.addi %add3A_1225, %mul3A_1154 : i32
      %swap3A_1227 = arith.index_cast %add3A_1226 : i32 to index
      %swap3A_1228 = tpu.vector_load %arg6[%swap3A_1227] {strides = array<i32>} : memref<38400xf32, #tpu.memory_space<vmem>>, vector<16xf32>,
      tpu.vector_store %arg6[%swap3A_1227], %select_n3A_1224 {strides = array<i32>} : memref<38400xf32, #tpu.memory_space<vmem>>, vector<16xf32>,
      %eq3A_1229 = arith.constant 9.000000e+00 : f32
      %eq3A_1230 = vector.broadcast %eq3A_1229 : f32 to vector<16xf32>
      %eq3A_1231 = arith.cmpf oeq, %get3A_1156, %eq3A_1230 : vector<16xf32>
      %select_n3A_1232 = arith.select %eq3A_1231, %broadcast_in_dim3A_3, %broadcast_in_dim3A_5 : vector<16xi1>, vector<16xf32>
      %add3A_1233 = arith.constant 28800 : i32
      %add3A_1234 = arith.addi %add3A_1233, %mul3A_1154 : i32
      %swap3A_1235 = arith.index_cast %add3A_1234 : i32 to index
      %swap3A_1236 = tpu.vector_load %arg6[%swap3A_1235] {strides = array<i32>} : memref<38400xf32, #tpu.memory_space<vmem>>, vector<16xf32>,
      tpu.vector_store %arg6[%swap3A_1235], %select_n3A_1232 {strides = array<i32>} : memref<38400xf32, #tpu.memory_space<vmem>>, vector<16xf32>,
      %eq3A_1237 = arith.constant 1.000000e+01 : f32
      %eq3A_1238 = vector.broadcast %eq3A_1237 : f32 to vector<16xf32>
      %eq3A_1239 = arith.cmpf oeq, %get3A_1156, %eq3A_1238 : vector<16xf32>
      %select_n3A_1240 = arith.select %eq3A_1239, %broadcast_in_dim3A_3, %broadcast_in_dim3A_5 : vector<16xi1>, vector<16xf32>
      %add3A_1241 = arith.constant 32000 : i32
      %add3A_1242 = arith.addi %add3A_1241, %mul3A_1154 : i32
      %swap3A_1243 = arith.index_cast %add3A_1242 : i32 to index
      %swap3A_1244 = tpu.vector_load %arg6[%swap3A_1243] {strides = array<i32>} : memref<38400xf32, #tpu.memory_space<vmem>>, vector<16xf32>,
      tpu.vector_store %arg6[%swap3A_1243], %select_n3A_1240 {strides = array<i32>} : memref<38400xf32, #tpu.memory_space<vmem>>, vector<16xf32>,
      %eq3A_1245 = arith.constant 1.100000e+01 : f32
      %eq3A_1246 = vector.broadcast %eq3A_1245 : f32 to vector<16xf32>
      %eq3A_1247 = arith.cmpf oeq, %get3A_1156, %eq3A_1246 : vector<16xf32>
      %select_n3A_1248 = arith.select %eq3A_1247, %broadcast_in_dim3A_3, %broadcast_in_dim3A_5 : vector<16xi1>, vector<16xf32>
      %add3A_1249 = arith.constant 35200 : i32
      %add3A_1250 = arith.addi %add3A_1249, %mul3A_1154 : i32
      %swap3A_1251 = arith.index_cast %add3A_1250 : i32 to index
      %swap3A_1252 = tpu.vector_load %arg6[%swap3A_1251] {strides = array<i32>} : memref<38400xf32, #tpu.memory_space<vmem>>, vector<16xf32>,
      tpu.vector_store %arg6[%swap3A_1251], %select_n3A_1248 {strides = array<i32>} : memref<38400xf32, #tpu.memory_space<vmem>>, vector<16xf32>,
    }
    %scan3A_21 = arith.constant 50 : i32
    %add3A_22 = arith.constant 0 : i32
    %add3A_23 = arith.addi %add3A_22, %add3A_17 : i32
    %dma_start3A_24 = arith.constant 0 : i32
    %dma_start3A_25 = tpu.memref_slice %arg6[%dma_start3A_24] : memref<38400xf32, #tpu.memory_space<vmem>> -> memref<3200xf32, #tpu.memory_space<vmem>>
    %dma_start3A_26 = tpu.memref_slice %arg3[%add3A_23] : memref<39321600xf32, #tpu.memory_space<hbm>> -> memref<3200xf32, #tpu.memory_space<hbm>>
    %dma_start3A_27 = tpu.memref_slice %arg3[%add3A_23] : memref<39321600xf32, #tpu.memory_space<hbm>> -> memref<3200xf32, #tpu.memory_space<hbm>>
    %dma_start3A_28 = arith.constant 0 : i32
    %dma_start3A_29 = tpu.memref_slice %arg6[%dma_start3A_28] : memref<38400xf32, #tpu.memory_space<vmem>> -> memref<3200xf32, #tpu.memory_space<vmem>>
    tpu.enqueue_dma source(%dma_start3A_29 : memref<3200xf32, #tpu.memory_space<vmem>>) target(%dma_start3A_27 : memref<3200xf32, #tpu.memory_space<hbm>>) target_semaphore(%arg8 : memref<!tpu.dma_semaphore, #tpu.memory_space<semaphore_mem>>)
    %add3A_30 = arith.constant 3276800 : i32
    %add3A_31 = arith.addi %add3A_30, %add3A_17 : i32
    %dma_start3A_32 = arith.constant 3200 : i32
    %dma_start3A_33 = tpu.memref_slice %arg6[%dma_start3A_32] : memref<38400xf32, #tpu.memory_space<vmem>> -> memref<3200xf32, #tpu.memory_space<vmem>>
    %dma_start3A_34 = tpu.memref_slice %arg3[%add3A_31] : memref<39321600xf32, #tpu.memory_space<hbm>> -> memref<3200xf32, #tpu.memory_space<hbm>>
    %dma_start3A_35 = tpu.memref_slice %arg3[%add3A_31] : memref<39321600xf32, #tpu.memory_space<hbm>> -> memref<3200xf32, #tpu.memory_space<hbm>>
    %dma_start3A_36 = arith.constant 3200 : i32
    %dma_start3A_37 = tpu.memref_slice %arg6[%dma_start3A_36] : memref<38400xf32, #tpu.memory_space<vmem>> -> memref<3200xf32, #tpu.memory_space<vmem>>
    tpu.enqueue_dma source(%dma_start3A_37 : memref<3200xf32, #tpu.memory_space<vmem>>) target(%dma_start3A_35 : memref<3200xf32, #tpu.memory_space<hbm>>) target_semaphore(%arg8 : memref<!tpu.dma_semaphore, #tpu.memory_space<semaphore_mem>>)
    %add3A_38 = arith.constant 6553600 : i32
    %add3A_39 = arith.addi %add3A_38, %add3A_17 : i32
    %dma_start3A_40 = arith.constant 6400 : i32
    %dma_start3A_41 = tpu.memref_slice %arg6[%dma_start3A_40] : memref<38400xf32, #tpu.memory_space<vmem>> -> memref<3200xf32, #tpu.memory_space<vmem>>
    %dma_start3A_42 = tpu.memref_slice %arg3[%add3A_39] : memref<39321600xf32, #tpu.memory_space<hbm>> -> memref<3200xf32, #tpu.memory_space<hbm>>
    %dma_start3A_43 = tpu.memref_slice %arg3[%add3A_39] : memref<39321600xf32, #tpu.memory_space<hbm>> -> memref<3200xf32, #tpu.memory_space<hbm>>
    %dma_start3A_44 = arith.constant 6400 : i32
    %dma_start3A_45 = tpu.memref_slice %arg6[%dma_start3A_44] : memref<38400xf32, #tpu.memory_space<vmem>> -> memref<3200xf32, #tpu.memory_space<vmem>>
    tpu.enqueue_dma source(%dma_start3A_45 : memref<3200xf32, #tpu.memory_space<vmem>>) target(%dma_start3A_43 : memref<3200xf32, #tpu.memory_space<hbm>>) target_semaphore(%arg8 : memref<!tpu.dma_semaphore, #tpu.memory_space<semaphore_mem>>)
    %add3A_46 = arith.constant 9830400 : i32
    %add3A_47 = arith.addi %add3A_46, %add3A_17 : i32
    %dma_start3A_48 = arith.constant 9600 : i32
    %dma_start3A_49 = tpu.memref_slice %arg6[%dma_start3A_48] : memref<38400xf32, #tpu.memory_space<vmem>> -> memref<3200xf32, #tpu.memory_space<vmem>>
    %dma_start3A_50 = tpu.memref_slice %arg3[%add3A_47] : memref<39321600xf32, #tpu.memory_space<hbm>> -> memref<3200xf32, #tpu.memory_space<hbm>>
    %dma_start3A_51 = tpu.memref_slice %arg3[%add3A_47] : memref<39321600xf32, #tpu.memory_space<hbm>> -> memref<3200xf32, #tpu.memory_space<hbm>>
    %dma_start3A_52 = arith.constant 9600 : i32
    %dma_start3A_53 = tpu.memref_slice %arg6[%dma_start3A_52] : memref<38400xf32, #tpu.memory_space<vmem>> -> memref<3200xf32, #tpu.memory_space<vmem>>
    tpu.enqueue_dma source(%dma_start3A_53 : memref<3200xf32, #tpu.memory_space<vmem>>) target(%dma_start3A_51 : memref<3200xf32, #tpu.memory_space<hbm>>) target_semaphore(%arg8 : memref<!tpu.dma_semaphore, #tpu.memory_space<semaphore_mem>>)
    %add3A_54 = arith.constant 13107200 : i32
    %add3A_55 = arith.addi %add3A_54, %add3A_17 : i32
    %dma_start3A_56 = arith.constant 12800 : i32
    %dma_start3A_57 = tpu.memref_slice %arg6[%dma_start3A_56] : memref<38400xf32, #tpu.memory_space<vmem>> -> memref<3200xf32, #tpu.memory_space<vmem>>
    %dma_start3A_58 = tpu.memref_slice %arg3[%add3A_55] : memref<39321600xf32, #tpu.memory_space<hbm>> -> memref<3200xf32, #tpu.memory_space<hbm>>
    %dma_start3A_59 = tpu.memref_slice %arg3[%add3A_55] : memref<39321600xf32, #tpu.memory_space<hbm>> -> memref<3200xf32, #tpu.memory_space<hbm>>
    %dma_start3A_60 = arith.constant 12800 : i32
    %dma_start3A_61 = tpu.memref_slice %arg6[%dma_start3A_60] : memref<38400xf32, #tpu.memory_space<vmem>> -> memref<3200xf32, #tpu.memory_space<vmem>>
    tpu.enqueue_dma source(%dma_start3A_61 : memref<3200xf32, #tpu.memory_space<vmem>>) target(%dma_start3A_59 : memref<3200xf32, #tpu.memory_space<hbm>>) target_semaphore(%arg8 : memref<!tpu.dma_semaphore, #tpu.memory_space<semaphore_mem>>)
    %add3A_62 = arith.constant 16384000 : i32
    %add3A_63 = arith.addi %add3A_62, %add3A_17 : i32
    %dma_start3A_64 = arith.constant 16000 : i32
    %dma_start3A_65 = tpu.memref_slice %arg6[%dma_start3A_64] : memref<38400xf32, #tpu.memory_space<vmem>> -> memref<3200xf32, #tpu.memory_space<vmem>>
    %dma_start3A_66 = tpu.memref_slice %arg3[%add3A_63] : memref<39321600xf32, #tpu.memory_space<hbm>> -> memref<3200xf32, #tpu.memory_space<hbm>>
    %dma_start3A_67 = tpu.memref_slice %arg3[%add3A_63] : memref<39321600xf32, #tpu.memory_space<hbm>> -> memref<3200xf32, #tpu.memory_space<hbm>>
    %dma_start3A_68 = arith.constant 16000 : i32
    %dma_start3A_69 = tpu.memref_slice %arg6[%dma_start3A_68] : memref<38400xf32, #tpu.memory_space<vmem>> -> memref<3200xf32, #tpu.memory_space<vmem>>
    tpu.enqueue_dma source(%dma_start3A_69 : memref<3200xf32, #tpu.memory_space<vmem>>) target(%dma_start3A_67 : memref<3200xf32, #tpu.memory_space<hbm>>) target_semaphore(%arg8 : memref<!tpu.dma_semaphore, #tpu.memory_space<semaphore_mem>>)
    %add3A_70 = arith.constant 19660800 : i32
    %add3A_71 = arith.addi %add3A_70, %add3A_17 : i32
    %dma_start3A_72 = arith.constant 19200 : i32
    %dma_start3A_73 = tpu.memref_slice %arg6[%dma_start3A_72] : memref<38400xf32, #tpu.memory_space<vmem>> -> memref<3200xf32, #tpu.memory_space<vmem>>
    %dma_start3A_74 = tpu.memref_slice %arg3[%add3A_71] : memref<39321600xf32, #tpu.memory_space<hbm>> -> memref<3200xf32, #tpu.memory_space<hbm>>
    %dma_start3A_75 = tpu.memref_slice %arg3[%add3A_71] : memref<39321600xf32, #tpu.memory_space<hbm>> -> memref<3200xf32, #tpu.memory_space<hbm>>
    %dma_start3A_76 = arith.constant 19200 : i32
    %dma_start3A_77 = tpu.memref_slice %arg6[%dma_start3A_76] : memref<38400xf32, #tpu.memory_space<vmem>> -> memref<3200xf32, #tpu.memory_space<vmem>>
    tpu.enqueue_dma source(%dma_start3A_77 : memref<3200xf32, #tpu.memory_space<vmem>>) target(%dma_start3A_75 : memref<3200xf32, #tpu.memory_space<hbm>>) target_semaphore(%arg8 : memref<!tpu.dma_semaphore, #tpu.memory_space<semaphore_mem>>)
    %add3A_78 = arith.constant 22937600 : i32
    %add3A_79 = arith.addi %add3A_78, %add3A_17 : i32
    %dma_start3A_80 = arith.constant 22400 : i32
    %dma_start3A_81 = tpu.memref_slice %arg6[%dma_start3A_80] : memref<38400xf32, #tpu.memory_space<vmem>> -> memref<3200xf32, #tpu.memory_space<vmem>>
    %dma_start3A_82 = tpu.memref_slice %arg3[%add3A_79] : memref<39321600xf32, #tpu.memory_space<hbm>> -> memref<3200xf32, #tpu.memory_space<hbm>>
    %dma_start3A_83 = tpu.memref_slice %arg3[%add3A_79] : memref<39321600xf32, #tpu.memory_space<hbm>> -> memref<3200xf32, #tpu.memory_space<hbm>>
    %dma_start3A_84 = arith.constant 22400 : i32
    %dma_start3A_85 = tpu.memref_slice %arg6[%dma_start3A_84] : memref<38400xf32, #tpu.memory_space<vmem>> -> memref<3200xf32, #tpu.memory_space<vmem>>
    tpu.enqueue_dma source(%dma_start3A_85 : memref<3200xf32, #tpu.memory_space<vmem>>) target(%dma_start3A_83 : memref<3200xf32, #tpu.memory_space<hbm>>) target_semaphore(%arg8 : memref<!tpu.dma_semaphore, #tpu.memory_space<semaphore_mem>>)
    %add3A_86 = arith.constant 26214400 : i32
    %add3A_87 = arith.addi %add3A_86, %add3A_17 : i32
    %dma_start3A_88 = arith.constant 25600 : i32
    %dma_start3A_89 = tpu.memref_slice %arg6[%dma_start3A_88] : memref<38400xf32, #tpu.memory_space<vmem>> -> memref<3200xf32, #tpu.memory_space<vmem>>
    %dma_start3A_90 = tpu.memref_slice %arg3[%add3A_87] : memref<39321600xf32, #tpu.memory_space<hbm>> -> memref<3200xf32, #tpu.memory_space<hbm>>
    %dma_start3A_91 = tpu.memref_slice %arg3[%add3A_87] : memref<39321600xf32, #tpu.memory_space<hbm>> -> memref<3200xf32, #tpu.memory_space<hbm>>
    %dma_start3A_92 = arith.constant 25600 : i32
    %dma_start3A_93 = tpu.memref_slice %arg6[%dma_start3A_92] : memref<38400xf32, #tpu.memory_space<vmem>> -> memref<3200xf32, #tpu.memory_space<vmem>>
    tpu.enqueue_dma source(%dma_start3A_93 : memref<3200xf32, #tpu.memory_space<vmem>>) target(%dma_start3A_91 : memref<3200xf32, #tpu.memory_space<hbm>>) target_semaphore(%arg8 : memref<!tpu.dma_semaphore, #tpu.memory_space<semaphore_mem>>)
    %add3A_94 = arith.constant 29491200 : i32
    %add3A_95 = arith.addi %add3A_94, %add3A_17 : i32
    %dma_start3A_96 = arith.constant 28800 : i32
    %dma_start3A_97 = tpu.memref_slice %arg6[%dma_start3A_96] : memref<38400xf32, #tpu.memory_space<vmem>> -> memref<3200xf32, #tpu.memory_space<vmem>>
    %dma_start3A_98 = tpu.memref_slice %arg3[%add3A_95] : memref<39321600xf32, #tpu.memory_space<hbm>> -> memref<3200xf32, #tpu.memory_space<hbm>>
    %dma_start3A_99 = tpu.memref_slice %arg3[%add3A_95] : memref<39321600xf32, #tpu.memory_space<hbm>> -> memref<3200xf32, #tpu.memory_space<hbm>>
    %dma_start3A_100 = arith.constant 28800 : i32
    %dma_start3A_101 = tpu.memref_slice %arg6[%dma_start3A_100] : memref<38400xf32, #tpu.memory_space<vmem>> -> memref<3200xf32, #tpu.memory_space<vmem>>
    tpu.enqueue_dma source(%dma_start3A_101 : memref<3200xf32, #tpu.memory_space<vmem>>) target(%dma_start3A_99 : memref<3200xf32, #tpu.memory_space<hbm>>) target_semaphore(%arg8 : memref<!tpu.dma_semaphore, #tpu.memory_space<semaphore_mem>>)
    %add3A_102 = arith.constant 32768000 : i32
    %add3A_103 = arith.addi %add3A_102, %add3A_17 : i32
    %dma_start3A_104 = arith.constant 32000 : i32
    %dma_start3A_105 = tpu.memref_slice %arg6[%dma_start3A_104] : memref<38400xf32, #tpu.memory_space<vmem>> -> memref<3200xf32, #tpu.memory_space<vmem>>
    %dma_start3A_106 = tpu.memref_slice %arg3[%add3A_103] : memref<39321600xf32, #tpu.memory_space<hbm>> -> memref<3200xf32, #tpu.memory_space<hbm>>
    %dma_start3A_107 = tpu.memref_slice %arg3[%add3A_103] : memref<39321600xf32, #tpu.memory_space<hbm>> -> memref<3200xf32, #tpu.memory_space<hbm>>
    %dma_start3A_108 = arith.constant 32000 : i32
    %dma_start3A_109 = tpu.memref_slice %arg6[%dma_start3A_108] : memref<38400xf32, #tpu.memory_space<vmem>> -> memref<3200xf32, #tpu.memory_space<vmem>>
    tpu.enqueue_dma source(%dma_start3A_109 : memref<3200xf32, #tpu.memory_space<vmem>>) target(%dma_start3A_107 : memref<3200xf32, #tpu.memory_space<hbm>>) target_semaphore(%arg8 : memref<!tpu.dma_semaphore, #tpu.memory_space<semaphore_mem>>)
    %add3A_110 = arith.constant 36044800 : i32
    %add3A_111 = arith.addi %add3A_110, %add3A_17 : i32
    %dma_start3A_112 = arith.constant 35200 : i32
    %dma_start3A_113 = tpu.memref_slice %arg6[%dma_start3A_112] : memref<38400xf32, #tpu.memory_space<vmem>> -> memref<3200xf32, #tpu.memory_space<vmem>>
    %dma_start3A_114 = tpu.memref_slice %arg3[%add3A_111] : memref<39321600xf32, #tpu.memory_space<hbm>> -> memref<3200xf32, #tpu.memory_space<hbm>>
    %dma_start3A_115 = tpu.memref_slice %arg3[%add3A_111] : memref<39321600xf32, #tpu.memory_space<hbm>> -> memref<3200xf32, #tpu.memory_space<hbm>>
    %dma_start3A_116 = arith.constant 35200 : i32
    %dma_start3A_117 = tpu.memref_slice %arg6[%dma_start3A_116] : memref<38400xf32, #tpu.memory_space<vmem>> -> memref<3200xf32, #tpu.memory_space<vmem>>
    tpu.enqueue_dma source(%dma_start3A_117 : memref<3200xf32, #tpu.memory_space<vmem>>) target(%dma_start3A_115 : memref<3200xf32, #tpu.memory_space<hbm>>) target_semaphore(%arg8 : memref<!tpu.dma_semaphore, #tpu.memory_space<semaphore_mem>>)
    %add3A_118 = arith.constant 6400 : i32
    %add3A_119 = arith.addi %mul3A_2, %add3A_118 : i32
    %dma_start3A_120 = tpu.memref_slice %arg2[%add3A_119] : memref<3276800xf32, #tpu.memory_space<hbm>> -> memref<3200xf32, #tpu.memory_space<hbm>>
    %dma_start3A_121 = tpu.memref_slice %arg2[%add3A_119] : memref<3276800xf32, #tpu.memory_space<hbm>> -> memref<3200xf32, #tpu.memory_space<hbm>>
    tpu.enqueue_dma source(%dma_start3A_121 : memref<3200xf32, #tpu.memory_space<hbm>>) target(%arg4 : memref<3200xf32, #tpu.memory_space<vmem>>) target_semaphore(%arg10 : memref<!tpu.dma_semaphore, #tpu.memory_space<semaphore_mem>>)
    %dma_wait3A_122 = arith.constant 0 : i32
    %dma_wait3A_123 = tpu.memref_slice %arg2[%dma_wait3A_122] : memref<3276800xf32, #tpu.memory_space<hbm>> -> memref<3200xf32, #tpu.memory_space<hbm>>
    %dma_wait3A_124 = arith.constant 0 : i32
    %dma_wait3A_125 = tpu.memref_slice %arg2[%dma_wait3A_124] : memref<3276800xf32, #tpu.memory_space<hbm>> -> memref<3200xf32, #tpu.memory_space<hbm>>
    tpu.wait_dma2 semaphore(%arg11 : memref<!tpu.dma_semaphore, #tpu.memory_space<semaphore_mem>>) src(%dma_wait3A_125 : memref<3200xf32, #tpu.memory_space<hbm>>) dst(%arg5 : memref<3200xf32, #tpu.memory_space<vmem>>)
    %add3A_126 = arith.constant 3200 : i32
    %add3A_127 = arith.addi %mul3A_2, %add3A_126 : i32
    %scan3A_128 = arith.constant 0 : i32
    %scan3A_129 = arith.constant 50 : i32
    %scan3A_130 = arith.addi %scan3A_128, %scan3A_129 : i32
    %scan3A_131 = arith.constant 1 : i32
    scf.for %scan3A_836 = %scan3A_128 to %scan3A_130 step %scan3A_131  : i32 {
      %mul3A_837 = arith.constant 1 : i32
      %mul3A_838 = arith.muli %scan3A_836, %mul3A_837 : i32
      %add3A_839 = arith.constant 0 : i32
      %add3A_840 = arith.addi %add3A_839, %mul3A_838 : i32
      %mul3A_841 = arith.constant 4 : i32
      %mul3A_842 = arith.muli %mul3A_841, %add3A_840 : i32
      %add3A_843 = arith.constant 0 : i32
      %add3A_844 = arith.addi %mul3A_842, %add3A_843 : i32
      %mul3A_845 = arith.constant 16 : i32
      %mul3A_846 = arith.muli %add3A_844, %mul3A_845 : i32
      %get3A = arith.index_cast %mul3A_846 : i32 to index
      %get3A_847 = tpu.vector_load %arg5[%get3A] {strides = array<i32>} : memref<3200xf32, #tpu.memory_space<vmem>>, vector<16xf32>,
      %eq3A = arith.constant 0.000000e+00 : f32
      %eq3A_848 = vector.broadcast %eq3A : f32 to vector<16xf32>
      %eq3A_849 = arith.cmpf oeq, %get3A_847, %eq3A_848 : vector<16xf32>
      %select_n3A = arith.select %eq3A_849, %broadcast_in_dim3A_3, %broadcast_in_dim3A_5 : vector<16xi1>, vector<16xf32>
      %add3A_850 = arith.constant 0 : i32
      %add3A_851 = arith.addi %add3A_850, %mul3A_846 : i32
      %swap3A = arith.index_cast %add3A_851 : i32 to index
      %swap3A_852 = tpu.vector_load %arg7[%swap3A] {strides = array<i32>} : memref<38400xf32, #tpu.memory_space<vmem>>, vector<16xf32>,
      tpu.vector_store %arg7[%swap3A], %select_n3A {strides = array<i32>} : memref<38400xf32, #tpu.memory_space<vmem>>, vector<16xf32>,
      %eq3A_853 = arith.constant 1.000000e+00 : f32
      %eq3A_854 = vector.broadcast %eq3A_853 : f32 to vector<16xf32>
      %eq3A_855 = arith.cmpf oeq, %get3A_847, %eq3A_854 : vector<16xf32>
      %select_n3A_856 = arith.select %eq3A_855, %broadcast_in_dim3A_3, %broadcast_in_dim3A_5 : vector<16xi1>, vector<16xf32>
      %add3A_857 = arith.constant 3200 : i32
      %add3A_858 = arith.addi %add3A_857, %mul3A_846 : i32
      %swap3A_859 = arith.index_cast %add3A_858 : i32 to index
      %swap3A_860 = tpu.vector_load %arg7[%swap3A_859] {strides = array<i32>} : memref<38400xf32, #tpu.memory_space<vmem>>, vector<16xf32>,
      tpu.vector_store %arg7[%swap3A_859], %select_n3A_856 {strides = array<i32>} : memref<38400xf32, #tpu.memory_space<vmem>>, vector<16xf32>,
      %eq3A_861 = arith.constant 2.000000e+00 : f32
      %eq3A_862 = vector.broadcast %eq3A_861 : f32 to vector<16xf32>
      %eq3A_863 = arith.cmpf oeq, %get3A_847, %eq3A_862 : vector<16xf32>
      %select_n3A_864 = arith.select %eq3A_863, %broadcast_in_dim3A_3, %broadcast_in_dim3A_5 : vector<16xi1>, vector<16xf32>
      %add3A_865 = arith.constant 6400 : i32
      %add3A_866 = arith.addi %add3A_865, %mul3A_846 : i32
      %swap3A_867 = arith.index_cast %add3A_866 : i32 to index
      %swap3A_868 = tpu.vector_load %arg7[%swap3A_867] {strides = array<i32>} : memref<38400xf32, #tpu.memory_space<vmem>>, vector<16xf32>,
      tpu.vector_store %arg7[%swap3A_867], %select_n3A_864 {strides = array<i32>} : memref<38400xf32, #tpu.memory_space<vmem>>, vector<16xf32>,
      %eq3A_869 = arith.constant 3.000000e+00 : f32
      %eq3A_870 = vector.broadcast %eq3A_869 : f32 to vector<16xf32>
      %eq3A_871 = arith.cmpf oeq, %get3A_847, %eq3A_870 : vector<16xf32>
      %select_n3A_872 = arith.select %eq3A_871, %broadcast_in_dim3A_3, %broadcast_in_dim3A_5 : vector<16xi1>, vector<16xf32>
      %add3A_873 = arith.constant 9600 : i32
      %add3A_874 = arith.addi %add3A_873, %mul3A_846 : i32
      %swap3A_875 = arith.index_cast %add3A_874 : i32 to index
      %swap3A_876 = tpu.vector_load %arg7[%swap3A_875] {strides = array<i32>} : memref<38400xf32, #tpu.memory_space<vmem>>, vector<16xf32>,
      tpu.vector_store %arg7[%swap3A_875], %select_n3A_872 {strides = array<i32>} : memref<38400xf32, #tpu.memory_space<vmem>>, vector<16xf32>,
      %eq3A_877 = arith.constant 4.000000e+00 : f32
      %eq3A_878 = vector.broadcast %eq3A_877 : f32 to vector<16xf32>
      %eq3A_879 = arith.cmpf oeq, %get3A_847, %eq3A_878 : vector<16xf32>
      %select_n3A_880 = arith.select %eq3A_879, %broadcast_in_dim3A_3, %broadcast_in_dim3A_5 : vector<16xi1>, vector<16xf32>
      %add3A_881 = arith.constant 12800 : i32
      %add3A_882 = arith.addi %add3A_881, %mul3A_846 : i32
      %swap3A_883 = arith.index_cast %add3A_882 : i32 to index
      %swap3A_884 = tpu.vector_load %arg7[%swap3A_883] {strides = array<i32>} : memref<38400xf32, #tpu.memory_space<vmem>>, vector<16xf32>,
      tpu.vector_store %arg7[%swap3A_883], %select_n3A_880 {strides = array<i32>} : memref<38400xf32, #tpu.memory_space<vmem>>, vector<16xf32>,
      %eq3A_885 = arith.constant 5.000000e+00 : f32
      %eq3A_886 = vector.broadcast %eq3A_885 : f32 to vector<16xf32>
      %eq3A_887 = arith.cmpf oeq, %get3A_847, %eq3A_886 : vector<16xf32>
      %select_n3A_888 = arith.select %eq3A_887, %broadcast_in_dim3A_3, %broadcast_in_dim3A_5 : vector<16xi1>, vector<16xf32>
      %add3A_889 = arith.constant 16000 : i32
      %add3A_890 = arith.addi %add3A_889, %mul3A_846 : i32
      %swap3A_891 = arith.index_cast %add3A_890 : i32 to index
      %swap3A_892 = tpu.vector_load %arg7[%swap3A_891] {strides = array<i32>} : memref<38400xf32, #tpu.memory_space<vmem>>, vector<16xf32>,
      tpu.vector_store %arg7[%swap3A_891], %select_n3A_888 {strides = array<i32>} : memref<38400xf32, #tpu.memory_space<vmem>>, vector<16xf32>,
      %eq3A_893 = arith.constant 6.000000e+00 : f32
      %eq3A_894 = vector.broadcast %eq3A_893 : f32 to vector<16xf32>
      %eq3A_895 = arith.cmpf oeq, %get3A_847, %eq3A_894 : vector<16xf32>
      %select_n3A_896 = arith.select %eq3A_895, %broadcast_in_dim3A_3, %broadcast_in_dim3A_5 : vector<16xi1>, vector<16xf32>
      %add3A_897 = arith.constant 19200 : i32
      %add3A_898 = arith.addi %add3A_897, %mul3A_846 : i32
      %swap3A_899 = arith.index_cast %add3A_898 : i32 to index
      %swap3A_900 = tpu.vector_load %arg7[%swap3A_899] {strides = array<i32>} : memref<38400xf32, #tpu.memory_space<vmem>>, vector<16xf32>,
      tpu.vector_store %arg7[%swap3A_899], %select_n3A_896 {strides = array<i32>} : memref<38400xf32, #tpu.memory_space<vmem>>, vector<16xf32>,
      %eq3A_901 = arith.constant 7.000000e+00 : f32
      %eq3A_902 = vector.broadcast %eq3A_901 : f32 to vector<16xf32>
      %eq3A_903 = arith.cmpf oeq, %get3A_847, %eq3A_902 : vector<16xf32>
      %select_n3A_904 = arith.select %eq3A_903, %broadcast_in_dim3A_3, %broadcast_in_dim3A_5 : vector<16xi1>, vector<16xf32>
      %add3A_905 = arith.constant 22400 : i32
      %add3A_906 = arith.addi %add3A_905, %mul3A_846 : i32
      %swap3A_907 = arith.index_cast %add3A_906 : i32 to index
      %swap3A_908 = tpu.vector_load %arg7[%swap3A_907] {strides = array<i32>} : memref<38400xf32, #tpu.memory_space<vmem>>, vector<16xf32>,
      tpu.vector_store %arg7[%swap3A_907], %select_n3A_904 {strides = array<i32>} : memref<38400xf32, #tpu.memory_space<vmem>>, vector<16xf32>,
      %eq3A_909 = arith.constant 8.000000e+00 : f32
      %eq3A_910 = vector.broadcast %eq3A_909 : f32 to vector<16xf32>
      %eq3A_911 = arith.cmpf oeq, %get3A_847, %eq3A_910 : vector<16xf32>
      %select_n3A_912 = arith.select %eq3A_911, %broadcast_in_dim3A_3, %broadcast_in_dim3A_5 : vector<16xi1>, vector<16xf32>
      %add3A_913 = arith.constant 25600 : i32
      %add3A_914 = arith.addi %add3A_913, %mul3A_846 : i32
      %swap3A_915 = arith.index_cast %add3A_914 : i32 to index
      %swap3A_916 = tpu.vector_load %arg7[%swap3A_915] {strides = array<i32>} : memref<38400xf32, #tpu.memory_space<vmem>>, vector<16xf32>,
      tpu.vector_store %arg7[%swap3A_915], %select_n3A_912 {strides = array<i32>} : memref<38400xf32, #tpu.memory_space<vmem>>, vector<16xf32>,
      %eq3A_917 = arith.constant 9.000000e+00 : f32
      %eq3A_918 = vector.broadcast %eq3A_917 : f32 to vector<16xf32>
      %eq3A_919 = arith.cmpf oeq, %get3A_847, %eq3A_918 : vector<16xf32>
      %select_n3A_920 = arith.select %eq3A_919, %broadcast_in_dim3A_3, %broadcast_in_dim3A_5 : vector<16xi1>, vector<16xf32>
      %add3A_921 = arith.constant 28800 : i32
      %add3A_922 = arith.addi %add3A_921, %mul3A_846 : i32
      %swap3A_923 = arith.index_cast %add3A_922 : i32 to index
      %swap3A_924 = tpu.vector_load %arg7[%swap3A_923] {strides = array<i32>} : memref<38400xf32, #tpu.memory_space<vmem>>, vector<16xf32>,
      tpu.vector_store %arg7[%swap3A_923], %select_n3A_920 {strides = array<i32>} : memref<38400xf32, #tpu.memory_space<vmem>>, vector<16xf32>,
      %eq3A_925 = arith.constant 1.000000e+01 : f32
      %eq3A_926 = vector.broadcast %eq3A_925 : f32 to vector<16xf32>
      %eq3A_927 = arith.cmpf oeq, %get3A_847, %eq3A_926 : vector<16xf32>
      %select_n3A_928 = arith.select %eq3A_927, %broadcast_in_dim3A_3, %broadcast_in_dim3A_5 : vector<16xi1>, vector<16xf32>
      %add3A_929 = arith.constant 32000 : i32
      %add3A_930 = arith.addi %add3A_929, %mul3A_846 : i32
      %swap3A_931 = arith.index_cast %add3A_930 : i32 to index
      %swap3A_932 = tpu.vector_load %arg7[%swap3A_931] {strides = array<i32>} : memref<38400xf32, #tpu.memory_space<vmem>>, vector<16xf32>,
      tpu.vector_store %arg7[%swap3A_931], %select_n3A_928 {strides = array<i32>} : memref<38400xf32, #tpu.memory_space<vmem>>, vector<16xf32>,
      %eq3A_933 = arith.constant 1.100000e+01 : f32
      %eq3A_934 = vector.broadcast %eq3A_933 : f32 to vector<16xf32>
      %eq3A_935 = arith.cmpf oeq, %get3A_847, %eq3A_934 : vector<16xf32>
      %select_n3A_936 = arith.select %eq3A_935, %broadcast_in_dim3A_3, %broadcast_in_dim3A_5 : vector<16xi1>, vector<16xf32>
      %add3A_937 = arith.constant 35200 : i32
      %add3A_938 = arith.addi %add3A_937, %mul3A_846 : i32
      %swap3A_939 = arith.index_cast %add3A_938 : i32 to index
      %swap3A_940 = tpu.vector_load %arg7[%swap3A_939] {strides = array<i32>} : memref<38400xf32, #tpu.memory_space<vmem>>, vector<16xf32>,
      tpu.vector_store %arg7[%swap3A_939], %select_n3A_936 {strides = array<i32>} : memref<38400xf32, #tpu.memory_space<vmem>>, vector<16xf32>,
      %mul3A_941 = arith.constant 4 : i32
      %mul3A_942 = arith.muli %mul3A_941, %add3A_840 : i32
      %add3A_943 = arith.constant 1 : i32
      %add3A_944 = arith.addi %mul3A_942, %add3A_943 : i32
      %mul3A_945 = arith.constant 16 : i32
      %mul3A_946 = arith.muli %add3A_944, %mul3A_945 : i32
      %get3A_947 = arith.index_cast %mul3A_946 : i32 to index
      %get3A_948 = tpu.vector_load %arg5[%get3A_947] {strides = array<i32>} : memref<3200xf32, #tpu.memory_space<vmem>>, vector<16xf32>,
      %eq3A_949 = arith.constant 0.000000e+00 : f32
      %eq3A_950 = vector.broadcast %eq3A_949 : f32 to vector<16xf32>
      %eq3A_951 = arith.cmpf oeq, %get3A_948, %eq3A_950 : vector<16xf32>
      %select_n3A_952 = arith.select %eq3A_951, %broadcast_in_dim3A_3, %broadcast_in_dim3A_5 : vector<16xi1>, vector<16xf32>
      %add3A_953 = arith.constant 0 : i32
      %add3A_954 = arith.addi %add3A_953, %mul3A_946 : i32
      %swap3A_955 = arith.index_cast %add3A_954 : i32 to index
      %swap3A_956 = tpu.vector_load %arg7[%swap3A_955] {strides = array<i32>} : memref<38400xf32, #tpu.memory_space<vmem>>, vector<16xf32>,
      tpu.vector_store %arg7[%swap3A_955], %select_n3A_952 {strides = array<i32>} : memref<38400xf32, #tpu.memory_space<vmem>>, vector<16xf32>,
      %eq3A_957 = arith.constant 1.000000e+00 : f32
      %eq3A_958 = vector.broadcast %eq3A_957 : f32 to vector<16xf32>
      %eq3A_959 = arith.cmpf oeq, %get3A_948, %eq3A_958 : vector<16xf32>
      %select_n3A_960 = arith.select %eq3A_959, %broadcast_in_dim3A_3, %broadcast_in_dim3A_5 : vector<16xi1>, vector<16xf32>
      %add3A_961 = arith.constant 3200 : i32
      %add3A_962 = arith.addi %add3A_961, %mul3A_946 : i32
      %swap3A_963 = arith.index_cast %add3A_962 : i32 to index
      %swap3A_964 = tpu.vector_load %arg7[%swap3A_963] {strides = array<i32>} : memref<38400xf32, #tpu.memory_space<vmem>>, vector<16xf32>,
      tpu.vector_store %arg7[%swap3A_963], %select_n3A_960 {strides = array<i32>} : memref<38400xf32, #tpu.memory_space<vmem>>, vector<16xf32>,
      %eq3A_965 = arith.constant 2.000000e+00 : f32
      %eq3A_966 = vector.broadcast %eq3A_965 : f32 to vector<16xf32>
      %eq3A_967 = arith.cmpf oeq, %get3A_948, %eq3A_966 : vector<16xf32>
      %select_n3A_968 = arith.select %eq3A_967, %broadcast_in_dim3A_3, %broadcast_in_dim3A_5 : vector<16xi1>, vector<16xf32>
      %add3A_969 = arith.constant 6400 : i32
      %add3A_970 = arith.addi %add3A_969, %mul3A_946 : i32
      %swap3A_971 = arith.index_cast %add3A_970 : i32 to index
      %swap3A_972 = tpu.vector_load %arg7[%swap3A_971] {strides = array<i32>} : memref<38400xf32, #tpu.memory_space<vmem>>, vector<16xf32>,
      tpu.vector_store %arg7[%swap3A_971], %select_n3A_968 {strides = array<i32>} : memref<38400xf32, #tpu.memory_space<vmem>>, vector<16xf32>,
      %eq3A_973 = arith.constant 3.000000e+00 : f32
      %eq3A_974 = vector.broadcast %eq3A_973 : f32 to vector<16xf32>
      %eq3A_975 = arith.cmpf oeq, %get3A_948, %eq3A_974 : vector<16xf32>
      %select_n3A_976 = arith.select %eq3A_975, %broadcast_in_dim3A_3, %broadcast_in_dim3A_5 : vector<16xi1>, vector<16xf32>
      %add3A_977 = arith.constant 9600 : i32
      %add3A_978 = arith.addi %add3A_977, %mul3A_946 : i32
      %swap3A_979 = arith.index_cast %add3A_978 : i32 to index
      %swap3A_980 = tpu.vector_load %arg7[%swap3A_979] {strides = array<i32>} : memref<38400xf32, #tpu.memory_space<vmem>>, vector<16xf32>,
      tpu.vector_store %arg7[%swap3A_979], %select_n3A_976 {strides = array<i32>} : memref<38400xf32, #tpu.memory_space<vmem>>, vector<16xf32>,
      %eq3A_981 = arith.constant 4.000000e+00 : f32
      %eq3A_982 = vector.broadcast %eq3A_981 : f32 to vector<16xf32>
      %eq3A_983 = arith.cmpf oeq, %get3A_948, %eq3A_982 : vector<16xf32>
      %select_n3A_984 = arith.select %eq3A_983, %broadcast_in_dim3A_3, %broadcast_in_dim3A_5 : vector<16xi1>, vector<16xf32>
      %add3A_985 = arith.constant 12800 : i32
      %add3A_986 = arith.addi %add3A_985, %mul3A_946 : i32
      %swap3A_987 = arith.index_cast %add3A_986 : i32 to index
      %swap3A_988 = tpu.vector_load %arg7[%swap3A_987] {strides = array<i32>} : memref<38400xf32, #tpu.memory_space<vmem>>, vector<16xf32>,
      tpu.vector_store %arg7[%swap3A_987], %select_n3A_984 {strides = array<i32>} : memref<38400xf32, #tpu.memory_space<vmem>>, vector<16xf32>,
      %eq3A_989 = arith.constant 5.000000e+00 : f32
      %eq3A_990 = vector.broadcast %eq3A_989 : f32 to vector<16xf32>
      %eq3A_991 = arith.cmpf oeq, %get3A_948, %eq3A_990 : vector<16xf32>
      %select_n3A_992 = arith.select %eq3A_991, %broadcast_in_dim3A_3, %broadcast_in_dim3A_5 : vector<16xi1>, vector<16xf32>
      %add3A_993 = arith.constant 16000 : i32
      %add3A_994 = arith.addi %add3A_993, %mul3A_946 : i32
      %swap3A_995 = arith.index_cast %add3A_994 : i32 to index
      %swap3A_996 = tpu.vector_load %arg7[%swap3A_995] {strides = array<i32>} : memref<38400xf32, #tpu.memory_space<vmem>>, vector<16xf32>,
      tpu.vector_store %arg7[%swap3A_995], %select_n3A_992 {strides = array<i32>} : memref<38400xf32, #tpu.memory_space<vmem>>, vector<16xf32>,
      %eq3A_997 = arith.constant 6.000000e+00 : f32
      %eq3A_998 = vector.broadcast %eq3A_997 : f32 to vector<16xf32>
      %eq3A_999 = arith.cmpf oeq, %get3A_948, %eq3A_998 : vector<16xf32>
      %select_n3A_1000 = arith.select %eq3A_999, %broadcast_in_dim3A_3, %broadcast_in_dim3A_5 : vector<16xi1>, vector<16xf32>
      %add3A_1001 = arith.constant 19200 : i32
      %add3A_1002 = arith.addi %add3A_1001, %mul3A_946 : i32
      %swap3A_1003 = arith.index_cast %add3A_1002 : i32 to index
      %swap3A_1004 = tpu.vector_load %arg7[%swap3A_1003] {strides = array<i32>} : memref<38400xf32, #tpu.memory_space<vmem>>, vector<16xf32>,
      tpu.vector_store %arg7[%swap3A_1003], %select_n3A_1000 {strides = array<i32>} : memref<38400xf32, #tpu.memory_space<vmem>>, vector<16xf32>,
      %eq3A_1005 = arith.constant 7.000000e+00 : f32
      %eq3A_1006 = vector.broadcast %eq3A_1005 : f32 to vector<16xf32>
      %eq3A_1007 = arith.cmpf oeq, %get3A_948, %eq3A_1006 : vector<16xf32>
      %select_n3A_1008 = arith.select %eq3A_1007, %broadcast_in_dim3A_3, %broadcast_in_dim3A_5 : vector<16xi1>, vector<16xf32>
      %add3A_1009 = arith.constant 22400 : i32
      %add3A_1010 = arith.addi %add3A_1009, %mul3A_946 : i32
      %swap3A_1011 = arith.index_cast %add3A_1010 : i32 to index
      %swap3A_1012 = tpu.vector_load %arg7[%swap3A_1011] {strides = array<i32>} : memref<38400xf32, #tpu.memory_space<vmem>>, vector<16xf32>,
      tpu.vector_store %arg7[%swap3A_1011], %select_n3A_1008 {strides = array<i32>} : memref<38400xf32, #tpu.memory_space<vmem>>, vector<16xf32>,
      %eq3A_1013 = arith.constant 8.000000e+00 : f32
      %eq3A_1014 = vector.broadcast %eq3A_1013 : f32 to vector<16xf32>
      %eq3A_1015 = arith.cmpf oeq, %get3A_948, %eq3A_1014 : vector<16xf32>
      %select_n3A_1016 = arith.select %eq3A_1015, %broadcast_in_dim3A_3, %broadcast_in_dim3A_5 : vector<16xi1>, vector<16xf32>
      %add3A_1017 = arith.constant 25600 : i32
      %add3A_1018 = arith.addi %add3A_1017, %mul3A_946 : i32
      %swap3A_1019 = arith.index_cast %add3A_1018 : i32 to index
      %swap3A_1020 = tpu.vector_load %arg7[%swap3A_1019] {strides = array<i32>} : memref<38400xf32, #tpu.memory_space<vmem>>, vector<16xf32>,
      tpu.vector_store %arg7[%swap3A_1019], %select_n3A_1016 {strides = array<i32>} : memref<38400xf32, #tpu.memory_space<vmem>>, vector<16xf32>,
      %eq3A_1021 = arith.constant 9.000000e+00 : f32
      %eq3A_1022 = vector.broadcast %eq3A_1021 : f32 to vector<16xf32>
      %eq3A_1023 = arith.cmpf oeq, %get3A_948, %eq3A_1022 : vector<16xf32>
      %select_n3A_1024 = arith.select %eq3A_1023, %broadcast_in_dim3A_3, %broadcast_in_dim3A_5 : vector<16xi1>, vector<16xf32>
      %add3A_1025 = arith.constant 28800 : i32
      %add3A_1026 = arith.addi %add3A_1025, %mul3A_946 : i32
      %swap3A_1027 = arith.index_cast %add3A_1026 : i32 to index
      %swap3A_1028 = tpu.vector_load %arg7[%swap3A_1027] {strides = array<i32>} : memref<38400xf32, #tpu.memory_space<vmem>>, vector<16xf32>,
      tpu.vector_store %arg7[%swap3A_1027], %select_n3A_1024 {strides = array<i32>} : memref<38400xf32, #tpu.memory_space<vmem>>, vector<16xf32>,
      %eq3A_1029 = arith.constant 1.000000e+01 : f32
      %eq3A_1030 = vector.broadcast %eq3A_1029 : f32 to vector<16xf32>
      %eq3A_1031 = arith.cmpf oeq, %get3A_948, %eq3A_1030 : vector<16xf32>
      %select_n3A_1032 = arith.select %eq3A_1031, %broadcast_in_dim3A_3, %broadcast_in_dim3A_5 : vector<16xi1>, vector<16xf32>
      %add3A_1033 = arith.constant 32000 : i32
      %add3A_1034 = arith.addi %add3A_1033, %mul3A_946 : i32
      %swap3A_1035 = arith.index_cast %add3A_1034 : i32 to index
      %swap3A_1036 = tpu.vector_load %arg7[%swap3A_1035] {strides = array<i32>} : memref<38400xf32, #tpu.memory_space<vmem>>, vector<16xf32>,
      tpu.vector_store %arg7[%swap3A_1035], %select_n3A_1032 {strides = array<i32>} : memref<38400xf32, #tpu.memory_space<vmem>>, vector<16xf32>,
      %eq3A_1037 = arith.constant 1.100000e+01 : f32
      %eq3A_1038 = vector.broadcast %eq3A_1037 : f32 to vector<16xf32>
      %eq3A_1039 = arith.cmpf oeq, %get3A_948, %eq3A_1038 : vector<16xf32>
      %select_n3A_1040 = arith.select %eq3A_1039, %broadcast_in_dim3A_3, %broadcast_in_dim3A_5 : vector<16xi1>, vector<16xf32>
      %add3A_1041 = arith.constant 35200 : i32
      %add3A_1042 = arith.addi %add3A_1041, %mul3A_946 : i32
      %swap3A_1043 = arith.index_cast %add3A_1042 : i32 to index
      %swap3A_1044 = tpu.vector_load %arg7[%swap3A_1043] {strides = array<i32>} : memref<38400xf32, #tpu.memory_space<vmem>>, vector<16xf32>,
      tpu.vector_store %arg7[%swap3A_1043], %select_n3A_1040 {strides = array<i32>} : memref<38400xf32, #tpu.memory_space<vmem>>, vector<16xf32>,
      %mul3A_1045 = arith.constant 4 : i32
      %mul3A_1046 = arith.muli %mul3A_1045, %add3A_840 : i32
      %add3A_1047 = arith.constant 2 : i32
      %add3A_1048 = arith.addi %mul3A_1046, %add3A_1047 : i32
      %mul3A_1049 = arith.constant 16 : i32
      %mul3A_1050 = arith.muli %add3A_1048, %mul3A_1049 : i32
      %get3A_1051 = arith.index_cast %mul3A_1050 : i32 to index
      %get3A_1052 = tpu.vector_load %arg5[%get3A_1051] {strides = array<i32>} : memref<3200xf32, #tpu.memory_space<vmem>>, vector<16xf32>,
      %eq3A_1053 = arith.constant 0.000000e+00 : f32
      %eq3A_1054 = vector.broadcast %eq3A_1053 : f32 to vector<16xf32>
      %eq3A_1055 = arith.cmpf oeq, %get3A_1052, %eq3A_1054 : vector<16xf32>
      %select_n3A_1056 = arith.select %eq3A_1055, %broadcast_in_dim3A_3, %broadcast_in_dim3A_5 : vector<16xi1>, vector<16xf32>
      %add3A_1057 = arith.constant 0 : i32
      %add3A_1058 = arith.addi %add3A_1057, %mul3A_1050 : i32
      %swap3A_1059 = arith.index_cast %add3A_1058 : i32 to index
      %swap3A_1060 = tpu.vector_load %arg7[%swap3A_1059] {strides = array<i32>} : memref<38400xf32, #tpu.memory_space<vmem>>, vector<16xf32>,
      tpu.vector_store %arg7[%swap3A_1059], %select_n3A_1056 {strides = array<i32>} : memref<38400xf32, #tpu.memory_space<vmem>>, vector<16xf32>,
      %eq3A_1061 = arith.constant 1.000000e+00 : f32
      %eq3A_1062 = vector.broadcast %eq3A_1061 : f32 to vector<16xf32>
      %eq3A_1063 = arith.cmpf oeq, %get3A_1052, %eq3A_1062 : vector<16xf32>
      %select_n3A_1064 = arith.select %eq3A_1063, %broadcast_in_dim3A_3, %broadcast_in_dim3A_5 : vector<16xi1>, vector<16xf32>
      %add3A_1065 = arith.constant 3200 : i32
      %add3A_1066 = arith.addi %add3A_1065, %mul3A_1050 : i32
      %swap3A_1067 = arith.index_cast %add3A_1066 : i32 to index
      %swap3A_1068 = tpu.vector_load %arg7[%swap3A_1067] {strides = array<i32>} : memref<38400xf32, #tpu.memory_space<vmem>>, vector<16xf32>,
      tpu.vector_store %arg7[%swap3A_1067], %select_n3A_1064 {strides = array<i32>} : memref<38400xf32, #tpu.memory_space<vmem>>, vector<16xf32>,
      %eq3A_1069 = arith.constant 2.000000e+00 : f32
      %eq3A_1070 = vector.broadcast %eq3A_1069 : f32 to vector<16xf32>
      %eq3A_1071 = arith.cmpf oeq, %get3A_1052, %eq3A_1070 : vector<16xf32>
      %select_n3A_1072 = arith.select %eq3A_1071, %broadcast_in_dim3A_3, %broadcast_in_dim3A_5 : vector<16xi1>, vector<16xf32>
      %add3A_1073 = arith.constant 6400 : i32
      %add3A_1074 = arith.addi %add3A_1073, %mul3A_1050 : i32
      %swap3A_1075 = arith.index_cast %add3A_1074 : i32 to index
      %swap3A_1076 = tpu.vector_load %arg7[%swap3A_1075] {strides = array<i32>} : memref<38400xf32, #tpu.memory_space<vmem>>, vector<16xf32>,
      tpu.vector_store %arg7[%swap3A_1075], %select_n3A_1072 {strides = array<i32>} : memref<38400xf32, #tpu.memory_space<vmem>>, vector<16xf32>,
      %eq3A_1077 = arith.constant 3.000000e+00 : f32
      %eq3A_1078 = vector.broadcast %eq3A_1077 : f32 to vector<16xf32>
      %eq3A_1079 = arith.cmpf oeq, %get3A_1052, %eq3A_1078 : vector<16xf32>
      %select_n3A_1080 = arith.select %eq3A_1079, %broadcast_in_dim3A_3, %broadcast_in_dim3A_5 : vector<16xi1>, vector<16xf32>
      %add3A_1081 = arith.constant 9600 : i32
      %add3A_1082 = arith.addi %add3A_1081, %mul3A_1050 : i32
      %swap3A_1083 = arith.index_cast %add3A_1082 : i32 to index
      %swap3A_1084 = tpu.vector_load %arg7[%swap3A_1083] {strides = array<i32>} : memref<38400xf32, #tpu.memory_space<vmem>>, vector<16xf32>,
      tpu.vector_store %arg7[%swap3A_1083], %select_n3A_1080 {strides = array<i32>} : memref<38400xf32, #tpu.memory_space<vmem>>, vector<16xf32>,
      %eq3A_1085 = arith.constant 4.000000e+00 : f32
      %eq3A_1086 = vector.broadcast %eq3A_1085 : f32 to vector<16xf32>
      %eq3A_1087 = arith.cmpf oeq, %get3A_1052, %eq3A_1086 : vector<16xf32>
      %select_n3A_1088 = arith.select %eq3A_1087, %broadcast_in_dim3A_3, %broadcast_in_dim3A_5 : vector<16xi1>, vector<16xf32>
      %add3A_1089 = arith.constant 12800 : i32
      %add3A_1090 = arith.addi %add3A_1089, %mul3A_1050 : i32
      %swap3A_1091 = arith.index_cast %add3A_1090 : i32 to index
      %swap3A_1092 = tpu.vector_load %arg7[%swap3A_1091] {strides = array<i32>} : memref<38400xf32, #tpu.memory_space<vmem>>, vector<16xf32>,
      tpu.vector_store %arg7[%swap3A_1091], %select_n3A_1088 {strides = array<i32>} : memref<38400xf32, #tpu.memory_space<vmem>>, vector<16xf32>,
      %eq3A_1093 = arith.constant 5.000000e+00 : f32
      %eq3A_1094 = vector.broadcast %eq3A_1093 : f32 to vector<16xf32>
      %eq3A_1095 = arith.cmpf oeq, %get3A_1052, %eq3A_1094 : vector<16xf32>
      %select_n3A_1096 = arith.select %eq3A_1095, %broadcast_in_dim3A_3, %broadcast_in_dim3A_5 : vector<16xi1>, vector<16xf32>
      %add3A_1097 = arith.constant 16000 : i32
      %add3A_1098 = arith.addi %add3A_1097, %mul3A_1050 : i32
      %swap3A_1099 = arith.index_cast %add3A_1098 : i32 to index
      %swap3A_1100 = tpu.vector_load %arg7[%swap3A_1099] {strides = array<i32>} : memref<38400xf32, #tpu.memory_space<vmem>>, vector<16xf32>,
      tpu.vector_store %arg7[%swap3A_1099], %select_n3A_1096 {strides = array<i32>} : memref<38400xf32, #tpu.memory_space<vmem>>, vector<16xf32>,
      %eq3A_1101 = arith.constant 6.000000e+00 : f32
      %eq3A_1102 = vector.broadcast %eq3A_1101 : f32 to vector<16xf32>
      %eq3A_1103 = arith.cmpf oeq, %get3A_1052, %eq3A_1102 : vector<16xf32>
      %select_n3A_1104 = arith.select %eq3A_1103, %broadcast_in_dim3A_3, %broadcast_in_dim3A_5 : vector<16xi1>, vector<16xf32>
      %add3A_1105 = arith.constant 19200 : i32
      %add3A_1106 = arith.addi %add3A_1105, %mul3A_1050 : i32
      %swap3A_1107 = arith.index_cast %add3A_1106 : i32 to index
      %swap3A_1108 = tpu.vector_load %arg7[%swap3A_1107] {strides = array<i32>} : memref<38400xf32, #tpu.memory_space<vmem>>, vector<16xf32>,
      tpu.vector_store %arg7[%swap3A_1107], %select_n3A_1104 {strides = array<i32>} : memref<38400xf32, #tpu.memory_space<vmem>>, vector<16xf32>,
      %eq3A_1109 = arith.constant 7.000000e+00 : f32
      %eq3A_1110 = vector.broadcast %eq3A_1109 : f32 to vector<16xf32>
      %eq3A_1111 = arith.cmpf oeq, %get3A_1052, %eq3A_1110 : vector<16xf32>
      %select_n3A_1112 = arith.select %eq3A_1111, %broadcast_in_dim3A_3, %broadcast_in_dim3A_5 : vector<16xi1>, vector<16xf32>
      %add3A_1113 = arith.constant 22400 : i32
      %add3A_1114 = arith.addi %add3A_1113, %mul3A_1050 : i32
      %swap3A_1115 = arith.index_cast %add3A_1114 : i32 to index
      %swap3A_1116 = tpu.vector_load %arg7[%swap3A_1115] {strides = array<i32>} : memref<38400xf32, #tpu.memory_space<vmem>>, vector<16xf32>,
      tpu.vector_store %arg7[%swap3A_1115], %select_n3A_1112 {strides = array<i32>} : memref<38400xf32, #tpu.memory_space<vmem>>, vector<16xf32>,
      %eq3A_1117 = arith.constant 8.000000e+00 : f32
      %eq3A_1118 = vector.broadcast %eq3A_1117 : f32 to vector<16xf32>
      %eq3A_1119 = arith.cmpf oeq, %get3A_1052, %eq3A_1118 : vector<16xf32>
      %select_n3A_1120 = arith.select %eq3A_1119, %broadcast_in_dim3A_3, %broadcast_in_dim3A_5 : vector<16xi1>, vector<16xf32>
      %add3A_1121 = arith.constant 25600 : i32
      %add3A_1122 = arith.addi %add3A_1121, %mul3A_1050 : i32
      %swap3A_1123 = arith.index_cast %add3A_1122 : i32 to index
      %swap3A_1124 = tpu.vector_load %arg7[%swap3A_1123] {strides = array<i32>} : memref<38400xf32, #tpu.memory_space<vmem>>, vector<16xf32>,
      tpu.vector_store %arg7[%swap3A_1123], %select_n3A_1120 {strides = array<i32>} : memref<38400xf32, #tpu.memory_space<vmem>>, vector<16xf32>,
      %eq3A_1125 = arith.constant 9.000000e+00 : f32
      %eq3A_1126 = vector.broadcast %eq3A_1125 : f32 to vector<16xf32>
      %eq3A_1127 = arith.cmpf oeq, %get3A_1052, %eq3A_1126 : vector<16xf32>
      %select_n3A_1128 = arith.select %eq3A_1127, %broadcast_in_dim3A_3, %broadcast_in_dim3A_5 : vector<16xi1>, vector<16xf32>
      %add3A_1129 = arith.constant 28800 : i32
      %add3A_1130 = arith.addi %add3A_1129, %mul3A_1050 : i32
      %swap3A_1131 = arith.index_cast %add3A_1130 : i32 to index
      %swap3A_1132 = tpu.vector_load %arg7[%swap3A_1131] {strides = array<i32>} : memref<38400xf32, #tpu.memory_space<vmem>>, vector<16xf32>,
      tpu.vector_store %arg7[%swap3A_1131], %select_n3A_1128 {strides = array<i32>} : memref<38400xf32, #tpu.memory_space<vmem>>, vector<16xf32>,
      %eq3A_1133 = arith.constant 1.000000e+01 : f32
      %eq3A_1134 = vector.broadcast %eq3A_1133 : f32 to vector<16xf32>
      %eq3A_1135 = arith.cmpf oeq, %get3A_1052, %eq3A_1134 : vector<16xf32>
      %select_n3A_1136 = arith.select %eq3A_1135, %broadcast_in_dim3A_3, %broadcast_in_dim3A_5 : vector<16xi1>, vector<16xf32>
      %add3A_1137 = arith.constant 32000 : i32
      %add3A_1138 = arith.addi %add3A_1137, %mul3A_1050 : i32
      %swap3A_1139 = arith.index_cast %add3A_1138 : i32 to index
      %swap3A_1140 = tpu.vector_load %arg7[%swap3A_1139] {strides = array<i32>} : memref<38400xf32, #tpu.memory_space<vmem>>, vector<16xf32>,
      tpu.vector_store %arg7[%swap3A_1139], %select_n3A_1136 {strides = array<i32>} : memref<38400xf32, #tpu.memory_space<vmem>>, vector<16xf32>,
      %eq3A_1141 = arith.constant 1.100000e+01 : f32
      %eq3A_1142 = vector.broadcast %eq3A_1141 : f32 to vector<16xf32>
      %eq3A_1143 = arith.cmpf oeq, %get3A_1052, %eq3A_1142 : vector<16xf32>
      %select_n3A_1144 = arith.select %eq3A_1143, %broadcast_in_dim3A_3, %broadcast_in_dim3A_5 : vector<16xi1>, vector<16xf32>
      %add3A_1145 = arith.constant 35200 : i32
      %add3A_1146 = arith.addi %add3A_1145, %mul3A_1050 : i32
      %swap3A_1147 = arith.index_cast %add3A_1146 : i32 to index
      %swap3A_1148 = tpu.vector_load %arg7[%swap3A_1147] {strides = array<i32>} : memref<38400xf32, #tpu.memory_space<vmem>>, vector<16xf32>,
      tpu.vector_store %arg7[%swap3A_1147], %select_n3A_1144 {strides = array<i32>} : memref<38400xf32, #tpu.memory_space<vmem>>, vector<16xf32>,
      %mul3A_1149 = arith.constant 4 : i32
      %mul3A_1150 = arith.muli %mul3A_1149, %add3A_840 : i32
      %add3A_1151 = arith.constant 3 : i32
      %add3A_1152 = arith.addi %mul3A_1150, %add3A_1151 : i32
      %mul3A_1153 = arith.constant 16 : i32
      %mul3A_1154 = arith.muli %add3A_1152, %mul3A_1153 : i32
      %get3A_1155 = arith.index_cast %mul3A_1154 : i32 to index
      %get3A_1156 = tpu.vector_load %arg5[%get3A_1155] {strides = array<i32>} : memref<3200xf32, #tpu.memory_space<vmem>>, vector<16xf32>,
      %eq3A_1157 = arith.constant 0.000000e+00 : f32
      %eq3A_1158 = vector.broadcast %eq3A_1157 : f32 to vector<16xf32>
      %eq3A_1159 = arith.cmpf oeq, %get3A_1156, %eq3A_1158 : vector<16xf32>
      %select_n3A_1160 = arith.select %eq3A_1159, %broadcast_in_dim3A_3, %broadcast_in_dim3A_5 : vector<16xi1>, vector<16xf32>
      %add3A_1161 = arith.constant 0 : i32
      %add3A_1162 = arith.addi %add3A_1161, %mul3A_1154 : i32
      %swap3A_1163 = arith.index_cast %add3A_1162 : i32 to index
      %swap3A_1164 = tpu.vector_load %arg7[%swap3A_1163] {strides = array<i32>} : memref<38400xf32, #tpu.memory_space<vmem>>, vector<16xf32>,
      tpu.vector_store %arg7[%swap3A_1163], %select_n3A_1160 {strides = array<i32>} : memref<38400xf32, #tpu.memory_space<vmem>>, vector<16xf32>,
      %eq3A_1165 = arith.constant 1.000000e+00 : f32
      %eq3A_1166 = vector.broadcast %eq3A_1165 : f32 to vector<16xf32>
      %eq3A_1167 = arith.cmpf oeq, %get3A_1156, %eq3A_1166 : vector<16xf32>
      %select_n3A_1168 = arith.select %eq3A_1167, %broadcast_in_dim3A_3, %broadcast_in_dim3A_5 : vector<16xi1>, vector<16xf32>
      %add3A_1169 = arith.constant 3200 : i32
      %add3A_1170 = arith.addi %add3A_1169, %mul3A_1154 : i32
      %swap3A_1171 = arith.index_cast %add3A_1170 : i32 to index
      %swap3A_1172 = tpu.vector_load %arg7[%swap3A_1171] {strides = array<i32>} : memref<38400xf32, #tpu.memory_space<vmem>>, vector<16xf32>,
      tpu.vector_store %arg7[%swap3A_1171], %select_n3A_1168 {strides = array<i32>} : memref<38400xf32, #tpu.memory_space<vmem>>, vector<16xf32>,
      %eq3A_1173 = arith.constant 2.000000e+00 : f32
      %eq3A_1174 = vector.broadcast %eq3A_1173 : f32 to vector<16xf32>
      %eq3A_1175 = arith.cmpf oeq, %get3A_1156, %eq3A_1174 : vector<16xf32>
      %select_n3A_1176 = arith.select %eq3A_1175, %broadcast_in_dim3A_3, %broadcast_in_dim3A_5 : vector<16xi1>, vector<16xf32>
      %add3A_1177 = arith.constant 6400 : i32
      %add3A_1178 = arith.addi %add3A_1177, %mul3A_1154 : i32
      %swap3A_1179 = arith.index_cast %add3A_1178 : i32 to index
      %swap3A_1180 = tpu.vector_load %arg7[%swap3A_1179] {strides = array<i32>} : memref<38400xf32, #tpu.memory_space<vmem>>, vector<16xf32>,
      tpu.vector_store %arg7[%swap3A_1179], %select_n3A_1176 {strides = array<i32>} : memref<38400xf32, #tpu.memory_space<vmem>>, vector<16xf32>,
      %eq3A_1181 = arith.constant 3.000000e+00 : f32
      %eq3A_1182 = vector.broadcast %eq3A_1181 : f32 to vector<16xf32>
      %eq3A_1183 = arith.cmpf oeq, %get3A_1156, %eq3A_1182 : vector<16xf32>
      %select_n3A_1184 = arith.select %eq3A_1183, %broadcast_in_dim3A_3, %broadcast_in_dim3A_5 : vector<16xi1>, vector<16xf32>
      %add3A_1185 = arith.constant 9600 : i32
      %add3A_1186 = arith.addi %add3A_1185, %mul3A_1154 : i32
      %swap3A_1187 = arith.index_cast %add3A_1186 : i32 to index
      %swap3A_1188 = tpu.vector_load %arg7[%swap3A_1187] {strides = array<i32>} : memref<38400xf32, #tpu.memory_space<vmem>>, vector<16xf32>,
      tpu.vector_store %arg7[%swap3A_1187], %select_n3A_1184 {strides = array<i32>} : memref<38400xf32, #tpu.memory_space<vmem>>, vector<16xf32>,
      %eq3A_1189 = arith.constant 4.000000e+00 : f32
      %eq3A_1190 = vector.broadcast %eq3A_1189 : f32 to vector<16xf32>
      %eq3A_1191 = arith.cmpf oeq, %get3A_1156, %eq3A_1190 : vector<16xf32>
      %select_n3A_1192 = arith.select %eq3A_1191, %broadcast_in_dim3A_3, %broadcast_in_dim3A_5 : vector<16xi1>, vector<16xf32>
      %add3A_1193 = arith.constant 12800 : i32
      %add3A_1194 = arith.addi %add3A_1193, %mul3A_1154 : i32
      %swap3A_1195 = arith.index_cast %add3A_1194 : i32 to index
      %swap3A_1196 = tpu.vector_load %arg7[%swap3A_1195] {strides = array<i32>} : memref<38400xf32, #tpu.memory_space<vmem>>, vector<16xf32>,
      tpu.vector_store %arg7[%swap3A_1195], %select_n3A_1192 {strides = array<i32>} : memref<38400xf32, #tpu.memory_space<vmem>>, vector<16xf32>,
      %eq3A_1197 = arith.constant 5.000000e+00 : f32
      %eq3A_1198 = vector.broadcast %eq3A_1197 : f32 to vector<16xf32>
      %eq3A_1199 = arith.cmpf oeq, %get3A_1156, %eq3A_1198 : vector<16xf32>
      %select_n3A_1200 = arith.select %eq3A_1199, %broadcast_in_dim3A_3, %broadcast_in_dim3A_5 : vector<16xi1>, vector<16xf32>
      %add3A_1201 = arith.constant 16000 : i32
      %add3A_1202 = arith.addi %add3A_1201, %mul3A_1154 : i32
      %swap3A_1203 = arith.index_cast %add3A_1202 : i32 to index
      %swap3A_1204 = tpu.vector_load %arg7[%swap3A_1203] {strides = array<i32>} : memref<38400xf32, #tpu.memory_space<vmem>>, vector<16xf32>,
      tpu.vector_store %arg7[%swap3A_1203], %select_n3A_1200 {strides = array<i32>} : memref<38400xf32, #tpu.memory_space<vmem>>, vector<16xf32>,
      %eq3A_1205 = arith.constant 6.000000e+00 : f32
      %eq3A_1206 = vector.broadcast %eq3A_1205 : f32 to vector<16xf32>
      %eq3A_1207 = arith.cmpf oeq, %get3A_1156, %eq3A_1206 : vector<16xf32>
      %select_n3A_1208 = arith.select %eq3A_1207, %broadcast_in_dim3A_3, %broadcast_in_dim3A_5 : vector<16xi1>, vector<16xf32>
      %add3A_1209 = arith.constant 19200 : i32
      %add3A_1210 = arith.addi %add3A_1209, %mul3A_1154 : i32
      %swap3A_1211 = arith.index_cast %add3A_1210 : i32 to index
      %swap3A_1212 = tpu.vector_load %arg7[%swap3A_1211] {strides = array<i32>} : memref<38400xf32, #tpu.memory_space<vmem>>, vector<16xf32>,
      tpu.vector_store %arg7[%swap3A_1211], %select_n3A_1208 {strides = array<i32>} : memref<38400xf32, #tpu.memory_space<vmem>>, vector<16xf32>,
      %eq3A_1213 = arith.constant 7.000000e+00 : f32
      %eq3A_1214 = vector.broadcast %eq3A_1213 : f32 to vector<16xf32>
      %eq3A_1215 = arith.cmpf oeq, %get3A_1156, %eq3A_1214 : vector<16xf32>
      %select_n3A_1216 = arith.select %eq3A_1215, %broadcast_in_dim3A_3, %broadcast_in_dim3A_5 : vector<16xi1>, vector<16xf32>
      %add3A_1217 = arith.constant 22400 : i32
      %add3A_1218 = arith.addi %add3A_1217, %mul3A_1154 : i32
      %swap3A_1219 = arith.index_cast %add3A_1218 : i32 to index
      %swap3A_1220 = tpu.vector_load %arg7[%swap3A_1219] {strides = array<i32>} : memref<38400xf32, #tpu.memory_space<vmem>>, vector<16xf32>,
      tpu.vector_store %arg7[%swap3A_1219], %select_n3A_1216 {strides = array<i32>} : memref<38400xf32, #tpu.memory_space<vmem>>, vector<16xf32>,
      %eq3A_1221 = arith.constant 8.000000e+00 : f32
      %eq3A_1222 = vector.broadcast %eq3A_1221 : f32 to vector<16xf32>
      %eq3A_1223 = arith.cmpf oeq, %get3A_1156, %eq3A_1222 : vector<16xf32>
      %select_n3A_1224 = arith.select %eq3A_1223, %broadcast_in_dim3A_3, %broadcast_in_dim3A_5 : vector<16xi1>, vector<16xf32>
      %add3A_1225 = arith.constant 25600 : i32
      %add3A_1226 = arith.addi %add3A_1225, %mul3A_1154 : i32
      %swap3A_1227 = arith.index_cast %add3A_1226 : i32 to index
      %swap3A_1228 = tpu.vector_load %arg7[%swap3A_1227] {strides = array<i32>} : memref<38400xf32, #tpu.memory_space<vmem>>, vector<16xf32>,
      tpu.vector_store %arg7[%swap3A_1227], %select_n3A_1224 {strides = array<i32>} : memref<38400xf32, #tpu.memory_space<vmem>>, vector<16xf32>,
      %eq3A_1229 = arith.constant 9.000000e+00 : f32
      %eq3A_1230 = vector.broadcast %eq3A_1229 : f32 to vector<16xf32>
      %eq3A_1231 = arith.cmpf oeq, %get3A_1156, %eq3A_1230 : vector<16xf32>
      %select_n3A_1232 = arith.select %eq3A_1231, %broadcast_in_dim3A_3, %broadcast_in_dim3A_5 : vector<16xi1>, vector<16xf32>
      %add3A_1233 = arith.constant 28800 : i32
      %add3A_1234 = arith.addi %add3A_1233, %mul3A_1154 : i32
      %swap3A_1235 = arith.index_cast %add3A_1234 : i32 to index
      %swap3A_1236 = tpu.vector_load %arg7[%swap3A_1235] {strides = array<i32>} : memref<38400xf32, #tpu.memory_space<vmem>>, vector<16xf32>,
      tpu.vector_store %arg7[%swap3A_1235], %select_n3A_1232 {strides = array<i32>} : memref<38400xf32, #tpu.memory_space<vmem>>, vector<16xf32>,
      %eq3A_1237 = arith.constant 1.000000e+01 : f32
      %eq3A_1238 = vector.broadcast %eq3A_1237 : f32 to vector<16xf32>
      %eq3A_1239 = arith.cmpf oeq, %get3A_1156, %eq3A_1238 : vector<16xf32>
      %select_n3A_1240 = arith.select %eq3A_1239, %broadcast_in_dim3A_3, %broadcast_in_dim3A_5 : vector<16xi1>, vector<16xf32>
      %add3A_1241 = arith.constant 32000 : i32
      %add3A_1242 = arith.addi %add3A_1241, %mul3A_1154 : i32
      %swap3A_1243 = arith.index_cast %add3A_1242 : i32 to index
      %swap3A_1244 = tpu.vector_load %arg7[%swap3A_1243] {strides = array<i32>} : memref<38400xf32, #tpu.memory_space<vmem>>, vector<16xf32>,
      tpu.vector_store %arg7[%swap3A_1243], %select_n3A_1240 {strides = array<i32>} : memref<38400xf32, #tpu.memory_space<vmem>>, vector<16xf32>,
      %eq3A_1245 = arith.constant 1.100000e+01 : f32
      %eq3A_1246 = vector.broadcast %eq3A_1245 : f32 to vector<16xf32>
      %eq3A_1247 = arith.cmpf oeq, %get3A_1156, %eq3A_1246 : vector<16xf32>
      %select_n3A_1248 = arith.select %eq3A_1247, %broadcast_in_dim3A_3, %broadcast_in_dim3A_5 : vector<16xi1>, vector<16xf32>
      %add3A_1249 = arith.constant 35200 : i32
      %add3A_1250 = arith.addi %add3A_1249, %mul3A_1154 : i32
      %swap3A_1251 = arith.index_cast %add3A_1250 : i32 to index
      %swap3A_1252 = tpu.vector_load %arg7[%swap3A_1251] {strides = array<i32>} : memref<38400xf32, #tpu.memory_space<vmem>>, vector<16xf32>,
      tpu.vector_store %arg7[%swap3A_1251], %select_n3A_1248 {strides = array<i32>} : memref<38400xf32, #tpu.memory_space<vmem>>, vector<16xf32>,
    }
    %scan3A_132 = arith.constant 50 : i32
    %add3A_133 = arith.constant 0 : i32
    %add3A_134 = arith.addi %add3A_133, %add3A_127 : i32
    %dma_start3A_135 = arith.constant 0 : i32
    %dma_start3A_136 = tpu.memref_slice %arg7[%dma_start3A_135] : memref<38400xf32, #tpu.memory_space<vmem>> -> memref<3200xf32, #tpu.memory_space<vmem>>
    %dma_start3A_137 = tpu.memref_slice %arg3[%add3A_134] : memref<39321600xf32, #tpu.memory_space<hbm>> -> memref<3200xf32, #tpu.memory_space<hbm>>
    %dma_start3A_138 = tpu.memref_slice %arg3[%add3A_134] : memref<39321600xf32, #tpu.memory_space<hbm>> -> memref<3200xf32, #tpu.memory_space<hbm>>
    %dma_start3A_139 = arith.constant 0 : i32
    %dma_start3A_140 = tpu.memref_slice %arg7[%dma_start3A_139] : memref<38400xf32, #tpu.memory_space<vmem>> -> memref<3200xf32, #tpu.memory_space<vmem>>
    tpu.enqueue_dma source(%dma_start3A_140 : memref<3200xf32, #tpu.memory_space<vmem>>) target(%dma_start3A_138 : memref<3200xf32, #tpu.memory_space<hbm>>) target_semaphore(%arg9 : memref<!tpu.dma_semaphore, #tpu.memory_space<semaphore_mem>>)
    %add3A_141 = arith.constant 3276800 : i32
    %add3A_142 = arith.addi %add3A_141, %add3A_127 : i32
    %dma_start3A_143 = arith.constant 3200 : i32
    %dma_start3A_144 = tpu.memref_slice %arg7[%dma_start3A_143] : memref<38400xf32, #tpu.memory_space<vmem>> -> memref<3200xf32, #tpu.memory_space<vmem>>
    %dma_start3A_145 = tpu.memref_slice %arg3[%add3A_142] : memref<39321600xf32, #tpu.memory_space<hbm>> -> memref<3200xf32, #tpu.memory_space<hbm>>
    %dma_start3A_146 = tpu.memref_slice %arg3[%add3A_142] : memref<39321600xf32, #tpu.memory_space<hbm>> -> memref<3200xf32, #tpu.memory_space<hbm>>
    %dma_start3A_147 = arith.constant 3200 : i32
    %dma_start3A_148 = tpu.memref_slice %arg7[%dma_start3A_147] : memref<38400xf32, #tpu.memory_space<vmem>> -> memref<3200xf32, #tpu.memory_space<vmem>>
    tpu.enqueue_dma source(%dma_start3A_148 : memref<3200xf32, #tpu.memory_space<vmem>>) target(%dma_start3A_146 : memref<3200xf32, #tpu.memory_space<hbm>>) target_semaphore(%arg9 : memref<!tpu.dma_semaphore, #tpu.memory_space<semaphore_mem>>)
    %add3A_149 = arith.constant 6553600 : i32
    %add3A_150 = arith.addi %add3A_149, %add3A_127 : i32
    %dma_start3A_151 = arith.constant 6400 : i32
    %dma_start3A_152 = tpu.memref_slice %arg7[%dma_start3A_151] : memref<38400xf32, #tpu.memory_space<vmem>> -> memref<3200xf32, #tpu.memory_space<vmem>>
    %dma_start3A_153 = tpu.memref_slice %arg3[%add3A_150] : memref<39321600xf32, #tpu.memory_space<hbm>> -> memref<3200xf32, #tpu.memory_space<hbm>>
    %dma_start3A_154 = tpu.memref_slice %arg3[%add3A_150] : memref<39321600xf32, #tpu.memory_space<hbm>> -> memref<3200xf32, #tpu.memory_space<hbm>>
    %dma_start3A_155 = arith.constant 6400 : i32
    %dma_start3A_156 = tpu.memref_slice %arg7[%dma_start3A_155] : memref<38400xf32, #tpu.memory_space<vmem>> -> memref<3200xf32, #tpu.memory_space<vmem>>
    tpu.enqueue_dma source(%dma_start3A_156 : memref<3200xf32, #tpu.memory_space<vmem>>) target(%dma_start3A_154 : memref<3200xf32, #tpu.memory_space<hbm>>) target_semaphore(%arg9 : memref<!tpu.dma_semaphore, #tpu.memory_space<semaphore_mem>>)
    %add3A_157 = arith.constant 9830400 : i32
    %add3A_158 = arith.addi %add3A_157, %add3A_127 : i32
    %dma_start3A_159 = arith.constant 9600 : i32
    %dma_start3A_160 = tpu.memref_slice %arg7[%dma_start3A_159] : memref<38400xf32, #tpu.memory_space<vmem>> -> memref<3200xf32, #tpu.memory_space<vmem>>
    %dma_start3A_161 = tpu.memref_slice %arg3[%add3A_158] : memref<39321600xf32, #tpu.memory_space<hbm>> -> memref<3200xf32, #tpu.memory_space<hbm>>
    %dma_start3A_162 = tpu.memref_slice %arg3[%add3A_158] : memref<39321600xf32, #tpu.memory_space<hbm>> -> memref<3200xf32, #tpu.memory_space<hbm>>
    %dma_start3A_163 = arith.constant 9600 : i32
    %dma_start3A_164 = tpu.memref_slice %arg7[%dma_start3A_163] : memref<38400xf32, #tpu.memory_space<vmem>> -> memref<3200xf32, #tpu.memory_space<vmem>>
    tpu.enqueue_dma source(%dma_start3A_164 : memref<3200xf32, #tpu.memory_space<vmem>>) target(%dma_start3A_162 : memref<3200xf32, #tpu.memory_space<hbm>>) target_semaphore(%arg9 : memref<!tpu.dma_semaphore, #tpu.memory_space<semaphore_mem>>)
    %add3A_165 = arith.constant 13107200 : i32
    %add3A_166 = arith.addi %add3A_165, %add3A_127 : i32
    %dma_start3A_167 = arith.constant 12800 : i32
    %dma_start3A_168 = tpu.memref_slice %arg7[%dma_start3A_167] : memref<38400xf32, #tpu.memory_space<vmem>> -> memref<3200xf32, #tpu.memory_space<vmem>>
    %dma_start3A_169 = tpu.memref_slice %arg3[%add3A_166] : memref<39321600xf32, #tpu.memory_space<hbm>> -> memref<3200xf32, #tpu.memory_space<hbm>>
    %dma_start3A_170 = tpu.memref_slice %arg3[%add3A_166] : memref<39321600xf32, #tpu.memory_space<hbm>> -> memref<3200xf32, #tpu.memory_space<hbm>>
    %dma_start3A_171 = arith.constant 12800 : i32
    %dma_start3A_172 = tpu.memref_slice %arg7[%dma_start3A_171] : memref<38400xf32, #tpu.memory_space<vmem>> -> memref<3200xf32, #tpu.memory_space<vmem>>
    tpu.enqueue_dma source(%dma_start3A_172 : memref<3200xf32, #tpu.memory_space<vmem>>) target(%dma_start3A_170 : memref<3200xf32, #tpu.memory_space<hbm>>) target_semaphore(%arg9 : memref<!tpu.dma_semaphore, #tpu.memory_space<semaphore_mem>>)
    %add3A_173 = arith.constant 16384000 : i32
    %add3A_174 = arith.addi %add3A_173, %add3A_127 : i32
    %dma_start3A_175 = arith.constant 16000 : i32
    %dma_start3A_176 = tpu.memref_slice %arg7[%dma_start3A_175] : memref<38400xf32, #tpu.memory_space<vmem>> -> memref<3200xf32, #tpu.memory_space<vmem>>
    %dma_start3A_177 = tpu.memref_slice %arg3[%add3A_174] : memref<39321600xf32, #tpu.memory_space<hbm>> -> memref<3200xf32, #tpu.memory_space<hbm>>
    %dma_start3A_178 = tpu.memref_slice %arg3[%add3A_174] : memref<39321600xf32, #tpu.memory_space<hbm>> -> memref<3200xf32, #tpu.memory_space<hbm>>
    %dma_start3A_179 = arith.constant 16000 : i32
    %dma_start3A_180 = tpu.memref_slice %arg7[%dma_start3A_179] : memref<38400xf32, #tpu.memory_space<vmem>> -> memref<3200xf32, #tpu.memory_space<vmem>>
    tpu.enqueue_dma source(%dma_start3A_180 : memref<3200xf32, #tpu.memory_space<vmem>>) target(%dma_start3A_178 : memref<3200xf32, #tpu.memory_space<hbm>>) target_semaphore(%arg9 : memref<!tpu.dma_semaphore, #tpu.memory_space<semaphore_mem>>)
    %add3A_181 = arith.constant 19660800 : i32
    %add3A_182 = arith.addi %add3A_181, %add3A_127 : i32
    %dma_start3A_183 = arith.constant 19200 : i32
    %dma_start3A_184 = tpu.memref_slice %arg7[%dma_start3A_183] : memref<38400xf32, #tpu.memory_space<vmem>> -> memref<3200xf32, #tpu.memory_space<vmem>>
    %dma_start3A_185 = tpu.memref_slice %arg3[%add3A_182] : memref<39321600xf32, #tpu.memory_space<hbm>> -> memref<3200xf32, #tpu.memory_space<hbm>>
    %dma_start3A_186 = tpu.memref_slice %arg3[%add3A_182] : memref<39321600xf32, #tpu.memory_space<hbm>> -> memref<3200xf32, #tpu.memory_space<hbm>>
    %dma_start3A_187 = arith.constant 19200 : i32
    %dma_start3A_188 = tpu.memref_slice %arg7[%dma_start3A_187] : memref<38400xf32, #tpu.memory_space<vmem>> -> memref<3200xf32, #tpu.memory_space<vmem>>
    tpu.enqueue_dma source(%dma_start3A_188 : memref<3200xf32, #tpu.memory_space<vmem>>) target(%dma_start3A_186 : memref<3200xf32, #tpu.memory_space<hbm>>) target_semaphore(%arg9 : memref<!tpu.dma_semaphore, #tpu.memory_space<semaphore_mem>>)
    %add3A_189 = arith.constant 22937600 : i32
    %add3A_190 = arith.addi %add3A_189, %add3A_127 : i32
    %dma_start3A_191 = arith.constant 22400 : i32
    %dma_start3A_192 = tpu.memref_slice %arg7[%dma_start3A_191] : memref<38400xf32, #tpu.memory_space<vmem>> -> memref<3200xf32, #tpu.memory_space<vmem>>
    %dma_start3A_193 = tpu.memref_slice %arg3[%add3A_190] : memref<39321600xf32, #tpu.memory_space<hbm>> -> memref<3200xf32, #tpu.memory_space<hbm>>
    %dma_start3A_194 = tpu.memref_slice %arg3[%add3A_190] : memref<39321600xf32, #tpu.memory_space<hbm>> -> memref<3200xf32, #tpu.memory_space<hbm>>
    %dma_start3A_195 = arith.constant 22400 : i32
    %dma_start3A_196 = tpu.memref_slice %arg7[%dma_start3A_195] : memref<38400xf32, #tpu.memory_space<vmem>> -> memref<3200xf32, #tpu.memory_space<vmem>>
    tpu.enqueue_dma source(%dma_start3A_196 : memref<3200xf32, #tpu.memory_space<vmem>>) target(%dma_start3A_194 : memref<3200xf32, #tpu.memory_space<hbm>>) target_semaphore(%arg9 : memref<!tpu.dma_semaphore, #tpu.memory_space<semaphore_mem>>)
    %add3A_197 = arith.constant 26214400 : i32
    %add3A_198 = arith.addi %add3A_197, %add3A_127 : i32
    %dma_start3A_199 = arith.constant 25600 : i32
    %dma_start3A_200 = tpu.memref_slice %arg7[%dma_start3A_199] : memref<38400xf32, #tpu.memory_space<vmem>> -> memref<3200xf32, #tpu.memory_space<vmem>>
    %dma_start3A_201 = tpu.memref_slice %arg3[%add3A_198] : memref<39321600xf32, #tpu.memory_space<hbm>> -> memref<3200xf32, #tpu.memory_space<hbm>>
    %dma_start3A_202 = tpu.memref_slice %arg3[%add3A_198] : memref<39321600xf32, #tpu.memory_space<hbm>> -> memref<3200xf32, #tpu.memory_space<hbm>>
    %dma_start3A_203 = arith.constant 25600 : i32
    %dma_start3A_204 = tpu.memref_slice %arg7[%dma_start3A_203] : memref<38400xf32, #tpu.memory_space<vmem>> -> memref<3200xf32, #tpu.memory_space<vmem>>
    tpu.enqueue_dma source(%dma_start3A_204 : memref<3200xf32, #tpu.memory_space<vmem>>) target(%dma_start3A_202 : memref<3200xf32, #tpu.memory_space<hbm>>) target_semaphore(%arg9 : memref<!tpu.dma_semaphore, #tpu.memory_space<semaphore_mem>>)
    %add3A_205 = arith.constant 29491200 : i32
    %add3A_206 = arith.addi %add3A_205, %add3A_127 : i32
    %dma_start3A_207 = arith.constant 28800 : i32
    %dma_start3A_208 = tpu.memref_slice %arg7[%dma_start3A_207] : memref<38400xf32, #tpu.memory_space<vmem>> -> memref<3200xf32, #tpu.memory_space<vmem>>
    %dma_start3A_209 = tpu.memref_slice %arg3[%add3A_206] : memref<39321600xf32, #tpu.memory_space<hbm>> -> memref<3200xf32, #tpu.memory_space<hbm>>
    %dma_start3A_210 = tpu.memref_slice %arg3[%add3A_206] : memref<39321600xf32, #tpu.memory_space<hbm>> -> memref<3200xf32, #tpu.memory_space<hbm>>
    %dma_start3A_211 = arith.constant 28800 : i32
    %dma_start3A_212 = tpu.memref_slice %arg7[%dma_start3A_211] : memref<38400xf32, #tpu.memory_space<vmem>> -> memref<3200xf32, #tpu.memory_space<vmem>>
    tpu.enqueue_dma source(%dma_start3A_212 : memref<3200xf32, #tpu.memory_space<vmem>>) target(%dma_start3A_210 : memref<3200xf32, #tpu.memory_space<hbm>>) target_semaphore(%arg9 : memref<!tpu.dma_semaphore, #tpu.memory_space<semaphore_mem>>)
    %add3A_213 = arith.constant 32768000 : i32
    %add3A_214 = arith.addi %add3A_213, %add3A_127 : i32
    %dma_start3A_215 = arith.constant 32000 : i32
    %dma_start3A_216 = tpu.memref_slice %arg7[%dma_start3A_215] : memref<38400xf32, #tpu.memory_space<vmem>> -> memref<3200xf32, #tpu.memory_space<vmem>>
    %dma_start3A_217 = tpu.memref_slice %arg3[%add3A_214] : memref<39321600xf32, #tpu.memory_space<hbm>> -> memref<3200xf32, #tpu.memory_space<hbm>>
    %dma_start3A_218 = tpu.memref_slice %arg3[%add3A_214] : memref<39321600xf32, #tpu.memory_space<hbm>> -> memref<3200xf32, #tpu.memory_space<hbm>>
    %dma_start3A_219 = arith.constant 32000 : i32
    %dma_start3A_220 = tpu.memref_slice %arg7[%dma_start3A_219] : memref<38400xf32, #tpu.memory_space<vmem>> -> memref<3200xf32, #tpu.memory_space<vmem>>
    tpu.enqueue_dma source(%dma_start3A_220 : memref<3200xf32, #tpu.memory_space<vmem>>) target(%dma_start3A_218 : memref<3200xf32, #tpu.memory_space<hbm>>) target_semaphore(%arg9 : memref<!tpu.dma_semaphore, #tpu.memory_space<semaphore_mem>>)
    %add3A_221 = arith.constant 36044800 : i32
    %add3A_222 = arith.addi %add3A_221, %add3A_127 : i32
    %dma_start3A_223 = arith.constant 35200 : i32
    %dma_start3A_224 = tpu.memref_slice %arg7[%dma_start3A_223] : memref<38400xf32, #tpu.memory_space<vmem>> -> memref<3200xf32, #tpu.memory_space<vmem>>
    %dma_start3A_225 = tpu.memref_slice %arg3[%add3A_222] : memref<39321600xf32, #tpu.memory_space<hbm>> -> memref<3200xf32, #tpu.memory_space<hbm>>
    %dma_start3A_226 = tpu.memref_slice %arg3[%add3A_222] : memref<39321600xf32, #tpu.memory_space<hbm>> -> memref<3200xf32, #tpu.memory_space<hbm>>
    %dma_start3A_227 = arith.constant 35200 : i32
    %dma_start3A_228 = tpu.memref_slice %arg7[%dma_start3A_227] : memref<38400xf32, #tpu.memory_space<vmem>> -> memref<3200xf32, #tpu.memory_space<vmem>>
    tpu.enqueue_dma source(%dma_start3A_228 : memref<3200xf32, #tpu.memory_space<vmem>>) target(%dma_start3A_226 : memref<3200xf32, #tpu.memory_space<hbm>>) target_semaphore(%arg9 : memref<!tpu.dma_semaphore, #tpu.memory_space<semaphore_mem>>)
    %add3A_229 = arith.constant 9600 : i32
    %add3A_230 = arith.addi %mul3A_2, %add3A_229 : i32
    %dma_start3A_231 = tpu.memref_slice %arg2[%add3A_230] : memref<3276800xf32, #tpu.memory_space<hbm>> -> memref<3200xf32, #tpu.memory_space<hbm>>
    %dma_start3A_232 = tpu.memref_slice %arg2[%add3A_230] : memref<3276800xf32, #tpu.memory_space<hbm>> -> memref<3200xf32, #tpu.memory_space<hbm>>
    tpu.enqueue_dma source(%dma_start3A_232 : memref<3200xf32, #tpu.memory_space<hbm>>) target(%arg5 : memref<3200xf32, #tpu.memory_space<vmem>>) target_semaphore(%arg11 : memref<!tpu.dma_semaphore, #tpu.memory_space<semaphore_mem>>)
    %scan3A_233 = arith.constant 0 : i32
    %scan3A_234 = arith.constant 14 : i32
    %scan3A_235 = arith.addi %scan3A_233, %scan3A_234 : i32
    %scan3A_236 = arith.constant 1 : i32
    scf.for %scan3A_836 = %scan3A_233 to %scan3A_235 step %scan3A_236  : i32 {
      %mul3A_837 = arith.constant 2 : i32
      %mul3A_838 = arith.muli %scan3A_836, %mul3A_837 : i32
      %add3A_839 = arith.constant 2 : i32
      %add3A_840 = arith.addi %add3A_839, %mul3A_838 : i32
      %dma_wait3A_841 = arith.constant 0 : i32
      %dma_wait3A_842 = tpu.memref_slice %arg6[%dma_wait3A_841] : memref<38400xf32, #tpu.memory_space<vmem>> -> memref<3200xf32, #tpu.memory_space<vmem>>
      %dma_wait3A_843 = arith.constant 0 : i32
      %dma_wait3A_844 = tpu.memref_slice %arg3[%dma_wait3A_843] : memref<39321600xf32, #tpu.memory_space<hbm>> -> memref<3200xf32, #tpu.memory_space<hbm>>
      %dma_wait3A_845 = arith.constant 0 : i32
      %dma_wait3A_846 = tpu.memref_slice %arg3[%dma_wait3A_845] : memref<39321600xf32, #tpu.memory_space<hbm>> -> memref<3200xf32, #tpu.memory_space<hbm>>
      %dma_wait3A_847 = arith.constant 0 : i32
      %dma_wait3A_848 = tpu.memref_slice %arg6[%dma_wait3A_847] : memref<38400xf32, #tpu.memory_space<vmem>> -> memref<3200xf32, #tpu.memory_space<vmem>>
      tpu.wait_dma2 semaphore(%arg8 : memref<!tpu.dma_semaphore, #tpu.memory_space<semaphore_mem>>) src(%dma_wait3A_848 : memref<3200xf32, #tpu.memory_space<vmem>>) dst(%dma_wait3A_846 : memref<3200xf32, #tpu.memory_space<hbm>>)
      %dma_wait3A_849 = arith.constant 3200 : i32
      %dma_wait3A_850 = tpu.memref_slice %arg6[%dma_wait3A_849] : memref<38400xf32, #tpu.memory_space<vmem>> -> memref<3200xf32, #tpu.memory_space<vmem>>
      %dma_wait3A_851 = arith.constant 0 : i32
      %dma_wait3A_852 = tpu.memref_slice %arg3[%dma_wait3A_851] : memref<39321600xf32, #tpu.memory_space<hbm>> -> memref<3200xf32, #tpu.memory_space<hbm>>
      %dma_wait3A_853 = arith.constant 0 : i32
      %dma_wait3A_854 = tpu.memref_slice %arg3[%dma_wait3A_853] : memref<39321600xf32, #tpu.memory_space<hbm>> -> memref<3200xf32, #tpu.memory_space<hbm>>
      %dma_wait3A_855 = arith.constant 3200 : i32
      %dma_wait3A_856 = tpu.memref_slice %arg6[%dma_wait3A_855] : memref<38400xf32, #tpu.memory_space<vmem>> -> memref<3200xf32, #tpu.memory_space<vmem>>
      tpu.wait_dma2 semaphore(%arg8 : memref<!tpu.dma_semaphore, #tpu.memory_space<semaphore_mem>>) src(%dma_wait3A_856 : memref<3200xf32, #tpu.memory_space<vmem>>) dst(%dma_wait3A_854 : memref<3200xf32, #tpu.memory_space<hbm>>)
      %dma_wait3A_857 = arith.constant 6400 : i32
      %dma_wait3A_858 = tpu.memref_slice %arg6[%dma_wait3A_857] : memref<38400xf32, #tpu.memory_space<vmem>> -> memref<3200xf32, #tpu.memory_space<vmem>>
      %dma_wait3A_859 = arith.constant 0 : i32
      %dma_wait3A_860 = tpu.memref_slice %arg3[%dma_wait3A_859] : memref<39321600xf32, #tpu.memory_space<hbm>> -> memref<3200xf32, #tpu.memory_space<hbm>>
      %dma_wait3A_861 = arith.constant 0 : i32
      %dma_wait3A_862 = tpu.memref_slice %arg3[%dma_wait3A_861] : memref<39321600xf32, #tpu.memory_space<hbm>> -> memref<3200xf32, #tpu.memory_space<hbm>>
      %dma_wait3A_863 = arith.constant 6400 : i32
      %dma_wait3A_864 = tpu.memref_slice %arg6[%dma_wait3A_863] : memref<38400xf32, #tpu.memory_space<vmem>> -> memref<3200xf32, #tpu.memory_space<vmem>>
      tpu.wait_dma2 semaphore(%arg8 : memref<!tpu.dma_semaphore, #tpu.memory_space<semaphore_mem>>) src(%dma_wait3A_864 : memref<3200xf32, #tpu.memory_space<vmem>>) dst(%dma_wait3A_862 : memref<3200xf32, #tpu.memory_space<hbm>>)
      %dma_wait3A_865 = arith.constant 9600 : i32
      %dma_wait3A_866 = tpu.memref_slice %arg6[%dma_wait3A_865] : memref<38400xf32, #tpu.memory_space<vmem>> -> memref<3200xf32, #tpu.memory_space<vmem>>
      %dma_wait3A_867 = arith.constant 0 : i32
      %dma_wait3A_868 = tpu.memref_slice %arg3[%dma_wait3A_867] : memref<39321600xf32, #tpu.memory_space<hbm>> -> memref<3200xf32, #tpu.memory_space<hbm>>
      %dma_wait3A_869 = arith.constant 0 : i32
      %dma_wait3A_870 = tpu.memref_slice %arg3[%dma_wait3A_869] : memref<39321600xf32, #tpu.memory_space<hbm>> -> memref<3200xf32, #tpu.memory_space<hbm>>
      %dma_wait3A_871 = arith.constant 9600 : i32
      %dma_wait3A_872 = tpu.memref_slice %arg6[%dma_wait3A_871] : memref<38400xf32, #tpu.memory_space<vmem>> -> memref<3200xf32, #tpu.memory_space<vmem>>
      tpu.wait_dma2 semaphore(%arg8 : memref<!tpu.dma_semaphore, #tpu.memory_space<semaphore_mem>>) src(%dma_wait3A_872 : memref<3200xf32, #tpu.memory_space<vmem>>) dst(%dma_wait3A_870 : memref<3200xf32, #tpu.memory_space<hbm>>)
      %dma_wait3A_873 = arith.constant 12800 : i32
      %dma_wait3A_874 = tpu.memref_slice %arg6[%dma_wait3A_873] : memref<38400xf32, #tpu.memory_space<vmem>> -> memref<3200xf32, #tpu.memory_space<vmem>>
      %dma_wait3A_875 = arith.constant 0 : i32
      %dma_wait3A_876 = tpu.memref_slice %arg3[%dma_wait3A_875] : memref<39321600xf32, #tpu.memory_space<hbm>> -> memref<3200xf32, #tpu.memory_space<hbm>>
      %dma_wait3A_877 = arith.constant 0 : i32
      %dma_wait3A_878 = tpu.memref_slice %arg3[%dma_wait3A_877] : memref<39321600xf32, #tpu.memory_space<hbm>> -> memref<3200xf32, #tpu.memory_space<hbm>>
      %dma_wait3A_879 = arith.constant 12800 : i32
      %dma_wait3A_880 = tpu.memref_slice %arg6[%dma_wait3A_879] : memref<38400xf32, #tpu.memory_space<vmem>> -> memref<3200xf32, #tpu.memory_space<vmem>>
      tpu.wait_dma2 semaphore(%arg8 : memref<!tpu.dma_semaphore, #tpu.memory_space<semaphore_mem>>) src(%dma_wait3A_880 : memref<3200xf32, #tpu.memory_space<vmem>>) dst(%dma_wait3A_878 : memref<3200xf32, #tpu.memory_space<hbm>>)
      %dma_wait3A_881 = arith.constant 16000 : i32
      %dma_wait3A_882 = tpu.memref_slice %arg6[%dma_wait3A_881] : memref<38400xf32, #tpu.memory_space<vmem>> -> memref<3200xf32, #tpu.memory_space<vmem>>
      %dma_wait3A_883 = arith.constant 0 : i32
      %dma_wait3A_884 = tpu.memref_slice %arg3[%dma_wait3A_883] : memref<39321600xf32, #tpu.memory_space<hbm>> -> memref<3200xf32, #tpu.memory_space<hbm>>
      %dma_wait3A_885 = arith.constant 0 : i32
      %dma_wait3A_886 = tpu.memref_slice %arg3[%dma_wait3A_885] : memref<39321600xf32, #tpu.memory_space<hbm>> -> memref<3200xf32, #tpu.memory_space<hbm>>
      %dma_wait3A_887 = arith.constant 16000 : i32
      %dma_wait3A_888 = tpu.memref_slice %arg6[%dma_wait3A_887] : memref<38400xf32, #tpu.memory_space<vmem>> -> memref<3200xf32, #tpu.memory_space<vmem>>
      tpu.wait_dma2 semaphore(%arg8 : memref<!tpu.dma_semaphore, #tpu.memory_space<semaphore_mem>>) src(%dma_wait3A_888 : memref<3200xf32, #tpu.memory_space<vmem>>) dst(%dma_wait3A_886 : memref<3200xf32, #tpu.memory_space<hbm>>)
      %dma_wait3A_889 = arith.constant 19200 : i32
      %dma_wait3A_890 = tpu.memref_slice %arg6[%dma_wait3A_889] : memref<38400xf32, #tpu.memory_space<vmem>> -> memref<3200xf32, #tpu.memory_space<vmem>>
      %dma_wait3A_891 = arith.constant 0 : i32
      %dma_wait3A_892 = tpu.memref_slice %arg3[%dma_wait3A_891] : memref<39321600xf32, #tpu.memory_space<hbm>> -> memref<3200xf32, #tpu.memory_space<hbm>>
      %dma_wait3A_893 = arith.constant 0 : i32
      %dma_wait3A_894 = tpu.memref_slice %arg3[%dma_wait3A_893] : memref<39321600xf32, #tpu.memory_space<hbm>> -> memref<3200xf32, #tpu.memory_space<hbm>>
      %dma_wait3A_895 = arith.constant 19200 : i32
      %dma_wait3A_896 = tpu.memref_slice %arg6[%dma_wait3A_895] : memref<38400xf32, #tpu.memory_space<vmem>> -> memref<3200xf32, #tpu.memory_space<vmem>>
      tpu.wait_dma2 semaphore(%arg8 : memref<!tpu.dma_semaphore, #tpu.memory_space<semaphore_mem>>) src(%dma_wait3A_896 : memref<3200xf32, #tpu.memory_space<vmem>>) dst(%dma_wait3A_894 : memref<3200xf32, #tpu.memory_space<hbm>>)
      %dma_wait3A_897 = arith.constant 22400 : i32
      %dma_wait3A_898 = tpu.memref_slice %arg6[%dma_wait3A_897] : memref<38400xf32, #tpu.memory_space<vmem>> -> memref<3200xf32, #tpu.memory_space<vmem>>
      %dma_wait3A_899 = arith.constant 0 : i32
      %dma_wait3A_900 = tpu.memref_slice %arg3[%dma_wait3A_899] : memref<39321600xf32, #tpu.memory_space<hbm>> -> memref<3200xf32, #tpu.memory_space<hbm>>
      %dma_wait3A_901 = arith.constant 0 : i32
      %dma_wait3A_902 = tpu.memref_slice %arg3[%dma_wait3A_901] : memref<39321600xf32, #tpu.memory_space<hbm>> -> memref<3200xf32, #tpu.memory_space<hbm>>
      %dma_wait3A_903 = arith.constant 22400 : i32
      %dma_wait3A_904 = tpu.memref_slice %arg6[%dma_wait3A_903] : memref<38400xf32, #tpu.memory_space<vmem>> -> memref<3200xf32, #tpu.memory_space<vmem>>
      tpu.wait_dma2 semaphore(%arg8 : memref<!tpu.dma_semaphore, #tpu.memory_space<semaphore_mem>>) src(%dma_wait3A_904 : memref<3200xf32, #tpu.memory_space<vmem>>) dst(%dma_wait3A_902 : memref<3200xf32, #tpu.memory_space<hbm>>)
      %dma_wait3A_905 = arith.constant 25600 : i32
      %dma_wait3A_906 = tpu.memref_slice %arg6[%dma_wait3A_905] : memref<38400xf32, #tpu.memory_space<vmem>> -> memref<3200xf32, #tpu.memory_space<vmem>>
      %dma_wait3A_907 = arith.constant 0 : i32
      %dma_wait3A_908 = tpu.memref_slice %arg3[%dma_wait3A_907] : memref<39321600xf32, #tpu.memory_space<hbm>> -> memref<3200xf32, #tpu.memory_space<hbm>>
      %dma_wait3A_909 = arith.constant 0 : i32
      %dma_wait3A_910 = tpu.memref_slice %arg3[%dma_wait3A_909] : memref<39321600xf32, #tpu.memory_space<hbm>> -> memref<3200xf32, #tpu.memory_space<hbm>>
      %dma_wait3A_911 = arith.constant 25600 : i32
      %dma_wait3A_912 = tpu.memref_slice %arg6[%dma_wait3A_911] : memref<38400xf32, #tpu.memory_space<vmem>> -> memref<3200xf32, #tpu.memory_space<vmem>>
      tpu.wait_dma2 semaphore(%arg8 : memref<!tpu.dma_semaphore, #tpu.memory_space<semaphore_mem>>) src(%dma_wait3A_912 : memref<3200xf32, #tpu.memory_space<vmem>>) dst(%dma_wait3A_910 : memref<3200xf32, #tpu.memory_space<hbm>>)
      %dma_wait3A_913 = arith.constant 28800 : i32
      %dma_wait3A_914 = tpu.memref_slice %arg6[%dma_wait3A_913] : memref<38400xf32, #tpu.memory_space<vmem>> -> memref<3200xf32, #tpu.memory_space<vmem>>
      %dma_wait3A_915 = arith.constant 0 : i32
      %dma_wait3A_916 = tpu.memref_slice %arg3[%dma_wait3A_915] : memref<39321600xf32, #tpu.memory_space<hbm>> -> memref<3200xf32, #tpu.memory_space<hbm>>
      %dma_wait3A_917 = arith.constant 0 : i32
      %dma_wait3A_918 = tpu.memref_slice %arg3[%dma_wait3A_917] : memref<39321600xf32, #tpu.memory_space<hbm>> -> memref<3200xf32, #tpu.memory_space<hbm>>
      %dma_wait3A_919 = arith.constant 28800 : i32
      %dma_wait3A_920 = tpu.memref_slice %arg6[%dma_wait3A_919] : memref<38400xf32, #tpu.memory_space<vmem>> -> memref<3200xf32, #tpu.memory_space<vmem>>
      tpu.wait_dma2 semaphore(%arg8 : memref<!tpu.dma_semaphore, #tpu.memory_space<semaphore_mem>>) src(%dma_wait3A_920 : memref<3200xf32, #tpu.memory_space<vmem>>) dst(%dma_wait3A_918 : memref<3200xf32, #tpu.memory_space<hbm>>)
      %dma_wait3A_921 = arith.constant 32000 : i32
      %dma_wait3A_922 = tpu.memref_slice %arg6[%dma_wait3A_921] : memref<38400xf32, #tpu.memory_space<vmem>> -> memref<3200xf32, #tpu.memory_space<vmem>>
      %dma_wait3A_923 = arith.constant 0 : i32
      %dma_wait3A_924 = tpu.memref_slice %arg3[%dma_wait3A_923] : memref<39321600xf32, #tpu.memory_space<hbm>> -> memref<3200xf32, #tpu.memory_space<hbm>>
      %dma_wait3A_925 = arith.constant 0 : i32
      %dma_wait3A_926 = tpu.memref_slice %arg3[%dma_wait3A_925] : memref<39321600xf32, #tpu.memory_space<hbm>> -> memref<3200xf32, #tpu.memory_space<hbm>>
      %dma_wait3A_927 = arith.constant 32000 : i32
      %dma_wait3A_928 = tpu.memref_slice %arg6[%dma_wait3A_927] : memref<38400xf32, #tpu.memory_space<vmem>> -> memref<3200xf32, #tpu.memory_space<vmem>>
      tpu.wait_dma2 semaphore(%arg8 : memref<!tpu.dma_semaphore, #tpu.memory_space<semaphore_mem>>) src(%dma_wait3A_928 : memref<3200xf32, #tpu.memory_space<vmem>>) dst(%dma_wait3A_926 : memref<3200xf32, #tpu.memory_space<hbm>>)
      %dma_wait3A_929 = arith.constant 35200 : i32
      %dma_wait3A_930 = tpu.memref_slice %arg6[%dma_wait3A_929] : memref<38400xf32, #tpu.memory_space<vmem>> -> memref<3200xf32, #tpu.memory_space<vmem>>
      %dma_wait3A_931 = arith.constant 0 : i32
      %dma_wait3A_932 = tpu.memref_slice %arg3[%dma_wait3A_931] : memref<39321600xf32, #tpu.memory_space<hbm>> -> memref<3200xf32, #tpu.memory_space<hbm>>
      %dma_wait3A_933 = arith.constant 0 : i32
      %dma_wait3A_934 = tpu.memref_slice %arg3[%dma_wait3A_933] : memref<39321600xf32, #tpu.memory_space<hbm>> -> memref<3200xf32, #tpu.memory_space<hbm>>
      %dma_wait3A_935 = arith.constant 35200 : i32
      %dma_wait3A_936 = tpu.memref_slice %arg6[%dma_wait3A_935] : memref<38400xf32, #tpu.memory_space<vmem>> -> memref<3200xf32, #tpu.memory_space<vmem>>
      tpu.wait_dma2 semaphore(%arg8 : memref<!tpu.dma_semaphore, #tpu.memory_space<semaphore_mem>>) src(%dma_wait3A_936 : memref<3200xf32, #tpu.memory_space<vmem>>) dst(%dma_wait3A_934 : memref<3200xf32, #tpu.memory_space<hbm>>)
      %dma_wait3A_937 = arith.constant 0 : i32
      %dma_wait3A_938 = tpu.memref_slice %arg2[%dma_wait3A_937] : memref<3276800xf32, #tpu.memory_space<hbm>> -> memref<3200xf32, #tpu.memory_space<hbm>>
      %dma_wait3A_939 = arith.constant 0 : i32
      %dma_wait3A_940 = tpu.memref_slice %arg2[%dma_wait3A_939] : memref<3276800xf32, #tpu.memory_space<hbm>> -> memref<3200xf32, #tpu.memory_space<hbm>>
      tpu.wait_dma2 semaphore(%arg10 : memref<!tpu.dma_semaphore, #tpu.memory_space<semaphore_mem>>) src(%dma_wait3A_940 : memref<3200xf32, #tpu.memory_space<hbm>>) dst(%arg4 : memref<3200xf32, #tpu.memory_space<vmem>>)
      %add3A_941 = arith.constant 0 : i32
      %add3A_942 = arith.addi %add3A_840, %add3A_941 : i32
      %mul3A_943 = arith.constant 3200 : i32
      %mul3A_944 = arith.muli %add3A_942, %mul3A_943 : i32
      %add3A_945 = arith.addi %mul3A_2, %mul3A_944 : i32
      %scan3A_946 = arith.constant 0 : i32
      %scan3A_947 = arith.constant 50 : i32
      %scan3A_948 = arith.addi %scan3A_946, %scan3A_947 : i32
      %scan3A_949 = arith.constant 1 : i32
      scf.for %scan3A_1271 = %scan3A_946 to %scan3A_948 step %scan3A_949  : i32 {
        %mul3A_1272 = arith.constant 1 : i32
        %mul3A_1273 = arith.muli %scan3A_1271, %mul3A_1272 : i32
        %add3A_1274 = arith.constant 0 : i32
        %add3A_1275 = arith.addi %add3A_1274, %mul3A_1273 : i32
        %mul3A_1276 = arith.constant 4 : i32
        %mul3A_1277 = arith.muli %mul3A_1276, %add3A_1275 : i32
        %add3A_1278 = arith.constant 0 : i32
        %add3A_1279 = arith.addi %mul3A_1277, %add3A_1278 : i32
        %mul3A_1280 = arith.constant 16 : i32
        %mul3A_1281 = arith.muli %add3A_1279, %mul3A_1280 : i32
        %get3A = arith.index_cast %mul3A_1281 : i32 to index
        %get3A_1282 = tpu.vector_load %arg4[%get3A] {strides = array<i32>} : memref<3200xf32, #tpu.memory_space<vmem>>, vector<16xf32>,
        %eq3A = arith.constant 0.000000e+00 : f32
        %eq3A_1283 = vector.broadcast %eq3A : f32 to vector<16xf32>
        %eq3A_1284 = arith.cmpf oeq, %get3A_1282, %eq3A_1283 : vector<16xf32>
        %select_n3A = arith.select %eq3A_1284, %broadcast_in_dim3A_3, %broadcast_in_dim3A_5 : vector<16xi1>, vector<16xf32>
        %add3A_1285 = arith.constant 0 : i32
        %add3A_1286 = arith.addi %add3A_1285, %mul3A_1281 : i32
        %swap3A = arith.index_cast %add3A_1286 : i32 to index
        %swap3A_1287 = tpu.vector_load %arg6[%swap3A] {strides = array<i32>} : memref<38400xf32, #tpu.memory_space<vmem>>, vector<16xf32>,
        tpu.vector_store %arg6[%swap3A], %select_n3A {strides = array<i32>} : memref<38400xf32, #tpu.memory_space<vmem>>, vector<16xf32>,
        %eq3A_1288 = arith.constant 1.000000e+00 : f32
        %eq3A_1289 = vector.broadcast %eq3A_1288 : f32 to vector<16xf32>
        %eq3A_1290 = arith.cmpf oeq, %get3A_1282, %eq3A_1289 : vector<16xf32>
        %select_n3A_1291 = arith.select %eq3A_1290, %broadcast_in_dim3A_3, %broadcast_in_dim3A_5 : vector<16xi1>, vector<16xf32>
        %add3A_1292 = arith.constant 3200 : i32
        %add3A_1293 = arith.addi %add3A_1292, %mul3A_1281 : i32
        %swap3A_1294 = arith.index_cast %add3A_1293 : i32 to index
        %swap3A_1295 = tpu.vector_load %arg6[%swap3A_1294] {strides = array<i32>} : memref<38400xf32, #tpu.memory_space<vmem>>, vector<16xf32>,
        tpu.vector_store %arg6[%swap3A_1294], %select_n3A_1291 {strides = array<i32>} : memref<38400xf32, #tpu.memory_space<vmem>>, vector<16xf32>,
        %eq3A_1296 = arith.constant 2.000000e+00 : f32
        %eq3A_1297 = vector.broadcast %eq3A_1296 : f32 to vector<16xf32>
        %eq3A_1298 = arith.cmpf oeq, %get3A_1282, %eq3A_1297 : vector<16xf32>
        %select_n3A_1299 = arith.select %eq3A_1298, %broadcast_in_dim3A_3, %broadcast_in_dim3A_5 : vector<16xi1>, vector<16xf32>
        %add3A_1300 = arith.constant 6400 : i32
        %add3A_1301 = arith.addi %add3A_1300, %mul3A_1281 : i32
        %swap3A_1302 = arith.index_cast %add3A_1301 : i32 to index
        %swap3A_1303 = tpu.vector_load %arg6[%swap3A_1302] {strides = array<i32>} : memref<38400xf32, #tpu.memory_space<vmem>>, vector<16xf32>,
        tpu.vector_store %arg6[%swap3A_1302], %select_n3A_1299 {strides = array<i32>} : memref<38400xf32, #tpu.memory_space<vmem>>, vector<16xf32>,
        %eq3A_1304 = arith.constant 3.000000e+00 : f32
        %eq3A_1305 = vector.broadcast %eq3A_1304 : f32 to vector<16xf32>
        %eq3A_1306 = arith.cmpf oeq, %get3A_1282, %eq3A_1305 : vector<16xf32>
        %select_n3A_1307 = arith.select %eq3A_1306, %broadcast_in_dim3A_3, %broadcast_in_dim3A_5 : vector<16xi1>, vector<16xf32>
        %add3A_1308 = arith.constant 9600 : i32
        %add3A_1309 = arith.addi %add3A_1308, %mul3A_1281 : i32
        %swap3A_1310 = arith.index_cast %add3A_1309 : i32 to index
        %swap3A_1311 = tpu.vector_load %arg6[%swap3A_1310] {strides = array<i32>} : memref<38400xf32, #tpu.memory_space<vmem>>, vector<16xf32>,
        tpu.vector_store %arg6[%swap3A_1310], %select_n3A_1307 {strides = array<i32>} : memref<38400xf32, #tpu.memory_space<vmem>>, vector<16xf32>,
        %eq3A_1312 = arith.constant 4.000000e+00 : f32
        %eq3A_1313 = vector.broadcast %eq3A_1312 : f32 to vector<16xf32>
        %eq3A_1314 = arith.cmpf oeq, %get3A_1282, %eq3A_1313 : vector<16xf32>
        %select_n3A_1315 = arith.select %eq3A_1314, %broadcast_in_dim3A_3, %broadcast_in_dim3A_5 : vector<16xi1>, vector<16xf32>
        %add3A_1316 = arith.constant 12800 : i32
        %add3A_1317 = arith.addi %add3A_1316, %mul3A_1281 : i32
        %swap3A_1318 = arith.index_cast %add3A_1317 : i32 to index
        %swap3A_1319 = tpu.vector_load %arg6[%swap3A_1318] {strides = array<i32>} : memref<38400xf32, #tpu.memory_space<vmem>>, vector<16xf32>,
        tpu.vector_store %arg6[%swap3A_1318], %select_n3A_1315 {strides = array<i32>} : memref<38400xf32, #tpu.memory_space<vmem>>, vector<16xf32>,
        %eq3A_1320 = arith.constant 5.000000e+00 : f32
        %eq3A_1321 = vector.broadcast %eq3A_1320 : f32 to vector<16xf32>
        %eq3A_1322 = arith.cmpf oeq, %get3A_1282, %eq3A_1321 : vector<16xf32>
        %select_n3A_1323 = arith.select %eq3A_1322, %broadcast_in_dim3A_3, %broadcast_in_dim3A_5 : vector<16xi1>, vector<16xf32>
        %add3A_1324 = arith.constant 16000 : i32
        %add3A_1325 = arith.addi %add3A_1324, %mul3A_1281 : i32
        %swap3A_1326 = arith.index_cast %add3A_1325 : i32 to index
        %swap3A_1327 = tpu.vector_load %arg6[%swap3A_1326] {strides = array<i32>} : memref<38400xf32, #tpu.memory_space<vmem>>, vector<16xf32>,
        tpu.vector_store %arg6[%swap3A_1326], %select_n3A_1323 {strides = array<i32>} : memref<38400xf32, #tpu.memory_space<vmem>>, vector<16xf32>,
        %eq3A_1328 = arith.constant 6.000000e+00 : f32
        %eq3A_1329 = vector.broadcast %eq3A_1328 : f32 to vector<16xf32>
        %eq3A_1330 = arith.cmpf oeq, %get3A_1282, %eq3A_1329 : vector<16xf32>
        %select_n3A_1331 = arith.select %eq3A_1330, %broadcast_in_dim3A_3, %broadcast_in_dim3A_5 : vector<16xi1>, vector<16xf32>
        %add3A_1332 = arith.constant 19200 : i32
        %add3A_1333 = arith.addi %add3A_1332, %mul3A_1281 : i32
        %swap3A_1334 = arith.index_cast %add3A_1333 : i32 to index
        %swap3A_1335 = tpu.vector_load %arg6[%swap3A_1334] {strides = array<i32>} : memref<38400xf32, #tpu.memory_space<vmem>>, vector<16xf32>,
        tpu.vector_store %arg6[%swap3A_1334], %select_n3A_1331 {strides = array<i32>} : memref<38400xf32, #tpu.memory_space<vmem>>, vector<16xf32>,
        %eq3A_1336 = arith.constant 7.000000e+00 : f32
        %eq3A_1337 = vector.broadcast %eq3A_1336 : f32 to vector<16xf32>
        %eq3A_1338 = arith.cmpf oeq, %get3A_1282, %eq3A_1337 : vector<16xf32>
        %select_n3A_1339 = arith.select %eq3A_1338, %broadcast_in_dim3A_3, %broadcast_in_dim3A_5 : vector<16xi1>, vector<16xf32>
        %add3A_1340 = arith.constant 22400 : i32
        %add3A_1341 = arith.addi %add3A_1340, %mul3A_1281 : i32
        %swap3A_1342 = arith.index_cast %add3A_1341 : i32 to index
        %swap3A_1343 = tpu.vector_load %arg6[%swap3A_1342] {strides = array<i32>} : memref<38400xf32, #tpu.memory_space<vmem>>, vector<16xf32>,
        tpu.vector_store %arg6[%swap3A_1342], %select_n3A_1339 {strides = array<i32>} : memref<38400xf32, #tpu.memory_space<vmem>>, vector<16xf32>,
        %eq3A_1344 = arith.constant 8.000000e+00 : f32
        %eq3A_1345 = vector.broadcast %eq3A_1344 : f32 to vector<16xf32>
        %eq3A_1346 = arith.cmpf oeq, %get3A_1282, %eq3A_1345 : vector<16xf32>
        %select_n3A_1347 = arith.select %eq3A_1346, %broadcast_in_dim3A_3, %broadcast_in_dim3A_5 : vector<16xi1>, vector<16xf32>
        %add3A_1348 = arith.constant 25600 : i32
        %add3A_1349 = arith.addi %add3A_1348, %mul3A_1281 : i32
        %swap3A_1350 = arith.index_cast %add3A_1349 : i32 to index
        %swap3A_1351 = tpu.vector_load %arg6[%swap3A_1350] {strides = array<i32>} : memref<38400xf32, #tpu.memory_space<vmem>>, vector<16xf32>,
        tpu.vector_store %arg6[%swap3A_1350], %select_n3A_1347 {strides = array<i32>} : memref<38400xf32, #tpu.memory_space<vmem>>, vector<16xf32>,
        %eq3A_1352 = arith.constant 9.000000e+00 : f32
        %eq3A_1353 = vector.broadcast %eq3A_1352 : f32 to vector<16xf32>
        %eq3A_1354 = arith.cmpf oeq, %get3A_1282, %eq3A_1353 : vector<16xf32>
        %select_n3A_1355 = arith.select %eq3A_1354, %broadcast_in_dim3A_3, %broadcast_in_dim3A_5 : vector<16xi1>, vector<16xf32>
        %add3A_1356 = arith.constant 28800 : i32
        %add3A_1357 = arith.addi %add3A_1356, %mul3A_1281 : i32
        %swap3A_1358 = arith.index_cast %add3A_1357 : i32 to index
        %swap3A_1359 = tpu.vector_load %arg6[%swap3A_1358] {strides = array<i32>} : memref<38400xf32, #tpu.memory_space<vmem>>, vector<16xf32>,
        tpu.vector_store %arg6[%swap3A_1358], %select_n3A_1355 {strides = array<i32>} : memref<38400xf32, #tpu.memory_space<vmem>>, vector<16xf32>,
        %eq3A_1360 = arith.constant 1.000000e+01 : f32
        %eq3A_1361 = vector.broadcast %eq3A_1360 : f32 to vector<16xf32>
        %eq3A_1362 = arith.cmpf oeq, %get3A_1282, %eq3A_1361 : vector<16xf32>
        %select_n3A_1363 = arith.select %eq3A_1362, %broadcast_in_dim3A_3, %broadcast_in_dim3A_5 : vector<16xi1>, vector<16xf32>
        %add3A_1364 = arith.constant 32000 : i32
        %add3A_1365 = arith.addi %add3A_1364, %mul3A_1281 : i32
        %swap3A_1366 = arith.index_cast %add3A_1365 : i32 to index
        %swap3A_1367 = tpu.vector_load %arg6[%swap3A_1366] {strides = array<i32>} : memref<38400xf32, #tpu.memory_space<vmem>>, vector<16xf32>,
        tpu.vector_store %arg6[%swap3A_1366], %select_n3A_1363 {strides = array<i32>} : memref<38400xf32, #tpu.memory_space<vmem>>, vector<16xf32>,
        %eq3A_1368 = arith.constant 1.100000e+01 : f32
        %eq3A_1369 = vector.broadcast %eq3A_1368 : f32 to vector<16xf32>
        %eq3A_1370 = arith.cmpf oeq, %get3A_1282, %eq3A_1369 : vector<16xf32>
        %select_n3A_1371 = arith.select %eq3A_1370, %broadcast_in_dim3A_3, %broadcast_in_dim3A_5 : vector<16xi1>, vector<16xf32>
        %add3A_1372 = arith.constant 35200 : i32
        %add3A_1373 = arith.addi %add3A_1372, %mul3A_1281 : i32
        %swap3A_1374 = arith.index_cast %add3A_1373 : i32 to index
        %swap3A_1375 = tpu.vector_load %arg6[%swap3A_1374] {strides = array<i32>} : memref<38400xf32, #tpu.memory_space<vmem>>, vector<16xf32>,
        tpu.vector_store %arg6[%swap3A_1374], %select_n3A_1371 {strides = array<i32>} : memref<38400xf32, #tpu.memory_space<vmem>>, vector<16xf32>,
        %mul3A_1376 = arith.constant 4 : i32
        %mul3A_1377 = arith.muli %mul3A_1376, %add3A_1275 : i32
        %add3A_1378 = arith.constant 1 : i32
        %add3A_1379 = arith.addi %mul3A_1377, %add3A_1378 : i32
        %mul3A_1380 = arith.constant 16 : i32
        %mul3A_1381 = arith.muli %add3A_1379, %mul3A_1380 : i32
        %get3A_1382 = arith.index_cast %mul3A_1381 : i32 to index
        %get3A_1383 = tpu.vector_load %arg4[%get3A_1382] {strides = array<i32>} : memref<3200xf32, #tpu.memory_space<vmem>>, vector<16xf32>,
        %eq3A_1384 = arith.constant 0.000000e+00 : f32
        %eq3A_1385 = vector.broadcast %eq3A_1384 : f32 to vector<16xf32>
        %eq3A_1386 = arith.cmpf oeq, %get3A_1383, %eq3A_1385 : vector<16xf32>
        %select_n3A_1387 = arith.select %eq3A_1386, %broadcast_in_dim3A_3, %broadcast_in_dim3A_5 : vector<16xi1>, vector<16xf32>
        %add3A_1388 = arith.constant 0 : i32
        %add3A_1389 = arith.addi %add3A_1388, %mul3A_1381 : i32
        %swap3A_1390 = arith.index_cast %add3A_1389 : i32 to index
        %swap3A_1391 = tpu.vector_load %arg6[%swap3A_1390] {strides = array<i32>} : memref<38400xf32, #tpu.memory_space<vmem>>, vector<16xf32>,
        tpu.vector_store %arg6[%swap3A_1390], %select_n3A_1387 {strides = array<i32>} : memref<38400xf32, #tpu.memory_space<vmem>>, vector<16xf32>,
        %eq3A_1392 = arith.constant 1.000000e+00 : f32
        %eq3A_1393 = vector.broadcast %eq3A_1392 : f32 to vector<16xf32>
        %eq3A_1394 = arith.cmpf oeq, %get3A_1383, %eq3A_1393 : vector<16xf32>
        %select_n3A_1395 = arith.select %eq3A_1394, %broadcast_in_dim3A_3, %broadcast_in_dim3A_5 : vector<16xi1>, vector<16xf32>
        %add3A_1396 = arith.constant 3200 : i32
        %add3A_1397 = arith.addi %add3A_1396, %mul3A_1381 : i32
        %swap3A_1398 = arith.index_cast %add3A_1397 : i32 to index
        %swap3A_1399 = tpu.vector_load %arg6[%swap3A_1398] {strides = array<i32>} : memref<38400xf32, #tpu.memory_space<vmem>>, vector<16xf32>,
        tpu.vector_store %arg6[%swap3A_1398], %select_n3A_1395 {strides = array<i32>} : memref<38400xf32, #tpu.memory_space<vmem>>, vector<16xf32>,
        %eq3A_1400 = arith.constant 2.000000e+00 : f32
        %eq3A_1401 = vector.broadcast %eq3A_1400 : f32 to vector<16xf32>
        %eq3A_1402 = arith.cmpf oeq, %get3A_1383, %eq3A_1401 : vector<16xf32>
        %select_n3A_1403 = arith.select %eq3A_1402, %broadcast_in_dim3A_3, %broadcast_in_dim3A_5 : vector<16xi1>, vector<16xf32>
        %add3A_1404 = arith.constant 6400 : i32
        %add3A_1405 = arith.addi %add3A_1404, %mul3A_1381 : i32
        %swap3A_1406 = arith.index_cast %add3A_1405 : i32 to index
        %swap3A_1407 = tpu.vector_load %arg6[%swap3A_1406] {strides = array<i32>} : memref<38400xf32, #tpu.memory_space<vmem>>, vector<16xf32>,
        tpu.vector_store %arg6[%swap3A_1406], %select_n3A_1403 {strides = array<i32>} : memref<38400xf32, #tpu.memory_space<vmem>>, vector<16xf32>,
        %eq3A_1408 = arith.constant 3.000000e+00 : f32
        %eq3A_1409 = vector.broadcast %eq3A_1408 : f32 to vector<16xf32>
        %eq3A_1410 = arith.cmpf oeq, %get3A_1383, %eq3A_1409 : vector<16xf32>
        %select_n3A_1411 = arith.select %eq3A_1410, %broadcast_in_dim3A_3, %broadcast_in_dim3A_5 : vector<16xi1>, vector<16xf32>
        %add3A_1412 = arith.constant 9600 : i32
        %add3A_1413 = arith.addi %add3A_1412, %mul3A_1381 : i32
        %swap3A_1414 = arith.index_cast %add3A_1413 : i32 to index
        %swap3A_1415 = tpu.vector_load %arg6[%swap3A_1414] {strides = array<i32>} : memref<38400xf32, #tpu.memory_space<vmem>>, vector<16xf32>,
        tpu.vector_store %arg6[%swap3A_1414], %select_n3A_1411 {strides = array<i32>} : memref<38400xf32, #tpu.memory_space<vmem>>, vector<16xf32>,
        %eq3A_1416 = arith.constant 4.000000e+00 : f32
        %eq3A_1417 = vector.broadcast %eq3A_1416 : f32 to vector<16xf32>
        %eq3A_1418 = arith.cmpf oeq, %get3A_1383, %eq3A_1417 : vector<16xf32>
        %select_n3A_1419 = arith.select %eq3A_1418, %broadcast_in_dim3A_3, %broadcast_in_dim3A_5 : vector<16xi1>, vector<16xf32>
        %add3A_1420 = arith.constant 12800 : i32
        %add3A_1421 = arith.addi %add3A_1420, %mul3A_1381 : i32
        %swap3A_1422 = arith.index_cast %add3A_1421 : i32 to index
        %swap3A_1423 = tpu.vector_load %arg6[%swap3A_1422] {strides = array<i32>} : memref<38400xf32, #tpu.memory_space<vmem>>, vector<16xf32>,
        tpu.vector_store %arg6[%swap3A_1422], %select_n3A_1419 {strides = array<i32>} : memref<38400xf32, #tpu.memory_space<vmem>>, vector<16xf32>,
        %eq3A_1424 = arith.constant 5.000000e+00 : f32
        %eq3A_1425 = vector.broadcast %eq3A_1424 : f32 to vector<16xf32>
        %eq3A_1426 = arith.cmpf oeq, %get3A_1383, %eq3A_1425 : vector<16xf32>
        %select_n3A_1427 = arith.select %eq3A_1426, %broadcast_in_dim3A_3, %broadcast_in_dim3A_5 : vector<16xi1>, vector<16xf32>
        %add3A_1428 = arith.constant 16000 : i32
        %add3A_1429 = arith.addi %add3A_1428, %mul3A_1381 : i32
        %swap3A_1430 = arith.index_cast %add3A_1429 : i32 to index
        %swap3A_1431 = tpu.vector_load %arg6[%swap3A_1430] {strides = array<i32>} : memref<38400xf32, #tpu.memory_space<vmem>>, vector<16xf32>,
        tpu.vector_store %arg6[%swap3A_1430], %select_n3A_1427 {strides = array<i32>} : memref<38400xf32, #tpu.memory_space<vmem>>, vector<16xf32>,
        %eq3A_1432 = arith.constant 6.000000e+00 : f32
        %eq3A_1433 = vector.broadcast %eq3A_1432 : f32 to vector<16xf32>
        %eq3A_1434 = arith.cmpf oeq, %get3A_1383, %eq3A_1433 : vector<16xf32>
        %select_n3A_1435 = arith.select %eq3A_1434, %broadcast_in_dim3A_3, %broadcast_in_dim3A_5 : vector<16xi1>, vector<16xf32>
        %add3A_1436 = arith.constant 19200 : i32
        %add3A_1437 = arith.addi %add3A_1436, %mul3A_1381 : i32
        %swap3A_1438 = arith.index_cast %add3A_1437 : i32 to index
        %swap3A_1439 = tpu.vector_load %arg6[%swap3A_1438] {strides = array<i32>} : memref<38400xf32, #tpu.memory_space<vmem>>, vector<16xf32>,
        tpu.vector_store %arg6[%swap3A_1438], %select_n3A_1435 {strides = array<i32>} : memref<38400xf32, #tpu.memory_space<vmem>>, vector<16xf32>,
        %eq3A_1440 = arith.constant 7.000000e+00 : f32
        %eq3A_1441 = vector.broadcast %eq3A_1440 : f32 to vector<16xf32>
        %eq3A_1442 = arith.cmpf oeq, %get3A_1383, %eq3A_1441 : vector<16xf32>
        %select_n3A_1443 = arith.select %eq3A_1442, %broadcast_in_dim3A_3, %broadcast_in_dim3A_5 : vector<16xi1>, vector<16xf32>
        %add3A_1444 = arith.constant 22400 : i32
        %add3A_1445 = arith.addi %add3A_1444, %mul3A_1381 : i32
        %swap3A_1446 = arith.index_cast %add3A_1445 : i32 to index
        %swap3A_1447 = tpu.vector_load %arg6[%swap3A_1446] {strides = array<i32>} : memref<38400xf32, #tpu.memory_space<vmem>>, vector<16xf32>,
        tpu.vector_store %arg6[%swap3A_1446], %select_n3A_1443 {strides = array<i32>} : memref<38400xf32, #tpu.memory_space<vmem>>, vector<16xf32>,
        %eq3A_1448 = arith.constant 8.000000e+00 : f32
        %eq3A_1449 = vector.broadcast %eq3A_1448 : f32 to vector<16xf32>
        %eq3A_1450 = arith.cmpf oeq, %get3A_1383, %eq3A_1449 : vector<16xf32>
        %select_n3A_1451 = arith.select %eq3A_1450, %broadcast_in_dim3A_3, %broadcast_in_dim3A_5 : vector<16xi1>, vector<16xf32>
        %add3A_1452 = arith.constant 25600 : i32
        %add3A_1453 = arith.addi %add3A_1452, %mul3A_1381 : i32
        %swap3A_1454 = arith.index_cast %add3A_1453 : i32 to index
        %swap3A_1455 = tpu.vector_load %arg6[%swap3A_1454] {strides = array<i32>} : memref<38400xf32, #tpu.memory_space<vmem>>, vector<16xf32>,
        tpu.vector_store %arg6[%swap3A_1454], %select_n3A_1451 {strides = array<i32>} : memref<38400xf32, #tpu.memory_space<vmem>>, vector<16xf32>,
        %eq3A_1456 = arith.constant 9.000000e+00 : f32
        %eq3A_1457 = vector.broadcast %eq3A_1456 : f32 to vector<16xf32>
        %eq3A_1458 = arith.cmpf oeq, %get3A_1383, %eq3A_1457 : vector<16xf32>
        %select_n3A_1459 = arith.select %eq3A_1458, %broadcast_in_dim3A_3, %broadcast_in_dim3A_5 : vector<16xi1>, vector<16xf32>
        %add3A_1460 = arith.constant 28800 : i32
        %add3A_1461 = arith.addi %add3A_1460, %mul3A_1381 : i32
        %swap3A_1462 = arith.index_cast %add3A_1461 : i32 to index
        %swap3A_1463 = tpu.vector_load %arg6[%swap3A_1462] {strides = array<i32>} : memref<38400xf32, #tpu.memory_space<vmem>>, vector<16xf32>,
        tpu.vector_store %arg6[%swap3A_1462], %select_n3A_1459 {strides = array<i32>} : memref<38400xf32, #tpu.memory_space<vmem>>, vector<16xf32>,
        %eq3A_1464 = arith.constant 1.000000e+01 : f32
        %eq3A_1465 = vector.broadcast %eq3A_1464 : f32 to vector<16xf32>
        %eq3A_1466 = arith.cmpf oeq, %get3A_1383, %eq3A_1465 : vector<16xf32>
        %select_n3A_1467 = arith.select %eq3A_1466, %broadcast_in_dim3A_3, %broadcast_in_dim3A_5 : vector<16xi1>, vector<16xf32>
        %add3A_1468 = arith.constant 32000 : i32
        %add3A_1469 = arith.addi %add3A_1468, %mul3A_1381 : i32
        %swap3A_1470 = arith.index_cast %add3A_1469 : i32 to index
        %swap3A_1471 = tpu.vector_load %arg6[%swap3A_1470] {strides = array<i32>} : memref<38400xf32, #tpu.memory_space<vmem>>, vector<16xf32>,
        tpu.vector_store %arg6[%swap3A_1470], %select_n3A_1467 {strides = array<i32>} : memref<38400xf32, #tpu.memory_space<vmem>>, vector<16xf32>,
        %eq3A_1472 = arith.constant 1.100000e+01 : f32
        %eq3A_1473 = vector.broadcast %eq3A_1472 : f32 to vector<16xf32>
        %eq3A_1474 = arith.cmpf oeq, %get3A_1383, %eq3A_1473 : vector<16xf32>
        %select_n3A_1475 = arith.select %eq3A_1474, %broadcast_in_dim3A_3, %broadcast_in_dim3A_5 : vector<16xi1>, vector<16xf32>
        %add3A_1476 = arith.constant 35200 : i32
        %add3A_1477 = arith.addi %add3A_1476, %mul3A_1381 : i32
        %swap3A_1478 = arith.index_cast %add3A_1477 : i32 to index
        %swap3A_1479 = tpu.vector_load %arg6[%swap3A_1478] {strides = array<i32>} : memref<38400xf32, #tpu.memory_space<vmem>>, vector<16xf32>,
        tpu.vector_store %arg6[%swap3A_1478], %select_n3A_1475 {strides = array<i32>} : memref<38400xf32, #tpu.memory_space<vmem>>, vector<16xf32>,
        %mul3A_1480 = arith.constant 4 : i32
        %mul3A_1481 = arith.muli %mul3A_1480, %add3A_1275 : i32
        %add3A_1482 = arith.constant 2 : i32
        %add3A_1483 = arith.addi %mul3A_1481, %add3A_1482 : i32
        %mul3A_1484 = arith.constant 16 : i32
        %mul3A_1485 = arith.muli %add3A_1483, %mul3A_1484 : i32
        %get3A_1486 = arith.index_cast %mul3A_1485 : i32 to index
        %get3A_1487 = tpu.vector_load %arg4[%get3A_1486] {strides = array<i32>} : memref<3200xf32, #tpu.memory_space<vmem>>, vector<16xf32>,
        %eq3A_1488 = arith.constant 0.000000e+00 : f32
        %eq3A_1489 = vector.broadcast %eq3A_1488 : f32 to vector<16xf32>
        %eq3A_1490 = arith.cmpf oeq, %get3A_1487, %eq3A_1489 : vector<16xf32>
        %select_n3A_1491 = arith.select %eq3A_1490, %broadcast_in_dim3A_3, %broadcast_in_dim3A_5 : vector<16xi1>, vector<16xf32>
        %add3A_1492 = arith.constant 0 : i32
        %add3A_1493 = arith.addi %add3A_1492, %mul3A_1485 : i32
        %swap3A_1494 = arith.index_cast %add3A_1493 : i32 to index
        %swap3A_1495 = tpu.vector_load %arg6[%swap3A_1494] {strides = array<i32>} : memref<38400xf32, #tpu.memory_space<vmem>>, vector<16xf32>,
        tpu.vector_store %arg6[%swap3A_1494], %select_n3A_1491 {strides = array<i32>} : memref<38400xf32, #tpu.memory_space<vmem>>, vector<16xf32>,
        %eq3A_1496 = arith.constant 1.000000e+00 : f32
        %eq3A_1497 = vector.broadcast %eq3A_1496 : f32 to vector<16xf32>
        %eq3A_1498 = arith.cmpf oeq, %get3A_1487, %eq3A_1497 : vector<16xf32>
        %select_n3A_1499 = arith.select %eq3A_1498, %broadcast_in_dim3A_3, %broadcast_in_dim3A_5 : vector<16xi1>, vector<16xf32>
        %add3A_1500 = arith.constant 3200 : i32
        %add3A_1501 = arith.addi %add3A_1500, %mul3A_1485 : i32
        %swap3A_1502 = arith.index_cast %add3A_1501 : i32 to index
        %swap3A_1503 = tpu.vector_load %arg6[%swap3A_1502] {strides = array<i32>} : memref<38400xf32, #tpu.memory_space<vmem>>, vector<16xf32>,
        tpu.vector_store %arg6[%swap3A_1502], %select_n3A_1499 {strides = array<i32>} : memref<38400xf32, #tpu.memory_space<vmem>>, vector<16xf32>,
        %eq3A_1504 = arith.constant 2.000000e+00 : f32
        %eq3A_1505 = vector.broadcast %eq3A_1504 : f32 to vector<16xf32>
        %eq3A_1506 = arith.cmpf oeq, %get3A_1487, %eq3A_1505 : vector<16xf32>
        %select_n3A_1507 = arith.select %eq3A_1506, %broadcast_in_dim3A_3, %broadcast_in_dim3A_5 : vector<16xi1>, vector<16xf32>
        %add3A_1508 = arith.constant 6400 : i32
        %add3A_1509 = arith.addi %add3A_1508, %mul3A_1485 : i32
        %swap3A_1510 = arith.index_cast %add3A_1509 : i32 to index
        %swap3A_1511 = tpu.vector_load %arg6[%swap3A_1510] {strides = array<i32>} : memref<38400xf32, #tpu.memory_space<vmem>>, vector<16xf32>,
        tpu.vector_store %arg6[%swap3A_1510], %select_n3A_1507 {strides = array<i32>} : memref<38400xf32, #tpu.memory_space<vmem>>, vector<16xf32>,
        %eq3A_1512 = arith.constant 3.000000e+00 : f32
        %eq3A_1513 = vector.broadcast %eq3A_1512 : f32 to vector<16xf32>
        %eq3A_1514 = arith.cmpf oeq, %get3A_1487, %eq3A_1513 : vector<16xf32>
        %select_n3A_1515 = arith.select %eq3A_1514, %broadcast_in_dim3A_3, %broadcast_in_dim3A_5 : vector<16xi1>, vector<16xf32>
        %add3A_1516 = arith.constant 9600 : i32
        %add3A_1517 = arith.addi %add3A_1516, %mul3A_1485 : i32
        %swap3A_1518 = arith.index_cast %add3A_1517 : i32 to index
        %swap3A_1519 = tpu.vector_load %arg6[%swap3A_1518] {strides = array<i32>} : memref<38400xf32, #tpu.memory_space<vmem>>, vector<16xf32>,
        tpu.vector_store %arg6[%swap3A_1518], %select_n3A_1515 {strides = array<i32>} : memref<38400xf32, #tpu.memory_space<vmem>>, vector<16xf32>,
        %eq3A_1520 = arith.constant 4.000000e+00 : f32
        %eq3A_1521 = vector.broadcast %eq3A_1520 : f32 to vector<16xf32>
        %eq3A_1522 = arith.cmpf oeq, %get3A_1487, %eq3A_1521 : vector<16xf32>
        %select_n3A_1523 = arith.select %eq3A_1522, %broadcast_in_dim3A_3, %broadcast_in_dim3A_5 : vector<16xi1>, vector<16xf32>
        %add3A_1524 = arith.constant 12800 : i32
        %add3A_1525 = arith.addi %add3A_1524, %mul3A_1485 : i32
        %swap3A_1526 = arith.index_cast %add3A_1525 : i32 to index
        %swap3A_1527 = tpu.vector_load %arg6[%swap3A_1526] {strides = array<i32>} : memref<38400xf32, #tpu.memory_space<vmem>>, vector<16xf32>,
        tpu.vector_store %arg6[%swap3A_1526], %select_n3A_1523 {strides = array<i32>} : memref<38400xf32, #tpu.memory_space<vmem>>, vector<16xf32>,
        %eq3A_1528 = arith.constant 5.000000e+00 : f32
        %eq3A_1529 = vector.broadcast %eq3A_1528 : f32 to vector<16xf32>
        %eq3A_1530 = arith.cmpf oeq, %get3A_1487, %eq3A_1529 : vector<16xf32>
        %select_n3A_1531 = arith.select %eq3A_1530, %broadcast_in_dim3A_3, %broadcast_in_dim3A_5 : vector<16xi1>, vector<16xf32>
        %add3A_1532 = arith.constant 16000 : i32
        %add3A_1533 = arith.addi %add3A_1532, %mul3A_1485 : i32
        %swap3A_1534 = arith.index_cast %add3A_1533 : i32 to index
        %swap3A_1535 = tpu.vector_load %arg6[%swap3A_1534] {strides = array<i32>} : memref<38400xf32, #tpu.memory_space<vmem>>, vector<16xf32>,
        tpu.vector_store %arg6[%swap3A_1534], %select_n3A_1531 {strides = array<i32>} : memref<38400xf32, #tpu.memory_space<vmem>>, vector<16xf32>,
        %eq3A_1536 = arith.constant 6.000000e+00 : f32
        %eq3A_1537 = vector.broadcast %eq3A_1536 : f32 to vector<16xf32>
        %eq3A_1538 = arith.cmpf oeq, %get3A_1487, %eq3A_1537 : vector<16xf32>
        %select_n3A_1539 = arith.select %eq3A_1538, %broadcast_in_dim3A_3, %broadcast_in_dim3A_5 : vector<16xi1>, vector<16xf32>
        %add3A_1540 = arith.constant 19200 : i32
        %add3A_1541 = arith.addi %add3A_1540, %mul3A_1485 : i32
        %swap3A_1542 = arith.index_cast %add3A_1541 : i32 to index
        %swap3A_1543 = tpu.vector_load %arg6[%swap3A_1542] {strides = array<i32>} : memref<38400xf32, #tpu.memory_space<vmem>>, vector<16xf32>,
        tpu.vector_store %arg6[%swap3A_1542], %select_n3A_1539 {strides = array<i32>} : memref<38400xf32, #tpu.memory_space<vmem>>, vector<16xf32>,
        %eq3A_1544 = arith.constant 7.000000e+00 : f32
        %eq3A_1545 = vector.broadcast %eq3A_1544 : f32 to vector<16xf32>
        %eq3A_1546 = arith.cmpf oeq, %get3A_1487, %eq3A_1545 : vector<16xf32>
        %select_n3A_1547 = arith.select %eq3A_1546, %broadcast_in_dim3A_3, %broadcast_in_dim3A_5 : vector<16xi1>, vector<16xf32>
        %add3A_1548 = arith.constant 22400 : i32
        %add3A_1549 = arith.addi %add3A_1548, %mul3A_1485 : i32
        %swap3A_1550 = arith.index_cast %add3A_1549 : i32 to index
        %swap3A_1551 = tpu.vector_load %arg6[%swap3A_1550] {strides = array<i32>} : memref<38400xf32, #tpu.memory_space<vmem>>, vector<16xf32>,
        tpu.vector_store %arg6[%swap3A_1550], %select_n3A_1547 {strides = array<i32>} : memref<38400xf32, #tpu.memory_space<vmem>>, vector<16xf32>,
        %eq3A_1552 = arith.constant 8.000000e+00 : f32
        %eq3A_1553 = vector.broadcast %eq3A_1552 : f32 to vector<16xf32>
        %eq3A_1554 = arith.cmpf oeq, %get3A_1487, %eq3A_1553 : vector<16xf32>
        %select_n3A_1555 = arith.select %eq3A_1554, %broadcast_in_dim3A_3, %broadcast_in_dim3A_5 : vector<16xi1>, vector<16xf32>
        %add3A_1556 = arith.constant 25600 : i32
        %add3A_1557 = arith.addi %add3A_1556, %mul3A_1485 : i32
        %swap3A_1558 = arith.index_cast %add3A_1557 : i32 to index
        %swap3A_1559 = tpu.vector_load %arg6[%swap3A_1558] {strides = array<i32>} : memref<38400xf32, #tpu.memory_space<vmem>>, vector<16xf32>,
        tpu.vector_store %arg6[%swap3A_1558], %select_n3A_1555 {strides = array<i32>} : memref<38400xf32, #tpu.memory_space<vmem>>, vector<16xf32>,
        %eq3A_1560 = arith.constant 9.000000e+00 : f32
        %eq3A_1561 = vector.broadcast %eq3A_1560 : f32 to vector<16xf32>
        %eq3A_1562 = arith.cmpf oeq, %get3A_1487, %eq3A_1561 : vector<16xf32>
        %select_n3A_1563 = arith.select %eq3A_1562, %broadcast_in_dim3A_3, %broadcast_in_dim3A_5 : vector<16xi1>, vector<16xf32>
        %add3A_1564 = arith.constant 28800 : i32
        %add3A_1565 = arith.addi %add3A_1564, %mul3A_1485 : i32
        %swap3A_1566 = arith.index_cast %add3A_1565 : i32 to index
        %swap3A_1567 = tpu.vector_load %arg6[%swap3A_1566] {strides = array<i32>} : memref<38400xf32, #tpu.memory_space<vmem>>, vector<16xf32>,
        tpu.vector_store %arg6[%swap3A_1566], %select_n3A_1563 {strides = array<i32>} : memref<38400xf32, #tpu.memory_space<vmem>>, vector<16xf32>,
        %eq3A_1568 = arith.constant 1.000000e+01 : f32
        %eq3A_1569 = vector.broadcast %eq3A_1568 : f32 to vector<16xf32>
        %eq3A_1570 = arith.cmpf oeq, %get3A_1487, %eq3A_1569 : vector<16xf32>
        %select_n3A_1571 = arith.select %eq3A_1570, %broadcast_in_dim3A_3, %broadcast_in_dim3A_5 : vector<16xi1>, vector<16xf32>
        %add3A_1572 = arith.constant 32000 : i32
        %add3A_1573 = arith.addi %add3A_1572, %mul3A_1485 : i32
        %swap3A_1574 = arith.index_cast %add3A_1573 : i32 to index
        %swap3A_1575 = tpu.vector_load %arg6[%swap3A_1574] {strides = array<i32>} : memref<38400xf32, #tpu.memory_space<vmem>>, vector<16xf32>,
        tpu.vector_store %arg6[%swap3A_1574], %select_n3A_1571 {strides = array<i32>} : memref<38400xf32, #tpu.memory_space<vmem>>, vector<16xf32>,
        %eq3A_1576 = arith.constant 1.100000e+01 : f32
        %eq3A_1577 = vector.broadcast %eq3A_1576 : f32 to vector<16xf32>
        %eq3A_1578 = arith.cmpf oeq, %get3A_1487, %eq3A_1577 : vector<16xf32>
        %select_n3A_1579 = arith.select %eq3A_1578, %broadcast_in_dim3A_3, %broadcast_in_dim3A_5 : vector<16xi1>, vector<16xf32>
        %add3A_1580 = arith.constant 35200 : i32
        %add3A_1581 = arith.addi %add3A_1580, %mul3A_1485 : i32
        %swap3A_1582 = arith.index_cast %add3A_1581 : i32 to index
        %swap3A_1583 = tpu.vector_load %arg6[%swap3A_1582] {strides = array<i32>} : memref<38400xf32, #tpu.memory_space<vmem>>, vector<16xf32>,
        tpu.vector_store %arg6[%swap3A_1582], %select_n3A_1579 {strides = array<i32>} : memref<38400xf32, #tpu.memory_space<vmem>>, vector<16xf32>,
        %mul3A_1584 = arith.constant 4 : i32
        %mul3A_1585 = arith.muli %mul3A_1584, %add3A_1275 : i32
        %add3A_1586 = arith.constant 3 : i32
        %add3A_1587 = arith.addi %mul3A_1585, %add3A_1586 : i32
        %mul3A_1588 = arith.constant 16 : i32
        %mul3A_1589 = arith.muli %add3A_1587, %mul3A_1588 : i32
        %get3A_1590 = arith.index_cast %mul3A_1589 : i32 to index
        %get3A_1591 = tpu.vector_load %arg4[%get3A_1590] {strides = array<i32>} : memref<3200xf32, #tpu.memory_space<vmem>>, vector<16xf32>,
        %eq3A_1592 = arith.constant 0.000000e+00 : f32
        %eq3A_1593 = vector.broadcast %eq3A_1592 : f32 to vector<16xf32>
        %eq3A_1594 = arith.cmpf oeq, %get3A_1591, %eq3A_1593 : vector<16xf32>
        %select_n3A_1595 = arith.select %eq3A_1594, %broadcast_in_dim3A_3, %broadcast_in_dim3A_5 : vector<16xi1>, vector<16xf32>
        %add3A_1596 = arith.constant 0 : i32
        %add3A_1597 = arith.addi %add3A_1596, %mul3A_1589 : i32
        %swap3A_1598 = arith.index_cast %add3A_1597 : i32 to index
        %swap3A_1599 = tpu.vector_load %arg6[%swap3A_1598] {strides = array<i32>} : memref<38400xf32, #tpu.memory_space<vmem>>, vector<16xf32>,
        tpu.vector_store %arg6[%swap3A_1598], %select_n3A_1595 {strides = array<i32>} : memref<38400xf32, #tpu.memory_space<vmem>>, vector<16xf32>,
        %eq3A_1600 = arith.constant 1.000000e+00 : f32
        %eq3A_1601 = vector.broadcast %eq3A_1600 : f32 to vector<16xf32>
        %eq3A_1602 = arith.cmpf oeq, %get3A_1591, %eq3A_1601 : vector<16xf32>
        %select_n3A_1603 = arith.select %eq3A_1602, %broadcast_in_dim3A_3, %broadcast_in_dim3A_5 : vector<16xi1>, vector<16xf32>
        %add3A_1604 = arith.constant 3200 : i32
        %add3A_1605 = arith.addi %add3A_1604, %mul3A_1589 : i32
        %swap3A_1606 = arith.index_cast %add3A_1605 : i32 to index
        %swap3A_1607 = tpu.vector_load %arg6[%swap3A_1606] {strides = array<i32>} : memref<38400xf32, #tpu.memory_space<vmem>>, vector<16xf32>,
        tpu.vector_store %arg6[%swap3A_1606], %select_n3A_1603 {strides = array<i32>} : memref<38400xf32, #tpu.memory_space<vmem>>, vector<16xf32>,
        %eq3A_1608 = arith.constant 2.000000e+00 : f32
        %eq3A_1609 = vector.broadcast %eq3A_1608 : f32 to vector<16xf32>
        %eq3A_1610 = arith.cmpf oeq, %get3A_1591, %eq3A_1609 : vector<16xf32>
        %select_n3A_1611 = arith.select %eq3A_1610, %broadcast_in_dim3A_3, %broadcast_in_dim3A_5 : vector<16xi1>, vector<16xf32>
        %add3A_1612 = arith.constant 6400 : i32
        %add3A_1613 = arith.addi %add3A_1612, %mul3A_1589 : i32
        %swap3A_1614 = arith.index_cast %add3A_1613 : i32 to index
        %swap3A_1615 = tpu.vector_load %arg6[%swap3A_1614] {strides = array<i32>} : memref<38400xf32, #tpu.memory_space<vmem>>, vector<16xf32>,
        tpu.vector_store %arg6[%swap3A_1614], %select_n3A_1611 {strides = array<i32>} : memref<38400xf32, #tpu.memory_space<vmem>>, vector<16xf32>,
        %eq3A_1616 = arith.constant 3.000000e+00 : f32
        %eq3A_1617 = vector.broadcast %eq3A_1616 : f32 to vector<16xf32>
        %eq3A_1618 = arith.cmpf oeq, %get3A_1591, %eq3A_1617 : vector<16xf32>
        %select_n3A_1619 = arith.select %eq3A_1618, %broadcast_in_dim3A_3, %broadcast_in_dim3A_5 : vector<16xi1>, vector<16xf32>
        %add3A_1620 = arith.constant 9600 : i32
        %add3A_1621 = arith.addi %add3A_1620, %mul3A_1589 : i32
        %swap3A_1622 = arith.index_cast %add3A_1621 : i32 to index
        %swap3A_1623 = tpu.vector_load %arg6[%swap3A_1622] {strides = array<i32>} : memref<38400xf32, #tpu.memory_space<vmem>>, vector<16xf32>,
        tpu.vector_store %arg6[%swap3A_1622], %select_n3A_1619 {strides = array<i32>} : memref<38400xf32, #tpu.memory_space<vmem>>, vector<16xf32>,
        %eq3A_1624 = arith.constant 4.000000e+00 : f32
        %eq3A_1625 = vector.broadcast %eq3A_1624 : f32 to vector<16xf32>
        %eq3A_1626 = arith.cmpf oeq, %get3A_1591, %eq3A_1625 : vector<16xf32>
        %select_n3A_1627 = arith.select %eq3A_1626, %broadcast_in_dim3A_3, %broadcast_in_dim3A_5 : vector<16xi1>, vector<16xf32>
        %add3A_1628 = arith.constant 12800 : i32
        %add3A_1629 = arith.addi %add3A_1628, %mul3A_1589 : i32
        %swap3A_1630 = arith.index_cast %add3A_1629 : i32 to index
        %swap3A_1631 = tpu.vector_load %arg6[%swap3A_1630] {strides = array<i32>} : memref<38400xf32, #tpu.memory_space<vmem>>, vector<16xf32>,
        tpu.vector_store %arg6[%swap3A_1630], %select_n3A_1627 {strides = array<i32>} : memref<38400xf32, #tpu.memory_space<vmem>>, vector<16xf32>,
        %eq3A_1632 = arith.constant 5.000000e+00 : f32
        %eq3A_1633 = vector.broadcast %eq3A_1632 : f32 to vector<16xf32>
        %eq3A_1634 = arith.cmpf oeq, %get3A_1591, %eq3A_1633 : vector<16xf32>
        %select_n3A_1635 = arith.select %eq3A_1634, %broadcast_in_dim3A_3, %broadcast_in_dim3A_5 : vector<16xi1>, vector<16xf32>
        %add3A_1636 = arith.constant 16000 : i32
        %add3A_1637 = arith.addi %add3A_1636, %mul3A_1589 : i32
        %swap3A_1638 = arith.index_cast %add3A_1637 : i32 to index
        %swap3A_1639 = tpu.vector_load %arg6[%swap3A_1638] {strides = array<i32>} : memref<38400xf32, #tpu.memory_space<vmem>>, vector<16xf32>,
        tpu.vector_store %arg6[%swap3A_1638], %select_n3A_1635 {strides = array<i32>} : memref<38400xf32, #tpu.memory_space<vmem>>, vector<16xf32>,
        %eq3A_1640 = arith.constant 6.000000e+00 : f32
        %eq3A_1641 = vector.broadcast %eq3A_1640 : f32 to vector<16xf32>
        %eq3A_1642 = arith.cmpf oeq, %get3A_1591, %eq3A_1641 : vector<16xf32>
        %select_n3A_1643 = arith.select %eq3A_1642, %broadcast_in_dim3A_3, %broadcast_in_dim3A_5 : vector<16xi1>, vector<16xf32>
        %add3A_1644 = arith.constant 19200 : i32
        %add3A_1645 = arith.addi %add3A_1644, %mul3A_1589 : i32
        %swap3A_1646 = arith.index_cast %add3A_1645 : i32 to index
        %swap3A_1647 = tpu.vector_load %arg6[%swap3A_1646] {strides = array<i32>} : memref<38400xf32, #tpu.memory_space<vmem>>, vector<16xf32>,
        tpu.vector_store %arg6[%swap3A_1646], %select_n3A_1643 {strides = array<i32>} : memref<38400xf32, #tpu.memory_space<vmem>>, vector<16xf32>,
        %eq3A_1648 = arith.constant 7.000000e+00 : f32
        %eq3A_1649 = vector.broadcast %eq3A_1648 : f32 to vector<16xf32>
        %eq3A_1650 = arith.cmpf oeq, %get3A_1591, %eq3A_1649 : vector<16xf32>
        %select_n3A_1651 = arith.select %eq3A_1650, %broadcast_in_dim3A_3, %broadcast_in_dim3A_5 : vector<16xi1>, vector<16xf32>
        %add3A_1652 = arith.constant 22400 : i32
        %add3A_1653 = arith.addi %add3A_1652, %mul3A_1589 : i32
        %swap3A_1654 = arith.index_cast %add3A_1653 : i32 to index
        %swap3A_1655 = tpu.vector_load %arg6[%swap3A_1654] {strides = array<i32>} : memref<38400xf32, #tpu.memory_space<vmem>>, vector<16xf32>,
        tpu.vector_store %arg6[%swap3A_1654], %select_n3A_1651 {strides = array<i32>} : memref<38400xf32, #tpu.memory_space<vmem>>, vector<16xf32>,
        %eq3A_1656 = arith.constant 8.000000e+00 : f32
        %eq3A_1657 = vector.broadcast %eq3A_1656 : f32 to vector<16xf32>
        %eq3A_1658 = arith.cmpf oeq, %get3A_1591, %eq3A_1657 : vector<16xf32>
        %select_n3A_1659 = arith.select %eq3A_1658, %broadcast_in_dim3A_3, %broadcast_in_dim3A_5 : vector<16xi1>, vector<16xf32>
        %add3A_1660 = arith.constant 25600 : i32
        %add3A_1661 = arith.addi %add3A_1660, %mul3A_1589 : i32
        %swap3A_1662 = arith.index_cast %add3A_1661 : i32 to index
        %swap3A_1663 = tpu.vector_load %arg6[%swap3A_1662] {strides = array<i32>} : memref<38400xf32, #tpu.memory_space<vmem>>, vector<16xf32>,
        tpu.vector_store %arg6[%swap3A_1662], %select_n3A_1659 {strides = array<i32>} : memref<38400xf32, #tpu.memory_space<vmem>>, vector<16xf32>,
        %eq3A_1664 = arith.constant 9.000000e+00 : f32
        %eq3A_1665 = vector.broadcast %eq3A_1664 : f32 to vector<16xf32>
        %eq3A_1666 = arith.cmpf oeq, %get3A_1591, %eq3A_1665 : vector<16xf32>
        %select_n3A_1667 = arith.select %eq3A_1666, %broadcast_in_dim3A_3, %broadcast_in_dim3A_5 : vector<16xi1>, vector<16xf32>
        %add3A_1668 = arith.constant 28800 : i32
        %add3A_1669 = arith.addi %add3A_1668, %mul3A_1589 : i32
        %swap3A_1670 = arith.index_cast %add3A_1669 : i32 to index
        %swap3A_1671 = tpu.vector_load %arg6[%swap3A_1670] {strides = array<i32>} : memref<38400xf32, #tpu.memory_space<vmem>>, vector<16xf32>,
        tpu.vector_store %arg6[%swap3A_1670], %select_n3A_1667 {strides = array<i32>} : memref<38400xf32, #tpu.memory_space<vmem>>, vector<16xf32>,
        %eq3A_1672 = arith.constant 1.000000e+01 : f32
        %eq3A_1673 = vector.broadcast %eq3A_1672 : f32 to vector<16xf32>
        %eq3A_1674 = arith.cmpf oeq, %get3A_1591, %eq3A_1673 : vector<16xf32>
        %select_n3A_1675 = arith.select %eq3A_1674, %broadcast_in_dim3A_3, %broadcast_in_dim3A_5 : vector<16xi1>, vector<16xf32>
        %add3A_1676 = arith.constant 32000 : i32
        %add3A_1677 = arith.addi %add3A_1676, %mul3A_1589 : i32
        %swap3A_1678 = arith.index_cast %add3A_1677 : i32 to index
        %swap3A_1679 = tpu.vector_load %arg6[%swap3A_1678] {strides = array<i32>} : memref<38400xf32, #tpu.memory_space<vmem>>, vector<16xf32>,
        tpu.vector_store %arg6[%swap3A_1678], %select_n3A_1675 {strides = array<i32>} : memref<38400xf32, #tpu.memory_space<vmem>>, vector<16xf32>,
        %eq3A_1680 = arith.constant 1.100000e+01 : f32
        %eq3A_1681 = vector.broadcast %eq3A_1680 : f32 to vector<16xf32>
        %eq3A_1682 = arith.cmpf oeq, %get3A_1591, %eq3A_1681 : vector<16xf32>
        %select_n3A_1683 = arith.select %eq3A_1682, %broadcast_in_dim3A_3, %broadcast_in_dim3A_5 : vector<16xi1>, vector<16xf32>
        %add3A_1684 = arith.constant 35200 : i32
        %add3A_1685 = arith.addi %add3A_1684, %mul3A_1589 : i32
        %swap3A_1686 = arith.index_cast %add3A_1685 : i32 to index
        %swap3A_1687 = tpu.vector_load %arg6[%swap3A_1686] {strides = array<i32>} : memref<38400xf32, #tpu.memory_space<vmem>>, vector<16xf32>,
        tpu.vector_store %arg6[%swap3A_1686], %select_n3A_1683 {strides = array<i32>} : memref<38400xf32, #tpu.memory_space<vmem>>, vector<16xf32>,
      }
      %scan3A_950 = arith.constant 50 : i32
      %add3A_951 = arith.constant 0 : i32
      %add3A_952 = arith.addi %add3A_951, %add3A_945 : i32
      %dma_start3A_953 = arith.constant 0 : i32
      %dma_start3A_954 = tpu.memref_slice %arg6[%dma_start3A_953] : memref<38400xf32, #tpu.memory_space<vmem>> -> memref<3200xf32, #tpu.memory_space<vmem>>
      %dma_start3A_955 = tpu.memref_slice %arg3[%add3A_952] : memref<39321600xf32, #tpu.memory_space<hbm>> -> memref<3200xf32, #tpu.memory_space<hbm>>
      %dma_start3A_956 = tpu.memref_slice %arg3[%add3A_952] : memref<39321600xf32, #tpu.memory_space<hbm>> -> memref<3200xf32, #tpu.memory_space<hbm>>
      %dma_start3A_957 = arith.constant 0 : i32
      %dma_start3A_958 = tpu.memref_slice %arg6[%dma_start3A_957] : memref<38400xf32, #tpu.memory_space<vmem>> -> memref<3200xf32, #tpu.memory_space<vmem>>
      tpu.enqueue_dma source(%dma_start3A_958 : memref<3200xf32, #tpu.memory_space<vmem>>) target(%dma_start3A_956 : memref<3200xf32, #tpu.memory_space<hbm>>) target_semaphore(%arg8 : memref<!tpu.dma_semaphore, #tpu.memory_space<semaphore_mem>>)
      %add3A_959 = arith.constant 3276800 : i32
      %add3A_960 = arith.addi %add3A_959, %add3A_945 : i32
      %dma_start3A_961 = arith.constant 3200 : i32
      %dma_start3A_962 = tpu.memref_slice %arg6[%dma_start3A_961] : memref<38400xf32, #tpu.memory_space<vmem>> -> memref<3200xf32, #tpu.memory_space<vmem>>
      %dma_start3A_963 = tpu.memref_slice %arg3[%add3A_960] : memref<39321600xf32, #tpu.memory_space<hbm>> -> memref<3200xf32, #tpu.memory_space<hbm>>
      %dma_start3A_964 = tpu.memref_slice %arg3[%add3A_960] : memref<39321600xf32, #tpu.memory_space<hbm>> -> memref<3200xf32, #tpu.memory_space<hbm>>
      %dma_start3A_965 = arith.constant 3200 : i32
      %dma_start3A_966 = tpu.memref_slice %arg6[%dma_start3A_965] : memref<38400xf32, #tpu.memory_space<vmem>> -> memref<3200xf32, #tpu.memory_space<vmem>>
      tpu.enqueue_dma source(%dma_start3A_966 : memref<3200xf32, #tpu.memory_space<vmem>>) target(%dma_start3A_964 : memref<3200xf32, #tpu.memory_space<hbm>>) target_semaphore(%arg8 : memref<!tpu.dma_semaphore, #tpu.memory_space<semaphore_mem>>)
      %add3A_967 = arith.constant 6553600 : i32
      %add3A_968 = arith.addi %add3A_967, %add3A_945 : i32
      %dma_start3A_969 = arith.constant 6400 : i32
      %dma_start3A_970 = tpu.memref_slice %arg6[%dma_start3A_969] : memref<38400xf32, #tpu.memory_space<vmem>> -> memref<3200xf32, #tpu.memory_space<vmem>>
      %dma_start3A_971 = tpu.memref_slice %arg3[%add3A_968] : memref<39321600xf32, #tpu.memory_space<hbm>> -> memref<3200xf32, #tpu.memory_space<hbm>>
      %dma_start3A_972 = tpu.memref_slice %arg3[%add3A_968] : memref<39321600xf32, #tpu.memory_space<hbm>> -> memref<3200xf32, #tpu.memory_space<hbm>>
      %dma_start3A_973 = arith.constant 6400 : i32
      %dma_start3A_974 = tpu.memref_slice %arg6[%dma_start3A_973] : memref<38400xf32, #tpu.memory_space<vmem>> -> memref<3200xf32, #tpu.memory_space<vmem>>
      tpu.enqueue_dma source(%dma_start3A_974 : memref<3200xf32, #tpu.memory_space<vmem>>) target(%dma_start3A_972 : memref<3200xf32, #tpu.memory_space<hbm>>) target_semaphore(%arg8 : memref<!tpu.dma_semaphore, #tpu.memory_space<semaphore_mem>>)
      %add3A_975 = arith.constant 9830400 : i32
      %add3A_976 = arith.addi %add3A_975, %add3A_945 : i32
      %dma_start3A_977 = arith.constant 9600 : i32
      %dma_start3A_978 = tpu.memref_slice %arg6[%dma_start3A_977] : memref<38400xf32, #tpu.memory_space<vmem>> -> memref<3200xf32, #tpu.memory_space<vmem>>
      %dma_start3A_979 = tpu.memref_slice %arg3[%add3A_976] : memref<39321600xf32, #tpu.memory_space<hbm>> -> memref<3200xf32, #tpu.memory_space<hbm>>
      %dma_start3A_980 = tpu.memref_slice %arg3[%add3A_976] : memref<39321600xf32, #tpu.memory_space<hbm>> -> memref<3200xf32, #tpu.memory_space<hbm>>
      %dma_start3A_981 = arith.constant 9600 : i32
      %dma_start3A_982 = tpu.memref_slice %arg6[%dma_start3A_981] : memref<38400xf32, #tpu.memory_space<vmem>> -> memref<3200xf32, #tpu.memory_space<vmem>>
      tpu.enqueue_dma source(%dma_start3A_982 : memref<3200xf32, #tpu.memory_space<vmem>>) target(%dma_start3A_980 : memref<3200xf32, #tpu.memory_space<hbm>>) target_semaphore(%arg8 : memref<!tpu.dma_semaphore, #tpu.memory_space<semaphore_mem>>)
      %add3A_983 = arith.constant 13107200 : i32
      %add3A_984 = arith.addi %add3A_983, %add3A_945 : i32
      %dma_start3A_985 = arith.constant 12800 : i32
      %dma_start3A_986 = tpu.memref_slice %arg6[%dma_start3A_985] : memref<38400xf32, #tpu.memory_space<vmem>> -> memref<3200xf32, #tpu.memory_space<vmem>>
      %dma_start3A_987 = tpu.memref_slice %arg3[%add3A_984] : memref<39321600xf32, #tpu.memory_space<hbm>> -> memref<3200xf32, #tpu.memory_space<hbm>>
      %dma_start3A_988 = tpu.memref_slice %arg3[%add3A_984] : memref<39321600xf32, #tpu.memory_space<hbm>> -> memref<3200xf32, #tpu.memory_space<hbm>>
      %dma_start3A_989 = arith.constant 12800 : i32
      %dma_start3A_990 = tpu.memref_slice %arg6[%dma_start3A_989] : memref<38400xf32, #tpu.memory_space<vmem>> -> memref<3200xf32, #tpu.memory_space<vmem>>
      tpu.enqueue_dma source(%dma_start3A_990 : memref<3200xf32, #tpu.memory_space<vmem>>) target(%dma_start3A_988 : memref<3200xf32, #tpu.memory_space<hbm>>) target_semaphore(%arg8 : memref<!tpu.dma_semaphore, #tpu.memory_space<semaphore_mem>>)
      %add3A_991 = arith.constant 16384000 : i32
      %add3A_992 = arith.addi %add3A_991, %add3A_945 : i32
      %dma_start3A_993 = arith.constant 16000 : i32
      %dma_start3A_994 = tpu.memref_slice %arg6[%dma_start3A_993] : memref<38400xf32, #tpu.memory_space<vmem>> -> memref<3200xf32, #tpu.memory_space<vmem>>
      %dma_start3A_995 = tpu.memref_slice %arg3[%add3A_992] : memref<39321600xf32, #tpu.memory_space<hbm>> -> memref<3200xf32, #tpu.memory_space<hbm>>
      %dma_start3A_996 = tpu.memref_slice %arg3[%add3A_992] : memref<39321600xf32, #tpu.memory_space<hbm>> -> memref<3200xf32, #tpu.memory_space<hbm>>
      %dma_start3A_997 = arith.constant 16000 : i32
      %dma_start3A_998 = tpu.memref_slice %arg6[%dma_start3A_997] : memref<38400xf32, #tpu.memory_space<vmem>> -> memref<3200xf32, #tpu.memory_space<vmem>>
      tpu.enqueue_dma source(%dma_start3A_998 : memref<3200xf32, #tpu.memory_space<vmem>>) target(%dma_start3A_996 : memref<3200xf32, #tpu.memory_space<hbm>>) target_semaphore(%arg8 : memref<!tpu.dma_semaphore, #tpu.memory_space<semaphore_mem>>)
      %add3A_999 = arith.constant 19660800 : i32
      %add3A_1000 = arith.addi %add3A_999, %add3A_945 : i32
      %dma_start3A_1001 = arith.constant 19200 : i32
      %dma_start3A_1002 = tpu.memref_slice %arg6[%dma_start3A_1001] : memref<38400xf32, #tpu.memory_space<vmem>> -> memref<3200xf32, #tpu.memory_space<vmem>>
      %dma_start3A_1003 = tpu.memref_slice %arg3[%add3A_1000] : memref<39321600xf32, #tpu.memory_space<hbm>> -> memref<3200xf32, #tpu.memory_space<hbm>>
      %dma_start3A_1004 = tpu.memref_slice %arg3[%add3A_1000] : memref<39321600xf32, #tpu.memory_space<hbm>> -> memref<3200xf32, #tpu.memory_space<hbm>>
      %dma_start3A_1005 = arith.constant 19200 : i32
      %dma_start3A_1006 = tpu.memref_slice %arg6[%dma_start3A_1005] : memref<38400xf32, #tpu.memory_space<vmem>> -> memref<3200xf32, #tpu.memory_space<vmem>>
      tpu.enqueue_dma source(%dma_start3A_1006 : memref<3200xf32, #tpu.memory_space<vmem>>) target(%dma_start3A_1004 : memref<3200xf32, #tpu.memory_space<hbm>>) target_semaphore(%arg8 : memref<!tpu.dma_semaphore, #tpu.memory_space<semaphore_mem>>)
      %add3A_1007 = arith.constant 22937600 : i32
      %add3A_1008 = arith.addi %add3A_1007, %add3A_945 : i32
      %dma_start3A_1009 = arith.constant 22400 : i32
      %dma_start3A_1010 = tpu.memref_slice %arg6[%dma_start3A_1009] : memref<38400xf32, #tpu.memory_space<vmem>> -> memref<3200xf32, #tpu.memory_space<vmem>>
      %dma_start3A_1011 = tpu.memref_slice %arg3[%add3A_1008] : memref<39321600xf32, #tpu.memory_space<hbm>> -> memref<3200xf32, #tpu.memory_space<hbm>>
      %dma_start3A_1012 = tpu.memref_slice %arg3[%add3A_1008] : memref<39321600xf32, #tpu.memory_space<hbm>> -> memref<3200xf32, #tpu.memory_space<hbm>>
      %dma_start3A_1013 = arith.constant 22400 : i32
      %dma_start3A_1014 = tpu.memref_slice %arg6[%dma_start3A_1013] : memref<38400xf32, #tpu.memory_space<vmem>> -> memref<3200xf32, #tpu.memory_space<vmem>>
      tpu.enqueue_dma source(%dma_start3A_1014 : memref<3200xf32, #tpu.memory_space<vmem>>) target(%dma_start3A_1012 : memref<3200xf32, #tpu.memory_space<hbm>>) target_semaphore(%arg8 : memref<!tpu.dma_semaphore, #tpu.memory_space<semaphore_mem>>)
      %add3A_1015 = arith.constant 26214400 : i32
      %add3A_1016 = arith.addi %add3A_1015, %add3A_945 : i32
      %dma_start3A_1017 = arith.constant 25600 : i32
      %dma_start3A_1018 = tpu.memref_slice %arg6[%dma_start3A_1017] : memref<38400xf32, #tpu.memory_space<vmem>> -> memref<3200xf32, #tpu.memory_space<vmem>>
      %dma_start3A_1019 = tpu.memref_slice %arg3[%add3A_1016] : memref<39321600xf32, #tpu.memory_space<hbm>> -> memref<3200xf32, #tpu.memory_space<hbm>>
      %dma_start3A_1020 = tpu.memref_slice %arg3[%add3A_1016] : memref<39321600xf32, #tpu.memory_space<hbm>> -> memref<3200xf32, #tpu.memory_space<hbm>>
      %dma_start3A_1021 = arith.constant 25600 : i32
      %dma_start3A_1022 = tpu.memref_slice %arg6[%dma_start3A_1021] : memref<38400xf32, #tpu.memory_space<vmem>> -> memref<3200xf32, #tpu.memory_space<vmem>>
      tpu.enqueue_dma source(%dma_start3A_1022 : memref<3200xf32, #tpu.memory_space<vmem>>) target(%dma_start3A_1020 : memref<3200xf32, #tpu.memory_space<hbm>>) target_semaphore(%arg8 : memref<!tpu.dma_semaphore, #tpu.memory_space<semaphore_mem>>)
      %add3A_1023 = arith.constant 29491200 : i32
      %add3A_1024 = arith.addi %add3A_1023, %add3A_945 : i32
      %dma_start3A_1025 = arith.constant 28800 : i32
      %dma_start3A_1026 = tpu.memref_slice %arg6[%dma_start3A_1025] : memref<38400xf32, #tpu.memory_space<vmem>> -> memref<3200xf32, #tpu.memory_space<vmem>>
      %dma_start3A_1027 = tpu.memref_slice %arg3[%add3A_1024] : memref<39321600xf32, #tpu.memory_space<hbm>> -> memref<3200xf32, #tpu.memory_space<hbm>>
      %dma_start3A_1028 = tpu.memref_slice %arg3[%add3A_1024] : memref<39321600xf32, #tpu.memory_space<hbm>> -> memref<3200xf32, #tpu.memory_space<hbm>>
      %dma_start3A_1029 = arith.constant 28800 : i32
      %dma_start3A_1030 = tpu.memref_slice %arg6[%dma_start3A_1029] : memref<38400xf32, #tpu.memory_space<vmem>> -> memref<3200xf32, #tpu.memory_space<vmem>>
      tpu.enqueue_dma source(%dma_start3A_1030 : memref<3200xf32, #tpu.memory_space<vmem>>) target(%dma_start3A_1028 : memref<3200xf32, #tpu.memory_space<hbm>>) target_semaphore(%arg8 : memref<!tpu.dma_semaphore, #tpu.memory_space<semaphore_mem>>)
      %add3A_1031 = arith.constant 32768000 : i32
      %add3A_1032 = arith.addi %add3A_1031, %add3A_945 : i32
      %dma_start3A_1033 = arith.constant 32000 : i32
      %dma_start3A_1034 = tpu.memref_slice %arg6[%dma_start3A_1033] : memref<38400xf32, #tpu.memory_space<vmem>> -> memref<3200xf32, #tpu.memory_space<vmem>>
      %dma_start3A_1035 = tpu.memref_slice %arg3[%add3A_1032] : memref<39321600xf32, #tpu.memory_space<hbm>> -> memref<3200xf32, #tpu.memory_space<hbm>>
      %dma_start3A_1036 = tpu.memref_slice %arg3[%add3A_1032] : memref<39321600xf32, #tpu.memory_space<hbm>> -> memref<3200xf32, #tpu.memory_space<hbm>>
      %dma_start3A_1037 = arith.constant 32000 : i32
      %dma_start3A_1038 = tpu.memref_slice %arg6[%dma_start3A_1037] : memref<38400xf32, #tpu.memory_space<vmem>> -> memref<3200xf32, #tpu.memory_space<vmem>>
      tpu.enqueue_dma source(%dma_start3A_1038 : memref<3200xf32, #tpu.memory_space<vmem>>) target(%dma_start3A_1036 : memref<3200xf32, #tpu.memory_space<hbm>>) target_semaphore(%arg8 : memref<!tpu.dma_semaphore, #tpu.memory_space<semaphore_mem>>)
      %add3A_1039 = arith.constant 36044800 : i32
      %add3A_1040 = arith.addi %add3A_1039, %add3A_945 : i32
      %dma_start3A_1041 = arith.constant 35200 : i32
      %dma_start3A_1042 = tpu.memref_slice %arg6[%dma_start3A_1041] : memref<38400xf32, #tpu.memory_space<vmem>> -> memref<3200xf32, #tpu.memory_space<vmem>>
      %dma_start3A_1043 = tpu.memref_slice %arg3[%add3A_1040] : memref<39321600xf32, #tpu.memory_space<hbm>> -> memref<3200xf32, #tpu.memory_space<hbm>>
      %dma_start3A_1044 = tpu.memref_slice %arg3[%add3A_1040] : memref<39321600xf32, #tpu.memory_space<hbm>> -> memref<3200xf32, #tpu.memory_space<hbm>>
      %dma_start3A_1045 = arith.constant 35200 : i32
      %dma_start3A_1046 = tpu.memref_slice %arg6[%dma_start3A_1045] : memref<38400xf32, #tpu.memory_space<vmem>> -> memref<3200xf32, #tpu.memory_space<vmem>>
      tpu.enqueue_dma source(%dma_start3A_1046 : memref<3200xf32, #tpu.memory_space<vmem>>) target(%dma_start3A_1044 : memref<3200xf32, #tpu.memory_space<hbm>>) target_semaphore(%arg8 : memref<!tpu.dma_semaphore, #tpu.memory_space<semaphore_mem>>)
      %add3A_1047 = arith.constant 0 : i32
      %add3A_1048 = arith.addi %add3A_840, %add3A_1047 : i32
      %add3A_1049 = arith.constant 2 : i32
      %add3A_1050 = arith.addi %add3A_1048, %add3A_1049 : i32
      %mul3A_1051 = arith.constant 3200 : i32
      %mul3A_1052 = arith.muli %add3A_1050, %mul3A_1051 : i32
      %add3A_1053 = arith.addi %mul3A_2, %mul3A_1052 : i32
      %dma_start3A_1054 = tpu.memref_slice %arg2[%add3A_1053] : memref<3276800xf32, #tpu.memory_space<hbm>> -> memref<3200xf32, #tpu.memory_space<hbm>>
      %dma_start3A_1055 = tpu.memref_slice %arg2[%add3A_1053] : memref<3276800xf32, #tpu.memory_space<hbm>> -> memref<3200xf32, #tpu.memory_space<hbm>>
      tpu.enqueue_dma source(%dma_start3A_1055 : memref<3200xf32, #tpu.memory_space<hbm>>) target(%arg4 : memref<3200xf32, #tpu.memory_space<vmem>>) target_semaphore(%arg10 : memref<!tpu.dma_semaphore, #tpu.memory_space<semaphore_mem>>)
      %dma_wait3A_1056 = arith.constant 0 : i32
      %dma_wait3A_1057 = tpu.memref_slice %arg7[%dma_wait3A_1056] : memref<38400xf32, #tpu.memory_space<vmem>> -> memref<3200xf32, #tpu.memory_space<vmem>>
      %dma_wait3A_1058 = arith.constant 0 : i32
      %dma_wait3A_1059 = tpu.memref_slice %arg3[%dma_wait3A_1058] : memref<39321600xf32, #tpu.memory_space<hbm>> -> memref<3200xf32, #tpu.memory_space<hbm>>
      %dma_wait3A_1060 = arith.constant 0 : i32
      %dma_wait3A_1061 = tpu.memref_slice %arg3[%dma_wait3A_1060] : memref<39321600xf32, #tpu.memory_space<hbm>> -> memref<3200xf32, #tpu.memory_space<hbm>>
      %dma_wait3A_1062 = arith.constant 0 : i32
      %dma_wait3A_1063 = tpu.memref_slice %arg7[%dma_wait3A_1062] : memref<38400xf32, #tpu.memory_space<vmem>> -> memref<3200xf32, #tpu.memory_space<vmem>>
      tpu.wait_dma2 semaphore(%arg9 : memref<!tpu.dma_semaphore, #tpu.memory_space<semaphore_mem>>) src(%dma_wait3A_1063 : memref<3200xf32, #tpu.memory_space<vmem>>) dst(%dma_wait3A_1061 : memref<3200xf32, #tpu.memory_space<hbm>>)
      %dma_wait3A_1064 = arith.constant 3200 : i32
      %dma_wait3A_1065 = tpu.memref_slice %arg7[%dma_wait3A_1064] : memref<38400xf32, #tpu.memory_space<vmem>> -> memref<3200xf32, #tpu.memory_space<vmem>>
      %dma_wait3A_1066 = arith.constant 0 : i32
      %dma_wait3A_1067 = tpu.memref_slice %arg3[%dma_wait3A_1066] : memref<39321600xf32, #tpu.memory_space<hbm>> -> memref<3200xf32, #tpu.memory_space<hbm>>
      %dma_wait3A_1068 = arith.constant 0 : i32
      %dma_wait3A_1069 = tpu.memref_slice %arg3[%dma_wait3A_1068] : memref<39321600xf32, #tpu.memory_space<hbm>> -> memref<3200xf32, #tpu.memory_space<hbm>>
      %dma_wait3A_1070 = arith.constant 3200 : i32
      %dma_wait3A_1071 = tpu.memref_slice %arg7[%dma_wait3A_1070] : memref<38400xf32, #tpu.memory_space<vmem>> -> memref<3200xf32, #tpu.memory_space<vmem>>
      tpu.wait_dma2 semaphore(%arg9 : memref<!tpu.dma_semaphore, #tpu.memory_space<semaphore_mem>>) src(%dma_wait3A_1071 : memref<3200xf32, #tpu.memory_space<vmem>>) dst(%dma_wait3A_1069 : memref<3200xf32, #tpu.memory_space<hbm>>)
      %dma_wait3A_1072 = arith.constant 6400 : i32
      %dma_wait3A_1073 = tpu.memref_slice %arg7[%dma_wait3A_1072] : memref<38400xf32, #tpu.memory_space<vmem>> -> memref<3200xf32, #tpu.memory_space<vmem>>
      %dma_wait3A_1074 = arith.constant 0 : i32
      %dma_wait3A_1075 = tpu.memref_slice %arg3[%dma_wait3A_1074] : memref<39321600xf32, #tpu.memory_space<hbm>> -> memref<3200xf32, #tpu.memory_space<hbm>>
      %dma_wait3A_1076 = arith.constant 0 : i32
      %dma_wait3A_1077 = tpu.memref_slice %arg3[%dma_wait3A_1076] : memref<39321600xf32, #tpu.memory_space<hbm>> -> memref<3200xf32, #tpu.memory_space<hbm>>
      %dma_wait3A_1078 = arith.constant 6400 : i32
      %dma_wait3A_1079 = tpu.memref_slice %arg7[%dma_wait3A_1078] : memref<38400xf32, #tpu.memory_space<vmem>> -> memref<3200xf32, #tpu.memory_space<vmem>>
      tpu.wait_dma2 semaphore(%arg9 : memref<!tpu.dma_semaphore, #tpu.memory_space<semaphore_mem>>) src(%dma_wait3A_1079 : memref<3200xf32, #tpu.memory_space<vmem>>) dst(%dma_wait3A_1077 : memref<3200xf32, #tpu.memory_space<hbm>>)
      %dma_wait3A_1080 = arith.constant 9600 : i32
      %dma_wait3A_1081 = tpu.memref_slice %arg7[%dma_wait3A_1080] : memref<38400xf32, #tpu.memory_space<vmem>> -> memref<3200xf32, #tpu.memory_space<vmem>>
      %dma_wait3A_1082 = arith.constant 0 : i32
      %dma_wait3A_1083 = tpu.memref_slice %arg3[%dma_wait3A_1082] : memref<39321600xf32, #tpu.memory_space<hbm>> -> memref<3200xf32, #tpu.memory_space<hbm>>
      %dma_wait3A_1084 = arith.constant 0 : i32
      %dma_wait3A_1085 = tpu.memref_slice %arg3[%dma_wait3A_1084] : memref<39321600xf32, #tpu.memory_space<hbm>> -> memref<3200xf32, #tpu.memory_space<hbm>>
      %dma_wait3A_1086 = arith.constant 9600 : i32
      %dma_wait3A_1087 = tpu.memref_slice %arg7[%dma_wait3A_1086] : memref<38400xf32, #tpu.memory_space<vmem>> -> memref<3200xf32, #tpu.memory_space<vmem>>
      tpu.wait_dma2 semaphore(%arg9 : memref<!tpu.dma_semaphore, #tpu.memory_space<semaphore_mem>>) src(%dma_wait3A_1087 : memref<3200xf32, #tpu.memory_space<vmem>>) dst(%dma_wait3A_1085 : memref<3200xf32, #tpu.memory_space<hbm>>)
      %dma_wait3A_1088 = arith.constant 12800 : i32
      %dma_wait3A_1089 = tpu.memref_slice %arg7[%dma_wait3A_1088] : memref<38400xf32, #tpu.memory_space<vmem>> -> memref<3200xf32, #tpu.memory_space<vmem>>
      %dma_wait3A_1090 = arith.constant 0 : i32
      %dma_wait3A_1091 = tpu.memref_slice %arg3[%dma_wait3A_1090] : memref<39321600xf32, #tpu.memory_space<hbm>> -> memref<3200xf32, #tpu.memory_space<hbm>>
      %dma_wait3A_1092 = arith.constant 0 : i32
      %dma_wait3A_1093 = tpu.memref_slice %arg3[%dma_wait3A_1092] : memref<39321600xf32, #tpu.memory_space<hbm>> -> memref<3200xf32, #tpu.memory_space<hbm>>
      %dma_wait3A_1094 = arith.constant 12800 : i32
      %dma_wait3A_1095 = tpu.memref_slice %arg7[%dma_wait3A_1094] : memref<38400xf32, #tpu.memory_space<vmem>> -> memref<3200xf32, #tpu.memory_space<vmem>>
      tpu.wait_dma2 semaphore(%arg9 : memref<!tpu.dma_semaphore, #tpu.memory_space<semaphore_mem>>) src(%dma_wait3A_1095 : memref<3200xf32, #tpu.memory_space<vmem>>) dst(%dma_wait3A_1093 : memref<3200xf32, #tpu.memory_space<hbm>>)
      %dma_wait3A_1096 = arith.constant 16000 : i32
      %dma_wait3A_1097 = tpu.memref_slice %arg7[%dma_wait3A_1096] : memref<38400xf32, #tpu.memory_space<vmem>> -> memref<3200xf32, #tpu.memory_space<vmem>>
      %dma_wait3A_1098 = arith.constant 0 : i32
      %dma_wait3A_1099 = tpu.memref_slice %arg3[%dma_wait3A_1098] : memref<39321600xf32, #tpu.memory_space<hbm>> -> memref<3200xf32, #tpu.memory_space<hbm>>
      %dma_wait3A_1100 = arith.constant 0 : i32
      %dma_wait3A_1101 = tpu.memref_slice %arg3[%dma_wait3A_1100] : memref<39321600xf32, #tpu.memory_space<hbm>> -> memref<3200xf32, #tpu.memory_space<hbm>>
      %dma_wait3A_1102 = arith.constant 16000 : i32
      %dma_wait3A_1103 = tpu.memref_slice %arg7[%dma_wait3A_1102] : memref<38400xf32, #tpu.memory_space<vmem>> -> memref<3200xf32, #tpu.memory_space<vmem>>
      tpu.wait_dma2 semaphore(%arg9 : memref<!tpu.dma_semaphore, #tpu.memory_space<semaphore_mem>>) src(%dma_wait3A_1103 : memref<3200xf32, #tpu.memory_space<vmem>>) dst(%dma_wait3A_1101 : memref<3200xf32, #tpu.memory_space<hbm>>)
      %dma_wait3A_1104 = arith.constant 19200 : i32
      %dma_wait3A_1105 = tpu.memref_slice %arg7[%dma_wait3A_1104] : memref<38400xf32, #tpu.memory_space<vmem>> -> memref<3200xf32, #tpu.memory_space<vmem>>
      %dma_wait3A_1106 = arith.constant 0 : i32
      %dma_wait3A_1107 = tpu.memref_slice %arg3[%dma_wait3A_1106] : memref<39321600xf32, #tpu.memory_space<hbm>> -> memref<3200xf32, #tpu.memory_space<hbm>>
      %dma_wait3A_1108 = arith.constant 0 : i32
      %dma_wait3A_1109 = tpu.memref_slice %arg3[%dma_wait3A_1108] : memref<39321600xf32, #tpu.memory_space<hbm>> -> memref<3200xf32, #tpu.memory_space<hbm>>
      %dma_wait3A_1110 = arith.constant 19200 : i32
      %dma_wait3A_1111 = tpu.memref_slice %arg7[%dma_wait3A_1110] : memref<38400xf32, #tpu.memory_space<vmem>> -> memref<3200xf32, #tpu.memory_space<vmem>>
      tpu.wait_dma2 semaphore(%arg9 : memref<!tpu.dma_semaphore, #tpu.memory_space<semaphore_mem>>) src(%dma_wait3A_1111 : memref<3200xf32, #tpu.memory_space<vmem>>) dst(%dma_wait3A_1109 : memref<3200xf32, #tpu.memory_space<hbm>>)
      %dma_wait3A_1112 = arith.constant 22400 : i32
      %dma_wait3A_1113 = tpu.memref_slice %arg7[%dma_wait3A_1112] : memref<38400xf32, #tpu.memory_space<vmem>> -> memref<3200xf32, #tpu.memory_space<vmem>>
      %dma_wait3A_1114 = arith.constant 0 : i32
      %dma_wait3A_1115 = tpu.memref_slice %arg3[%dma_wait3A_1114] : memref<39321600xf32, #tpu.memory_space<hbm>> -> memref<3200xf32, #tpu.memory_space<hbm>>
      %dma_wait3A_1116 = arith.constant 0 : i32
      %dma_wait3A_1117 = tpu.memref_slice %arg3[%dma_wait3A_1116] : memref<39321600xf32, #tpu.memory_space<hbm>> -> memref<3200xf32, #tpu.memory_space<hbm>>
      %dma_wait3A_1118 = arith.constant 22400 : i32
      %dma_wait3A_1119 = tpu.memref_slice %arg7[%dma_wait3A_1118] : memref<38400xf32, #tpu.memory_space<vmem>> -> memref<3200xf32, #tpu.memory_space<vmem>>
      tpu.wait_dma2 semaphore(%arg9 : memref<!tpu.dma_semaphore, #tpu.memory_space<semaphore_mem>>) src(%dma_wait3A_1119 : memref<3200xf32, #tpu.memory_space<vmem>>) dst(%dma_wait3A_1117 : memref<3200xf32, #tpu.memory_space<hbm>>)
      %dma_wait3A_1120 = arith.constant 25600 : i32
      %dma_wait3A_1121 = tpu.memref_slice %arg7[%dma_wait3A_1120] : memref<38400xf32, #tpu.memory_space<vmem>> -> memref<3200xf32, #tpu.memory_space<vmem>>
      %dma_wait3A_1122 = arith.constant 0 : i32
      %dma_wait3A_1123 = tpu.memref_slice %arg3[%dma_wait3A_1122] : memref<39321600xf32, #tpu.memory_space<hbm>> -> memref<3200xf32, #tpu.memory_space<hbm>>
      %dma_wait3A_1124 = arith.constant 0 : i32
      %dma_wait3A_1125 = tpu.memref_slice %arg3[%dma_wait3A_1124] : memref<39321600xf32, #tpu.memory_space<hbm>> -> memref<3200xf32, #tpu.memory_space<hbm>>
      %dma_wait3A_1126 = arith.constant 25600 : i32
      %dma_wait3A_1127 = tpu.memref_slice %arg7[%dma_wait3A_1126] : memref<38400xf32, #tpu.memory_space<vmem>> -> memref<3200xf32, #tpu.memory_space<vmem>>
      tpu.wait_dma2 semaphore(%arg9 : memref<!tpu.dma_semaphore, #tpu.memory_space<semaphore_mem>>) src(%dma_wait3A_1127 : memref<3200xf32, #tpu.memory_space<vmem>>) dst(%dma_wait3A_1125 : memref<3200xf32, #tpu.memory_space<hbm>>)
      %dma_wait3A_1128 = arith.constant 28800 : i32
      %dma_wait3A_1129 = tpu.memref_slice %arg7[%dma_wait3A_1128] : memref<38400xf32, #tpu.memory_space<vmem>> -> memref<3200xf32, #tpu.memory_space<vmem>>
      %dma_wait3A_1130 = arith.constant 0 : i32
      %dma_wait3A_1131 = tpu.memref_slice %arg3[%dma_wait3A_1130] : memref<39321600xf32, #tpu.memory_space<hbm>> -> memref<3200xf32, #tpu.memory_space<hbm>>
      %dma_wait3A_1132 = arith.constant 0 : i32
      %dma_wait3A_1133 = tpu.memref_slice %arg3[%dma_wait3A_1132] : memref<39321600xf32, #tpu.memory_space<hbm>> -> memref<3200xf32, #tpu.memory_space<hbm>>
      %dma_wait3A_1134 = arith.constant 28800 : i32
      %dma_wait3A_1135 = tpu.memref_slice %arg7[%dma_wait3A_1134] : memref<38400xf32, #tpu.memory_space<vmem>> -> memref<3200xf32, #tpu.memory_space<vmem>>
      tpu.wait_dma2 semaphore(%arg9 : memref<!tpu.dma_semaphore, #tpu.memory_space<semaphore_mem>>) src(%dma_wait3A_1135 : memref<3200xf32, #tpu.memory_space<vmem>>) dst(%dma_wait3A_1133 : memref<3200xf32, #tpu.memory_space<hbm>>)
      %dma_wait3A_1136 = arith.constant 32000 : i32
      %dma_wait3A_1137 = tpu.memref_slice %arg7[%dma_wait3A_1136] : memref<38400xf32, #tpu.memory_space<vmem>> -> memref<3200xf32, #tpu.memory_space<vmem>>
      %dma_wait3A_1138 = arith.constant 0 : i32
      %dma_wait3A_1139 = tpu.memref_slice %arg3[%dma_wait3A_1138] : memref<39321600xf32, #tpu.memory_space<hbm>> -> memref<3200xf32, #tpu.memory_space<hbm>>
      %dma_wait3A_1140 = arith.constant 0 : i32
      %dma_wait3A_1141 = tpu.memref_slice %arg3[%dma_wait3A_1140] : memref<39321600xf32, #tpu.memory_space<hbm>> -> memref<3200xf32, #tpu.memory_space<hbm>>
      %dma_wait3A_1142 = arith.constant 32000 : i32
      %dma_wait3A_1143 = tpu.memref_slice %arg7[%dma_wait3A_1142] : memref<38400xf32, #tpu.memory_space<vmem>> -> memref<3200xf32, #tpu.memory_space<vmem>>
      tpu.wait_dma2 semaphore(%arg9 : memref<!tpu.dma_semaphore, #tpu.memory_space<semaphore_mem>>) src(%dma_wait3A_1143 : memref<3200xf32, #tpu.memory_space<vmem>>) dst(%dma_wait3A_1141 : memref<3200xf32, #tpu.memory_space<hbm>>)
      %dma_wait3A_1144 = arith.constant 35200 : i32
      %dma_wait3A_1145 = tpu.memref_slice %arg7[%dma_wait3A_1144] : memref<38400xf32, #tpu.memory_space<vmem>> -> memref<3200xf32, #tpu.memory_space<vmem>>
      %dma_wait3A_1146 = arith.constant 0 : i32
      %dma_wait3A_1147 = tpu.memref_slice %arg3[%dma_wait3A_1146] : memref<39321600xf32, #tpu.memory_space<hbm>> -> memref<3200xf32, #tpu.memory_space<hbm>>
      %dma_wait3A_1148 = arith.constant 0 : i32
      %dma_wait3A_1149 = tpu.memref_slice %arg3[%dma_wait3A_1148] : memref<39321600xf32, #tpu.memory_space<hbm>> -> memref<3200xf32, #tpu.memory_space<hbm>>
      %dma_wait3A_1150 = arith.constant 35200 : i32
      %dma_wait3A_1151 = tpu.memref_slice %arg7[%dma_wait3A_1150] : memref<38400xf32, #tpu.memory_space<vmem>> -> memref<3200xf32, #tpu.memory_space<vmem>>
      tpu.wait_dma2 semaphore(%arg9 : memref<!tpu.dma_semaphore, #tpu.memory_space<semaphore_mem>>) src(%dma_wait3A_1151 : memref<3200xf32, #tpu.memory_space<vmem>>) dst(%dma_wait3A_1149 : memref<3200xf32, #tpu.memory_space<hbm>>)
      %dma_wait3A_1152 = arith.constant 0 : i32
      %dma_wait3A_1153 = tpu.memref_slice %arg2[%dma_wait3A_1152] : memref<3276800xf32, #tpu.memory_space<hbm>> -> memref<3200xf32, #tpu.memory_space<hbm>>
      %dma_wait3A_1154 = arith.constant 0 : i32
      %dma_wait3A_1155 = tpu.memref_slice %arg2[%dma_wait3A_1154] : memref<3276800xf32, #tpu.memory_space<hbm>> -> memref<3200xf32, #tpu.memory_space<hbm>>
      tpu.wait_dma2 semaphore(%arg11 : memref<!tpu.dma_semaphore, #tpu.memory_space<semaphore_mem>>) src(%dma_wait3A_1155 : memref<3200xf32, #tpu.memory_space<hbm>>) dst(%arg5 : memref<3200xf32, #tpu.memory_space<vmem>>)
      %add3A_1156 = arith.constant 1 : i32
      %add3A_1157 = arith.addi %add3A_840, %add3A_1156 : i32
      %mul3A_1158 = arith.constant 3200 : i32
      %mul3A_1159 = arith.muli %add3A_1157, %mul3A_1158 : i32
      %add3A_1160 = arith.addi %mul3A_2, %mul3A_1159 : i32
      %scan3A_1161 = arith.constant 0 : i32
      %scan3A_1162 = arith.constant 50 : i32
      %scan3A_1163 = arith.addi %scan3A_1161, %scan3A_1162 : i32
      %scan3A_1164 = arith.constant 1 : i32
      scf.for %scan3A_1271 = %scan3A_1161 to %scan3A_1163 step %scan3A_1164  : i32 {
        %mul3A_1272 = arith.constant 1 : i32
        %mul3A_1273 = arith.muli %scan3A_1271, %mul3A_1272 : i32
        %add3A_1274 = arith.constant 0 : i32
        %add3A_1275 = arith.addi %add3A_1274, %mul3A_1273 : i32
        %mul3A_1276 = arith.constant 4 : i32
        %mul3A_1277 = arith.muli %mul3A_1276, %add3A_1275 : i32
        %add3A_1278 = arith.constant 0 : i32
        %add3A_1279 = arith.addi %mul3A_1277, %add3A_1278 : i32
        %mul3A_1280 = arith.constant 16 : i32
        %mul3A_1281 = arith.muli %add3A_1279, %mul3A_1280 : i32
        %get3A = arith.index_cast %mul3A_1281 : i32 to index
        %get3A_1282 = tpu.vector_load %arg5[%get3A] {strides = array<i32>} : memref<3200xf32, #tpu.memory_space<vmem>>, vector<16xf32>,
        %eq3A = arith.constant 0.000000e+00 : f32
        %eq3A_1283 = vector.broadcast %eq3A : f32 to vector<16xf32>
        %eq3A_1284 = arith.cmpf oeq, %get3A_1282, %eq3A_1283 : vector<16xf32>
        %select_n3A = arith.select %eq3A_1284, %broadcast_in_dim3A_3, %broadcast_in_dim3A_5 : vector<16xi1>, vector<16xf32>
        %add3A_1285 = arith.constant 0 : i32
        %add3A_1286 = arith.addi %add3A_1285, %mul3A_1281 : i32
        %swap3A = arith.index_cast %add3A_1286 : i32 to index
        %swap3A_1287 = tpu.vector_load %arg7[%swap3A] {strides = array<i32>} : memref<38400xf32, #tpu.memory_space<vmem>>, vector<16xf32>,
        tpu.vector_store %arg7[%swap3A], %select_n3A {strides = array<i32>} : memref<38400xf32, #tpu.memory_space<vmem>>, vector<16xf32>,
        %eq3A_1288 = arith.constant 1.000000e+00 : f32
        %eq3A_1289 = vector.broadcast %eq3A_1288 : f32 to vector<16xf32>
        %eq3A_1290 = arith.cmpf oeq, %get3A_1282, %eq3A_1289 : vector<16xf32>
        %select_n3A_1291 = arith.select %eq3A_1290, %broadcast_in_dim3A_3, %broadcast_in_dim3A_5 : vector<16xi1>, vector<16xf32>
        %add3A_1292 = arith.constant 3200 : i32
        %add3A_1293 = arith.addi %add3A_1292, %mul3A_1281 : i32
        %swap3A_1294 = arith.index_cast %add3A_1293 : i32 to index
        %swap3A_1295 = tpu.vector_load %arg7[%swap3A_1294] {strides = array<i32>} : memref<38400xf32, #tpu.memory_space<vmem>>, vector<16xf32>,
        tpu.vector_store %arg7[%swap3A_1294], %select_n3A_1291 {strides = array<i32>} : memref<38400xf32, #tpu.memory_space<vmem>>, vector<16xf32>,
        %eq3A_1296 = arith.constant 2.000000e+00 : f32
        %eq3A_1297 = vector.broadcast %eq3A_1296 : f32 to vector<16xf32>
        %eq3A_1298 = arith.cmpf oeq, %get3A_1282, %eq3A_1297 : vector<16xf32>
        %select_n3A_1299 = arith.select %eq3A_1298, %broadcast_in_dim3A_3, %broadcast_in_dim3A_5 : vector<16xi1>, vector<16xf32>
        %add3A_1300 = arith.constant 6400 : i32
        %add3A_1301 = arith.addi %add3A_1300, %mul3A_1281 : i32
        %swap3A_1302 = arith.index_cast %add3A_1301 : i32 to index
        %swap3A_1303 = tpu.vector_load %arg7[%swap3A_1302] {strides = array<i32>} : memref<38400xf32, #tpu.memory_space<vmem>>, vector<16xf32>,
        tpu.vector_store %arg7[%swap3A_1302], %select_n3A_1299 {strides = array<i32>} : memref<38400xf32, #tpu.memory_space<vmem>>, vector<16xf32>,
        %eq3A_1304 = arith.constant 3.000000e+00 : f32
        %eq3A_1305 = vector.broadcast %eq3A_1304 : f32 to vector<16xf32>
        %eq3A_1306 = arith.cmpf oeq, %get3A_1282, %eq3A_1305 : vector<16xf32>
        %select_n3A_1307 = arith.select %eq3A_1306, %broadcast_in_dim3A_3, %broadcast_in_dim3A_5 : vector<16xi1>, vector<16xf32>
        %add3A_1308 = arith.constant 9600 : i32
        %add3A_1309 = arith.addi %add3A_1308, %mul3A_1281 : i32
        %swap3A_1310 = arith.index_cast %add3A_1309 : i32 to index
        %swap3A_1311 = tpu.vector_load %arg7[%swap3A_1310] {strides = array<i32>} : memref<38400xf32, #tpu.memory_space<vmem>>, vector<16xf32>,
        tpu.vector_store %arg7[%swap3A_1310], %select_n3A_1307 {strides = array<i32>} : memref<38400xf32, #tpu.memory_space<vmem>>, vector<16xf32>,
        %eq3A_1312 = arith.constant 4.000000e+00 : f32
        %eq3A_1313 = vector.broadcast %eq3A_1312 : f32 to vector<16xf32>
        %eq3A_1314 = arith.cmpf oeq, %get3A_1282, %eq3A_1313 : vector<16xf32>
        %select_n3A_1315 = arith.select %eq3A_1314, %broadcast_in_dim3A_3, %broadcast_in_dim3A_5 : vector<16xi1>, vector<16xf32>
        %add3A_1316 = arith.constant 12800 : i32
        %add3A_1317 = arith.addi %add3A_1316, %mul3A_1281 : i32
        %swap3A_1318 = arith.index_cast %add3A_1317 : i32 to index
        %swap3A_1319 = tpu.vector_load %arg7[%swap3A_1318] {strides = array<i32>} : memref<38400xf32, #tpu.memory_space<vmem>>, vector<16xf32>,
        tpu.vector_store %arg7[%swap3A_1318], %select_n3A_1315 {strides = array<i32>} : memref<38400xf32, #tpu.memory_space<vmem>>, vector<16xf32>,
        %eq3A_1320 = arith.constant 5.000000e+00 : f32
        %eq3A_1321 = vector.broadcast %eq3A_1320 : f32 to vector<16xf32>
        %eq3A_1322 = arith.cmpf oeq, %get3A_1282, %eq3A_1321 : vector<16xf32>
        %select_n3A_1323 = arith.select %eq3A_1322, %broadcast_in_dim3A_3, %broadcast_in_dim3A_5 : vector<16xi1>, vector<16xf32>
        %add3A_1324 = arith.constant 16000 : i32
        %add3A_1325 = arith.addi %add3A_1324, %mul3A_1281 : i32
        %swap3A_1326 = arith.index_cast %add3A_1325 : i32 to index
        %swap3A_1327 = tpu.vector_load %arg7[%swap3A_1326] {strides = array<i32>} : memref<38400xf32, #tpu.memory_space<vmem>>, vector<16xf32>,
        tpu.vector_store %arg7[%swap3A_1326], %select_n3A_1323 {strides = array<i32>} : memref<38400xf32, #tpu.memory_space<vmem>>, vector<16xf32>,
        %eq3A_1328 = arith.constant 6.000000e+00 : f32
        %eq3A_1329 = vector.broadcast %eq3A_1328 : f32 to vector<16xf32>
        %eq3A_1330 = arith.cmpf oeq, %get3A_1282, %eq3A_1329 : vector<16xf32>
        %select_n3A_1331 = arith.select %eq3A_1330, %broadcast_in_dim3A_3, %broadcast_in_dim3A_5 : vector<16xi1>, vector<16xf32>
        %add3A_1332 = arith.constant 19200 : i32
        %add3A_1333 = arith.addi %add3A_1332, %mul3A_1281 : i32
        %swap3A_1334 = arith.index_cast %add3A_1333 : i32 to index
        %swap3A_1335 = tpu.vector_load %arg7[%swap3A_1334] {strides = array<i32>} : memref<38400xf32, #tpu.memory_space<vmem>>, vector<16xf32>,
        tpu.vector_store %arg7[%swap3A_1334], %select_n3A_1331 {strides = array<i32>} : memref<38400xf32, #tpu.memory_space<vmem>>, vector<16xf32>,
        %eq3A_1336 = arith.constant 7.000000e+00 : f32
        %eq3A_1337 = vector.broadcast %eq3A_1336 : f32 to vector<16xf32>
        %eq3A_1338 = arith.cmpf oeq, %get3A_1282, %eq3A_1337 : vector<16xf32>
        %select_n3A_1339 = arith.select %eq3A_1338, %broadcast_in_dim3A_3, %broadcast_in_dim3A_5 : vector<16xi1>, vector<16xf32>
        %add3A_1340 = arith.constant 22400 : i32
        %add3A_1341 = arith.addi %add3A_1340, %mul3A_1281 : i32
        %swap3A_1342 = arith.index_cast %add3A_1341 : i32 to index
        %swap3A_1343 = tpu.vector_load %arg7[%swap3A_1342] {strides = array<i32>} : memref<38400xf32, #tpu.memory_space<vmem>>, vector<16xf32>,
        tpu.vector_store %arg7[%swap3A_1342], %select_n3A_1339 {strides = array<i32>} : memref<38400xf32, #tpu.memory_space<vmem>>, vector<16xf32>,
        %eq3A_1344 = arith.constant 8.000000e+00 : f32
        %eq3A_1345 = vector.broadcast %eq3A_1344 : f32 to vector<16xf32>
        %eq3A_1346 = arith.cmpf oeq, %get3A_1282, %eq3A_1345 : vector<16xf32>
        %select_n3A_1347 = arith.select %eq3A_1346, %broadcast_in_dim3A_3, %broadcast_in_dim3A_5 : vector<16xi1>, vector<16xf32>
        %add3A_1348 = arith.constant 25600 : i32
        %add3A_1349 = arith.addi %add3A_1348, %mul3A_1281 : i32
        %swap3A_1350 = arith.index_cast %add3A_1349 : i32 to index
        %swap3A_1351 = tpu.vector_load %arg7[%swap3A_1350] {strides = array<i32>} : memref<38400xf32, #tpu.memory_space<vmem>>, vector<16xf32>,
        tpu.vector_store %arg7[%swap3A_1350], %select_n3A_1347 {strides = array<i32>} : memref<38400xf32, #tpu.memory_space<vmem>>, vector<16xf32>,
        %eq3A_1352 = arith.constant 9.000000e+00 : f32
        %eq3A_1353 = vector.broadcast %eq3A_1352 : f32 to vector<16xf32>
        %eq3A_1354 = arith.cmpf oeq, %get3A_1282, %eq3A_1353 : vector<16xf32>
        %select_n3A_1355 = arith.select %eq3A_1354, %broadcast_in_dim3A_3, %broadcast_in_dim3A_5 : vector<16xi1>, vector<16xf32>
        %add3A_1356 = arith.constant 28800 : i32
        %add3A_1357 = arith.addi %add3A_1356, %mul3A_1281 : i32
        %swap3A_1358 = arith.index_cast %add3A_1357 : i32 to index
        %swap3A_1359 = tpu.vector_load %arg7[%swap3A_1358] {strides = array<i32>} : memref<38400xf32, #tpu.memory_space<vmem>>, vector<16xf32>,
        tpu.vector_store %arg7[%swap3A_1358], %select_n3A_1355 {strides = array<i32>} : memref<38400xf32, #tpu.memory_space<vmem>>, vector<16xf32>,
        %eq3A_1360 = arith.constant 1.000000e+01 : f32
        %eq3A_1361 = vector.broadcast %eq3A_1360 : f32 to vector<16xf32>
        %eq3A_1362 = arith.cmpf oeq, %get3A_1282, %eq3A_1361 : vector<16xf32>
        %select_n3A_1363 = arith.select %eq3A_1362, %broadcast_in_dim3A_3, %broadcast_in_dim3A_5 : vector<16xi1>, vector<16xf32>
        %add3A_1364 = arith.constant 32000 : i32
        %add3A_1365 = arith.addi %add3A_1364, %mul3A_1281 : i32
        %swap3A_1366 = arith.index_cast %add3A_1365 : i32 to index
        %swap3A_1367 = tpu.vector_load %arg7[%swap3A_1366] {strides = array<i32>} : memref<38400xf32, #tpu.memory_space<vmem>>, vector<16xf32>,
        tpu.vector_store %arg7[%swap3A_1366], %select_n3A_1363 {strides = array<i32>} : memref<38400xf32, #tpu.memory_space<vmem>>, vector<16xf32>,
        %eq3A_1368 = arith.constant 1.100000e+01 : f32
        %eq3A_1369 = vector.broadcast %eq3A_1368 : f32 to vector<16xf32>
        %eq3A_1370 = arith.cmpf oeq, %get3A_1282, %eq3A_1369 : vector<16xf32>
        %select_n3A_1371 = arith.select %eq3A_1370, %broadcast_in_dim3A_3, %broadcast_in_dim3A_5 : vector<16xi1>, vector<16xf32>
        %add3A_1372 = arith.constant 35200 : i32
        %add3A_1373 = arith.addi %add3A_1372, %mul3A_1281 : i32
        %swap3A_1374 = arith.index_cast %add3A_1373 : i32 to index
        %swap3A_1375 = tpu.vector_load %arg7[%swap3A_1374] {strides = array<i32>} : memref<38400xf32, #tpu.memory_space<vmem>>, vector<16xf32>,
        tpu.vector_store %arg7[%swap3A_1374], %select_n3A_1371 {strides = array<i32>} : memref<38400xf32, #tpu.memory_space<vmem>>, vector<16xf32>,
        %mul3A_1376 = arith.constant 4 : i32
        %mul3A_1377 = arith.muli %mul3A_1376, %add3A_1275 : i32
        %add3A_1378 = arith.constant 1 : i32
        %add3A_1379 = arith.addi %mul3A_1377, %add3A_1378 : i32
        %mul3A_1380 = arith.constant 16 : i32
        %mul3A_1381 = arith.muli %add3A_1379, %mul3A_1380 : i32
        %get3A_1382 = arith.index_cast %mul3A_1381 : i32 to index
        %get3A_1383 = tpu.vector_load %arg5[%get3A_1382] {strides = array<i32>} : memref<3200xf32, #tpu.memory_space<vmem>>, vector<16xf32>,
        %eq3A_1384 = arith.constant 0.000000e+00 : f32
        %eq3A_1385 = vector.broadcast %eq3A_1384 : f32 to vector<16xf32>
        %eq3A_1386 = arith.cmpf oeq, %get3A_1383, %eq3A_1385 : vector<16xf32>
        %select_n3A_1387 = arith.select %eq3A_1386, %broadcast_in_dim3A_3, %broadcast_in_dim3A_5 : vector<16xi1>, vector<16xf32>
        %add3A_1388 = arith.constant 0 : i32
        %add3A_1389 = arith.addi %add3A_1388, %mul3A_1381 : i32
        %swap3A_1390 = arith.index_cast %add3A_1389 : i32 to index
        %swap3A_1391 = tpu.vector_load %arg7[%swap3A_1390] {strides = array<i32>} : memref<38400xf32, #tpu.memory_space<vmem>>, vector<16xf32>,
        tpu.vector_store %arg7[%swap3A_1390], %select_n3A_1387 {strides = array<i32>} : memref<38400xf32, #tpu.memory_space<vmem>>, vector<16xf32>,
        %eq3A_1392 = arith.constant 1.000000e+00 : f32
        %eq3A_1393 = vector.broadcast %eq3A_1392 : f32 to vector<16xf32>
        %eq3A_1394 = arith.cmpf oeq, %get3A_1383, %eq3A_1393 : vector<16xf32>
        %select_n3A_1395 = arith.select %eq3A_1394, %broadcast_in_dim3A_3, %broadcast_in_dim3A_5 : vector<16xi1>, vector<16xf32>
        %add3A_1396 = arith.constant 3200 : i32
        %add3A_1397 = arith.addi %add3A_1396, %mul3A_1381 : i32
        %swap3A_1398 = arith.index_cast %add3A_1397 : i32 to index
        %swap3A_1399 = tpu.vector_load %arg7[%swap3A_1398] {strides = array<i32>} : memref<38400xf32, #tpu.memory_space<vmem>>, vector<16xf32>,
        tpu.vector_store %arg7[%swap3A_1398], %select_n3A_1395 {strides = array<i32>} : memref<38400xf32, #tpu.memory_space<vmem>>, vector<16xf32>,
        %eq3A_1400 = arith.constant 2.000000e+00 : f32
        %eq3A_1401 = vector.broadcast %eq3A_1400 : f32 to vector<16xf32>
        %eq3A_1402 = arith.cmpf oeq, %get3A_1383, %eq3A_1401 : vector<16xf32>
        %select_n3A_1403 = arith.select %eq3A_1402, %broadcast_in_dim3A_3, %broadcast_in_dim3A_5 : vector<16xi1>, vector<16xf32>
        %add3A_1404 = arith.constant 6400 : i32
        %add3A_1405 = arith.addi %add3A_1404, %mul3A_1381 : i32
        %swap3A_1406 = arith.index_cast %add3A_1405 : i32 to index
        %swap3A_1407 = tpu.vector_load %arg7[%swap3A_1406] {strides = array<i32>} : memref<38400xf32, #tpu.memory_space<vmem>>, vector<16xf32>,
        tpu.vector_store %arg7[%swap3A_1406], %select_n3A_1403 {strides = array<i32>} : memref<38400xf32, #tpu.memory_space<vmem>>, vector<16xf32>,
        %eq3A_1408 = arith.constant 3.000000e+00 : f32
        %eq3A_1409 = vector.broadcast %eq3A_1408 : f32 to vector<16xf32>
        %eq3A_1410 = arith.cmpf oeq, %get3A_1383, %eq3A_1409 : vector<16xf32>
        %select_n3A_1411 = arith.select %eq3A_1410, %broadcast_in_dim3A_3, %broadcast_in_dim3A_5 : vector<16xi1>, vector<16xf32>
        %add3A_1412 = arith.constant 9600 : i32
        %add3A_1413 = arith.addi %add3A_1412, %mul3A_1381 : i32
        %swap3A_1414 = arith.index_cast %add3A_1413 : i32 to index
        %swap3A_1415 = tpu.vector_load %arg7[%swap3A_1414] {strides = array<i32>} : memref<38400xf32, #tpu.memory_space<vmem>>, vector<16xf32>,
        tpu.vector_store %arg7[%swap3A_1414], %select_n3A_1411 {strides = array<i32>} : memref<38400xf32, #tpu.memory_space<vmem>>, vector<16xf32>,
        %eq3A_1416 = arith.constant 4.000000e+00 : f32
        %eq3A_1417 = vector.broadcast %eq3A_1416 : f32 to vector<16xf32>
        %eq3A_1418 = arith.cmpf oeq, %get3A_1383, %eq3A_1417 : vector<16xf32>
        %select_n3A_1419 = arith.select %eq3A_1418, %broadcast_in_dim3A_3, %broadcast_in_dim3A_5 : vector<16xi1>, vector<16xf32>
        %add3A_1420 = arith.constant 12800 : i32
        %add3A_1421 = arith.addi %add3A_1420, %mul3A_1381 : i32
        %swap3A_1422 = arith.index_cast %add3A_1421 : i32 to index
        %swap3A_1423 = tpu.vector_load %arg7[%swap3A_1422] {strides = array<i32>} : memref<38400xf32, #tpu.memory_space<vmem>>, vector<16xf32>,
        tpu.vector_store %arg7[%swap3A_1422], %select_n3A_1419 {strides = array<i32>} : memref<38400xf32, #tpu.memory_space<vmem>>, vector<16xf32>,
        %eq3A_1424 = arith.constant 5.000000e+00 : f32
        %eq3A_1425 = vector.broadcast %eq3A_1424 : f32 to vector<16xf32>
        %eq3A_1426 = arith.cmpf oeq, %get3A_1383, %eq3A_1425 : vector<16xf32>
        %select_n3A_1427 = arith.select %eq3A_1426, %broadcast_in_dim3A_3, %broadcast_in_dim3A_5 : vector<16xi1>, vector<16xf32>
        %add3A_1428 = arith.constant 16000 : i32
        %add3A_1429 = arith.addi %add3A_1428, %mul3A_1381 : i32
        %swap3A_1430 = arith.index_cast %add3A_1429 : i32 to index
        %swap3A_1431 = tpu.vector_load %arg7[%swap3A_1430] {strides = array<i32>} : memref<38400xf32, #tpu.memory_space<vmem>>, vector<16xf32>,
        tpu.vector_store %arg7[%swap3A_1430], %select_n3A_1427 {strides = array<i32>} : memref<38400xf32, #tpu.memory_space<vmem>>, vector<16xf32>,
        %eq3A_1432 = arith.constant 6.000000e+00 : f32
        %eq3A_1433 = vector.broadcast %eq3A_1432 : f32 to vector<16xf32>
        %eq3A_1434 = arith.cmpf oeq, %get3A_1383, %eq3A_1433 : vector<16xf32>
        %select_n3A_1435 = arith.select %eq3A_1434, %broadcast_in_dim3A_3, %broadcast_in_dim3A_5 : vector<16xi1>, vector<16xf32>
        %add3A_1436 = arith.constant 19200 : i32
        %add3A_1437 = arith.addi %add3A_1436, %mul3A_1381 : i32
        %swap3A_1438 = arith.index_cast %add3A_1437 : i32 to index
        %swap3A_1439 = tpu.vector_load %arg7[%swap3A_1438] {strides = array<i32>} : memref<38400xf32, #tpu.memory_space<vmem>>, vector<16xf32>,
        tpu.vector_store %arg7[%swap3A_1438], %select_n3A_1435 {strides = array<i32>} : memref<38400xf32, #tpu.memory_space<vmem>>, vector<16xf32>,
        %eq3A_1440 = arith.constant 7.000000e+00 : f32
        %eq3A_1441 = vector.broadcast %eq3A_1440 : f32 to vector<16xf32>
        %eq3A_1442 = arith.cmpf oeq, %get3A_1383, %eq3A_1441 : vector<16xf32>
        %select_n3A_1443 = arith.select %eq3A_1442, %broadcast_in_dim3A_3, %broadcast_in_dim3A_5 : vector<16xi1>, vector<16xf32>
        %add3A_1444 = arith.constant 22400 : i32
        %add3A_1445 = arith.addi %add3A_1444, %mul3A_1381 : i32
        %swap3A_1446 = arith.index_cast %add3A_1445 : i32 to index
        %swap3A_1447 = tpu.vector_load %arg7[%swap3A_1446] {strides = array<i32>} : memref<38400xf32, #tpu.memory_space<vmem>>, vector<16xf32>,
        tpu.vector_store %arg7[%swap3A_1446], %select_n3A_1443 {strides = array<i32>} : memref<38400xf32, #tpu.memory_space<vmem>>, vector<16xf32>,
        %eq3A_1448 = arith.constant 8.000000e+00 : f32
        %eq3A_1449 = vector.broadcast %eq3A_1448 : f32 to vector<16xf32>
        %eq3A_1450 = arith.cmpf oeq, %get3A_1383, %eq3A_1449 : vector<16xf32>
        %select_n3A_1451 = arith.select %eq3A_1450, %broadcast_in_dim3A_3, %broadcast_in_dim3A_5 : vector<16xi1>, vector<16xf32>
        %add3A_1452 = arith.constant 25600 : i32
        %add3A_1453 = arith.addi %add3A_1452, %mul3A_1381 : i32
        %swap3A_1454 = arith.index_cast %add3A_1453 : i32 to index
        %swap3A_1455 = tpu.vector_load %arg7[%swap3A_1454] {strides = array<i32>} : memref<38400xf32, #tpu.memory_space<vmem>>, vector<16xf32>,
        tpu.vector_store %arg7[%swap3A_1454], %select_n3A_1451 {strides = array<i32>} : memref<38400xf32, #tpu.memory_space<vmem>>, vector<16xf32>,
        %eq3A_1456 = arith.constant 9.000000e+00 : f32
        %eq3A_1457 = vector.broadcast %eq3A_1456 : f32 to vector<16xf32>
        %eq3A_1458 = arith.cmpf oeq, %get3A_1383, %eq3A_1457 : vector<16xf32>
        %select_n3A_1459 = arith.select %eq3A_1458, %broadcast_in_dim3A_3, %broadcast_in_dim3A_5 : vector<16xi1>, vector<16xf32>
        %add3A_1460 = arith.constant 28800 : i32
        %add3A_1461 = arith.addi %add3A_1460, %mul3A_1381 : i32
        %swap3A_1462 = arith.index_cast %add3A_1461 : i32 to index
        %swap3A_1463 = tpu.vector_load %arg7[%swap3A_1462] {strides = array<i32>} : memref<38400xf32, #tpu.memory_space<vmem>>, vector<16xf32>,
        tpu.vector_store %arg7[%swap3A_1462], %select_n3A_1459 {strides = array<i32>} : memref<38400xf32, #tpu.memory_space<vmem>>, vector<16xf32>,
        %eq3A_1464 = arith.constant 1.000000e+01 : f32
        %eq3A_1465 = vector.broadcast %eq3A_1464 : f32 to vector<16xf32>
        %eq3A_1466 = arith.cmpf oeq, %get3A_1383, %eq3A_1465 : vector<16xf32>
        %select_n3A_1467 = arith.select %eq3A_1466, %broadcast_in_dim3A_3, %broadcast_in_dim3A_5 : vector<16xi1>, vector<16xf32>
        %add3A_1468 = arith.constant 32000 : i32
        %add3A_1469 = arith.addi %add3A_1468, %mul3A_1381 : i32
        %swap3A_1470 = arith.index_cast %add3A_1469 : i32 to index
        %swap3A_1471 = tpu.vector_load %arg7[%swap3A_1470] {strides = array<i32>} : memref<38400xf32, #tpu.memory_space<vmem>>, vector<16xf32>,
        tpu.vector_store %arg7[%swap3A_1470], %select_n3A_1467 {strides = array<i32>} : memref<38400xf32, #tpu.memory_space<vmem>>, vector<16xf32>,
        %eq3A_1472 = arith.constant 1.100000e+01 : f32
        %eq3A_1473 = vector.broadcast %eq3A_1472 : f32 to vector<16xf32>
        %eq3A_1474 = arith.cmpf oeq, %get3A_1383, %eq3A_1473 : vector<16xf32>
        %select_n3A_1475 = arith.select %eq3A_1474, %broadcast_in_dim3A_3, %broadcast_in_dim3A_5 : vector<16xi1>, vector<16xf32>
        %add3A_1476 = arith.constant 35200 : i32
        %add3A_1477 = arith.addi %add3A_1476, %mul3A_1381 : i32
        %swap3A_1478 = arith.index_cast %add3A_1477 : i32 to index
        %swap3A_1479 = tpu.vector_load %arg7[%swap3A_1478] {strides = array<i32>} : memref<38400xf32, #tpu.memory_space<vmem>>, vector<16xf32>,
        tpu.vector_store %arg7[%swap3A_1478], %select_n3A_1475 {strides = array<i32>} : memref<38400xf32, #tpu.memory_space<vmem>>, vector<16xf32>,
        %mul3A_1480 = arith.constant 4 : i32
        %mul3A_1481 = arith.muli %mul3A_1480, %add3A_1275 : i32
        %add3A_1482 = arith.constant 2 : i32
        %add3A_1483 = arith.addi %mul3A_1481, %add3A_1482 : i32
        %mul3A_1484 = arith.constant 16 : i32
        %mul3A_1485 = arith.muli %add3A_1483, %mul3A_1484 : i32
        %get3A_1486 = arith.index_cast %mul3A_1485 : i32 to index
        %get3A_1487 = tpu.vector_load %arg5[%get3A_1486] {strides = array<i32>} : memref<3200xf32, #tpu.memory_space<vmem>>, vector<16xf32>,
        %eq3A_1488 = arith.constant 0.000000e+00 : f32
        %eq3A_1489 = vector.broadcast %eq3A_1488 : f32 to vector<16xf32>
        %eq3A_1490 = arith.cmpf oeq, %get3A_1487, %eq3A_1489 : vector<16xf32>
        %select_n3A_1491 = arith.select %eq3A_1490, %broadcast_in_dim3A_3, %broadcast_in_dim3A_5 : vector<16xi1>, vector<16xf32>
        %add3A_1492 = arith.constant 0 : i32
        %add3A_1493 = arith.addi %add3A_1492, %mul3A_1485 : i32
        %swap3A_1494 = arith.index_cast %add3A_1493 : i32 to index
        %swap3A_1495 = tpu.vector_load %arg7[%swap3A_1494] {strides = array<i32>} : memref<38400xf32, #tpu.memory_space<vmem>>, vector<16xf32>,
        tpu.vector_store %arg7[%swap3A_1494], %select_n3A_1491 {strides = array<i32>} : memref<38400xf32, #tpu.memory_space<vmem>>, vector<16xf32>,
        %eq3A_1496 = arith.constant 1.000000e+00 : f32
        %eq3A_1497 = vector.broadcast %eq3A_1496 : f32 to vector<16xf32>
        %eq3A_1498 = arith.cmpf oeq, %get3A_1487, %eq3A_1497 : vector<16xf32>
        %select_n3A_1499 = arith.select %eq3A_1498, %broadcast_in_dim3A_3, %broadcast_in_dim3A_5 : vector<16xi1>, vector<16xf32>
        %add3A_1500 = arith.constant 3200 : i32
        %add3A_1501 = arith.addi %add3A_1500, %mul3A_1485 : i32
        %swap3A_1502 = arith.index_cast %add3A_1501 : i32 to index
        %swap3A_1503 = tpu.vector_load %arg7[%swap3A_1502] {strides = array<i32>} : memref<38400xf32, #tpu.memory_space<vmem>>, vector<16xf32>,
        tpu.vector_store %arg7[%swap3A_1502], %select_n3A_1499 {strides = array<i32>} : memref<38400xf32, #tpu.memory_space<vmem>>, vector<16xf32>,
        %eq3A_1504 = arith.constant 2.000000e+00 : f32
        %eq3A_1505 = vector.broadcast %eq3A_1504 : f32 to vector<16xf32>
        %eq3A_1506 = arith.cmpf oeq, %get3A_1487, %eq3A_1505 : vector<16xf32>
        %select_n3A_1507 = arith.select %eq3A_1506, %broadcast_in_dim3A_3, %broadcast_in_dim3A_5 : vector<16xi1>, vector<16xf32>
        %add3A_1508 = arith.constant 6400 : i32
        %add3A_1509 = arith.addi %add3A_1508, %mul3A_1485 : i32
        %swap3A_1510 = arith.index_cast %add3A_1509 : i32 to index
        %swap3A_1511 = tpu.vector_load %arg7[%swap3A_1510] {strides = array<i32>} : memref<38400xf32, #tpu.memory_space<vmem>>, vector<16xf32>,
        tpu.vector_store %arg7[%swap3A_1510], %select_n3A_1507 {strides = array<i32>} : memref<38400xf32, #tpu.memory_space<vmem>>, vector<16xf32>,
        %eq3A_1512 = arith.constant 3.000000e+00 : f32
        %eq3A_1513 = vector.broadcast %eq3A_1512 : f32 to vector<16xf32>
        %eq3A_1514 = arith.cmpf oeq, %get3A_1487, %eq3A_1513 : vector<16xf32>
        %select_n3A_1515 = arith.select %eq3A_1514, %broadcast_in_dim3A_3, %broadcast_in_dim3A_5 : vector<16xi1>, vector<16xf32>
        %add3A_1516 = arith.constant 9600 : i32
        %add3A_1517 = arith.addi %add3A_1516, %mul3A_1485 : i32
        %swap3A_1518 = arith.index_cast %add3A_1517 : i32 to index
        %swap3A_1519 = tpu.vector_load %arg7[%swap3A_1518] {strides = array<i32>} : memref<38400xf32, #tpu.memory_space<vmem>>, vector<16xf32>,
        tpu.vector_store %arg7[%swap3A_1518], %select_n3A_1515 {strides = array<i32>} : memref<38400xf32, #tpu.memory_space<vmem>>, vector<16xf32>,
        %eq3A_1520 = arith.constant 4.000000e+00 : f32
        %eq3A_1521 = vector.broadcast %eq3A_1520 : f32 to vector<16xf32>
        %eq3A_1522 = arith.cmpf oeq, %get3A_1487, %eq3A_1521 : vector<16xf32>
        %select_n3A_1523 = arith.select %eq3A_1522, %broadcast_in_dim3A_3, %broadcast_in_dim3A_5 : vector<16xi1>, vector<16xf32>
        %add3A_1524 = arith.constant 12800 : i32
        %add3A_1525 = arith.addi %add3A_1524, %mul3A_1485 : i32
        %swap3A_1526 = arith.index_cast %add3A_1525 : i32 to index
        %swap3A_1527 = tpu.vector_load %arg7[%swap3A_1526] {strides = array<i32>} : memref<38400xf32, #tpu.memory_space<vmem>>, vector<16xf32>,
        tpu.vector_store %arg7[%swap3A_1526], %select_n3A_1523 {strides = array<i32>} : memref<38400xf32, #tpu.memory_space<vmem>>, vector<16xf32>,
        %eq3A_1528 = arith.constant 5.000000e+00 : f32
        %eq3A_1529 = vector.broadcast %eq3A_1528 : f32 to vector<16xf32>
        %eq3A_1530 = arith.cmpf oeq, %get3A_1487, %eq3A_1529 : vector<16xf32>
        %select_n3A_1531 = arith.select %eq3A_1530, %broadcast_in_dim3A_3, %broadcast_in_dim3A_5 : vector<16xi1>, vector<16xf32>
        %add3A_1532 = arith.constant 16000 : i32
        %add3A_1533 = arith.addi %add3A_1532, %mul3A_1485 : i32
        %swap3A_1534 = arith.index_cast %add3A_1533 : i32 to index
        %swap3A_1535 = tpu.vector_load %arg7[%swap3A_1534] {strides = array<i32>} : memref<38400xf32, #tpu.memory_space<vmem>>, vector<16xf32>,
        tpu.vector_store %arg7[%swap3A_1534], %select_n3A_1531 {strides = array<i32>} : memref<38400xf32, #tpu.memory_space<vmem>>, vector<16xf32>,
        %eq3A_1536 = arith.constant 6.000000e+00 : f32
        %eq3A_1537 = vector.broadcast %eq3A_1536 : f32 to vector<16xf32>
        %eq3A_1538 = arith.cmpf oeq, %get3A_1487, %eq3A_1537 : vector<16xf32>
        %select_n3A_1539 = arith.select %eq3A_1538, %broadcast_in_dim3A_3, %broadcast_in_dim3A_5 : vector<16xi1>, vector<16xf32>
        %add3A_1540 = arith.constant 19200 : i32
        %add3A_1541 = arith.addi %add3A_1540, %mul3A_1485 : i32
        %swap3A_1542 = arith.index_cast %add3A_1541 : i32 to index
        %swap3A_1543 = tpu.vector_load %arg7[%swap3A_1542] {strides = array<i32>} : memref<38400xf32, #tpu.memory_space<vmem>>, vector<16xf32>,
        tpu.vector_store %arg7[%swap3A_1542], %select_n3A_1539 {strides = array<i32>} : memref<38400xf32, #tpu.memory_space<vmem>>, vector<16xf32>,
        %eq3A_1544 = arith.constant 7.000000e+00 : f32
        %eq3A_1545 = vector.broadcast %eq3A_1544 : f32 to vector<16xf32>
        %eq3A_1546 = arith.cmpf oeq, %get3A_1487, %eq3A_1545 : vector<16xf32>
        %select_n3A_1547 = arith.select %eq3A_1546, %broadcast_in_dim3A_3, %broadcast_in_dim3A_5 : vector<16xi1>, vector<16xf32>
        %add3A_1548 = arith.constant 22400 : i32
        %add3A_1549 = arith.addi %add3A_1548, %mul3A_1485 : i32
        %swap3A_1550 = arith.index_cast %add3A_1549 : i32 to index
        %swap3A_1551 = tpu.vector_load %arg7[%swap3A_1550] {strides = array<i32>} : memref<38400xf32, #tpu.memory_space<vmem>>, vector<16xf32>,
        tpu.vector_store %arg7[%swap3A_1550], %select_n3A_1547 {strides = array<i32>} : memref<38400xf32, #tpu.memory_space<vmem>>, vector<16xf32>,
        %eq3A_1552 = arith.constant 8.000000e+00 : f32
        %eq3A_1553 = vector.broadcast %eq3A_1552 : f32 to vector<16xf32>
        %eq3A_1554 = arith.cmpf oeq, %get3A_1487, %eq3A_1553 : vector<16xf32>
        %select_n3A_1555 = arith.select %eq3A_1554, %broadcast_in_dim3A_3, %broadcast_in_dim3A_5 : vector<16xi1>, vector<16xf32>
        %add3A_1556 = arith.constant 25600 : i32
        %add3A_1557 = arith.addi %add3A_1556, %mul3A_1485 : i32
        %swap3A_1558 = arith.index_cast %add3A_1557 : i32 to index
        %swap3A_1559 = tpu.vector_load %arg7[%swap3A_1558] {strides = array<i32>} : memref<38400xf32, #tpu.memory_space<vmem>>, vector<16xf32>,
        tpu.vector_store %arg7[%swap3A_1558], %select_n3A_1555 {strides = array<i32>} : memref<38400xf32, #tpu.memory_space<vmem>>, vector<16xf32>,
        %eq3A_1560 = arith.constant 9.000000e+00 : f32
        %eq3A_1561 = vector.broadcast %eq3A_1560 : f32 to vector<16xf32>
        %eq3A_1562 = arith.cmpf oeq, %get3A_1487, %eq3A_1561 : vector<16xf32>
        %select_n3A_1563 = arith.select %eq3A_1562, %broadcast_in_dim3A_3, %broadcast_in_dim3A_5 : vector<16xi1>, vector<16xf32>
        %add3A_1564 = arith.constant 28800 : i32
        %add3A_1565 = arith.addi %add3A_1564, %mul3A_1485 : i32
        %swap3A_1566 = arith.index_cast %add3A_1565 : i32 to index
        %swap3A_1567 = tpu.vector_load %arg7[%swap3A_1566] {strides = array<i32>} : memref<38400xf32, #tpu.memory_space<vmem>>, vector<16xf32>,
        tpu.vector_store %arg7[%swap3A_1566], %select_n3A_1563 {strides = array<i32>} : memref<38400xf32, #tpu.memory_space<vmem>>, vector<16xf32>,
        %eq3A_1568 = arith.constant 1.000000e+01 : f32
        %eq3A_1569 = vector.broadcast %eq3A_1568 : f32 to vector<16xf32>
        %eq3A_1570 = arith.cmpf oeq, %get3A_1487, %eq3A_1569 : vector<16xf32>
        %select_n3A_1571 = arith.select %eq3A_1570, %broadcast_in_dim3A_3, %broadcast_in_dim3A_5 : vector<16xi1>, vector<16xf32>
        %add3A_1572 = arith.constant 32000 : i32
        %add3A_1573 = arith.addi %add3A_1572, %mul3A_1485 : i32
        %swap3A_1574 = arith.index_cast %add3A_1573 : i32 to index
        %swap3A_1575 = tpu.vector_load %arg7[%swap3A_1574] {strides = array<i32>} : memref<38400xf32, #tpu.memory_space<vmem>>, vector<16xf32>,
        tpu.vector_store %arg7[%swap3A_1574], %select_n3A_1571 {strides = array<i32>} : memref<38400xf32, #tpu.memory_space<vmem>>, vector<16xf32>,
        %eq3A_1576 = arith.constant 1.100000e+01 : f32
        %eq3A_1577 = vector.broadcast %eq3A_1576 : f32 to vector<16xf32>
        %eq3A_1578 = arith.cmpf oeq, %get3A_1487, %eq3A_1577 : vector<16xf32>
        %select_n3A_1579 = arith.select %eq3A_1578, %broadcast_in_dim3A_3, %broadcast_in_dim3A_5 : vector<16xi1>, vector<16xf32>
        %add3A_1580 = arith.constant 35200 : i32
        %add3A_1581 = arith.addi %add3A_1580, %mul3A_1485 : i32
        %swap3A_1582 = arith.index_cast %add3A_1581 : i32 to index
        %swap3A_1583 = tpu.vector_load %arg7[%swap3A_1582] {strides = array<i32>} : memref<38400xf32, #tpu.memory_space<vmem>>, vector<16xf32>,
        tpu.vector_store %arg7[%swap3A_1582], %select_n3A_1579 {strides = array<i32>} : memref<38400xf32, #tpu.memory_space<vmem>>, vector<16xf32>,
        %mul3A_1584 = arith.constant 4 : i32
        %mul3A_1585 = arith.muli %mul3A_1584, %add3A_1275 : i32
        %add3A_1586 = arith.constant 3 : i32
        %add3A_1587 = arith.addi %mul3A_1585, %add3A_1586 : i32
        %mul3A_1588 = arith.constant 16 : i32
        %mul3A_1589 = arith.muli %add3A_1587, %mul3A_1588 : i32
        %get3A_1590 = arith.index_cast %mul3A_1589 : i32 to index
        %get3A_1591 = tpu.vector_load %arg5[%get3A_1590] {strides = array<i32>} : memref<3200xf32, #tpu.memory_space<vmem>>, vector<16xf32>,
        %eq3A_1592 = arith.constant 0.000000e+00 : f32
        %eq3A_1593 = vector.broadcast %eq3A_1592 : f32 to vector<16xf32>
        %eq3A_1594 = arith.cmpf oeq, %get3A_1591, %eq3A_1593 : vector<16xf32>
        %select_n3A_1595 = arith.select %eq3A_1594, %broadcast_in_dim3A_3, %broadcast_in_dim3A_5 : vector<16xi1>, vector<16xf32>
        %add3A_1596 = arith.constant 0 : i32
        %add3A_1597 = arith.addi %add3A_1596, %mul3A_1589 : i32
        %swap3A_1598 = arith.index_cast %add3A_1597 : i32 to index
        %swap3A_1599 = tpu.vector_load %arg7[%swap3A_1598] {strides = array<i32>} : memref<38400xf32, #tpu.memory_space<vmem>>, vector<16xf32>,
        tpu.vector_store %arg7[%swap3A_1598], %select_n3A_1595 {strides = array<i32>} : memref<38400xf32, #tpu.memory_space<vmem>>, vector<16xf32>,
        %eq3A_1600 = arith.constant 1.000000e+00 : f32
        %eq3A_1601 = vector.broadcast %eq3A_1600 : f32 to vector<16xf32>
        %eq3A_1602 = arith.cmpf oeq, %get3A_1591, %eq3A_1601 : vector<16xf32>
        %select_n3A_1603 = arith.select %eq3A_1602, %broadcast_in_dim3A_3, %broadcast_in_dim3A_5 : vector<16xi1>, vector<16xf32>
        %add3A_1604 = arith.constant 3200 : i32
        %add3A_1605 = arith.addi %add3A_1604, %mul3A_1589 : i32
        %swap3A_1606 = arith.index_cast %add3A_1605 : i32 to index
        %swap3A_1607 = tpu.vector_load %arg7[%swap3A_1606] {strides = array<i32>} : memref<38400xf32, #tpu.memory_space<vmem>>, vector<16xf32>,
        tpu.vector_store %arg7[%swap3A_1606], %select_n3A_1603 {strides = array<i32>} : memref<38400xf32, #tpu.memory_space<vmem>>, vector<16xf32>,
        %eq3A_1608 = arith.constant 2.000000e+00 : f32
        %eq3A_1609 = vector.broadcast %eq3A_1608 : f32 to vector<16xf32>
        %eq3A_1610 = arith.cmpf oeq, %get3A_1591, %eq3A_1609 : vector<16xf32>
        %select_n3A_1611 = arith.select %eq3A_1610, %broadcast_in_dim3A_3, %broadcast_in_dim3A_5 : vector<16xi1>, vector<16xf32>
        %add3A_1612 = arith.constant 6400 : i32
        %add3A_1613 = arith.addi %add3A_1612, %mul3A_1589 : i32
        %swap3A_1614 = arith.index_cast %add3A_1613 : i32 to index
        %swap3A_1615 = tpu.vector_load %arg7[%swap3A_1614] {strides = array<i32>} : memref<38400xf32, #tpu.memory_space<vmem>>, vector<16xf32>,
        tpu.vector_store %arg7[%swap3A_1614], %select_n3A_1611 {strides = array<i32>} : memref<38400xf32, #tpu.memory_space<vmem>>, vector<16xf32>,
        %eq3A_1616 = arith.constant 3.000000e+00 : f32
        %eq3A_1617 = vector.broadcast %eq3A_1616 : f32 to vector<16xf32>
        %eq3A_1618 = arith.cmpf oeq, %get3A_1591, %eq3A_1617 : vector<16xf32>
        %select_n3A_1619 = arith.select %eq3A_1618, %broadcast_in_dim3A_3, %broadcast_in_dim3A_5 : vector<16xi1>, vector<16xf32>
        %add3A_1620 = arith.constant 9600 : i32
        %add3A_1621 = arith.addi %add3A_1620, %mul3A_1589 : i32
        %swap3A_1622 = arith.index_cast %add3A_1621 : i32 to index
        %swap3A_1623 = tpu.vector_load %arg7[%swap3A_1622] {strides = array<i32>} : memref<38400xf32, #tpu.memory_space<vmem>>, vector<16xf32>,
        tpu.vector_store %arg7[%swap3A_1622], %select_n3A_1619 {strides = array<i32>} : memref<38400xf32, #tpu.memory_space<vmem>>, vector<16xf32>,
        %eq3A_1624 = arith.constant 4.000000e+00 : f32
        %eq3A_1625 = vector.broadcast %eq3A_1624 : f32 to vector<16xf32>
        %eq3A_1626 = arith.cmpf oeq, %get3A_1591, %eq3A_1625 : vector<16xf32>
        %select_n3A_1627 = arith.select %eq3A_1626, %broadcast_in_dim3A_3, %broadcast_in_dim3A_5 : vector<16xi1>, vector<16xf32>
        %add3A_1628 = arith.constant 12800 : i32
        %add3A_1629 = arith.addi %add3A_1628, %mul3A_1589 : i32
        %swap3A_1630 = arith.index_cast %add3A_1629 : i32 to index
        %swap3A_1631 = tpu.vector_load %arg7[%swap3A_1630] {strides = array<i32>} : memref<38400xf32, #tpu.memory_space<vmem>>, vector<16xf32>,
        tpu.vector_store %arg7[%swap3A_1630], %select_n3A_1627 {strides = array<i32>} : memref<38400xf32, #tpu.memory_space<vmem>>, vector<16xf32>,
        %eq3A_1632 = arith.constant 5.000000e+00 : f32
        %eq3A_1633 = vector.broadcast %eq3A_1632 : f32 to vector<16xf32>
        %eq3A_1634 = arith.cmpf oeq, %get3A_1591, %eq3A_1633 : vector<16xf32>
        %select_n3A_1635 = arith.select %eq3A_1634, %broadcast_in_dim3A_3, %broadcast_in_dim3A_5 : vector<16xi1>, vector<16xf32>
        %add3A_1636 = arith.constant 16000 : i32
        %add3A_1637 = arith.addi %add3A_1636, %mul3A_1589 : i32
        %swap3A_1638 = arith.index_cast %add3A_1637 : i32 to index
        %swap3A_1639 = tpu.vector_load %arg7[%swap3A_1638] {strides = array<i32>} : memref<38400xf32, #tpu.memory_space<vmem>>, vector<16xf32>,
        tpu.vector_store %arg7[%swap3A_1638], %select_n3A_1635 {strides = array<i32>} : memref<38400xf32, #tpu.memory_space<vmem>>, vector<16xf32>,
        %eq3A_1640 = arith.constant 6.000000e+00 : f32
        %eq3A_1641 = vector.broadcast %eq3A_1640 : f32 to vector<16xf32>
        %eq3A_1642 = arith.cmpf oeq, %get3A_1591, %eq3A_1641 : vector<16xf32>
        %select_n3A_1643 = arith.select %eq3A_1642, %broadcast_in_dim3A_3, %broadcast_in_dim3A_5 : vector<16xi1>, vector<16xf32>
        %add3A_1644 = arith.constant 19200 : i32
        %add3A_1645 = arith.addi %add3A_1644, %mul3A_1589 : i32
        %swap3A_1646 = arith.index_cast %add3A_1645 : i32 to index
        %swap3A_1647 = tpu.vector_load %arg7[%swap3A_1646] {strides = array<i32>} : memref<38400xf32, #tpu.memory_space<vmem>>, vector<16xf32>,
        tpu.vector_store %arg7[%swap3A_1646], %select_n3A_1643 {strides = array<i32>} : memref<38400xf32, #tpu.memory_space<vmem>>, vector<16xf32>,
        %eq3A_1648 = arith.constant 7.000000e+00 : f32
        %eq3A_1649 = vector.broadcast %eq3A_1648 : f32 to vector<16xf32>
        %eq3A_1650 = arith.cmpf oeq, %get3A_1591, %eq3A_1649 : vector<16xf32>
        %select_n3A_1651 = arith.select %eq3A_1650, %broadcast_in_dim3A_3, %broadcast_in_dim3A_5 : vector<16xi1>, vector<16xf32>
        %add3A_1652 = arith.constant 22400 : i32
        %add3A_1653 = arith.addi %add3A_1652, %mul3A_1589 : i32
        %swap3A_1654 = arith.index_cast %add3A_1653 : i32 to index
        %swap3A_1655 = tpu.vector_load %arg7[%swap3A_1654] {strides = array<i32>} : memref<38400xf32, #tpu.memory_space<vmem>>, vector<16xf32>,
        tpu.vector_store %arg7[%swap3A_1654], %select_n3A_1651 {strides = array<i32>} : memref<38400xf32, #tpu.memory_space<vmem>>, vector<16xf32>,
        %eq3A_1656 = arith.constant 8.000000e+00 : f32
        %eq3A_1657 = vector.broadcast %eq3A_1656 : f32 to vector<16xf32>
        %eq3A_1658 = arith.cmpf oeq, %get3A_1591, %eq3A_1657 : vector<16xf32>
        %select_n3A_1659 = arith.select %eq3A_1658, %broadcast_in_dim3A_3, %broadcast_in_dim3A_5 : vector<16xi1>, vector<16xf32>
        %add3A_1660 = arith.constant 25600 : i32
        %add3A_1661 = arith.addi %add3A_1660, %mul3A_1589 : i32
        %swap3A_1662 = arith.index_cast %add3A_1661 : i32 to index
        %swap3A_1663 = tpu.vector_load %arg7[%swap3A_1662] {strides = array<i32>} : memref<38400xf32, #tpu.memory_space<vmem>>, vector<16xf32>,
        tpu.vector_store %arg7[%swap3A_1662], %select_n3A_1659 {strides = array<i32>} : memref<38400xf32, #tpu.memory_space<vmem>>, vector<16xf32>,
        %eq3A_1664 = arith.constant 9.000000e+00 : f32
        %eq3A_1665 = vector.broadcast %eq3A_1664 : f32 to vector<16xf32>
        %eq3A_1666 = arith.cmpf oeq, %get3A_1591, %eq3A_1665 : vector<16xf32>
        %select_n3A_1667 = arith.select %eq3A_1666, %broadcast_in_dim3A_3, %broadcast_in_dim3A_5 : vector<16xi1>, vector<16xf32>
        %add3A_1668 = arith.constant 28800 : i32
        %add3A_1669 = arith.addi %add3A_1668, %mul3A_1589 : i32
        %swap3A_1670 = arith.index_cast %add3A_1669 : i32 to index
        %swap3A_1671 = tpu.vector_load %arg7[%swap3A_1670] {strides = array<i32>} : memref<38400xf32, #tpu.memory_space<vmem>>, vector<16xf32>,
        tpu.vector_store %arg7[%swap3A_1670], %select_n3A_1667 {strides = array<i32>} : memref<38400xf32, #tpu.memory_space<vmem>>, vector<16xf32>,
        %eq3A_1672 = arith.constant 1.000000e+01 : f32
        %eq3A_1673 = vector.broadcast %eq3A_1672 : f32 to vector<16xf32>
        %eq3A_1674 = arith.cmpf oeq, %get3A_1591, %eq3A_1673 : vector<16xf32>
        %select_n3A_1675 = arith.select %eq3A_1674, %broadcast_in_dim3A_3, %broadcast_in_dim3A_5 : vector<16xi1>, vector<16xf32>
        %add3A_1676 = arith.constant 32000 : i32
        %add3A_1677 = arith.addi %add3A_1676, %mul3A_1589 : i32
        %swap3A_1678 = arith.index_cast %add3A_1677 : i32 to index
        %swap3A_1679 = tpu.vector_load %arg7[%swap3A_1678] {strides = array<i32>} : memref<38400xf32, #tpu.memory_space<vmem>>, vector<16xf32>,
        tpu.vector_store %arg7[%swap3A_1678], %select_n3A_1675 {strides = array<i32>} : memref<38400xf32, #tpu.memory_space<vmem>>, vector<16xf32>,
        %eq3A_1680 = arith.constant 1.100000e+01 : f32
        %eq3A_1681 = vector.broadcast %eq3A_1680 : f32 to vector<16xf32>
        %eq3A_1682 = arith.cmpf oeq, %get3A_1591, %eq3A_1681 : vector<16xf32>
        %select_n3A_1683 = arith.select %eq3A_1682, %broadcast_in_dim3A_3, %broadcast_in_dim3A_5 : vector<16xi1>, vector<16xf32>
        %add3A_1684 = arith.constant 35200 : i32
        %add3A_1685 = arith.addi %add3A_1684, %mul3A_1589 : i32
        %swap3A_1686 = arith.index_cast %add3A_1685 : i32 to index
        %swap3A_1687 = tpu.vector_load %arg7[%swap3A_1686] {strides = array<i32>} : memref<38400xf32, #tpu.memory_space<vmem>>, vector<16xf32>,
        tpu.vector_store %arg7[%swap3A_1686], %select_n3A_1683 {strides = array<i32>} : memref<38400xf32, #tpu.memory_space<vmem>>, vector<16xf32>,
      }
      %scan3A_1165 = arith.constant 50 : i32
      %add3A_1166 = arith.constant 0 : i32
      %add3A_1167 = arith.addi %add3A_1166, %add3A_1160 : i32
      %dma_start3A_1168 = arith.constant 0 : i32
      %dma_start3A_1169 = tpu.memref_slice %arg7[%dma_start3A_1168] : memref<38400xf32, #tpu.memory_space<vmem>> -> memref<3200xf32, #tpu.memory_space<vmem>>
      %dma_start3A_1170 = tpu.memref_slice %arg3[%add3A_1167] : memref<39321600xf32, #tpu.memory_space<hbm>> -> memref<3200xf32, #tpu.memory_space<hbm>>
      %dma_start3A_1171 = tpu.memref_slice %arg3[%add3A_1167] : memref<39321600xf32, #tpu.memory_space<hbm>> -> memref<3200xf32, #tpu.memory_space<hbm>>
      %dma_start3A_1172 = arith.constant 0 : i32
      %dma_start3A_1173 = tpu.memref_slice %arg7[%dma_start3A_1172] : memref<38400xf32, #tpu.memory_space<vmem>> -> memref<3200xf32, #tpu.memory_space<vmem>>
      tpu.enqueue_dma source(%dma_start3A_1173 : memref<3200xf32, #tpu.memory_space<vmem>>) target(%dma_start3A_1171 : memref<3200xf32, #tpu.memory_space<hbm>>) target_semaphore(%arg9 : memref<!tpu.dma_semaphore, #tpu.memory_space<semaphore_mem>>)
      %add3A_1174 = arith.constant 3276800 : i32
      %add3A_1175 = arith.addi %add3A_1174, %add3A_1160 : i32
      %dma_start3A_1176 = arith.constant 3200 : i32
      %dma_start3A_1177 = tpu.memref_slice %arg7[%dma_start3A_1176] : memref<38400xf32, #tpu.memory_space<vmem>> -> memref<3200xf32, #tpu.memory_space<vmem>>
      %dma_start3A_1178 = tpu.memref_slice %arg3[%add3A_1175] : memref<39321600xf32, #tpu.memory_space<hbm>> -> memref<3200xf32, #tpu.memory_space<hbm>>
      %dma_start3A_1179 = tpu.memref_slice %arg3[%add3A_1175] : memref<39321600xf32, #tpu.memory_space<hbm>> -> memref<3200xf32, #tpu.memory_space<hbm>>
      %dma_start3A_1180 = arith.constant 3200 : i32
      %dma_start3A_1181 = tpu.memref_slice %arg7[%dma_start3A_1180] : memref<38400xf32, #tpu.memory_space<vmem>> -> memref<3200xf32, #tpu.memory_space<vmem>>
      tpu.enqueue_dma source(%dma_start3A_1181 : memref<3200xf32, #tpu.memory_space<vmem>>) target(%dma_start3A_1179 : memref<3200xf32, #tpu.memory_space<hbm>>) target_semaphore(%arg9 : memref<!tpu.dma_semaphore, #tpu.memory_space<semaphore_mem>>)
      %add3A_1182 = arith.constant 6553600 : i32
      %add3A_1183 = arith.addi %add3A_1182, %add3A_1160 : i32
      %dma_start3A_1184 = arith.constant 6400 : i32
      %dma_start3A_1185 = tpu.memref_slice %arg7[%dma_start3A_1184] : memref<38400xf32, #tpu.memory_space<vmem>> -> memref<3200xf32, #tpu.memory_space<vmem>>
      %dma_start3A_1186 = tpu.memref_slice %arg3[%add3A_1183] : memref<39321600xf32, #tpu.memory_space<hbm>> -> memref<3200xf32, #tpu.memory_space<hbm>>
      %dma_start3A_1187 = tpu.memref_slice %arg3[%add3A_1183] : memref<39321600xf32, #tpu.memory_space<hbm>> -> memref<3200xf32, #tpu.memory_space<hbm>>
      %dma_start3A_1188 = arith.constant 6400 : i32
      %dma_start3A_1189 = tpu.memref_slice %arg7[%dma_start3A_1188] : memref<38400xf32, #tpu.memory_space<vmem>> -> memref<3200xf32, #tpu.memory_space<vmem>>
      tpu.enqueue_dma source(%dma_start3A_1189 : memref<3200xf32, #tpu.memory_space<vmem>>) target(%dma_start3A_1187 : memref<3200xf32, #tpu.memory_space<hbm>>) target_semaphore(%arg9 : memref<!tpu.dma_semaphore, #tpu.memory_space<semaphore_mem>>)
      %add3A_1190 = arith.constant 9830400 : i32
      %add3A_1191 = arith.addi %add3A_1190, %add3A_1160 : i32
      %dma_start3A_1192 = arith.constant 9600 : i32
      %dma_start3A_1193 = tpu.memref_slice %arg7[%dma_start3A_1192] : memref<38400xf32, #tpu.memory_space<vmem>> -> memref<3200xf32, #tpu.memory_space<vmem>>
      %dma_start3A_1194 = tpu.memref_slice %arg3[%add3A_1191] : memref<39321600xf32, #tpu.memory_space<hbm>> -> memref<3200xf32, #tpu.memory_space<hbm>>
      %dma_start3A_1195 = tpu.memref_slice %arg3[%add3A_1191] : memref<39321600xf32, #tpu.memory_space<hbm>> -> memref<3200xf32, #tpu.memory_space<hbm>>
      %dma_start3A_1196 = arith.constant 9600 : i32
      %dma_start3A_1197 = tpu.memref_slice %arg7[%dma_start3A_1196] : memref<38400xf32, #tpu.memory_space<vmem>> -> memref<3200xf32, #tpu.memory_space<vmem>>
      tpu.enqueue_dma source(%dma_start3A_1197 : memref<3200xf32, #tpu.memory_space<vmem>>) target(%dma_start3A_1195 : memref<3200xf32, #tpu.memory_space<hbm>>) target_semaphore(%arg9 : memref<!tpu.dma_semaphore, #tpu.memory_space<semaphore_mem>>)
      %add3A_1198 = arith.constant 13107200 : i32
      %add3A_1199 = arith.addi %add3A_1198, %add3A_1160 : i32
      %dma_start3A_1200 = arith.constant 12800 : i32
      %dma_start3A_1201 = tpu.memref_slice %arg7[%dma_start3A_1200] : memref<38400xf32, #tpu.memory_space<vmem>> -> memref<3200xf32, #tpu.memory_space<vmem>>
      %dma_start3A_1202 = tpu.memref_slice %arg3[%add3A_1199] : memref<39321600xf32, #tpu.memory_space<hbm>> -> memref<3200xf32, #tpu.memory_space<hbm>>
      %dma_start3A_1203 = tpu.memref_slice %arg3[%add3A_1199] : memref<39321600xf32, #tpu.memory_space<hbm>> -> memref<3200xf32, #tpu.memory_space<hbm>>
      %dma_start3A_1204 = arith.constant 12800 : i32
      %dma_start3A_1205 = tpu.memref_slice %arg7[%dma_start3A_1204] : memref<38400xf32, #tpu.memory_space<vmem>> -> memref<3200xf32, #tpu.memory_space<vmem>>
      tpu.enqueue_dma source(%dma_start3A_1205 : memref<3200xf32, #tpu.memory_space<vmem>>) target(%dma_start3A_1203 : memref<3200xf32, #tpu.memory_space<hbm>>) target_semaphore(%arg9 : memref<!tpu.dma_semaphore, #tpu.memory_space<semaphore_mem>>)
      %add3A_1206 = arith.constant 16384000 : i32
      %add3A_1207 = arith.addi %add3A_1206, %add3A_1160 : i32
      %dma_start3A_1208 = arith.constant 16000 : i32
      %dma_start3A_1209 = tpu.memref_slice %arg7[%dma_start3A_1208] : memref<38400xf32, #tpu.memory_space<vmem>> -> memref<3200xf32, #tpu.memory_space<vmem>>
      %dma_start3A_1210 = tpu.memref_slice %arg3[%add3A_1207] : memref<39321600xf32, #tpu.memory_space<hbm>> -> memref<3200xf32, #tpu.memory_space<hbm>>
      %dma_start3A_1211 = tpu.memref_slice %arg3[%add3A_1207] : memref<39321600xf32, #tpu.memory_space<hbm>> -> memref<3200xf32, #tpu.memory_space<hbm>>
      %dma_start3A_1212 = arith.constant 16000 : i32
      %dma_start3A_1213 = tpu.memref_slice %arg7[%dma_start3A_1212] : memref<38400xf32, #tpu.memory_space<vmem>> -> memref<3200xf32, #tpu.memory_space<vmem>>
      tpu.enqueue_dma source(%dma_start3A_1213 : memref<3200xf32, #tpu.memory_space<vmem>>) target(%dma_start3A_1211 : memref<3200xf32, #tpu.memory_space<hbm>>) target_semaphore(%arg9 : memref<!tpu.dma_semaphore, #tpu.memory_space<semaphore_mem>>)
      %add3A_1214 = arith.constant 19660800 : i32
      %add3A_1215 = arith.addi %add3A_1214, %add3A_1160 : i32
      %dma_start3A_1216 = arith.constant 19200 : i32
      %dma_start3A_1217 = tpu.memref_slice %arg7[%dma_start3A_1216] : memref<38400xf32, #tpu.memory_space<vmem>> -> memref<3200xf32, #tpu.memory_space<vmem>>
      %dma_start3A_1218 = tpu.memref_slice %arg3[%add3A_1215] : memref<39321600xf32, #tpu.memory_space<hbm>> -> memref<3200xf32, #tpu.memory_space<hbm>>
      %dma_start3A_1219 = tpu.memref_slice %arg3[%add3A_1215] : memref<39321600xf32, #tpu.memory_space<hbm>> -> memref<3200xf32, #tpu.memory_space<hbm>>
      %dma_start3A_1220 = arith.constant 19200 : i32
      %dma_start3A_1221 = tpu.memref_slice %arg7[%dma_start3A_1220] : memref<38400xf32, #tpu.memory_space<vmem>> -> memref<3200xf32, #tpu.memory_space<vmem>>
      tpu.enqueue_dma source(%dma_start3A_1221 : memref<3200xf32, #tpu.memory_space<vmem>>) target(%dma_start3A_1219 : memref<3200xf32, #tpu.memory_space<hbm>>) target_semaphore(%arg9 : memref<!tpu.dma_semaphore, #tpu.memory_space<semaphore_mem>>)
      %add3A_1222 = arith.constant 22937600 : i32
      %add3A_1223 = arith.addi %add3A_1222, %add3A_1160 : i32
      %dma_start3A_1224 = arith.constant 22400 : i32
      %dma_start3A_1225 = tpu.memref_slice %arg7[%dma_start3A_1224] : memref<38400xf32, #tpu.memory_space<vmem>> -> memref<3200xf32, #tpu.memory_space<vmem>>
      %dma_start3A_1226 = tpu.memref_slice %arg3[%add3A_1223] : memref<39321600xf32, #tpu.memory_space<hbm>> -> memref<3200xf32, #tpu.memory_space<hbm>>
      %dma_start3A_1227 = tpu.memref_slice %arg3[%add3A_1223] : memref<39321600xf32, #tpu.memory_space<hbm>> -> memref<3200xf32, #tpu.memory_space<hbm>>
      %dma_start3A_1228 = arith.constant 22400 : i32
      %dma_start3A_1229 = tpu.memref_slice %arg7[%dma_start3A_1228] : memref<38400xf32, #tpu.memory_space<vmem>> -> memref<3200xf32, #tpu.memory_space<vmem>>
      tpu.enqueue_dma source(%dma_start3A_1229 : memref<3200xf32, #tpu.memory_space<vmem>>) target(%dma_start3A_1227 : memref<3200xf32, #tpu.memory_space<hbm>>) target_semaphore(%arg9 : memref<!tpu.dma_semaphore, #tpu.memory_space<semaphore_mem>>)
      %add3A_1230 = arith.constant 26214400 : i32
      %add3A_1231 = arith.addi %add3A_1230, %add3A_1160 : i32
      %dma_start3A_1232 = arith.constant 25600 : i32
      %dma_start3A_1233 = tpu.memref_slice %arg7[%dma_start3A_1232] : memref<38400xf32, #tpu.memory_space<vmem>> -> memref<3200xf32, #tpu.memory_space<vmem>>
      %dma_start3A_1234 = tpu.memref_slice %arg3[%add3A_1231] : memref<39321600xf32, #tpu.memory_space<hbm>> -> memref<3200xf32, #tpu.memory_space<hbm>>
      %dma_start3A_1235 = tpu.memref_slice %arg3[%add3A_1231] : memref<39321600xf32, #tpu.memory_space<hbm>> -> memref<3200xf32, #tpu.memory_space<hbm>>
      %dma_start3A_1236 = arith.constant 25600 : i32
      %dma_start3A_1237 = tpu.memref_slice %arg7[%dma_start3A_1236] : memref<38400xf32, #tpu.memory_space<vmem>> -> memref<3200xf32, #tpu.memory_space<vmem>>
      tpu.enqueue_dma source(%dma_start3A_1237 : memref<3200xf32, #tpu.memory_space<vmem>>) target(%dma_start3A_1235 : memref<3200xf32, #tpu.memory_space<hbm>>) target_semaphore(%arg9 : memref<!tpu.dma_semaphore, #tpu.memory_space<semaphore_mem>>)
      %add3A_1238 = arith.constant 29491200 : i32
      %add3A_1239 = arith.addi %add3A_1238, %add3A_1160 : i32
      %dma_start3A_1240 = arith.constant 28800 : i32
      %dma_start3A_1241 = tpu.memref_slice %arg7[%dma_start3A_1240] : memref<38400xf32, #tpu.memory_space<vmem>> -> memref<3200xf32, #tpu.memory_space<vmem>>
      %dma_start3A_1242 = tpu.memref_slice %arg3[%add3A_1239] : memref<39321600xf32, #tpu.memory_space<hbm>> -> memref<3200xf32, #tpu.memory_space<hbm>>
      %dma_start3A_1243 = tpu.memref_slice %arg3[%add3A_1239] : memref<39321600xf32, #tpu.memory_space<hbm>> -> memref<3200xf32, #tpu.memory_space<hbm>>
      %dma_start3A_1244 = arith.constant 28800 : i32
      %dma_start3A_1245 = tpu.memref_slice %arg7[%dma_start3A_1244] : memref<38400xf32, #tpu.memory_space<vmem>> -> memref<3200xf32, #tpu.memory_space<vmem>>
      tpu.enqueue_dma source(%dma_start3A_1245 : memref<3200xf32, #tpu.memory_space<vmem>>) target(%dma_start3A_1243 : memref<3200xf32, #tpu.memory_space<hbm>>) target_semaphore(%arg9 : memref<!tpu.dma_semaphore, #tpu.memory_space<semaphore_mem>>)
      %add3A_1246 = arith.constant 32768000 : i32
      %add3A_1247 = arith.addi %add3A_1246, %add3A_1160 : i32
      %dma_start3A_1248 = arith.constant 32000 : i32
      %dma_start3A_1249 = tpu.memref_slice %arg7[%dma_start3A_1248] : memref<38400xf32, #tpu.memory_space<vmem>> -> memref<3200xf32, #tpu.memory_space<vmem>>
      %dma_start3A_1250 = tpu.memref_slice %arg3[%add3A_1247] : memref<39321600xf32, #tpu.memory_space<hbm>> -> memref<3200xf32, #tpu.memory_space<hbm>>
      %dma_start3A_1251 = tpu.memref_slice %arg3[%add3A_1247] : memref<39321600xf32, #tpu.memory_space<hbm>> -> memref<3200xf32, #tpu.memory_space<hbm>>
      %dma_start3A_1252 = arith.constant 32000 : i32
      %dma_start3A_1253 = tpu.memref_slice %arg7[%dma_start3A_1252] : memref<38400xf32, #tpu.memory_space<vmem>> -> memref<3200xf32, #tpu.memory_space<vmem>>
      tpu.enqueue_dma source(%dma_start3A_1253 : memref<3200xf32, #tpu.memory_space<vmem>>) target(%dma_start3A_1251 : memref<3200xf32, #tpu.memory_space<hbm>>) target_semaphore(%arg9 : memref<!tpu.dma_semaphore, #tpu.memory_space<semaphore_mem>>)
      %add3A_1254 = arith.constant 36044800 : i32
      %add3A_1255 = arith.addi %add3A_1254, %add3A_1160 : i32
      %dma_start3A_1256 = arith.constant 35200 : i32
      %dma_start3A_1257 = tpu.memref_slice %arg7[%dma_start3A_1256] : memref<38400xf32, #tpu.memory_space<vmem>> -> memref<3200xf32, #tpu.memory_space<vmem>>
      %dma_start3A_1258 = tpu.memref_slice %arg3[%add3A_1255] : memref<39321600xf32, #tpu.memory_space<hbm>> -> memref<3200xf32, #tpu.memory_space<hbm>>
      %dma_start3A_1259 = tpu.memref_slice %arg3[%add3A_1255] : memref<39321600xf32, #tpu.memory_space<hbm>> -> memref<3200xf32, #tpu.memory_space<hbm>>
      %dma_start3A_1260 = arith.constant 35200 : i32
      %dma_start3A_1261 = tpu.memref_slice %arg7[%dma_start3A_1260] : memref<38400xf32, #tpu.memory_space<vmem>> -> memref<3200xf32, #tpu.memory_space<vmem>>
      tpu.enqueue_dma source(%dma_start3A_1261 : memref<3200xf32, #tpu.memory_space<vmem>>) target(%dma_start3A_1259 : memref<3200xf32, #tpu.memory_space<hbm>>) target_semaphore(%arg9 : memref<!tpu.dma_semaphore, #tpu.memory_space<semaphore_mem>>)
      %add3A_1262 = arith.constant 1 : i32
      %add3A_1263 = arith.addi %add3A_840, %add3A_1262 : i32
      %add3A_1264 = arith.constant 2 : i32
      %add3A_1265 = arith.addi %add3A_1263, %add3A_1264 : i32
      %mul3A_1266 = arith.constant 3200 : i32
      %mul3A_1267 = arith.muli %add3A_1265, %mul3A_1266 : i32
      %add3A_1268 = arith.addi %mul3A_2, %mul3A_1267 : i32
      %dma_start3A_1269 = tpu.memref_slice %arg2[%add3A_1268] : memref<3276800xf32, #tpu.memory_space<hbm>> -> memref<3200xf32, #tpu.memory_space<hbm>>
      %dma_start3A_1270 = tpu.memref_slice %arg2[%add3A_1268] : memref<3276800xf32, #tpu.memory_space<hbm>> -> memref<3200xf32, #tpu.memory_space<hbm>>
      tpu.enqueue_dma source(%dma_start3A_1270 : memref<3200xf32, #tpu.memory_space<hbm>>) target(%arg5 : memref<3200xf32, #tpu.memory_space<vmem>>) target_semaphore(%arg11 : memref<!tpu.dma_semaphore, #tpu.memory_space<semaphore_mem>>)
    }
    %scan3A_237 = arith.constant 14 : i32
    %dma_wait3A_238 = arith.constant 0 : i32
    %dma_wait3A_239 = tpu.memref_slice %arg6[%dma_wait3A_238] : memref<38400xf32, #tpu.memory_space<vmem>> -> memref<3200xf32, #tpu.memory_space<vmem>>
    %dma_wait3A_240 = arith.constant 0 : i32
    %dma_wait3A_241 = tpu.memref_slice %arg3[%dma_wait3A_240] : memref<39321600xf32, #tpu.memory_space<hbm>> -> memref<3200xf32, #tpu.memory_space<hbm>>
    %dma_wait3A_242 = arith.constant 0 : i32
    %dma_wait3A_243 = tpu.memref_slice %arg3[%dma_wait3A_242] : memref<39321600xf32, #tpu.memory_space<hbm>> -> memref<3200xf32, #tpu.memory_space<hbm>>
    %dma_wait3A_244 = arith.constant 0 : i32
    %dma_wait3A_245 = tpu.memref_slice %arg6[%dma_wait3A_244] : memref<38400xf32, #tpu.memory_space<vmem>> -> memref<3200xf32, #tpu.memory_space<vmem>>
    tpu.wait_dma2 semaphore(%arg8 : memref<!tpu.dma_semaphore, #tpu.memory_space<semaphore_mem>>) src(%dma_wait3A_245 : memref<3200xf32, #tpu.memory_space<vmem>>) dst(%dma_wait3A_243 : memref<3200xf32, #tpu.memory_space<hbm>>)
    %dma_wait3A_246 = arith.constant 3200 : i32
    %dma_wait3A_247 = tpu.memref_slice %arg6[%dma_wait3A_246] : memref<38400xf32, #tpu.memory_space<vmem>> -> memref<3200xf32, #tpu.memory_space<vmem>>
    %dma_wait3A_248 = arith.constant 0 : i32
    %dma_wait3A_249 = tpu.memref_slice %arg3[%dma_wait3A_248] : memref<39321600xf32, #tpu.memory_space<hbm>> -> memref<3200xf32, #tpu.memory_space<hbm>>
    %dma_wait3A_250 = arith.constant 0 : i32
    %dma_wait3A_251 = tpu.memref_slice %arg3[%dma_wait3A_250] : memref<39321600xf32, #tpu.memory_space<hbm>> -> memref<3200xf32, #tpu.memory_space<hbm>>
    %dma_wait3A_252 = arith.constant 3200 : i32
    %dma_wait3A_253 = tpu.memref_slice %arg6[%dma_wait3A_252] : memref<38400xf32, #tpu.memory_space<vmem>> -> memref<3200xf32, #tpu.memory_space<vmem>>
    tpu.wait_dma2 semaphore(%arg8 : memref<!tpu.dma_semaphore, #tpu.memory_space<semaphore_mem>>) src(%dma_wait3A_253 : memref<3200xf32, #tpu.memory_space<vmem>>) dst(%dma_wait3A_251 : memref<3200xf32, #tpu.memory_space<hbm>>)
    %dma_wait3A_254 = arith.constant 6400 : i32
    %dma_wait3A_255 = tpu.memref_slice %arg6[%dma_wait3A_254] : memref<38400xf32, #tpu.memory_space<vmem>> -> memref<3200xf32, #tpu.memory_space<vmem>>
    %dma_wait3A_256 = arith.constant 0 : i32
    %dma_wait3A_257 = tpu.memref_slice %arg3[%dma_wait3A_256] : memref<39321600xf32, #tpu.memory_space<hbm>> -> memref<3200xf32, #tpu.memory_space<hbm>>
    %dma_wait3A_258 = arith.constant 0 : i32
    %dma_wait3A_259 = tpu.memref_slice %arg3[%dma_wait3A_258] : memref<39321600xf32, #tpu.memory_space<hbm>> -> memref<3200xf32, #tpu.memory_space<hbm>>
    %dma_wait3A_260 = arith.constant 6400 : i32
    %dma_wait3A_261 = tpu.memref_slice %arg6[%dma_wait3A_260] : memref<38400xf32, #tpu.memory_space<vmem>> -> memref<3200xf32, #tpu.memory_space<vmem>>
    tpu.wait_dma2 semaphore(%arg8 : memref<!tpu.dma_semaphore, #tpu.memory_space<semaphore_mem>>) src(%dma_wait3A_261 : memref<3200xf32, #tpu.memory_space<vmem>>) dst(%dma_wait3A_259 : memref<3200xf32, #tpu.memory_space<hbm>>)
    %dma_wait3A_262 = arith.constant 9600 : i32
    %dma_wait3A_263 = tpu.memref_slice %arg6[%dma_wait3A_262] : memref<38400xf32, #tpu.memory_space<vmem>> -> memref<3200xf32, #tpu.memory_space<vmem>>
    %dma_wait3A_264 = arith.constant 0 : i32
    %dma_wait3A_265 = tpu.memref_slice %arg3[%dma_wait3A_264] : memref<39321600xf32, #tpu.memory_space<hbm>> -> memref<3200xf32, #tpu.memory_space<hbm>>
    %dma_wait3A_266 = arith.constant 0 : i32
    %dma_wait3A_267 = tpu.memref_slice %arg3[%dma_wait3A_266] : memref<39321600xf32, #tpu.memory_space<hbm>> -> memref<3200xf32, #tpu.memory_space<hbm>>
    %dma_wait3A_268 = arith.constant 9600 : i32
    %dma_wait3A_269 = tpu.memref_slice %arg6[%dma_wait3A_268] : memref<38400xf32, #tpu.memory_space<vmem>> -> memref<3200xf32, #tpu.memory_space<vmem>>
    tpu.wait_dma2 semaphore(%arg8 : memref<!tpu.dma_semaphore, #tpu.memory_space<semaphore_mem>>) src(%dma_wait3A_269 : memref<3200xf32, #tpu.memory_space<vmem>>) dst(%dma_wait3A_267 : memref<3200xf32, #tpu.memory_space<hbm>>)
    %dma_wait3A_270 = arith.constant 12800 : i32
    %dma_wait3A_271 = tpu.memref_slice %arg6[%dma_wait3A_270] : memref<38400xf32, #tpu.memory_space<vmem>> -> memref<3200xf32, #tpu.memory_space<vmem>>
    %dma_wait3A_272 = arith.constant 0 : i32
    %dma_wait3A_273 = tpu.memref_slice %arg3[%dma_wait3A_272] : memref<39321600xf32, #tpu.memory_space<hbm>> -> memref<3200xf32, #tpu.memory_space<hbm>>
    %dma_wait3A_274 = arith.constant 0 : i32
    %dma_wait3A_275 = tpu.memref_slice %arg3[%dma_wait3A_274] : memref<39321600xf32, #tpu.memory_space<hbm>> -> memref<3200xf32, #tpu.memory_space<hbm>>
    %dma_wait3A_276 = arith.constant 12800 : i32
    %dma_wait3A_277 = tpu.memref_slice %arg6[%dma_wait3A_276] : memref<38400xf32, #tpu.memory_space<vmem>> -> memref<3200xf32, #tpu.memory_space<vmem>>
    tpu.wait_dma2 semaphore(%arg8 : memref<!tpu.dma_semaphore, #tpu.memory_space<semaphore_mem>>) src(%dma_wait3A_277 : memref<3200xf32, #tpu.memory_space<vmem>>) dst(%dma_wait3A_275 : memref<3200xf32, #tpu.memory_space<hbm>>)
    %dma_wait3A_278 = arith.constant 16000 : i32
    %dma_wait3A_279 = tpu.memref_slice %arg6[%dma_wait3A_278] : memref<38400xf32, #tpu.memory_space<vmem>> -> memref<3200xf32, #tpu.memory_space<vmem>>
    %dma_wait3A_280 = arith.constant 0 : i32
    %dma_wait3A_281 = tpu.memref_slice %arg3[%dma_wait3A_280] : memref<39321600xf32, #tpu.memory_space<hbm>> -> memref<3200xf32, #tpu.memory_space<hbm>>
    %dma_wait3A_282 = arith.constant 0 : i32
    %dma_wait3A_283 = tpu.memref_slice %arg3[%dma_wait3A_282] : memref<39321600xf32, #tpu.memory_space<hbm>> -> memref<3200xf32, #tpu.memory_space<hbm>>
    %dma_wait3A_284 = arith.constant 16000 : i32
    %dma_wait3A_285 = tpu.memref_slice %arg6[%dma_wait3A_284] : memref<38400xf32, #tpu.memory_space<vmem>> -> memref<3200xf32, #tpu.memory_space<vmem>>
    tpu.wait_dma2 semaphore(%arg8 : memref<!tpu.dma_semaphore, #tpu.memory_space<semaphore_mem>>) src(%dma_wait3A_285 : memref<3200xf32, #tpu.memory_space<vmem>>) dst(%dma_wait3A_283 : memref<3200xf32, #tpu.memory_space<hbm>>)
    %dma_wait3A_286 = arith.constant 19200 : i32
    %dma_wait3A_287 = tpu.memref_slice %arg6[%dma_wait3A_286] : memref<38400xf32, #tpu.memory_space<vmem>> -> memref<3200xf32, #tpu.memory_space<vmem>>
    %dma_wait3A_288 = arith.constant 0 : i32
    %dma_wait3A_289 = tpu.memref_slice %arg3[%dma_wait3A_288] : memref<39321600xf32, #tpu.memory_space<hbm>> -> memref<3200xf32, #tpu.memory_space<hbm>>
    %dma_wait3A_290 = arith.constant 0 : i32
    %dma_wait3A_291 = tpu.memref_slice %arg3[%dma_wait3A_290] : memref<39321600xf32, #tpu.memory_space<hbm>> -> memref<3200xf32, #tpu.memory_space<hbm>>
    %dma_wait3A_292 = arith.constant 19200 : i32
    %dma_wait3A_293 = tpu.memref_slice %arg6[%dma_wait3A_292] : memref<38400xf32, #tpu.memory_space<vmem>> -> memref<3200xf32, #tpu.memory_space<vmem>>
    tpu.wait_dma2 semaphore(%arg8 : memref<!tpu.dma_semaphore, #tpu.memory_space<semaphore_mem>>) src(%dma_wait3A_293 : memref<3200xf32, #tpu.memory_space<vmem>>) dst(%dma_wait3A_291 : memref<3200xf32, #tpu.memory_space<hbm>>)
    %dma_wait3A_294 = arith.constant 22400 : i32
    %dma_wait3A_295 = tpu.memref_slice %arg6[%dma_wait3A_294] : memref<38400xf32, #tpu.memory_space<vmem>> -> memref<3200xf32, #tpu.memory_space<vmem>>
    %dma_wait3A_296 = arith.constant 0 : i32
    %dma_wait3A_297 = tpu.memref_slice %arg3[%dma_wait3A_296] : memref<39321600xf32, #tpu.memory_space<hbm>> -> memref<3200xf32, #tpu.memory_space<hbm>>
    %dma_wait3A_298 = arith.constant 0 : i32
    %dma_wait3A_299 = tpu.memref_slice %arg3[%dma_wait3A_298] : memref<39321600xf32, #tpu.memory_space<hbm>> -> memref<3200xf32, #tpu.memory_space<hbm>>
    %dma_wait3A_300 = arith.constant 22400 : i32
    %dma_wait3A_301 = tpu.memref_slice %arg6[%dma_wait3A_300] : memref<38400xf32, #tpu.memory_space<vmem>> -> memref<3200xf32, #tpu.memory_space<vmem>>
    tpu.wait_dma2 semaphore(%arg8 : memref<!tpu.dma_semaphore, #tpu.memory_space<semaphore_mem>>) src(%dma_wait3A_301 : memref<3200xf32, #tpu.memory_space<vmem>>) dst(%dma_wait3A_299 : memref<3200xf32, #tpu.memory_space<hbm>>)
    %dma_wait3A_302 = arith.constant 25600 : i32
    %dma_wait3A_303 = tpu.memref_slice %arg6[%dma_wait3A_302] : memref<38400xf32, #tpu.memory_space<vmem>> -> memref<3200xf32, #tpu.memory_space<vmem>>
    %dma_wait3A_304 = arith.constant 0 : i32
    %dma_wait3A_305 = tpu.memref_slice %arg3[%dma_wait3A_304] : memref<39321600xf32, #tpu.memory_space<hbm>> -> memref<3200xf32, #tpu.memory_space<hbm>>
    %dma_wait3A_306 = arith.constant 0 : i32
    %dma_wait3A_307 = tpu.memref_slice %arg3[%dma_wait3A_306] : memref<39321600xf32, #tpu.memory_space<hbm>> -> memref<3200xf32, #tpu.memory_space<hbm>>
    %dma_wait3A_308 = arith.constant 25600 : i32
    %dma_wait3A_309 = tpu.memref_slice %arg6[%dma_wait3A_308] : memref<38400xf32, #tpu.memory_space<vmem>> -> memref<3200xf32, #tpu.memory_space<vmem>>
    tpu.wait_dma2 semaphore(%arg8 : memref<!tpu.dma_semaphore, #tpu.memory_space<semaphore_mem>>) src(%dma_wait3A_309 : memref<3200xf32, #tpu.memory_space<vmem>>) dst(%dma_wait3A_307 : memref<3200xf32, #tpu.memory_space<hbm>>)
    %dma_wait3A_310 = arith.constant 28800 : i32
    %dma_wait3A_311 = tpu.memref_slice %arg6[%dma_wait3A_310] : memref<38400xf32, #tpu.memory_space<vmem>> -> memref<3200xf32, #tpu.memory_space<vmem>>
    %dma_wait3A_312 = arith.constant 0 : i32
    %dma_wait3A_313 = tpu.memref_slice %arg3[%dma_wait3A_312] : memref<39321600xf32, #tpu.memory_space<hbm>> -> memref<3200xf32, #tpu.memory_space<hbm>>
    %dma_wait3A_314 = arith.constant 0 : i32
    %dma_wait3A_315 = tpu.memref_slice %arg3[%dma_wait3A_314] : memref<39321600xf32, #tpu.memory_space<hbm>> -> memref<3200xf32, #tpu.memory_space<hbm>>
    %dma_wait3A_316 = arith.constant 28800 : i32
    %dma_wait3A_317 = tpu.memref_slice %arg6[%dma_wait3A_316] : memref<38400xf32, #tpu.memory_space<vmem>> -> memref<3200xf32, #tpu.memory_space<vmem>>
    tpu.wait_dma2 semaphore(%arg8 : memref<!tpu.dma_semaphore, #tpu.memory_space<semaphore_mem>>) src(%dma_wait3A_317 : memref<3200xf32, #tpu.memory_space<vmem>>) dst(%dma_wait3A_315 : memref<3200xf32, #tpu.memory_space<hbm>>)
    %dma_wait3A_318 = arith.constant 32000 : i32
    %dma_wait3A_319 = tpu.memref_slice %arg6[%dma_wait3A_318] : memref<38400xf32, #tpu.memory_space<vmem>> -> memref<3200xf32, #tpu.memory_space<vmem>>
    %dma_wait3A_320 = arith.constant 0 : i32
    %dma_wait3A_321 = tpu.memref_slice %arg3[%dma_wait3A_320] : memref<39321600xf32, #tpu.memory_space<hbm>> -> memref<3200xf32, #tpu.memory_space<hbm>>
    %dma_wait3A_322 = arith.constant 0 : i32
    %dma_wait3A_323 = tpu.memref_slice %arg3[%dma_wait3A_322] : memref<39321600xf32, #tpu.memory_space<hbm>> -> memref<3200xf32, #tpu.memory_space<hbm>>
    %dma_wait3A_324 = arith.constant 32000 : i32
    %dma_wait3A_325 = tpu.memref_slice %arg6[%dma_wait3A_324] : memref<38400xf32, #tpu.memory_space<vmem>> -> memref<3200xf32, #tpu.memory_space<vmem>>
    tpu.wait_dma2 semaphore(%arg8 : memref<!tpu.dma_semaphore, #tpu.memory_space<semaphore_mem>>) src(%dma_wait3A_325 : memref<3200xf32, #tpu.memory_space<vmem>>) dst(%dma_wait3A_323 : memref<3200xf32, #tpu.memory_space<hbm>>)
    %dma_wait3A_326 = arith.constant 35200 : i32
    %dma_wait3A_327 = tpu.memref_slice %arg6[%dma_wait3A_326] : memref<38400xf32, #tpu.memory_space<vmem>> -> memref<3200xf32, #tpu.memory_space<vmem>>
    %dma_wait3A_328 = arith.constant 0 : i32
    %dma_wait3A_329 = tpu.memref_slice %arg3[%dma_wait3A_328] : memref<39321600xf32, #tpu.memory_space<hbm>> -> memref<3200xf32, #tpu.memory_space<hbm>>
    %dma_wait3A_330 = arith.constant 0 : i32
    %dma_wait3A_331 = tpu.memref_slice %arg3[%dma_wait3A_330] : memref<39321600xf32, #tpu.memory_space<hbm>> -> memref<3200xf32, #tpu.memory_space<hbm>>
    %dma_wait3A_332 = arith.constant 35200 : i32
    %dma_wait3A_333 = tpu.memref_slice %arg6[%dma_wait3A_332] : memref<38400xf32, #tpu.memory_space<vmem>> -> memref<3200xf32, #tpu.memory_space<vmem>>
    tpu.wait_dma2 semaphore(%arg8 : memref<!tpu.dma_semaphore, #tpu.memory_space<semaphore_mem>>) src(%dma_wait3A_333 : memref<3200xf32, #tpu.memory_space<vmem>>) dst(%dma_wait3A_331 : memref<3200xf32, #tpu.memory_space<hbm>>)
    %dma_wait3A_334 = arith.constant 0 : i32
    %dma_wait3A_335 = tpu.memref_slice %arg2[%dma_wait3A_334] : memref<3276800xf32, #tpu.memory_space<hbm>> -> memref<3200xf32, #tpu.memory_space<hbm>>
    %dma_wait3A_336 = arith.constant 0 : i32
    %dma_wait3A_337 = tpu.memref_slice %arg2[%dma_wait3A_336] : memref<3276800xf32, #tpu.memory_space<hbm>> -> memref<3200xf32, #tpu.memory_space<hbm>>
    tpu.wait_dma2 semaphore(%arg10 : memref<!tpu.dma_semaphore, #tpu.memory_space<semaphore_mem>>) src(%dma_wait3A_337 : memref<3200xf32, #tpu.memory_space<hbm>>) dst(%arg4 : memref<3200xf32, #tpu.memory_space<vmem>>)
    %add3A_338 = arith.constant 96000 : i32
    %add3A_339 = arith.addi %mul3A_2, %add3A_338 : i32
    %scan3A_340 = arith.constant 0 : i32
    %scan3A_341 = arith.constant 50 : i32
    %scan3A_342 = arith.addi %scan3A_340, %scan3A_341 : i32
    %scan3A_343 = arith.constant 1 : i32
    scf.for %scan3A_836 = %scan3A_340 to %scan3A_342 step %scan3A_343  : i32 {
      %mul3A_837 = arith.constant 1 : i32
      %mul3A_838 = arith.muli %scan3A_836, %mul3A_837 : i32
      %add3A_839 = arith.constant 0 : i32
      %add3A_840 = arith.addi %add3A_839, %mul3A_838 : i32
      %mul3A_841 = arith.constant 4 : i32
      %mul3A_842 = arith.muli %mul3A_841, %add3A_840 : i32
      %add3A_843 = arith.constant 0 : i32
      %add3A_844 = arith.addi %mul3A_842, %add3A_843 : i32
      %mul3A_845 = arith.constant 16 : i32
      %mul3A_846 = arith.muli %add3A_844, %mul3A_845 : i32
      %get3A = arith.index_cast %mul3A_846 : i32 to index
      %get3A_847 = tpu.vector_load %arg4[%get3A] {strides = array<i32>} : memref<3200xf32, #tpu.memory_space<vmem>>, vector<16xf32>,
      %eq3A = arith.constant 0.000000e+00 : f32
      %eq3A_848 = vector.broadcast %eq3A : f32 to vector<16xf32>
      %eq3A_849 = arith.cmpf oeq, %get3A_847, %eq3A_848 : vector<16xf32>
      %select_n3A = arith.select %eq3A_849, %broadcast_in_dim3A_3, %broadcast_in_dim3A_5 : vector<16xi1>, vector<16xf32>
      %add3A_850 = arith.constant 0 : i32
      %add3A_851 = arith.addi %add3A_850, %mul3A_846 : i32
      %swap3A = arith.index_cast %add3A_851 : i32 to index
      %swap3A_852 = tpu.vector_load %arg6[%swap3A] {strides = array<i32>} : memref<38400xf32, #tpu.memory_space<vmem>>, vector<16xf32>,
      tpu.vector_store %arg6[%swap3A], %select_n3A {strides = array<i32>} : memref<38400xf32, #tpu.memory_space<vmem>>, vector<16xf32>,
      %eq3A_853 = arith.constant 1.000000e+00 : f32
      %eq3A_854 = vector.broadcast %eq3A_853 : f32 to vector<16xf32>
      %eq3A_855 = arith.cmpf oeq, %get3A_847, %eq3A_854 : vector<16xf32>
      %select_n3A_856 = arith.select %eq3A_855, %broadcast_in_dim3A_3, %broadcast_in_dim3A_5 : vector<16xi1>, vector<16xf32>
      %add3A_857 = arith.constant 3200 : i32
      %add3A_858 = arith.addi %add3A_857, %mul3A_846 : i32
      %swap3A_859 = arith.index_cast %add3A_858 : i32 to index
      %swap3A_860 = tpu.vector_load %arg6[%swap3A_859] {strides = array<i32>} : memref<38400xf32, #tpu.memory_space<vmem>>, vector<16xf32>,
      tpu.vector_store %arg6[%swap3A_859], %select_n3A_856 {strides = array<i32>} : memref<38400xf32, #tpu.memory_space<vmem>>, vector<16xf32>,
      %eq3A_861 = arith.constant 2.000000e+00 : f32
      %eq3A_862 = vector.broadcast %eq3A_861 : f32 to vector<16xf32>
      %eq3A_863 = arith.cmpf oeq, %get3A_847, %eq3A_862 : vector<16xf32>
      %select_n3A_864 = arith.select %eq3A_863, %broadcast_in_dim3A_3, %broadcast_in_dim3A_5 : vector<16xi1>, vector<16xf32>
      %add3A_865 = arith.constant 6400 : i32
      %add3A_866 = arith.addi %add3A_865, %mul3A_846 : i32
      %swap3A_867 = arith.index_cast %add3A_866 : i32 to index
      %swap3A_868 = tpu.vector_load %arg6[%swap3A_867] {strides = array<i32>} : memref<38400xf32, #tpu.memory_space<vmem>>, vector<16xf32>,
      tpu.vector_store %arg6[%swap3A_867], %select_n3A_864 {strides = array<i32>} : memref<38400xf32, #tpu.memory_space<vmem>>, vector<16xf32>,
      %eq3A_869 = arith.constant 3.000000e+00 : f32
      %eq3A_870 = vector.broadcast %eq3A_869 : f32 to vector<16xf32>
      %eq3A_871 = arith.cmpf oeq, %get3A_847, %eq3A_870 : vector<16xf32>
      %select_n3A_872 = arith.select %eq3A_871, %broadcast_in_dim3A_3, %broadcast_in_dim3A_5 : vector<16xi1>, vector<16xf32>
      %add3A_873 = arith.constant 9600 : i32
      %add3A_874 = arith.addi %add3A_873, %mul3A_846 : i32
      %swap3A_875 = arith.index_cast %add3A_874 : i32 to index
      %swap3A_876 = tpu.vector_load %arg6[%swap3A_875] {strides = array<i32>} : memref<38400xf32, #tpu.memory_space<vmem>>, vector<16xf32>,
      tpu.vector_store %arg6[%swap3A_875], %select_n3A_872 {strides = array<i32>} : memref<38400xf32, #tpu.memory_space<vmem>>, vector<16xf32>,
      %eq3A_877 = arith.constant 4.000000e+00 : f32
      %eq3A_878 = vector.broadcast %eq3A_877 : f32 to vector<16xf32>
      %eq3A_879 = arith.cmpf oeq, %get3A_847, %eq3A_878 : vector<16xf32>
      %select_n3A_880 = arith.select %eq3A_879, %broadcast_in_dim3A_3, %broadcast_in_dim3A_5 : vector<16xi1>, vector<16xf32>
      %add3A_881 = arith.constant 12800 : i32
      %add3A_882 = arith.addi %add3A_881, %mul3A_846 : i32
      %swap3A_883 = arith.index_cast %add3A_882 : i32 to index
      %swap3A_884 = tpu.vector_load %arg6[%swap3A_883] {strides = array<i32>} : memref<38400xf32, #tpu.memory_space<vmem>>, vector<16xf32>,
      tpu.vector_store %arg6[%swap3A_883], %select_n3A_880 {strides = array<i32>} : memref<38400xf32, #tpu.memory_space<vmem>>, vector<16xf32>,
      %eq3A_885 = arith.constant 5.000000e+00 : f32
      %eq3A_886 = vector.broadcast %eq3A_885 : f32 to vector<16xf32>
      %eq3A_887 = arith.cmpf oeq, %get3A_847, %eq3A_886 : vector<16xf32>
      %select_n3A_888 = arith.select %eq3A_887, %broadcast_in_dim3A_3, %broadcast_in_dim3A_5 : vector<16xi1>, vector<16xf32>
      %add3A_889 = arith.constant 16000 : i32
      %add3A_890 = arith.addi %add3A_889, %mul3A_846 : i32
      %swap3A_891 = arith.index_cast %add3A_890 : i32 to index
      %swap3A_892 = tpu.vector_load %arg6[%swap3A_891] {strides = array<i32>} : memref<38400xf32, #tpu.memory_space<vmem>>, vector<16xf32>,
      tpu.vector_store %arg6[%swap3A_891], %select_n3A_888 {strides = array<i32>} : memref<38400xf32, #tpu.memory_space<vmem>>, vector<16xf32>,
      %eq3A_893 = arith.constant 6.000000e+00 : f32
      %eq3A_894 = vector.broadcast %eq3A_893 : f32 to vector<16xf32>
      %eq3A_895 = arith.cmpf oeq, %get3A_847, %eq3A_894 : vector<16xf32>
      %select_n3A_896 = arith.select %eq3A_895, %broadcast_in_dim3A_3, %broadcast_in_dim3A_5 : vector<16xi1>, vector<16xf32>
      %add3A_897 = arith.constant 19200 : i32
      %add3A_898 = arith.addi %add3A_897, %mul3A_846 : i32
      %swap3A_899 = arith.index_cast %add3A_898 : i32 to index
      %swap3A_900 = tpu.vector_load %arg6[%swap3A_899] {strides = array<i32>} : memref<38400xf32, #tpu.memory_space<vmem>>, vector<16xf32>,
      tpu.vector_store %arg6[%swap3A_899], %select_n3A_896 {strides = array<i32>} : memref<38400xf32, #tpu.memory_space<vmem>>, vector<16xf32>,
      %eq3A_901 = arith.constant 7.000000e+00 : f32
      %eq3A_902 = vector.broadcast %eq3A_901 : f32 to vector<16xf32>
      %eq3A_903 = arith.cmpf oeq, %get3A_847, %eq3A_902 : vector<16xf32>
      %select_n3A_904 = arith.select %eq3A_903, %broadcast_in_dim3A_3, %broadcast_in_dim3A_5 : vector<16xi1>, vector<16xf32>
      %add3A_905 = arith.constant 22400 : i32
      %add3A_906 = arith.addi %add3A_905, %mul3A_846 : i32
      %swap3A_907 = arith.index_cast %add3A_906 : i32 to index
      %swap3A_908 = tpu.vector_load %arg6[%swap3A_907] {strides = array<i32>} : memref<38400xf32, #tpu.memory_space<vmem>>, vector<16xf32>,
      tpu.vector_store %arg6[%swap3A_907], %select_n3A_904 {strides = array<i32>} : memref<38400xf32, #tpu.memory_space<vmem>>, vector<16xf32>,
      %eq3A_909 = arith.constant 8.000000e+00 : f32
      %eq3A_910 = vector.broadcast %eq3A_909 : f32 to vector<16xf32>
      %eq3A_911 = arith.cmpf oeq, %get3A_847, %eq3A_910 : vector<16xf32>
      %select_n3A_912 = arith.select %eq3A_911, %broadcast_in_dim3A_3, %broadcast_in_dim3A_5 : vector<16xi1>, vector<16xf32>
      %add3A_913 = arith.constant 25600 : i32
      %add3A_914 = arith.addi %add3A_913, %mul3A_846 : i32
      %swap3A_915 = arith.index_cast %add3A_914 : i32 to index
      %swap3A_916 = tpu.vector_load %arg6[%swap3A_915] {strides = array<i32>} : memref<38400xf32, #tpu.memory_space<vmem>>, vector<16xf32>,
      tpu.vector_store %arg6[%swap3A_915], %select_n3A_912 {strides = array<i32>} : memref<38400xf32, #tpu.memory_space<vmem>>, vector<16xf32>,
      %eq3A_917 = arith.constant 9.000000e+00 : f32
      %eq3A_918 = vector.broadcast %eq3A_917 : f32 to vector<16xf32>
      %eq3A_919 = arith.cmpf oeq, %get3A_847, %eq3A_918 : vector<16xf32>
      %select_n3A_920 = arith.select %eq3A_919, %broadcast_in_dim3A_3, %broadcast_in_dim3A_5 : vector<16xi1>, vector<16xf32>
      %add3A_921 = arith.constant 28800 : i32
      %add3A_922 = arith.addi %add3A_921, %mul3A_846 : i32
      %swap3A_923 = arith.index_cast %add3A_922 : i32 to index
      %swap3A_924 = tpu.vector_load %arg6[%swap3A_923] {strides = array<i32>} : memref<38400xf32, #tpu.memory_space<vmem>>, vector<16xf32>,
      tpu.vector_store %arg6[%swap3A_923], %select_n3A_920 {strides = array<i32>} : memref<38400xf32, #tpu.memory_space<vmem>>, vector<16xf32>,
      %eq3A_925 = arith.constant 1.000000e+01 : f32
      %eq3A_926 = vector.broadcast %eq3A_925 : f32 to vector<16xf32>
      %eq3A_927 = arith.cmpf oeq, %get3A_847, %eq3A_926 : vector<16xf32>
      %select_n3A_928 = arith.select %eq3A_927, %broadcast_in_dim3A_3, %broadcast_in_dim3A_5 : vector<16xi1>, vector<16xf32>
      %add3A_929 = arith.constant 32000 : i32
      %add3A_930 = arith.addi %add3A_929, %mul3A_846 : i32
      %swap3A_931 = arith.index_cast %add3A_930 : i32 to index
      %swap3A_932 = tpu.vector_load %arg6[%swap3A_931] {strides = array<i32>} : memref<38400xf32, #tpu.memory_space<vmem>>, vector<16xf32>,
      tpu.vector_store %arg6[%swap3A_931], %select_n3A_928 {strides = array<i32>} : memref<38400xf32, #tpu.memory_space<vmem>>, vector<16xf32>,
      %eq3A_933 = arith.constant 1.100000e+01 : f32
      %eq3A_934 = vector.broadcast %eq3A_933 : f32 to vector<16xf32>
      %eq3A_935 = arith.cmpf oeq, %get3A_847, %eq3A_934 : vector<16xf32>
      %select_n3A_936 = arith.select %eq3A_935, %broadcast_in_dim3A_3, %broadcast_in_dim3A_5 : vector<16xi1>, vector<16xf32>
      %add3A_937 = arith.constant 35200 : i32
      %add3A_938 = arith.addi %add3A_937, %mul3A_846 : i32
      %swap3A_939 = arith.index_cast %add3A_938 : i32 to index
      %swap3A_940 = tpu.vector_load %arg6[%swap3A_939] {strides = array<i32>} : memref<38400xf32, #tpu.memory_space<vmem>>, vector<16xf32>,
      tpu.vector_store %arg6[%swap3A_939], %select_n3A_936 {strides = array<i32>} : memref<38400xf32, #tpu.memory_space<vmem>>, vector<16xf32>,
      %mul3A_941 = arith.constant 4 : i32
      %mul3A_942 = arith.muli %mul3A_941, %add3A_840 : i32
      %add3A_943 = arith.constant 1 : i32
      %add3A_944 = arith.addi %mul3A_942, %add3A_943 : i32
      %mul3A_945 = arith.constant 16 : i32
      %mul3A_946 = arith.muli %add3A_944, %mul3A_945 : i32
      %get3A_947 = arith.index_cast %mul3A_946 : i32 to index
      %get3A_948 = tpu.vector_load %arg4[%get3A_947] {strides = array<i32>} : memref<3200xf32, #tpu.memory_space<vmem>>, vector<16xf32>,
      %eq3A_949 = arith.constant 0.000000e+00 : f32
      %eq3A_950 = vector.broadcast %eq3A_949 : f32 to vector<16xf32>
      %eq3A_951 = arith.cmpf oeq, %get3A_948, %eq3A_950 : vector<16xf32>
      %select_n3A_952 = arith.select %eq3A_951, %broadcast_in_dim3A_3, %broadcast_in_dim3A_5 : vector<16xi1>, vector<16xf32>
      %add3A_953 = arith.constant 0 : i32
      %add3A_954 = arith.addi %add3A_953, %mul3A_946 : i32
      %swap3A_955 = arith.index_cast %add3A_954 : i32 to index
      %swap3A_956 = tpu.vector_load %arg6[%swap3A_955] {strides = array<i32>} : memref<38400xf32, #tpu.memory_space<vmem>>, vector<16xf32>,
      tpu.vector_store %arg6[%swap3A_955], %select_n3A_952 {strides = array<i32>} : memref<38400xf32, #tpu.memory_space<vmem>>, vector<16xf32>,
      %eq3A_957 = arith.constant 1.000000e+00 : f32
      %eq3A_958 = vector.broadcast %eq3A_957 : f32 to vector<16xf32>
      %eq3A_959 = arith.cmpf oeq, %get3A_948, %eq3A_958 : vector<16xf32>
      %select_n3A_960 = arith.select %eq3A_959, %broadcast_in_dim3A_3, %broadcast_in_dim3A_5 : vector<16xi1>, vector<16xf32>
      %add3A_961 = arith.constant 3200 : i32
      %add3A_962 = arith.addi %add3A_961, %mul3A_946 : i32
      %swap3A_963 = arith.index_cast %add3A_962 : i32 to index
      %swap3A_964 = tpu.vector_load %arg6[%swap3A_963] {strides = array<i32>} : memref<38400xf32, #tpu.memory_space<vmem>>, vector<16xf32>,
      tpu.vector_store %arg6[%swap3A_963], %select_n3A_960 {strides = array<i32>} : memref<38400xf32, #tpu.memory_space<vmem>>, vector<16xf32>,
      %eq3A_965 = arith.constant 2.000000e+00 : f32
      %eq3A_966 = vector.broadcast %eq3A_965 : f32 to vector<16xf32>
      %eq3A_967 = arith.cmpf oeq, %get3A_948, %eq3A_966 : vector<16xf32>
      %select_n3A_968 = arith.select %eq3A_967, %broadcast_in_dim3A_3, %broadcast_in_dim3A_5 : vector<16xi1>, vector<16xf32>
      %add3A_969 = arith.constant 6400 : i32
      %add3A_970 = arith.addi %add3A_969, %mul3A_946 : i32
      %swap3A_971 = arith.index_cast %add3A_970 : i32 to index
      %swap3A_972 = tpu.vector_load %arg6[%swap3A_971] {strides = array<i32>} : memref<38400xf32, #tpu.memory_space<vmem>>, vector<16xf32>,
      tpu.vector_store %arg6[%swap3A_971], %select_n3A_968 {strides = array<i32>} : memref<38400xf32, #tpu.memory_space<vmem>>, vector<16xf32>,
      %eq3A_973 = arith.constant 3.000000e+00 : f32
      %eq3A_974 = vector.broadcast %eq3A_973 : f32 to vector<16xf32>
      %eq3A_975 = arith.cmpf oeq, %get3A_948, %eq3A_974 : vector<16xf32>
      %select_n3A_976 = arith.select %eq3A_975, %broadcast_in_dim3A_3, %broadcast_in_dim3A_5 : vector<16xi1>, vector<16xf32>
      %add3A_977 = arith.constant 9600 : i32
      %add3A_978 = arith.addi %add3A_977, %mul3A_946 : i32
      %swap3A_979 = arith.index_cast %add3A_978 : i32 to index
      %swap3A_980 = tpu.vector_load %arg6[%swap3A_979] {strides = array<i32>} : memref<38400xf32, #tpu.memory_space<vmem>>, vector<16xf32>,
      tpu.vector_store %arg6[%swap3A_979], %select_n3A_976 {strides = array<i32>} : memref<38400xf32, #tpu.memory_space<vmem>>, vector<16xf32>,
      %eq3A_981 = arith.constant 4.000000e+00 : f32
      %eq3A_982 = vector.broadcast %eq3A_981 : f32 to vector<16xf32>
      %eq3A_983 = arith.cmpf oeq, %get3A_948, %eq3A_982 : vector<16xf32>
      %select_n3A_984 = arith.select %eq3A_983, %broadcast_in_dim3A_3, %broadcast_in_dim3A_5 : vector<16xi1>, vector<16xf32>
      %add3A_985 = arith.constant 12800 : i32
      %add3A_986 = arith.addi %add3A_985, %mul3A_946 : i32
      %swap3A_987 = arith.index_cast %add3A_986 : i32 to index
      %swap3A_988 = tpu.vector_load %arg6[%swap3A_987] {strides = array<i32>} : memref<38400xf32, #tpu.memory_space<vmem>>, vector<16xf32>,
      tpu.vector_store %arg6[%swap3A_987], %select_n3A_984 {strides = array<i32>} : memref<38400xf32, #tpu.memory_space<vmem>>, vector<16xf32>,
      %eq3A_989 = arith.constant 5.000000e+00 : f32
      %eq3A_990 = vector.broadcast %eq3A_989 : f32 to vector<16xf32>
      %eq3A_991 = arith.cmpf oeq, %get3A_948, %eq3A_990 : vector<16xf32>
      %select_n3A_992 = arith.select %eq3A_991, %broadcast_in_dim3A_3, %broadcast_in_dim3A_5 : vector<16xi1>, vector<16xf32>
      %add3A_993 = arith.constant 16000 : i32
      %add3A_994 = arith.addi %add3A_993, %mul3A_946 : i32
      %swap3A_995 = arith.index_cast %add3A_994 : i32 to index
      %swap3A_996 = tpu.vector_load %arg6[%swap3A_995] {strides = array<i32>} : memref<38400xf32, #tpu.memory_space<vmem>>, vector<16xf32>,
      tpu.vector_store %arg6[%swap3A_995], %select_n3A_992 {strides = array<i32>} : memref<38400xf32, #tpu.memory_space<vmem>>, vector<16xf32>,
      %eq3A_997 = arith.constant 6.000000e+00 : f32
      %eq3A_998 = vector.broadcast %eq3A_997 : f32 to vector<16xf32>
      %eq3A_999 = arith.cmpf oeq, %get3A_948, %eq3A_998 : vector<16xf32>
      %select_n3A_1000 = arith.select %eq3A_999, %broadcast_in_dim3A_3, %broadcast_in_dim3A_5 : vector<16xi1>, vector<16xf32>
      %add3A_1001 = arith.constant 19200 : i32
      %add3A_1002 = arith.addi %add3A_1001, %mul3A_946 : i32
      %swap3A_1003 = arith.index_cast %add3A_1002 : i32 to index
      %swap3A_1004 = tpu.vector_load %arg6[%swap3A_1003] {strides = array<i32>} : memref<38400xf32, #tpu.memory_space<vmem>>, vector<16xf32>,
      tpu.vector_store %arg6[%swap3A_1003], %select_n3A_1000 {strides = array<i32>} : memref<38400xf32, #tpu.memory_space<vmem>>, vector<16xf32>,
      %eq3A_1005 = arith.constant 7.000000e+00 : f32
      %eq3A_1006 = vector.broadcast %eq3A_1005 : f32 to vector<16xf32>
      %eq3A_1007 = arith.cmpf oeq, %get3A_948, %eq3A_1006 : vector<16xf32>
      %select_n3A_1008 = arith.select %eq3A_1007, %broadcast_in_dim3A_3, %broadcast_in_dim3A_5 : vector<16xi1>, vector<16xf32>
      %add3A_1009 = arith.constant 22400 : i32
      %add3A_1010 = arith.addi %add3A_1009, %mul3A_946 : i32
      %swap3A_1011 = arith.index_cast %add3A_1010 : i32 to index
      %swap3A_1012 = tpu.vector_load %arg6[%swap3A_1011] {strides = array<i32>} : memref<38400xf32, #tpu.memory_space<vmem>>, vector<16xf32>,
      tpu.vector_store %arg6[%swap3A_1011], %select_n3A_1008 {strides = array<i32>} : memref<38400xf32, #tpu.memory_space<vmem>>, vector<16xf32>,
      %eq3A_1013 = arith.constant 8.000000e+00 : f32
      %eq3A_1014 = vector.broadcast %eq3A_1013 : f32 to vector<16xf32>
      %eq3A_1015 = arith.cmpf oeq, %get3A_948, %eq3A_1014 : vector<16xf32>
      %select_n3A_1016 = arith.select %eq3A_1015, %broadcast_in_dim3A_3, %broadcast_in_dim3A_5 : vector<16xi1>, vector<16xf32>
      %add3A_1017 = arith.constant 25600 : i32
      %add3A_1018 = arith.addi %add3A_1017, %mul3A_946 : i32
      %swap3A_1019 = arith.index_cast %add3A_1018 : i32 to index
      %swap3A_1020 = tpu.vector_load %arg6[%swap3A_1019] {strides = array<i32>} : memref<38400xf32, #tpu.memory_space<vmem>>, vector<16xf32>,
      tpu.vector_store %arg6[%swap3A_1019], %select_n3A_1016 {strides = array<i32>} : memref<38400xf32, #tpu.memory_space<vmem>>, vector<16xf32>,
      %eq3A_1021 = arith.constant 9.000000e+00 : f32
      %eq3A_1022 = vector.broadcast %eq3A_1021 : f32 to vector<16xf32>
      %eq3A_1023 = arith.cmpf oeq, %get3A_948, %eq3A_1022 : vector<16xf32>
      %select_n3A_1024 = arith.select %eq3A_1023, %broadcast_in_dim3A_3, %broadcast_in_dim3A_5 : vector<16xi1>, vector<16xf32>
      %add3A_1025 = arith.constant 28800 : i32
      %add3A_1026 = arith.addi %add3A_1025, %mul3A_946 : i32
      %swap3A_1027 = arith.index_cast %add3A_1026 : i32 to index
      %swap3A_1028 = tpu.vector_load %arg6[%swap3A_1027] {strides = array<i32>} : memref<38400xf32, #tpu.memory_space<vmem>>, vector<16xf32>,
      tpu.vector_store %arg6[%swap3A_1027], %select_n3A_1024 {strides = array<i32>} : memref<38400xf32, #tpu.memory_space<vmem>>, vector<16xf32>,
      %eq3A_1029 = arith.constant 1.000000e+01 : f32
      %eq3A_1030 = vector.broadcast %eq3A_1029 : f32 to vector<16xf32>
      %eq3A_1031 = arith.cmpf oeq, %get3A_948, %eq3A_1030 : vector<16xf32>
      %select_n3A_1032 = arith.select %eq3A_1031, %broadcast_in_dim3A_3, %broadcast_in_dim3A_5 : vector<16xi1>, vector<16xf32>
      %add3A_1033 = arith.constant 32000 : i32
      %add3A_1034 = arith.addi %add3A_1033, %mul3A_946 : i32
      %swap3A_1035 = arith.index_cast %add3A_1034 : i32 to index
      %swap3A_1036 = tpu.vector_load %arg6[%swap3A_1035] {strides = array<i32>} : memref<38400xf32, #tpu.memory_space<vmem>>, vector<16xf32>,
      tpu.vector_store %arg6[%swap3A_1035], %select_n3A_1032 {strides = array<i32>} : memref<38400xf32, #tpu.memory_space<vmem>>, vector<16xf32>,
      %eq3A_1037 = arith.constant 1.100000e+01 : f32
      %eq3A_1038 = vector.broadcast %eq3A_1037 : f32 to vector<16xf32>
      %eq3A_1039 = arith.cmpf oeq, %get3A_948, %eq3A_1038 : vector<16xf32>
      %select_n3A_1040 = arith.select %eq3A_1039, %broadcast_in_dim3A_3, %broadcast_in_dim3A_5 : vector<16xi1>, vector<16xf32>
      %add3A_1041 = arith.constant 35200 : i32
      %add3A_1042 = arith.addi %add3A_1041, %mul3A_946 : i32
      %swap3A_1043 = arith.index_cast %add3A_1042 : i32 to index
      %swap3A_1044 = tpu.vector_load %arg6[%swap3A_1043] {strides = array<i32>} : memref<38400xf32, #tpu.memory_space<vmem>>, vector<16xf32>,
      tpu.vector_store %arg6[%swap3A_1043], %select_n3A_1040 {strides = array<i32>} : memref<38400xf32, #tpu.memory_space<vmem>>, vector<16xf32>,
      %mul3A_1045 = arith.constant 4 : i32
      %mul3A_1046 = arith.muli %mul3A_1045, %add3A_840 : i32
      %add3A_1047 = arith.constant 2 : i32
      %add3A_1048 = arith.addi %mul3A_1046, %add3A_1047 : i32
      %mul3A_1049 = arith.constant 16 : i32
      %mul3A_1050 = arith.muli %add3A_1048, %mul3A_1049 : i32
      %get3A_1051 = arith.index_cast %mul3A_1050 : i32 to index
      %get3A_1052 = tpu.vector_load %arg4[%get3A_1051] {strides = array<i32>} : memref<3200xf32, #tpu.memory_space<vmem>>, vector<16xf32>,
      %eq3A_1053 = arith.constant 0.000000e+00 : f32
      %eq3A_1054 = vector.broadcast %eq3A_1053 : f32 to vector<16xf32>
      %eq3A_1055 = arith.cmpf oeq, %get3A_1052, %eq3A_1054 : vector<16xf32>
      %select_n3A_1056 = arith.select %eq3A_1055, %broadcast_in_dim3A_3, %broadcast_in_dim3A_5 : vector<16xi1>, vector<16xf32>
      %add3A_1057 = arith.constant 0 : i32
      %add3A_1058 = arith.addi %add3A_1057, %mul3A_1050 : i32
      %swap3A_1059 = arith.index_cast %add3A_1058 : i32 to index
      %swap3A_1060 = tpu.vector_load %arg6[%swap3A_1059] {strides = array<i32>} : memref<38400xf32, #tpu.memory_space<vmem>>, vector<16xf32>,
      tpu.vector_store %arg6[%swap3A_1059], %select_n3A_1056 {strides = array<i32>} : memref<38400xf32, #tpu.memory_space<vmem>>, vector<16xf32>,
      %eq3A_1061 = arith.constant 1.000000e+00 : f32
      %eq3A_1062 = vector.broadcast %eq3A_1061 : f32 to vector<16xf32>
      %eq3A_1063 = arith.cmpf oeq, %get3A_1052, %eq3A_1062 : vector<16xf32>
      %select_n3A_1064 = arith.select %eq3A_1063, %broadcast_in_dim3A_3, %broadcast_in_dim3A_5 : vector<16xi1>, vector<16xf32>
      %add3A_1065 = arith.constant 3200 : i32
      %add3A_1066 = arith.addi %add3A_1065, %mul3A_1050 : i32
      %swap3A_1067 = arith.index_cast %add3A_1066 : i32 to index
      %swap3A_1068 = tpu.vector_load %arg6[%swap3A_1067] {strides = array<i32>} : memref<38400xf32, #tpu.memory_space<vmem>>, vector<16xf32>,
      tpu.vector_store %arg6[%swap3A_1067], %select_n3A_1064 {strides = array<i32>} : memref<38400xf32, #tpu.memory_space<vmem>>, vector<16xf32>,
      %eq3A_1069 = arith.constant 2.000000e+00 : f32
      %eq3A_1070 = vector.broadcast %eq3A_1069 : f32 to vector<16xf32>
      %eq3A_1071 = arith.cmpf oeq, %get3A_1052, %eq3A_1070 : vector<16xf32>
      %select_n3A_1072 = arith.select %eq3A_1071, %broadcast_in_dim3A_3, %broadcast_in_dim3A_5 : vector<16xi1>, vector<16xf32>
      %add3A_1073 = arith.constant 6400 : i32
      %add3A_1074 = arith.addi %add3A_1073, %mul3A_1050 : i32
      %swap3A_1075 = arith.index_cast %add3A_1074 : i32 to index
      %swap3A_1076 = tpu.vector_load %arg6[%swap3A_1075] {strides = array<i32>} : memref<38400xf32, #tpu.memory_space<vmem>>, vector<16xf32>,
      tpu.vector_store %arg6[%swap3A_1075], %select_n3A_1072 {strides = array<i32>} : memref<38400xf32, #tpu.memory_space<vmem>>, vector<16xf32>,
      %eq3A_1077 = arith.constant 3.000000e+00 : f32
      %eq3A_1078 = vector.broadcast %eq3A_1077 : f32 to vector<16xf32>
      %eq3A_1079 = arith.cmpf oeq, %get3A_1052, %eq3A_1078 : vector<16xf32>
      %select_n3A_1080 = arith.select %eq3A_1079, %broadcast_in_dim3A_3, %broadcast_in_dim3A_5 : vector<16xi1>, vector<16xf32>
      %add3A_1081 = arith.constant 9600 : i32
      %add3A_1082 = arith.addi %add3A_1081, %mul3A_1050 : i32
      %swap3A_1083 = arith.index_cast %add3A_1082 : i32 to index
      %swap3A_1084 = tpu.vector_load %arg6[%swap3A_1083] {strides = array<i32>} : memref<38400xf32, #tpu.memory_space<vmem>>, vector<16xf32>,
      tpu.vector_store %arg6[%swap3A_1083], %select_n3A_1080 {strides = array<i32>} : memref<38400xf32, #tpu.memory_space<vmem>>, vector<16xf32>,
      %eq3A_1085 = arith.constant 4.000000e+00 : f32
      %eq3A_1086 = vector.broadcast %eq3A_1085 : f32 to vector<16xf32>
      %eq3A_1087 = arith.cmpf oeq, %get3A_1052, %eq3A_1086 : vector<16xf32>
      %select_n3A_1088 = arith.select %eq3A_1087, %broadcast_in_dim3A_3, %broadcast_in_dim3A_5 : vector<16xi1>, vector<16xf32>
      %add3A_1089 = arith.constant 12800 : i32
      %add3A_1090 = arith.addi %add3A_1089, %mul3A_1050 : i32
      %swap3A_1091 = arith.index_cast %add3A_1090 : i32 to index
      %swap3A_1092 = tpu.vector_load %arg6[%swap3A_1091] {strides = array<i32>} : memref<38400xf32, #tpu.memory_space<vmem>>, vector<16xf32>,
      tpu.vector_store %arg6[%swap3A_1091], %select_n3A_1088 {strides = array<i32>} : memref<38400xf32, #tpu.memory_space<vmem>>, vector<16xf32>,
      %eq3A_1093 = arith.constant 5.000000e+00 : f32
      %eq3A_1094 = vector.broadcast %eq3A_1093 : f32 to vector<16xf32>
      %eq3A_1095 = arith.cmpf oeq, %get3A_1052, %eq3A_1094 : vector<16xf32>
      %select_n3A_1096 = arith.select %eq3A_1095, %broadcast_in_dim3A_3, %broadcast_in_dim3A_5 : vector<16xi1>, vector<16xf32>
      %add3A_1097 = arith.constant 16000 : i32
      %add3A_1098 = arith.addi %add3A_1097, %mul3A_1050 : i32
      %swap3A_1099 = arith.index_cast %add3A_1098 : i32 to index
      %swap3A_1100 = tpu.vector_load %arg6[%swap3A_1099] {strides = array<i32>} : memref<38400xf32, #tpu.memory_space<vmem>>, vector<16xf32>,
      tpu.vector_store %arg6[%swap3A_1099], %select_n3A_1096 {strides = array<i32>} : memref<38400xf32, #tpu.memory_space<vmem>>, vector<16xf32>,
      %eq3A_1101 = arith.constant 6.000000e+00 : f32
      %eq3A_1102 = vector.broadcast %eq3A_1101 : f32 to vector<16xf32>
      %eq3A_1103 = arith.cmpf oeq, %get3A_1052, %eq3A_1102 : vector<16xf32>
      %select_n3A_1104 = arith.select %eq3A_1103, %broadcast_in_dim3A_3, %broadcast_in_dim3A_5 : vector<16xi1>, vector<16xf32>
      %add3A_1105 = arith.constant 19200 : i32
      %add3A_1106 = arith.addi %add3A_1105, %mul3A_1050 : i32
      %swap3A_1107 = arith.index_cast %add3A_1106 : i32 to index
      %swap3A_1108 = tpu.vector_load %arg6[%swap3A_1107] {strides = array<i32>} : memref<38400xf32, #tpu.memory_space<vmem>>, vector<16xf32>,
      tpu.vector_store %arg6[%swap3A_1107], %select_n3A_1104 {strides = array<i32>} : memref<38400xf32, #tpu.memory_space<vmem>>, vector<16xf32>,
      %eq3A_1109 = arith.constant 7.000000e+00 : f32
      %eq3A_1110 = vector.broadcast %eq3A_1109 : f32 to vector<16xf32>
      %eq3A_1111 = arith.cmpf oeq, %get3A_1052, %eq3A_1110 : vector<16xf32>
      %select_n3A_1112 = arith.select %eq3A_1111, %broadcast_in_dim3A_3, %broadcast_in_dim3A_5 : vector<16xi1>, vector<16xf32>
      %add3A_1113 = arith.constant 22400 : i32
      %add3A_1114 = arith.addi %add3A_1113, %mul3A_1050 : i32
      %swap3A_1115 = arith.index_cast %add3A_1114 : i32 to index
      %swap3A_1116 = tpu.vector_load %arg6[%swap3A_1115] {strides = array<i32>} : memref<38400xf32, #tpu.memory_space<vmem>>, vector<16xf32>,
      tpu.vector_store %arg6[%swap3A_1115], %select_n3A_1112 {strides = array<i32>} : memref<38400xf32, #tpu.memory_space<vmem>>, vector<16xf32>,
      %eq3A_1117 = arith.constant 8.000000e+00 : f32
      %eq3A_1118 = vector.broadcast %eq3A_1117 : f32 to vector<16xf32>
      %eq3A_1119 = arith.cmpf oeq, %get3A_1052, %eq3A_1118 : vector<16xf32>
      %select_n3A_1120 = arith.select %eq3A_1119, %broadcast_in_dim3A_3, %broadcast_in_dim3A_5 : vector<16xi1>, vector<16xf32>
      %add3A_1121 = arith.constant 25600 : i32
      %add3A_1122 = arith.addi %add3A_1121, %mul3A_1050 : i32
      %swap3A_1123 = arith.index_cast %add3A_1122 : i32 to index
      %swap3A_1124 = tpu.vector_load %arg6[%swap3A_1123] {strides = array<i32>} : memref<38400xf32, #tpu.memory_space<vmem>>, vector<16xf32>,
      tpu.vector_store %arg6[%swap3A_1123], %select_n3A_1120 {strides = array<i32>} : memref<38400xf32, #tpu.memory_space<vmem>>, vector<16xf32>,
      %eq3A_1125 = arith.constant 9.000000e+00 : f32
      %eq3A_1126 = vector.broadcast %eq3A_1125 : f32 to vector<16xf32>
      %eq3A_1127 = arith.cmpf oeq, %get3A_1052, %eq3A_1126 : vector<16xf32>
      %select_n3A_1128 = arith.select %eq3A_1127, %broadcast_in_dim3A_3, %broadcast_in_dim3A_5 : vector<16xi1>, vector<16xf32>
      %add3A_1129 = arith.constant 28800 : i32
      %add3A_1130 = arith.addi %add3A_1129, %mul3A_1050 : i32
      %swap3A_1131 = arith.index_cast %add3A_1130 : i32 to index
      %swap3A_1132 = tpu.vector_load %arg6[%swap3A_1131] {strides = array<i32>} : memref<38400xf32, #tpu.memory_space<vmem>>, vector<16xf32>,
      tpu.vector_store %arg6[%swap3A_1131], %select_n3A_1128 {strides = array<i32>} : memref<38400xf32, #tpu.memory_space<vmem>>, vector<16xf32>,
      %eq3A_1133 = arith.constant 1.000000e+01 : f32
      %eq3A_1134 = vector.broadcast %eq3A_1133 : f32 to vector<16xf32>
      %eq3A_1135 = arith.cmpf oeq, %get3A_1052, %eq3A_1134 : vector<16xf32>
      %select_n3A_1136 = arith.select %eq3A_1135, %broadcast_in_dim3A_3, %broadcast_in_dim3A_5 : vector<16xi1>, vector<16xf32>
      %add3A_1137 = arith.constant 32000 : i32
      %add3A_1138 = arith.addi %add3A_1137, %mul3A_1050 : i32
      %swap3A_1139 = arith.index_cast %add3A_1138 : i32 to index
      %swap3A_1140 = tpu.vector_load %arg6[%swap3A_1139] {strides = array<i32>} : memref<38400xf32, #tpu.memory_space<vmem>>, vector<16xf32>,
      tpu.vector_store %arg6[%swap3A_1139], %select_n3A_1136 {strides = array<i32>} : memref<38400xf32, #tpu.memory_space<vmem>>, vector<16xf32>,
      %eq3A_1141 = arith.constant 1.100000e+01 : f32
      %eq3A_1142 = vector.broadcast %eq3A_1141 : f32 to vector<16xf32>
      %eq3A_1143 = arith.cmpf oeq, %get3A_1052, %eq3A_1142 : vector<16xf32>
      %select_n3A_1144 = arith.select %eq3A_1143, %broadcast_in_dim3A_3, %broadcast_in_dim3A_5 : vector<16xi1>, vector<16xf32>
      %add3A_1145 = arith.constant 35200 : i32
      %add3A_1146 = arith.addi %add3A_1145, %mul3A_1050 : i32
      %swap3A_1147 = arith.index_cast %add3A_1146 : i32 to index
      %swap3A_1148 = tpu.vector_load %arg6[%swap3A_1147] {strides = array<i32>} : memref<38400xf32, #tpu.memory_space<vmem>>, vector<16xf32>,
      tpu.vector_store %arg6[%swap3A_1147], %select_n3A_1144 {strides = array<i32>} : memref<38400xf32, #tpu.memory_space<vmem>>, vector<16xf32>,
      %mul3A_1149 = arith.constant 4 : i32
      %mul3A_1150 = arith.muli %mul3A_1149, %add3A_840 : i32
      %add3A_1151 = arith.constant 3 : i32
      %add3A_1152 = arith.addi %mul3A_1150, %add3A_1151 : i32
      %mul3A_1153 = arith.constant 16 : i32
      %mul3A_1154 = arith.muli %add3A_1152, %mul3A_1153 : i32
      %get3A_1155 = arith.index_cast %mul3A_1154 : i32 to index
      %get3A_1156 = tpu.vector_load %arg4[%get3A_1155] {strides = array<i32>} : memref<3200xf32, #tpu.memory_space<vmem>>, vector<16xf32>,
      %eq3A_1157 = arith.constant 0.000000e+00 : f32
      %eq3A_1158 = vector.broadcast %eq3A_1157 : f32 to vector<16xf32>
      %eq3A_1159 = arith.cmpf oeq, %get3A_1156, %eq3A_1158 : vector<16xf32>
      %select_n3A_1160 = arith.select %eq3A_1159, %broadcast_in_dim3A_3, %broadcast_in_dim3A_5 : vector<16xi1>, vector<16xf32>
      %add3A_1161 = arith.constant 0 : i32
      %add3A_1162 = arith.addi %add3A_1161, %mul3A_1154 : i32
      %swap3A_1163 = arith.index_cast %add3A_1162 : i32 to index
      %swap3A_1164 = tpu.vector_load %arg6[%swap3A_1163] {strides = array<i32>} : memref<38400xf32, #tpu.memory_space<vmem>>, vector<16xf32>,
      tpu.vector_store %arg6[%swap3A_1163], %select_n3A_1160 {strides = array<i32>} : memref<38400xf32, #tpu.memory_space<vmem>>, vector<16xf32>,
      %eq3A_1165 = arith.constant 1.000000e+00 : f32
      %eq3A_1166 = vector.broadcast %eq3A_1165 : f32 to vector<16xf32>
      %eq3A_1167 = arith.cmpf oeq, %get3A_1156, %eq3A_1166 : vector<16xf32>
      %select_n3A_1168 = arith.select %eq3A_1167, %broadcast_in_dim3A_3, %broadcast_in_dim3A_5 : vector<16xi1>, vector<16xf32>
      %add3A_1169 = arith.constant 3200 : i32
      %add3A_1170 = arith.addi %add3A_1169, %mul3A_1154 : i32
      %swap3A_1171 = arith.index_cast %add3A_1170 : i32 to index
      %swap3A_1172 = tpu.vector_load %arg6[%swap3A_1171] {strides = array<i32>} : memref<38400xf32, #tpu.memory_space<vmem>>, vector<16xf32>,
      tpu.vector_store %arg6[%swap3A_1171], %select_n3A_1168 {strides = array<i32>} : memref<38400xf32, #tpu.memory_space<vmem>>, vector<16xf32>,
      %eq3A_1173 = arith.constant 2.000000e+00 : f32
      %eq3A_1174 = vector.broadcast %eq3A_1173 : f32 to vector<16xf32>
      %eq3A_1175 = arith.cmpf oeq, %get3A_1156, %eq3A_1174 : vector<16xf32>
      %select_n3A_1176 = arith.select %eq3A_1175, %broadcast_in_dim3A_3, %broadcast_in_dim3A_5 : vector<16xi1>, vector<16xf32>
      %add3A_1177 = arith.constant 6400 : i32
      %add3A_1178 = arith.addi %add3A_1177, %mul3A_1154 : i32
      %swap3A_1179 = arith.index_cast %add3A_1178 : i32 to index
      %swap3A_1180 = tpu.vector_load %arg6[%swap3A_1179] {strides = array<i32>} : memref<38400xf32, #tpu.memory_space<vmem>>, vector<16xf32>,
      tpu.vector_store %arg6[%swap3A_1179], %select_n3A_1176 {strides = array<i32>} : memref<38400xf32, #tpu.memory_space<vmem>>, vector<16xf32>,
      %eq3A_1181 = arith.constant 3.000000e+00 : f32
      %eq3A_1182 = vector.broadcast %eq3A_1181 : f32 to vector<16xf32>
      %eq3A_1183 = arith.cmpf oeq, %get3A_1156, %eq3A_1182 : vector<16xf32>
      %select_n3A_1184 = arith.select %eq3A_1183, %broadcast_in_dim3A_3, %broadcast_in_dim3A_5 : vector<16xi1>, vector<16xf32>
      %add3A_1185 = arith.constant 9600 : i32
      %add3A_1186 = arith.addi %add3A_1185, %mul3A_1154 : i32
      %swap3A_1187 = arith.index_cast %add3A_1186 : i32 to index
      %swap3A_1188 = tpu.vector_load %arg6[%swap3A_1187] {strides = array<i32>} : memref<38400xf32, #tpu.memory_space<vmem>>, vector<16xf32>,
      tpu.vector_store %arg6[%swap3A_1187], %select_n3A_1184 {strides = array<i32>} : memref<38400xf32, #tpu.memory_space<vmem>>, vector<16xf32>,
      %eq3A_1189 = arith.constant 4.000000e+00 : f32
      %eq3A_1190 = vector.broadcast %eq3A_1189 : f32 to vector<16xf32>
      %eq3A_1191 = arith.cmpf oeq, %get3A_1156, %eq3A_1190 : vector<16xf32>
      %select_n3A_1192 = arith.select %eq3A_1191, %broadcast_in_dim3A_3, %broadcast_in_dim3A_5 : vector<16xi1>, vector<16xf32>
      %add3A_1193 = arith.constant 12800 : i32
      %add3A_1194 = arith.addi %add3A_1193, %mul3A_1154 : i32
      %swap3A_1195 = arith.index_cast %add3A_1194 : i32 to index
      %swap3A_1196 = tpu.vector_load %arg6[%swap3A_1195] {strides = array<i32>} : memref<38400xf32, #tpu.memory_space<vmem>>, vector<16xf32>,
      tpu.vector_store %arg6[%swap3A_1195], %select_n3A_1192 {strides = array<i32>} : memref<38400xf32, #tpu.memory_space<vmem>>, vector<16xf32>,
      %eq3A_1197 = arith.constant 5.000000e+00 : f32
      %eq3A_1198 = vector.broadcast %eq3A_1197 : f32 to vector<16xf32>
      %eq3A_1199 = arith.cmpf oeq, %get3A_1156, %eq3A_1198 : vector<16xf32>
      %select_n3A_1200 = arith.select %eq3A_1199, %broadcast_in_dim3A_3, %broadcast_in_dim3A_5 : vector<16xi1>, vector<16xf32>
      %add3A_1201 = arith.constant 16000 : i32
      %add3A_1202 = arith.addi %add3A_1201, %mul3A_1154 : i32
      %swap3A_1203 = arith.index_cast %add3A_1202 : i32 to index
      %swap3A_1204 = tpu.vector_load %arg6[%swap3A_1203] {strides = array<i32>} : memref<38400xf32, #tpu.memory_space<vmem>>, vector<16xf32>,
      tpu.vector_store %arg6[%swap3A_1203], %select_n3A_1200 {strides = array<i32>} : memref<38400xf32, #tpu.memory_space<vmem>>, vector<16xf32>,
      %eq3A_1205 = arith.constant 6.000000e+00 : f32
      %eq3A_1206 = vector.broadcast %eq3A_1205 : f32 to vector<16xf32>
      %eq3A_1207 = arith.cmpf oeq, %get3A_1156, %eq3A_1206 : vector<16xf32>
      %select_n3A_1208 = arith.select %eq3A_1207, %broadcast_in_dim3A_3, %broadcast_in_dim3A_5 : vector<16xi1>, vector<16xf32>
      %add3A_1209 = arith.constant 19200 : i32
      %add3A_1210 = arith.addi %add3A_1209, %mul3A_1154 : i32
      %swap3A_1211 = arith.index_cast %add3A_1210 : i32 to index
      %swap3A_1212 = tpu.vector_load %arg6[%swap3A_1211] {strides = array<i32>} : memref<38400xf32, #tpu.memory_space<vmem>>, vector<16xf32>,
      tpu.vector_store %arg6[%swap3A_1211], %select_n3A_1208 {strides = array<i32>} : memref<38400xf32, #tpu.memory_space<vmem>>, vector<16xf32>,
      %eq3A_1213 = arith.constant 7.000000e+00 : f32
      %eq3A_1214 = vector.broadcast %eq3A_1213 : f32 to vector<16xf32>
      %eq3A_1215 = arith.cmpf oeq, %get3A_1156, %eq3A_1214 : vector<16xf32>
      %select_n3A_1216 = arith.select %eq3A_1215, %broadcast_in_dim3A_3, %broadcast_in_dim3A_5 : vector<16xi1>, vector<16xf32>
      %add3A_1217 = arith.constant 22400 : i32
      %add3A_1218 = arith.addi %add3A_1217, %mul3A_1154 : i32
      %swap3A_1219 = arith.index_cast %add3A_1218 : i32 to index
      %swap3A_1220 = tpu.vector_load %arg6[%swap3A_1219] {strides = array<i32>} : memref<38400xf32, #tpu.memory_space<vmem>>, vector<16xf32>,
      tpu.vector_store %arg6[%swap3A_1219], %select_n3A_1216 {strides = array<i32>} : memref<38400xf32, #tpu.memory_space<vmem>>, vector<16xf32>,
      %eq3A_1221 = arith.constant 8.000000e+00 : f32
      %eq3A_1222 = vector.broadcast %eq3A_1221 : f32 to vector<16xf32>
      %eq3A_1223 = arith.cmpf oeq, %get3A_1156, %eq3A_1222 : vector<16xf32>
      %select_n3A_1224 = arith.select %eq3A_1223, %broadcast_in_dim3A_3, %broadcast_in_dim3A_5 : vector<16xi1>, vector<16xf32>
      %add3A_1225 = arith.constant 25600 : i32
      %add3A_1226 = arith.addi %add3A_1225, %mul3A_1154 : i32
      %swap3A_1227 = arith.index_cast %add3A_1226 : i32 to index
      %swap3A_1228 = tpu.vector_load %arg6[%swap3A_1227] {strides = array<i32>} : memref<38400xf32, #tpu.memory_space<vmem>>, vector<16xf32>,
      tpu.vector_store %arg6[%swap3A_1227], %select_n3A_1224 {strides = array<i32>} : memref<38400xf32, #tpu.memory_space<vmem>>, vector<16xf32>,
      %eq3A_1229 = arith.constant 9.000000e+00 : f32
      %eq3A_1230 = vector.broadcast %eq3A_1229 : f32 to vector<16xf32>
      %eq3A_1231 = arith.cmpf oeq, %get3A_1156, %eq3A_1230 : vector<16xf32>
      %select_n3A_1232 = arith.select %eq3A_1231, %broadcast_in_dim3A_3, %broadcast_in_dim3A_5 : vector<16xi1>, vector<16xf32>
      %add3A_1233 = arith.constant 28800 : i32
      %add3A_1234 = arith.addi %add3A_1233, %mul3A_1154 : i32
      %swap3A_1235 = arith.index_cast %add3A_1234 : i32 to index
      %swap3A_1236 = tpu.vector_load %arg6[%swap3A_1235] {strides = array<i32>} : memref<38400xf32, #tpu.memory_space<vmem>>, vector<16xf32>,
      tpu.vector_store %arg6[%swap3A_1235], %select_n3A_1232 {strides = array<i32>} : memref<38400xf32, #tpu.memory_space<vmem>>, vector<16xf32>,
      %eq3A_1237 = arith.constant 1.000000e+01 : f32
      %eq3A_1238 = vector.broadcast %eq3A_1237 : f32 to vector<16xf32>
      %eq3A_1239 = arith.cmpf oeq, %get3A_1156, %eq3A_1238 : vector<16xf32>
      %select_n3A_1240 = arith.select %eq3A_1239, %broadcast_in_dim3A_3, %broadcast_in_dim3A_5 : vector<16xi1>, vector<16xf32>
      %add3A_1241 = arith.constant 32000 : i32
      %add3A_1242 = arith.addi %add3A_1241, %mul3A_1154 : i32
      %swap3A_1243 = arith.index_cast %add3A_1242 : i32 to index
      %swap3A_1244 = tpu.vector_load %arg6[%swap3A_1243] {strides = array<i32>} : memref<38400xf32, #tpu.memory_space<vmem>>, vector<16xf32>,
      tpu.vector_store %arg6[%swap3A_1243], %select_n3A_1240 {strides = array<i32>} : memref<38400xf32, #tpu.memory_space<vmem>>, vector<16xf32>,
      %eq3A_1245 = arith.constant 1.100000e+01 : f32
      %eq3A_1246 = vector.broadcast %eq3A_1245 : f32 to vector<16xf32>
      %eq3A_1247 = arith.cmpf oeq, %get3A_1156, %eq3A_1246 : vector<16xf32>
      %select_n3A_1248 = arith.select %eq3A_1247, %broadcast_in_dim3A_3, %broadcast_in_dim3A_5 : vector<16xi1>, vector<16xf32>
      %add3A_1249 = arith.constant 35200 : i32
      %add3A_1250 = arith.addi %add3A_1249, %mul3A_1154 : i32
      %swap3A_1251 = arith.index_cast %add3A_1250 : i32 to index
      %swap3A_1252 = tpu.vector_load %arg6[%swap3A_1251] {strides = array<i32>} : memref<38400xf32, #tpu.memory_space<vmem>>, vector<16xf32>,
      tpu.vector_store %arg6[%swap3A_1251], %select_n3A_1248 {strides = array<i32>} : memref<38400xf32, #tpu.memory_space<vmem>>, vector<16xf32>,
    }
    %scan3A_344 = arith.constant 50 : i32
    %add3A_345 = arith.constant 0 : i32
    %add3A_346 = arith.addi %add3A_345, %add3A_339 : i32
    %dma_start3A_347 = arith.constant 0 : i32
    %dma_start3A_348 = tpu.memref_slice %arg6[%dma_start3A_347] : memref<38400xf32, #tpu.memory_space<vmem>> -> memref<3200xf32, #tpu.memory_space<vmem>>
    %dma_start3A_349 = tpu.memref_slice %arg3[%add3A_346] : memref<39321600xf32, #tpu.memory_space<hbm>> -> memref<3200xf32, #tpu.memory_space<hbm>>
    %dma_start3A_350 = tpu.memref_slice %arg3[%add3A_346] : memref<39321600xf32, #tpu.memory_space<hbm>> -> memref<3200xf32, #tpu.memory_space<hbm>>
    %dma_start3A_351 = arith.constant 0 : i32
    %dma_start3A_352 = tpu.memref_slice %arg6[%dma_start3A_351] : memref<38400xf32, #tpu.memory_space<vmem>> -> memref<3200xf32, #tpu.memory_space<vmem>>
    tpu.enqueue_dma source(%dma_start3A_352 : memref<3200xf32, #tpu.memory_space<vmem>>) target(%dma_start3A_350 : memref<3200xf32, #tpu.memory_space<hbm>>) target_semaphore(%arg8 : memref<!tpu.dma_semaphore, #tpu.memory_space<semaphore_mem>>)
    %add3A_353 = arith.constant 3276800 : i32
    %add3A_354 = arith.addi %add3A_353, %add3A_339 : i32
    %dma_start3A_355 = arith.constant 3200 : i32
    %dma_start3A_356 = tpu.memref_slice %arg6[%dma_start3A_355] : memref<38400xf32, #tpu.memory_space<vmem>> -> memref<3200xf32, #tpu.memory_space<vmem>>
    %dma_start3A_357 = tpu.memref_slice %arg3[%add3A_354] : memref<39321600xf32, #tpu.memory_space<hbm>> -> memref<3200xf32, #tpu.memory_space<hbm>>
    %dma_start3A_358 = tpu.memref_slice %arg3[%add3A_354] : memref<39321600xf32, #tpu.memory_space<hbm>> -> memref<3200xf32, #tpu.memory_space<hbm>>
    %dma_start3A_359 = arith.constant 3200 : i32
    %dma_start3A_360 = tpu.memref_slice %arg6[%dma_start3A_359] : memref<38400xf32, #tpu.memory_space<vmem>> -> memref<3200xf32, #tpu.memory_space<vmem>>
    tpu.enqueue_dma source(%dma_start3A_360 : memref<3200xf32, #tpu.memory_space<vmem>>) target(%dma_start3A_358 : memref<3200xf32, #tpu.memory_space<hbm>>) target_semaphore(%arg8 : memref<!tpu.dma_semaphore, #tpu.memory_space<semaphore_mem>>)
    %add3A_361 = arith.constant 6553600 : i32
    %add3A_362 = arith.addi %add3A_361, %add3A_339 : i32
    %dma_start3A_363 = arith.constant 6400 : i32
    %dma_start3A_364 = tpu.memref_slice %arg6[%dma_start3A_363] : memref<38400xf32, #tpu.memory_space<vmem>> -> memref<3200xf32, #tpu.memory_space<vmem>>
    %dma_start3A_365 = tpu.memref_slice %arg3[%add3A_362] : memref<39321600xf32, #tpu.memory_space<hbm>> -> memref<3200xf32, #tpu.memory_space<hbm>>
    %dma_start3A_366 = tpu.memref_slice %arg3[%add3A_362] : memref<39321600xf32, #tpu.memory_space<hbm>> -> memref<3200xf32, #tpu.memory_space<hbm>>
    %dma_start3A_367 = arith.constant 6400 : i32
    %dma_start3A_368 = tpu.memref_slice %arg6[%dma_start3A_367] : memref<38400xf32, #tpu.memory_space<vmem>> -> memref<3200xf32, #tpu.memory_space<vmem>>
    tpu.enqueue_dma source(%dma_start3A_368 : memref<3200xf32, #tpu.memory_space<vmem>>) target(%dma_start3A_366 : memref<3200xf32, #tpu.memory_space<hbm>>) target_semaphore(%arg8 : memref<!tpu.dma_semaphore, #tpu.memory_space<semaphore_mem>>)
    %add3A_369 = arith.constant 9830400 : i32
    %add3A_370 = arith.addi %add3A_369, %add3A_339 : i32
    %dma_start3A_371 = arith.constant 9600 : i32
    %dma_start3A_372 = tpu.memref_slice %arg6[%dma_start3A_371] : memref<38400xf32, #tpu.memory_space<vmem>> -> memref<3200xf32, #tpu.memory_space<vmem>>
    %dma_start3A_373 = tpu.memref_slice %arg3[%add3A_370] : memref<39321600xf32, #tpu.memory_space<hbm>> -> memref<3200xf32, #tpu.memory_space<hbm>>
    %dma_start3A_374 = tpu.memref_slice %arg3[%add3A_370] : memref<39321600xf32, #tpu.memory_space<hbm>> -> memref<3200xf32, #tpu.memory_space<hbm>>
    %dma_start3A_375 = arith.constant 9600 : i32
    %dma_start3A_376 = tpu.memref_slice %arg6[%dma_start3A_375] : memref<38400xf32, #tpu.memory_space<vmem>> -> memref<3200xf32, #tpu.memory_space<vmem>>
    tpu.enqueue_dma source(%dma_start3A_376 : memref<3200xf32, #tpu.memory_space<vmem>>) target(%dma_start3A_374 : memref<3200xf32, #tpu.memory_space<hbm>>) target_semaphore(%arg8 : memref<!tpu.dma_semaphore, #tpu.memory_space<semaphore_mem>>)
    %add3A_377 = arith.constant 13107200 : i32
    %add3A_378 = arith.addi %add3A_377, %add3A_339 : i32
    %dma_start3A_379 = arith.constant 12800 : i32
    %dma_start3A_380 = tpu.memref_slice %arg6[%dma_start3A_379] : memref<38400xf32, #tpu.memory_space<vmem>> -> memref<3200xf32, #tpu.memory_space<vmem>>
    %dma_start3A_381 = tpu.memref_slice %arg3[%add3A_378] : memref<39321600xf32, #tpu.memory_space<hbm>> -> memref<3200xf32, #tpu.memory_space<hbm>>
    %dma_start3A_382 = tpu.memref_slice %arg3[%add3A_378] : memref<39321600xf32, #tpu.memory_space<hbm>> -> memref<3200xf32, #tpu.memory_space<hbm>>
    %dma_start3A_383 = arith.constant 12800 : i32
    %dma_start3A_384 = tpu.memref_slice %arg6[%dma_start3A_383] : memref<38400xf32, #tpu.memory_space<vmem>> -> memref<3200xf32, #tpu.memory_space<vmem>>
    tpu.enqueue_dma source(%dma_start3A_384 : memref<3200xf32, #tpu.memory_space<vmem>>) target(%dma_start3A_382 : memref<3200xf32, #tpu.memory_space<hbm>>) target_semaphore(%arg8 : memref<!tpu.dma_semaphore, #tpu.memory_space<semaphore_mem>>)
    %add3A_385 = arith.constant 16384000 : i32
    %add3A_386 = arith.addi %add3A_385, %add3A_339 : i32
    %dma_start3A_387 = arith.constant 16000 : i32
    %dma_start3A_388 = tpu.memref_slice %arg6[%dma_start3A_387] : memref<38400xf32, #tpu.memory_space<vmem>> -> memref<3200xf32, #tpu.memory_space<vmem>>
    %dma_start3A_389 = tpu.memref_slice %arg3[%add3A_386] : memref<39321600xf32, #tpu.memory_space<hbm>> -> memref<3200xf32, #tpu.memory_space<hbm>>
    %dma_start3A_390 = tpu.memref_slice %arg3[%add3A_386] : memref<39321600xf32, #tpu.memory_space<hbm>> -> memref<3200xf32, #tpu.memory_space<hbm>>
    %dma_start3A_391 = arith.constant 16000 : i32
    %dma_start3A_392 = tpu.memref_slice %arg6[%dma_start3A_391] : memref<38400xf32, #tpu.memory_space<vmem>> -> memref<3200xf32, #tpu.memory_space<vmem>>
    tpu.enqueue_dma source(%dma_start3A_392 : memref<3200xf32, #tpu.memory_space<vmem>>) target(%dma_start3A_390 : memref<3200xf32, #tpu.memory_space<hbm>>) target_semaphore(%arg8 : memref<!tpu.dma_semaphore, #tpu.memory_space<semaphore_mem>>)
    %add3A_393 = arith.constant 19660800 : i32
    %add3A_394 = arith.addi %add3A_393, %add3A_339 : i32
    %dma_start3A_395 = arith.constant 19200 : i32
    %dma_start3A_396 = tpu.memref_slice %arg6[%dma_start3A_395] : memref<38400xf32, #tpu.memory_space<vmem>> -> memref<3200xf32, #tpu.memory_space<vmem>>
    %dma_start3A_397 = tpu.memref_slice %arg3[%add3A_394] : memref<39321600xf32, #tpu.memory_space<hbm>> -> memref<3200xf32, #tpu.memory_space<hbm>>
    %dma_start3A_398 = tpu.memref_slice %arg3[%add3A_394] : memref<39321600xf32, #tpu.memory_space<hbm>> -> memref<3200xf32, #tpu.memory_space<hbm>>
    %dma_start3A_399 = arith.constant 19200 : i32
    %dma_start3A_400 = tpu.memref_slice %arg6[%dma_start3A_399] : memref<38400xf32, #tpu.memory_space<vmem>> -> memref<3200xf32, #tpu.memory_space<vmem>>
    tpu.enqueue_dma source(%dma_start3A_400 : memref<3200xf32, #tpu.memory_space<vmem>>) target(%dma_start3A_398 : memref<3200xf32, #tpu.memory_space<hbm>>) target_semaphore(%arg8 : memref<!tpu.dma_semaphore, #tpu.memory_space<semaphore_mem>>)
    %add3A_401 = arith.constant 22937600 : i32
    %add3A_402 = arith.addi %add3A_401, %add3A_339 : i32
    %dma_start3A_403 = arith.constant 22400 : i32
    %dma_start3A_404 = tpu.memref_slice %arg6[%dma_start3A_403] : memref<38400xf32, #tpu.memory_space<vmem>> -> memref<3200xf32, #tpu.memory_space<vmem>>
    %dma_start3A_405 = tpu.memref_slice %arg3[%add3A_402] : memref<39321600xf32, #tpu.memory_space<hbm>> -> memref<3200xf32, #tpu.memory_space<hbm>>
    %dma_start3A_406 = tpu.memref_slice %arg3[%add3A_402] : memref<39321600xf32, #tpu.memory_space<hbm>> -> memref<3200xf32, #tpu.memory_space<hbm>>
    %dma_start3A_407 = arith.constant 22400 : i32
    %dma_start3A_408 = tpu.memref_slice %arg6[%dma_start3A_407] : memref<38400xf32, #tpu.memory_space<vmem>> -> memref<3200xf32, #tpu.memory_space<vmem>>
    tpu.enqueue_dma source(%dma_start3A_408 : memref<3200xf32, #tpu.memory_space<vmem>>) target(%dma_start3A_406 : memref<3200xf32, #tpu.memory_space<hbm>>) target_semaphore(%arg8 : memref<!tpu.dma_semaphore, #tpu.memory_space<semaphore_mem>>)
    %add3A_409 = arith.constant 26214400 : i32
    %add3A_410 = arith.addi %add3A_409, %add3A_339 : i32
    %dma_start3A_411 = arith.constant 25600 : i32
    %dma_start3A_412 = tpu.memref_slice %arg6[%dma_start3A_411] : memref<38400xf32, #tpu.memory_space<vmem>> -> memref<3200xf32, #tpu.memory_space<vmem>>
    %dma_start3A_413 = tpu.memref_slice %arg3[%add3A_410] : memref<39321600xf32, #tpu.memory_space<hbm>> -> memref<3200xf32, #tpu.memory_space<hbm>>
    %dma_start3A_414 = tpu.memref_slice %arg3[%add3A_410] : memref<39321600xf32, #tpu.memory_space<hbm>> -> memref<3200xf32, #tpu.memory_space<hbm>>
    %dma_start3A_415 = arith.constant 25600 : i32
    %dma_start3A_416 = tpu.memref_slice %arg6[%dma_start3A_415] : memref<38400xf32, #tpu.memory_space<vmem>> -> memref<3200xf32, #tpu.memory_space<vmem>>
    tpu.enqueue_dma source(%dma_start3A_416 : memref<3200xf32, #tpu.memory_space<vmem>>) target(%dma_start3A_414 : memref<3200xf32, #tpu.memory_space<hbm>>) target_semaphore(%arg8 : memref<!tpu.dma_semaphore, #tpu.memory_space<semaphore_mem>>)
    %add3A_417 = arith.constant 29491200 : i32
    %add3A_418 = arith.addi %add3A_417, %add3A_339 : i32
    %dma_start3A_419 = arith.constant 28800 : i32
    %dma_start3A_420 = tpu.memref_slice %arg6[%dma_start3A_419] : memref<38400xf32, #tpu.memory_space<vmem>> -> memref<3200xf32, #tpu.memory_space<vmem>>
    %dma_start3A_421 = tpu.memref_slice %arg3[%add3A_418] : memref<39321600xf32, #tpu.memory_space<hbm>> -> memref<3200xf32, #tpu.memory_space<hbm>>
    %dma_start3A_422 = tpu.memref_slice %arg3[%add3A_418] : memref<39321600xf32, #tpu.memory_space<hbm>> -> memref<3200xf32, #tpu.memory_space<hbm>>
    %dma_start3A_423 = arith.constant 28800 : i32
    %dma_start3A_424 = tpu.memref_slice %arg6[%dma_start3A_423] : memref<38400xf32, #tpu.memory_space<vmem>> -> memref<3200xf32, #tpu.memory_space<vmem>>
    tpu.enqueue_dma source(%dma_start3A_424 : memref<3200xf32, #tpu.memory_space<vmem>>) target(%dma_start3A_422 : memref<3200xf32, #tpu.memory_space<hbm>>) target_semaphore(%arg8 : memref<!tpu.dma_semaphore, #tpu.memory_space<semaphore_mem>>)
    %add3A_425 = arith.constant 32768000 : i32
    %add3A_426 = arith.addi %add3A_425, %add3A_339 : i32
    %dma_start3A_427 = arith.constant 32000 : i32
    %dma_start3A_428 = tpu.memref_slice %arg6[%dma_start3A_427] : memref<38400xf32, #tpu.memory_space<vmem>> -> memref<3200xf32, #tpu.memory_space<vmem>>
    %dma_start3A_429 = tpu.memref_slice %arg3[%add3A_426] : memref<39321600xf32, #tpu.memory_space<hbm>> -> memref<3200xf32, #tpu.memory_space<hbm>>
    %dma_start3A_430 = tpu.memref_slice %arg3[%add3A_426] : memref<39321600xf32, #tpu.memory_space<hbm>> -> memref<3200xf32, #tpu.memory_space<hbm>>
    %dma_start3A_431 = arith.constant 32000 : i32
    %dma_start3A_432 = tpu.memref_slice %arg6[%dma_start3A_431] : memref<38400xf32, #tpu.memory_space<vmem>> -> memref<3200xf32, #tpu.memory_space<vmem>>
    tpu.enqueue_dma source(%dma_start3A_432 : memref<3200xf32, #tpu.memory_space<vmem>>) target(%dma_start3A_430 : memref<3200xf32, #tpu.memory_space<hbm>>) target_semaphore(%arg8 : memref<!tpu.dma_semaphore, #tpu.memory_space<semaphore_mem>>)
    %add3A_433 = arith.constant 36044800 : i32
    %add3A_434 = arith.addi %add3A_433, %add3A_339 : i32
    %dma_start3A_435 = arith.constant 35200 : i32
    %dma_start3A_436 = tpu.memref_slice %arg6[%dma_start3A_435] : memref<38400xf32, #tpu.memory_space<vmem>> -> memref<3200xf32, #tpu.memory_space<vmem>>
    %dma_start3A_437 = tpu.memref_slice %arg3[%add3A_434] : memref<39321600xf32, #tpu.memory_space<hbm>> -> memref<3200xf32, #tpu.memory_space<hbm>>
    %dma_start3A_438 = tpu.memref_slice %arg3[%add3A_434] : memref<39321600xf32, #tpu.memory_space<hbm>> -> memref<3200xf32, #tpu.memory_space<hbm>>
    %dma_start3A_439 = arith.constant 35200 : i32
    %dma_start3A_440 = tpu.memref_slice %arg6[%dma_start3A_439] : memref<38400xf32, #tpu.memory_space<vmem>> -> memref<3200xf32, #tpu.memory_space<vmem>>
    tpu.enqueue_dma source(%dma_start3A_440 : memref<3200xf32, #tpu.memory_space<vmem>>) target(%dma_start3A_438 : memref<3200xf32, #tpu.memory_space<hbm>>) target_semaphore(%arg8 : memref<!tpu.dma_semaphore, #tpu.memory_space<semaphore_mem>>)
    %dma_wait3A_441 = arith.constant 0 : i32
    %dma_wait3A_442 = tpu.memref_slice %arg7[%dma_wait3A_441] : memref<38400xf32, #tpu.memory_space<vmem>> -> memref<3200xf32, #tpu.memory_space<vmem>>
    %dma_wait3A_443 = arith.constant 0 : i32
    %dma_wait3A_444 = tpu.memref_slice %arg3[%dma_wait3A_443] : memref<39321600xf32, #tpu.memory_space<hbm>> -> memref<3200xf32, #tpu.memory_space<hbm>>
    %dma_wait3A_445 = arith.constant 0 : i32
    %dma_wait3A_446 = tpu.memref_slice %arg3[%dma_wait3A_445] : memref<39321600xf32, #tpu.memory_space<hbm>> -> memref<3200xf32, #tpu.memory_space<hbm>>
    %dma_wait3A_447 = arith.constant 0 : i32
    %dma_wait3A_448 = tpu.memref_slice %arg7[%dma_wait3A_447] : memref<38400xf32, #tpu.memory_space<vmem>> -> memref<3200xf32, #tpu.memory_space<vmem>>
    tpu.wait_dma2 semaphore(%arg9 : memref<!tpu.dma_semaphore, #tpu.memory_space<semaphore_mem>>) src(%dma_wait3A_448 : memref<3200xf32, #tpu.memory_space<vmem>>) dst(%dma_wait3A_446 : memref<3200xf32, #tpu.memory_space<hbm>>)
    %dma_wait3A_449 = arith.constant 3200 : i32
    %dma_wait3A_450 = tpu.memref_slice %arg7[%dma_wait3A_449] : memref<38400xf32, #tpu.memory_space<vmem>> -> memref<3200xf32, #tpu.memory_space<vmem>>
    %dma_wait3A_451 = arith.constant 0 : i32
    %dma_wait3A_452 = tpu.memref_slice %arg3[%dma_wait3A_451] : memref<39321600xf32, #tpu.memory_space<hbm>> -> memref<3200xf32, #tpu.memory_space<hbm>>
    %dma_wait3A_453 = arith.constant 0 : i32
    %dma_wait3A_454 = tpu.memref_slice %arg3[%dma_wait3A_453] : memref<39321600xf32, #tpu.memory_space<hbm>> -> memref<3200xf32, #tpu.memory_space<hbm>>
    %dma_wait3A_455 = arith.constant 3200 : i32
    %dma_wait3A_456 = tpu.memref_slice %arg7[%dma_wait3A_455] : memref<38400xf32, #tpu.memory_space<vmem>> -> memref<3200xf32, #tpu.memory_space<vmem>>
    tpu.wait_dma2 semaphore(%arg9 : memref<!tpu.dma_semaphore, #tpu.memory_space<semaphore_mem>>) src(%dma_wait3A_456 : memref<3200xf32, #tpu.memory_space<vmem>>) dst(%dma_wait3A_454 : memref<3200xf32, #tpu.memory_space<hbm>>)
    %dma_wait3A_457 = arith.constant 6400 : i32
    %dma_wait3A_458 = tpu.memref_slice %arg7[%dma_wait3A_457] : memref<38400xf32, #tpu.memory_space<vmem>> -> memref<3200xf32, #tpu.memory_space<vmem>>
    %dma_wait3A_459 = arith.constant 0 : i32
    %dma_wait3A_460 = tpu.memref_slice %arg3[%dma_wait3A_459] : memref<39321600xf32, #tpu.memory_space<hbm>> -> memref<3200xf32, #tpu.memory_space<hbm>>
    %dma_wait3A_461 = arith.constant 0 : i32
    %dma_wait3A_462 = tpu.memref_slice %arg3[%dma_wait3A_461] : memref<39321600xf32, #tpu.memory_space<hbm>> -> memref<3200xf32, #tpu.memory_space<hbm>>
    %dma_wait3A_463 = arith.constant 6400 : i32
    %dma_wait3A_464 = tpu.memref_slice %arg7[%dma_wait3A_463] : memref<38400xf32, #tpu.memory_space<vmem>> -> memref<3200xf32, #tpu.memory_space<vmem>>
    tpu.wait_dma2 semaphore(%arg9 : memref<!tpu.dma_semaphore, #tpu.memory_space<semaphore_mem>>) src(%dma_wait3A_464 : memref<3200xf32, #tpu.memory_space<vmem>>) dst(%dma_wait3A_462 : memref<3200xf32, #tpu.memory_space<hbm>>)
    %dma_wait3A_465 = arith.constant 9600 : i32
    %dma_wait3A_466 = tpu.memref_slice %arg7[%dma_wait3A_465] : memref<38400xf32, #tpu.memory_space<vmem>> -> memref<3200xf32, #tpu.memory_space<vmem>>
    %dma_wait3A_467 = arith.constant 0 : i32
    %dma_wait3A_468 = tpu.memref_slice %arg3[%dma_wait3A_467] : memref<39321600xf32, #tpu.memory_space<hbm>> -> memref<3200xf32, #tpu.memory_space<hbm>>
    %dma_wait3A_469 = arith.constant 0 : i32
    %dma_wait3A_470 = tpu.memref_slice %arg3[%dma_wait3A_469] : memref<39321600xf32, #tpu.memory_space<hbm>> -> memref<3200xf32, #tpu.memory_space<hbm>>
    %dma_wait3A_471 = arith.constant 9600 : i32
    %dma_wait3A_472 = tpu.memref_slice %arg7[%dma_wait3A_471] : memref<38400xf32, #tpu.memory_space<vmem>> -> memref<3200xf32, #tpu.memory_space<vmem>>
    tpu.wait_dma2 semaphore(%arg9 : memref<!tpu.dma_semaphore, #tpu.memory_space<semaphore_mem>>) src(%dma_wait3A_472 : memref<3200xf32, #tpu.memory_space<vmem>>) dst(%dma_wait3A_470 : memref<3200xf32, #tpu.memory_space<hbm>>)
    %dma_wait3A_473 = arith.constant 12800 : i32
    %dma_wait3A_474 = tpu.memref_slice %arg7[%dma_wait3A_473] : memref<38400xf32, #tpu.memory_space<vmem>> -> memref<3200xf32, #tpu.memory_space<vmem>>
    %dma_wait3A_475 = arith.constant 0 : i32
    %dma_wait3A_476 = tpu.memref_slice %arg3[%dma_wait3A_475] : memref<39321600xf32, #tpu.memory_space<hbm>> -> memref<3200xf32, #tpu.memory_space<hbm>>
    %dma_wait3A_477 = arith.constant 0 : i32
    %dma_wait3A_478 = tpu.memref_slice %arg3[%dma_wait3A_477] : memref<39321600xf32, #tpu.memory_space<hbm>> -> memref<3200xf32, #tpu.memory_space<hbm>>
    %dma_wait3A_479 = arith.constant 12800 : i32
    %dma_wait3A_480 = tpu.memref_slice %arg7[%dma_wait3A_479] : memref<38400xf32, #tpu.memory_space<vmem>> -> memref<3200xf32, #tpu.memory_space<vmem>>
    tpu.wait_dma2 semaphore(%arg9 : memref<!tpu.dma_semaphore, #tpu.memory_space<semaphore_mem>>) src(%dma_wait3A_480 : memref<3200xf32, #tpu.memory_space<vmem>>) dst(%dma_wait3A_478 : memref<3200xf32, #tpu.memory_space<hbm>>)
    %dma_wait3A_481 = arith.constant 16000 : i32
    %dma_wait3A_482 = tpu.memref_slice %arg7[%dma_wait3A_481] : memref<38400xf32, #tpu.memory_space<vmem>> -> memref<3200xf32, #tpu.memory_space<vmem>>
    %dma_wait3A_483 = arith.constant 0 : i32
    %dma_wait3A_484 = tpu.memref_slice %arg3[%dma_wait3A_483] : memref<39321600xf32, #tpu.memory_space<hbm>> -> memref<3200xf32, #tpu.memory_space<hbm>>
    %dma_wait3A_485 = arith.constant 0 : i32
    %dma_wait3A_486 = tpu.memref_slice %arg3[%dma_wait3A_485] : memref<39321600xf32, #tpu.memory_space<hbm>> -> memref<3200xf32, #tpu.memory_space<hbm>>
    %dma_wait3A_487 = arith.constant 16000 : i32
    %dma_wait3A_488 = tpu.memref_slice %arg7[%dma_wait3A_487] : memref<38400xf32, #tpu.memory_space<vmem>> -> memref<3200xf32, #tpu.memory_space<vmem>>
    tpu.wait_dma2 semaphore(%arg9 : memref<!tpu.dma_semaphore, #tpu.memory_space<semaphore_mem>>) src(%dma_wait3A_488 : memref<3200xf32, #tpu.memory_space<vmem>>) dst(%dma_wait3A_486 : memref<3200xf32, #tpu.memory_space<hbm>>)
    %dma_wait3A_489 = arith.constant 19200 : i32
    %dma_wait3A_490 = tpu.memref_slice %arg7[%dma_wait3A_489] : memref<38400xf32, #tpu.memory_space<vmem>> -> memref<3200xf32, #tpu.memory_space<vmem>>
    %dma_wait3A_491 = arith.constant 0 : i32
    %dma_wait3A_492 = tpu.memref_slice %arg3[%dma_wait3A_491] : memref<39321600xf32, #tpu.memory_space<hbm>> -> memref<3200xf32, #tpu.memory_space<hbm>>
    %dma_wait3A_493 = arith.constant 0 : i32
    %dma_wait3A_494 = tpu.memref_slice %arg3[%dma_wait3A_493] : memref<39321600xf32, #tpu.memory_space<hbm>> -> memref<3200xf32, #tpu.memory_space<hbm>>
    %dma_wait3A_495 = arith.constant 19200 : i32
    %dma_wait3A_496 = tpu.memref_slice %arg7[%dma_wait3A_495] : memref<38400xf32, #tpu.memory_space<vmem>> -> memref<3200xf32, #tpu.memory_space<vmem>>
    tpu.wait_dma2 semaphore(%arg9 : memref<!tpu.dma_semaphore, #tpu.memory_space<semaphore_mem>>) src(%dma_wait3A_496 : memref<3200xf32, #tpu.memory_space<vmem>>) dst(%dma_wait3A_494 : memref<3200xf32, #tpu.memory_space<hbm>>)
    %dma_wait3A_497 = arith.constant 22400 : i32
    %dma_wait3A_498 = tpu.memref_slice %arg7[%dma_wait3A_497] : memref<38400xf32, #tpu.memory_space<vmem>> -> memref<3200xf32, #tpu.memory_space<vmem>>
    %dma_wait3A_499 = arith.constant 0 : i32
    %dma_wait3A_500 = tpu.memref_slice %arg3[%dma_wait3A_499] : memref<39321600xf32, #tpu.memory_space<hbm>> -> memref<3200xf32, #tpu.memory_space<hbm>>
    %dma_wait3A_501 = arith.constant 0 : i32
    %dma_wait3A_502 = tpu.memref_slice %arg3[%dma_wait3A_501] : memref<39321600xf32, #tpu.memory_space<hbm>> -> memref<3200xf32, #tpu.memory_space<hbm>>
    %dma_wait3A_503 = arith.constant 22400 : i32
    %dma_wait3A_504 = tpu.memref_slice %arg7[%dma_wait3A_503] : memref<38400xf32, #tpu.memory_space<vmem>> -> memref<3200xf32, #tpu.memory_space<vmem>>
    tpu.wait_dma2 semaphore(%arg9 : memref<!tpu.dma_semaphore, #tpu.memory_space<semaphore_mem>>) src(%dma_wait3A_504 : memref<3200xf32, #tpu.memory_space<vmem>>) dst(%dma_wait3A_502 : memref<3200xf32, #tpu.memory_space<hbm>>)
    %dma_wait3A_505 = arith.constant 25600 : i32
    %dma_wait3A_506 = tpu.memref_slice %arg7[%dma_wait3A_505] : memref<38400xf32, #tpu.memory_space<vmem>> -> memref<3200xf32, #tpu.memory_space<vmem>>
    %dma_wait3A_507 = arith.constant 0 : i32
    %dma_wait3A_508 = tpu.memref_slice %arg3[%dma_wait3A_507] : memref<39321600xf32, #tpu.memory_space<hbm>> -> memref<3200xf32, #tpu.memory_space<hbm>>
    %dma_wait3A_509 = arith.constant 0 : i32
    %dma_wait3A_510 = tpu.memref_slice %arg3[%dma_wait3A_509] : memref<39321600xf32, #tpu.memory_space<hbm>> -> memref<3200xf32, #tpu.memory_space<hbm>>
    %dma_wait3A_511 = arith.constant 25600 : i32
    %dma_wait3A_512 = tpu.memref_slice %arg7[%dma_wait3A_511] : memref<38400xf32, #tpu.memory_space<vmem>> -> memref<3200xf32, #tpu.memory_space<vmem>>
    tpu.wait_dma2 semaphore(%arg9 : memref<!tpu.dma_semaphore, #tpu.memory_space<semaphore_mem>>) src(%dma_wait3A_512 : memref<3200xf32, #tpu.memory_space<vmem>>) dst(%dma_wait3A_510 : memref<3200xf32, #tpu.memory_space<hbm>>)
    %dma_wait3A_513 = arith.constant 28800 : i32
    %dma_wait3A_514 = tpu.memref_slice %arg7[%dma_wait3A_513] : memref<38400xf32, #tpu.memory_space<vmem>> -> memref<3200xf32, #tpu.memory_space<vmem>>
    %dma_wait3A_515 = arith.constant 0 : i32
    %dma_wait3A_516 = tpu.memref_slice %arg3[%dma_wait3A_515] : memref<39321600xf32, #tpu.memory_space<hbm>> -> memref<3200xf32, #tpu.memory_space<hbm>>
    %dma_wait3A_517 = arith.constant 0 : i32
    %dma_wait3A_518 = tpu.memref_slice %arg3[%dma_wait3A_517] : memref<39321600xf32, #tpu.memory_space<hbm>> -> memref<3200xf32, #tpu.memory_space<hbm>>
    %dma_wait3A_519 = arith.constant 28800 : i32
    %dma_wait3A_520 = tpu.memref_slice %arg7[%dma_wait3A_519] : memref<38400xf32, #tpu.memory_space<vmem>> -> memref<3200xf32, #tpu.memory_space<vmem>>
    tpu.wait_dma2 semaphore(%arg9 : memref<!tpu.dma_semaphore, #tpu.memory_space<semaphore_mem>>) src(%dma_wait3A_520 : memref<3200xf32, #tpu.memory_space<vmem>>) dst(%dma_wait3A_518 : memref<3200xf32, #tpu.memory_space<hbm>>)
    %dma_wait3A_521 = arith.constant 32000 : i32
    %dma_wait3A_522 = tpu.memref_slice %arg7[%dma_wait3A_521] : memref<38400xf32, #tpu.memory_space<vmem>> -> memref<3200xf32, #tpu.memory_space<vmem>>
    %dma_wait3A_523 = arith.constant 0 : i32
    %dma_wait3A_524 = tpu.memref_slice %arg3[%dma_wait3A_523] : memref<39321600xf32, #tpu.memory_space<hbm>> -> memref<3200xf32, #tpu.memory_space<hbm>>
    %dma_wait3A_525 = arith.constant 0 : i32
    %dma_wait3A_526 = tpu.memref_slice %arg3[%dma_wait3A_525] : memref<39321600xf32, #tpu.memory_space<hbm>> -> memref<3200xf32, #tpu.memory_space<hbm>>
    %dma_wait3A_527 = arith.constant 32000 : i32
    %dma_wait3A_528 = tpu.memref_slice %arg7[%dma_wait3A_527] : memref<38400xf32, #tpu.memory_space<vmem>> -> memref<3200xf32, #tpu.memory_space<vmem>>
    tpu.wait_dma2 semaphore(%arg9 : memref<!tpu.dma_semaphore, #tpu.memory_space<semaphore_mem>>) src(%dma_wait3A_528 : memref<3200xf32, #tpu.memory_space<vmem>>) dst(%dma_wait3A_526 : memref<3200xf32, #tpu.memory_space<hbm>>)
    %dma_wait3A_529 = arith.constant 35200 : i32
    %dma_wait3A_530 = tpu.memref_slice %arg7[%dma_wait3A_529] : memref<38400xf32, #tpu.memory_space<vmem>> -> memref<3200xf32, #tpu.memory_space<vmem>>
    %dma_wait3A_531 = arith.constant 0 : i32
    %dma_wait3A_532 = tpu.memref_slice %arg3[%dma_wait3A_531] : memref<39321600xf32, #tpu.memory_space<hbm>> -> memref<3200xf32, #tpu.memory_space<hbm>>
    %dma_wait3A_533 = arith.constant 0 : i32
    %dma_wait3A_534 = tpu.memref_slice %arg3[%dma_wait3A_533] : memref<39321600xf32, #tpu.memory_space<hbm>> -> memref<3200xf32, #tpu.memory_space<hbm>>
    %dma_wait3A_535 = arith.constant 35200 : i32
    %dma_wait3A_536 = tpu.memref_slice %arg7[%dma_wait3A_535] : memref<38400xf32, #tpu.memory_space<vmem>> -> memref<3200xf32, #tpu.memory_space<vmem>>
    tpu.wait_dma2 semaphore(%arg9 : memref<!tpu.dma_semaphore, #tpu.memory_space<semaphore_mem>>) src(%dma_wait3A_536 : memref<3200xf32, #tpu.memory_space<vmem>>) dst(%dma_wait3A_534 : memref<3200xf32, #tpu.memory_space<hbm>>)
    %dma_wait3A_537 = arith.constant 0 : i32
    %dma_wait3A_538 = tpu.memref_slice %arg2[%dma_wait3A_537] : memref<3276800xf32, #tpu.memory_space<hbm>> -> memref<3200xf32, #tpu.memory_space<hbm>>
    %dma_wait3A_539 = arith.constant 0 : i32
    %dma_wait3A_540 = tpu.memref_slice %arg2[%dma_wait3A_539] : memref<3276800xf32, #tpu.memory_space<hbm>> -> memref<3200xf32, #tpu.memory_space<hbm>>
    tpu.wait_dma2 semaphore(%arg11 : memref<!tpu.dma_semaphore, #tpu.memory_space<semaphore_mem>>) src(%dma_wait3A_540 : memref<3200xf32, #tpu.memory_space<hbm>>) dst(%arg5 : memref<3200xf32, #tpu.memory_space<vmem>>)
    %add3A_541 = arith.constant 99200 : i32
    %add3A_542 = arith.addi %mul3A_2, %add3A_541 : i32
    %scan3A_543 = arith.constant 0 : i32
    %scan3A_544 = arith.constant 50 : i32
    %scan3A_545 = arith.addi %scan3A_543, %scan3A_544 : i32
    %scan3A_546 = arith.constant 1 : i32
    scf.for %scan3A_836 = %scan3A_543 to %scan3A_545 step %scan3A_546  : i32 {
      %mul3A_837 = arith.constant 1 : i32
      %mul3A_838 = arith.muli %scan3A_836, %mul3A_837 : i32
      %add3A_839 = arith.constant 0 : i32
      %add3A_840 = arith.addi %add3A_839, %mul3A_838 : i32
      %mul3A_841 = arith.constant 4 : i32
      %mul3A_842 = arith.muli %mul3A_841, %add3A_840 : i32
      %add3A_843 = arith.constant 0 : i32
      %add3A_844 = arith.addi %mul3A_842, %add3A_843 : i32
      %mul3A_845 = arith.constant 16 : i32
      %mul3A_846 = arith.muli %add3A_844, %mul3A_845 : i32
      %get3A = arith.index_cast %mul3A_846 : i32 to index
      %get3A_847 = tpu.vector_load %arg5[%get3A] {strides = array<i32>} : memref<3200xf32, #tpu.memory_space<vmem>>, vector<16xf32>,
      %eq3A = arith.constant 0.000000e+00 : f32
      %eq3A_848 = vector.broadcast %eq3A : f32 to vector<16xf32>
      %eq3A_849 = arith.cmpf oeq, %get3A_847, %eq3A_848 : vector<16xf32>
      %select_n3A = arith.select %eq3A_849, %broadcast_in_dim3A_3, %broadcast_in_dim3A_5 : vector<16xi1>, vector<16xf32>
      %add3A_850 = arith.constant 0 : i32
      %add3A_851 = arith.addi %add3A_850, %mul3A_846 : i32
      %swap3A = arith.index_cast %add3A_851 : i32 to index
      %swap3A_852 = tpu.vector_load %arg7[%swap3A] {strides = array<i32>} : memref<38400xf32, #tpu.memory_space<vmem>>, vector<16xf32>,
      tpu.vector_store %arg7[%swap3A], %select_n3A {strides = array<i32>} : memref<38400xf32, #tpu.memory_space<vmem>>, vector<16xf32>,
      %eq3A_853 = arith.constant 1.000000e+00 : f32
      %eq3A_854 = vector.broadcast %eq3A_853 : f32 to vector<16xf32>
      %eq3A_855 = arith.cmpf oeq, %get3A_847, %eq3A_854 : vector<16xf32>
      %select_n3A_856 = arith.select %eq3A_855, %broadcast_in_dim3A_3, %broadcast_in_dim3A_5 : vector<16xi1>, vector<16xf32>
      %add3A_857 = arith.constant 3200 : i32
      %add3A_858 = arith.addi %add3A_857, %mul3A_846 : i32
      %swap3A_859 = arith.index_cast %add3A_858 : i32 to index
      %swap3A_860 = tpu.vector_load %arg7[%swap3A_859] {strides = array<i32>} : memref<38400xf32, #tpu.memory_space<vmem>>, vector<16xf32>,
      tpu.vector_store %arg7[%swap3A_859], %select_n3A_856 {strides = array<i32>} : memref<38400xf32, #tpu.memory_space<vmem>>, vector<16xf32>,
      %eq3A_861 = arith.constant 2.000000e+00 : f32
      %eq3A_862 = vector.broadcast %eq3A_861 : f32 to vector<16xf32>
      %eq3A_863 = arith.cmpf oeq, %get3A_847, %eq3A_862 : vector<16xf32>
      %select_n3A_864 = arith.select %eq3A_863, %broadcast_in_dim3A_3, %broadcast_in_dim3A_5 : vector<16xi1>, vector<16xf32>
      %add3A_865 = arith.constant 6400 : i32
      %add3A_866 = arith.addi %add3A_865, %mul3A_846 : i32
      %swap3A_867 = arith.index_cast %add3A_866 : i32 to index
      %swap3A_868 = tpu.vector_load %arg7[%swap3A_867] {strides = array<i32>} : memref<38400xf32, #tpu.memory_space<vmem>>, vector<16xf32>,
      tpu.vector_store %arg7[%swap3A_867], %select_n3A_864 {strides = array<i32>} : memref<38400xf32, #tpu.memory_space<vmem>>, vector<16xf32>,
      %eq3A_869 = arith.constant 3.000000e+00 : f32
      %eq3A_870 = vector.broadcast %eq3A_869 : f32 to vector<16xf32>
      %eq3A_871 = arith.cmpf oeq, %get3A_847, %eq3A_870 : vector<16xf32>
      %select_n3A_872 = arith.select %eq3A_871, %broadcast_in_dim3A_3, %broadcast_in_dim3A_5 : vector<16xi1>, vector<16xf32>
      %add3A_873 = arith.constant 9600 : i32
      %add3A_874 = arith.addi %add3A_873, %mul3A_846 : i32
      %swap3A_875 = arith.index_cast %add3A_874 : i32 to index
      %swap3A_876 = tpu.vector_load %arg7[%swap3A_875] {strides = array<i32>} : memref<38400xf32, #tpu.memory_space<vmem>>, vector<16xf32>,
      tpu.vector_store %arg7[%swap3A_875], %select_n3A_872 {strides = array<i32>} : memref<38400xf32, #tpu.memory_space<vmem>>, vector<16xf32>,
      %eq3A_877 = arith.constant 4.000000e+00 : f32
      %eq3A_878 = vector.broadcast %eq3A_877 : f32 to vector<16xf32>
      %eq3A_879 = arith.cmpf oeq, %get3A_847, %eq3A_878 : vector<16xf32>
      %select_n3A_880 = arith.select %eq3A_879, %broadcast_in_dim3A_3, %broadcast_in_dim3A_5 : vector<16xi1>, vector<16xf32>
      %add3A_881 = arith.constant 12800 : i32
      %add3A_882 = arith.addi %add3A_881, %mul3A_846 : i32
      %swap3A_883 = arith.index_cast %add3A_882 : i32 to index
      %swap3A_884 = tpu.vector_load %arg7[%swap3A_883] {strides = array<i32>} : memref<38400xf32, #tpu.memory_space<vmem>>, vector<16xf32>,
      tpu.vector_store %arg7[%swap3A_883], %select_n3A_880 {strides = array<i32>} : memref<38400xf32, #tpu.memory_space<vmem>>, vector<16xf32>,
      %eq3A_885 = arith.constant 5.000000e+00 : f32
      %eq3A_886 = vector.broadcast %eq3A_885 : f32 to vector<16xf32>
      %eq3A_887 = arith.cmpf oeq, %get3A_847, %eq3A_886 : vector<16xf32>
      %select_n3A_888 = arith.select %eq3A_887, %broadcast_in_dim3A_3, %broadcast_in_dim3A_5 : vector<16xi1>, vector<16xf32>
      %add3A_889 = arith.constant 16000 : i32
      %add3A_890 = arith.addi %add3A_889, %mul3A_846 : i32
      %swap3A_891 = arith.index_cast %add3A_890 : i32 to index
      %swap3A_892 = tpu.vector_load %arg7[%swap3A_891] {strides = array<i32>} : memref<38400xf32, #tpu.memory_space<vmem>>, vector<16xf32>,
      tpu.vector_store %arg7[%swap3A_891], %select_n3A_888 {strides = array<i32>} : memref<38400xf32, #tpu.memory_space<vmem>>, vector<16xf32>,
      %eq3A_893 = arith.constant 6.000000e+00 : f32
      %eq3A_894 = vector.broadcast %eq3A_893 : f32 to vector<16xf32>
      %eq3A_895 = arith.cmpf oeq, %get3A_847, %eq3A_894 : vector<16xf32>
      %select_n3A_896 = arith.select %eq3A_895, %broadcast_in_dim3A_3, %broadcast_in_dim3A_5 : vector<16xi1>, vector<16xf32>
      %add3A_897 = arith.constant 19200 : i32
      %add3A_898 = arith.addi %add3A_897, %mul3A_846 : i32
      %swap3A_899 = arith.index_cast %add3A_898 : i32 to index
      %swap3A_900 = tpu.vector_load %arg7[%swap3A_899] {strides = array<i32>} : memref<38400xf32, #tpu.memory_space<vmem>>, vector<16xf32>,
      tpu.vector_store %arg7[%swap3A_899], %select_n3A_896 {strides = array<i32>} : memref<38400xf32, #tpu.memory_space<vmem>>, vector<16xf32>,
      %eq3A_901 = arith.constant 7.000000e+00 : f32
      %eq3A_902 = vector.broadcast %eq3A_901 : f32 to vector<16xf32>
      %eq3A_903 = arith.cmpf oeq, %get3A_847, %eq3A_902 : vector<16xf32>
      %select_n3A_904 = arith.select %eq3A_903, %broadcast_in_dim3A_3, %broadcast_in_dim3A_5 : vector<16xi1>, vector<16xf32>
      %add3A_905 = arith.constant 22400 : i32
      %add3A_906 = arith.addi %add3A_905, %mul3A_846 : i32
      %swap3A_907 = arith.index_cast %add3A_906 : i32 to index
      %swap3A_908 = tpu.vector_load %arg7[%swap3A_907] {strides = array<i32>} : memref<38400xf32, #tpu.memory_space<vmem>>, vector<16xf32>,
      tpu.vector_store %arg7[%swap3A_907], %select_n3A_904 {strides = array<i32>} : memref<38400xf32, #tpu.memory_space<vmem>>, vector<16xf32>,
      %eq3A_909 = arith.constant 8.000000e+00 : f32
      %eq3A_910 = vector.broadcast %eq3A_909 : f32 to vector<16xf32>
      %eq3A_911 = arith.cmpf oeq, %get3A_847, %eq3A_910 : vector<16xf32>
      %select_n3A_912 = arith.select %eq3A_911, %broadcast_in_dim3A_3, %broadcast_in_dim3A_5 : vector<16xi1>, vector<16xf32>
      %add3A_913 = arith.constant 25600 : i32
      %add3A_914 = arith.addi %add3A_913, %mul3A_846 : i32
      %swap3A_915 = arith.index_cast %add3A_914 : i32 to index
      %swap3A_916 = tpu.vector_load %arg7[%swap3A_915] {strides = array<i32>} : memref<38400xf32, #tpu.memory_space<vmem>>, vector<16xf32>,
      tpu.vector_store %arg7[%swap3A_915], %select_n3A_912 {strides = array<i32>} : memref<38400xf32, #tpu.memory_space<vmem>>, vector<16xf32>,
      %eq3A_917 = arith.constant 9.000000e+00 : f32
      %eq3A_918 = vector.broadcast %eq3A_917 : f32 to vector<16xf32>
      %eq3A_919 = arith.cmpf oeq, %get3A_847, %eq3A_918 : vector<16xf32>
      %select_n3A_920 = arith.select %eq3A_919, %broadcast_in_dim3A_3, %broadcast_in_dim3A_5 : vector<16xi1>, vector<16xf32>
      %add3A_921 = arith.constant 28800 : i32
      %add3A_922 = arith.addi %add3A_921, %mul3A_846 : i32
      %swap3A_923 = arith.index_cast %add3A_922 : i32 to index
      %swap3A_924 = tpu.vector_load %arg7[%swap3A_923] {strides = array<i32>} : memref<38400xf32, #tpu.memory_space<vmem>>, vector<16xf32>,
      tpu.vector_store %arg7[%swap3A_923], %select_n3A_920 {strides = array<i32>} : memref<38400xf32, #tpu.memory_space<vmem>>, vector<16xf32>,
      %eq3A_925 = arith.constant 1.000000e+01 : f32
      %eq3A_926 = vector.broadcast %eq3A_925 : f32 to vector<16xf32>
      %eq3A_927 = arith.cmpf oeq, %get3A_847, %eq3A_926 : vector<16xf32>
      %select_n3A_928 = arith.select %eq3A_927, %broadcast_in_dim3A_3, %broadcast_in_dim3A_5 : vector<16xi1>, vector<16xf32>
      %add3A_929 = arith.constant 32000 : i32
      %add3A_930 = arith.addi %add3A_929, %mul3A_846 : i32
      %swap3A_931 = arith.index_cast %add3A_930 : i32 to index
      %swap3A_932 = tpu.vector_load %arg7[%swap3A_931] {strides = array<i32>} : memref<38400xf32, #tpu.memory_space<vmem>>, vector<16xf32>,
      tpu.vector_store %arg7[%swap3A_931], %select_n3A_928 {strides = array<i32>} : memref<38400xf32, #tpu.memory_space<vmem>>, vector<16xf32>,
      %eq3A_933 = arith.constant 1.100000e+01 : f32
      %eq3A_934 = vector.broadcast %eq3A_933 : f32 to vector<16xf32>
      %eq3A_935 = arith.cmpf oeq, %get3A_847, %eq3A_934 : vector<16xf32>
      %select_n3A_936 = arith.select %eq3A_935, %broadcast_in_dim3A_3, %broadcast_in_dim3A_5 : vector<16xi1>, vector<16xf32>
      %add3A_937 = arith.constant 35200 : i32
      %add3A_938 = arith.addi %add3A_937, %mul3A_846 : i32
      %swap3A_939 = arith.index_cast %add3A_938 : i32 to index
      %swap3A_940 = tpu.vector_load %arg7[%swap3A_939] {strides = array<i32>} : memref<38400xf32, #tpu.memory_space<vmem>>, vector<16xf32>,
      tpu.vector_store %arg7[%swap3A_939], %select_n3A_936 {strides = array<i32>} : memref<38400xf32, #tpu.memory_space<vmem>>, vector<16xf32>,
      %mul3A_941 = arith.constant 4 : i32
      %mul3A_942 = arith.muli %mul3A_941, %add3A_840 : i32
      %add3A_943 = arith.constant 1 : i32
      %add3A_944 = arith.addi %mul3A_942, %add3A_943 : i32
      %mul3A_945 = arith.constant 16 : i32
      %mul3A_946 = arith.muli %add3A_944, %mul3A_945 : i32
      %get3A_947 = arith.index_cast %mul3A_946 : i32 to index
      %get3A_948 = tpu.vector_load %arg5[%get3A_947] {strides = array<i32>} : memref<3200xf32, #tpu.memory_space<vmem>>, vector<16xf32>,
      %eq3A_949 = arith.constant 0.000000e+00 : f32
      %eq3A_950 = vector.broadcast %eq3A_949 : f32 to vector<16xf32>
      %eq3A_951 = arith.cmpf oeq, %get3A_948, %eq3A_950 : vector<16xf32>
      %select_n3A_952 = arith.select %eq3A_951, %broadcast_in_dim3A_3, %broadcast_in_dim3A_5 : vector<16xi1>, vector<16xf32>
      %add3A_953 = arith.constant 0 : i32
      %add3A_954 = arith.addi %add3A_953, %mul3A_946 : i32
      %swap3A_955 = arith.index_cast %add3A_954 : i32 to index
      %swap3A_956 = tpu.vector_load %arg7[%swap3A_955] {strides = array<i32>} : memref<38400xf32, #tpu.memory_space<vmem>>, vector<16xf32>,
      tpu.vector_store %arg7[%swap3A_955], %select_n3A_952 {strides = array<i32>} : memref<38400xf32, #tpu.memory_space<vmem>>, vector<16xf32>,
      %eq3A_957 = arith.constant 1.000000e+00 : f32
      %eq3A_958 = vector.broadcast %eq3A_957 : f32 to vector<16xf32>
      %eq3A_959 = arith.cmpf oeq, %get3A_948, %eq3A_958 : vector<16xf32>
      %select_n3A_960 = arith.select %eq3A_959, %broadcast_in_dim3A_3, %broadcast_in_dim3A_5 : vector<16xi1>, vector<16xf32>
      %add3A_961 = arith.constant 3200 : i32
      %add3A_962 = arith.addi %add3A_961, %mul3A_946 : i32
      %swap3A_963 = arith.index_cast %add3A_962 : i32 to index
      %swap3A_964 = tpu.vector_load %arg7[%swap3A_963] {strides = array<i32>} : memref<38400xf32, #tpu.memory_space<vmem>>, vector<16xf32>,
      tpu.vector_store %arg7[%swap3A_963], %select_n3A_960 {strides = array<i32>} : memref<38400xf32, #tpu.memory_space<vmem>>, vector<16xf32>,
      %eq3A_965 = arith.constant 2.000000e+00 : f32
      %eq3A_966 = vector.broadcast %eq3A_965 : f32 to vector<16xf32>
      %eq3A_967 = arith.cmpf oeq, %get3A_948, %eq3A_966 : vector<16xf32>
      %select_n3A_968 = arith.select %eq3A_967, %broadcast_in_dim3A_3, %broadcast_in_dim3A_5 : vector<16xi1>, vector<16xf32>
      %add3A_969 = arith.constant 6400 : i32
      %add3A_970 = arith.addi %add3A_969, %mul3A_946 : i32
      %swap3A_971 = arith.index_cast %add3A_970 : i32 to index
      %swap3A_972 = tpu.vector_load %arg7[%swap3A_971] {strides = array<i32>} : memref<38400xf32, #tpu.memory_space<vmem>>, vector<16xf32>,
      tpu.vector_store %arg7[%swap3A_971], %select_n3A_968 {strides = array<i32>} : memref<38400xf32, #tpu.memory_space<vmem>>, vector<16xf32>,
      %eq3A_973 = arith.constant 3.000000e+00 : f32
      %eq3A_974 = vector.broadcast %eq3A_973 : f32 to vector<16xf32>
      %eq3A_975 = arith.cmpf oeq, %get3A_948, %eq3A_974 : vector<16xf32>
      %select_n3A_976 = arith.select %eq3A_975, %broadcast_in_dim3A_3, %broadcast_in_dim3A_5 : vector<16xi1>, vector<16xf32>
      %add3A_977 = arith.constant 9600 : i32
      %add3A_978 = arith.addi %add3A_977, %mul3A_946 : i32
      %swap3A_979 = arith.index_cast %add3A_978 : i32 to index
      %swap3A_980 = tpu.vector_load %arg7[%swap3A_979] {strides = array<i32>} : memref<38400xf32, #tpu.memory_space<vmem>>, vector<16xf32>,
      tpu.vector_store %arg7[%swap3A_979], %select_n3A_976 {strides = array<i32>} : memref<38400xf32, #tpu.memory_space<vmem>>, vector<16xf32>,
      %eq3A_981 = arith.constant 4.000000e+00 : f32
      %eq3A_982 = vector.broadcast %eq3A_981 : f32 to vector<16xf32>
      %eq3A_983 = arith.cmpf oeq, %get3A_948, %eq3A_982 : vector<16xf32>
      %select_n3A_984 = arith.select %eq3A_983, %broadcast_in_dim3A_3, %broadcast_in_dim3A_5 : vector<16xi1>, vector<16xf32>
      %add3A_985 = arith.constant 12800 : i32
      %add3A_986 = arith.addi %add3A_985, %mul3A_946 : i32
      %swap3A_987 = arith.index_cast %add3A_986 : i32 to index
      %swap3A_988 = tpu.vector_load %arg7[%swap3A_987] {strides = array<i32>} : memref<38400xf32, #tpu.memory_space<vmem>>, vector<16xf32>,
      tpu.vector_store %arg7[%swap3A_987], %select_n3A_984 {strides = array<i32>} : memref<38400xf32, #tpu.memory_space<vmem>>, vector<16xf32>,
      %eq3A_989 = arith.constant 5.000000e+00 : f32
      %eq3A_990 = vector.broadcast %eq3A_989 : f32 to vector<16xf32>
      %eq3A_991 = arith.cmpf oeq, %get3A_948, %eq3A_990 : vector<16xf32>
      %select_n3A_992 = arith.select %eq3A_991, %broadcast_in_dim3A_3, %broadcast_in_dim3A_5 : vector<16xi1>, vector<16xf32>
      %add3A_993 = arith.constant 16000 : i32
      %add3A_994 = arith.addi %add3A_993, %mul3A_946 : i32
      %swap3A_995 = arith.index_cast %add3A_994 : i32 to index
      %swap3A_996 = tpu.vector_load %arg7[%swap3A_995] {strides = array<i32>} : memref<38400xf32, #tpu.memory_space<vmem>>, vector<16xf32>,
      tpu.vector_store %arg7[%swap3A_995], %select_n3A_992 {strides = array<i32>} : memref<38400xf32, #tpu.memory_space<vmem>>, vector<16xf32>,
      %eq3A_997 = arith.constant 6.000000e+00 : f32
      %eq3A_998 = vector.broadcast %eq3A_997 : f32 to vector<16xf32>
      %eq3A_999 = arith.cmpf oeq, %get3A_948, %eq3A_998 : vector<16xf32>
      %select_n3A_1000 = arith.select %eq3A_999, %broadcast_in_dim3A_3, %broadcast_in_dim3A_5 : vector<16xi1>, vector<16xf32>
      %add3A_1001 = arith.constant 19200 : i32
      %add3A_1002 = arith.addi %add3A_1001, %mul3A_946 : i32
      %swap3A_1003 = arith.index_cast %add3A_1002 : i32 to index
      %swap3A_1004 = tpu.vector_load %arg7[%swap3A_1003] {strides = array<i32>} : memref<38400xf32, #tpu.memory_space<vmem>>, vector<16xf32>,
      tpu.vector_store %arg7[%swap3A_1003], %select_n3A_1000 {strides = array<i32>} : memref<38400xf32, #tpu.memory_space<vmem>>, vector<16xf32>,
      %eq3A_1005 = arith.constant 7.000000e+00 : f32
      %eq3A_1006 = vector.broadcast %eq3A_1005 : f32 to vector<16xf32>
      %eq3A_1007 = arith.cmpf oeq, %get3A_948, %eq3A_1006 : vector<16xf32>
      %select_n3A_1008 = arith.select %eq3A_1007, %broadcast_in_dim3A_3, %broadcast_in_dim3A_5 : vector<16xi1>, vector<16xf32>
      %add3A_1009 = arith.constant 22400 : i32
      %add3A_1010 = arith.addi %add3A_1009, %mul3A_946 : i32
      %swap3A_1011 = arith.index_cast %add3A_1010 : i32 to index
      %swap3A_1012 = tpu.vector_load %arg7[%swap3A_1011] {strides = array<i32>} : memref<38400xf32, #tpu.memory_space<vmem>>, vector<16xf32>,
      tpu.vector_store %arg7[%swap3A_1011], %select_n3A_1008 {strides = array<i32>} : memref<38400xf32, #tpu.memory_space<vmem>>, vector<16xf32>,
      %eq3A_1013 = arith.constant 8.000000e+00 : f32
      %eq3A_1014 = vector.broadcast %eq3A_1013 : f32 to vector<16xf32>
      %eq3A_1015 = arith.cmpf oeq, %get3A_948, %eq3A_1014 : vector<16xf32>
      %select_n3A_1016 = arith.select %eq3A_1015, %broadcast_in_dim3A_3, %broadcast_in_dim3A_5 : vector<16xi1>, vector<16xf32>
      %add3A_1017 = arith.constant 25600 : i32
      %add3A_1018 = arith.addi %add3A_1017, %mul3A_946 : i32
      %swap3A_1019 = arith.index_cast %add3A_1018 : i32 to index
      %swap3A_1020 = tpu.vector_load %arg7[%swap3A_1019] {strides = array<i32>} : memref<38400xf32, #tpu.memory_space<vmem>>, vector<16xf32>,
      tpu.vector_store %arg7[%swap3A_1019], %select_n3A_1016 {strides = array<i32>} : memref<38400xf32, #tpu.memory_space<vmem>>, vector<16xf32>,
      %eq3A_1021 = arith.constant 9.000000e+00 : f32
      %eq3A_1022 = vector.broadcast %eq3A_1021 : f32 to vector<16xf32>
      %eq3A_1023 = arith.cmpf oeq, %get3A_948, %eq3A_1022 : vector<16xf32>
      %select_n3A_1024 = arith.select %eq3A_1023, %broadcast_in_dim3A_3, %broadcast_in_dim3A_5 : vector<16xi1>, vector<16xf32>
      %add3A_1025 = arith.constant 28800 : i32
      %add3A_1026 = arith.addi %add3A_1025, %mul3A_946 : i32
      %swap3A_1027 = arith.index_cast %add3A_1026 : i32 to index
      %swap3A_1028 = tpu.vector_load %arg7[%swap3A_1027] {strides = array<i32>} : memref<38400xf32, #tpu.memory_space<vmem>>, vector<16xf32>,
      tpu.vector_store %arg7[%swap3A_1027], %select_n3A_1024 {strides = array<i32>} : memref<38400xf32, #tpu.memory_space<vmem>>, vector<16xf32>,
      %eq3A_1029 = arith.constant 1.000000e+01 : f32
      %eq3A_1030 = vector.broadcast %eq3A_1029 : f32 to vector<16xf32>
      %eq3A_1031 = arith.cmpf oeq, %get3A_948, %eq3A_1030 : vector<16xf32>
      %select_n3A_1032 = arith.select %eq3A_1031, %broadcast_in_dim3A_3, %broadcast_in_dim3A_5 : vector<16xi1>, vector<16xf32>
      %add3A_1033 = arith.constant 32000 : i32
      %add3A_1034 = arith.addi %add3A_1033, %mul3A_946 : i32
      %swap3A_1035 = arith.index_cast %add3A_1034 : i32 to index
      %swap3A_1036 = tpu.vector_load %arg7[%swap3A_1035] {strides = array<i32>} : memref<38400xf32, #tpu.memory_space<vmem>>, vector<16xf32>,
      tpu.vector_store %arg7[%swap3A_1035], %select_n3A_1032 {strides = array<i32>} : memref<38400xf32, #tpu.memory_space<vmem>>, vector<16xf32>,
      %eq3A_1037 = arith.constant 1.100000e+01 : f32
      %eq3A_1038 = vector.broadcast %eq3A_1037 : f32 to vector<16xf32>
      %eq3A_1039 = arith.cmpf oeq, %get3A_948, %eq3A_1038 : vector<16xf32>
      %select_n3A_1040 = arith.select %eq3A_1039, %broadcast_in_dim3A_3, %broadcast_in_dim3A_5 : vector<16xi1>, vector<16xf32>
      %add3A_1041 = arith.constant 35200 : i32
      %add3A_1042 = arith.addi %add3A_1041, %mul3A_946 : i32
      %swap3A_1043 = arith.index_cast %add3A_1042 : i32 to index
      %swap3A_1044 = tpu.vector_load %arg7[%swap3A_1043] {strides = array<i32>} : memref<38400xf32, #tpu.memory_space<vmem>>, vector<16xf32>,
      tpu.vector_store %arg7[%swap3A_1043], %select_n3A_1040 {strides = array<i32>} : memref<38400xf32, #tpu.memory_space<vmem>>, vector<16xf32>,
      %mul3A_1045 = arith.constant 4 : i32
      %mul3A_1046 = arith.muli %mul3A_1045, %add3A_840 : i32
      %add3A_1047 = arith.constant 2 : i32
      %add3A_1048 = arith.addi %mul3A_1046, %add3A_1047 : i32
      %mul3A_1049 = arith.constant 16 : i32
      %mul3A_1050 = arith.muli %add3A_1048, %mul3A_1049 : i32
      %get3A_1051 = arith.index_cast %mul3A_1050 : i32 to index
      %get3A_1052 = tpu.vector_load %arg5[%get3A_1051] {strides = array<i32>} : memref<3200xf32, #tpu.memory_space<vmem>>, vector<16xf32>,
      %eq3A_1053 = arith.constant 0.000000e+00 : f32
      %eq3A_1054 = vector.broadcast %eq3A_1053 : f32 to vector<16xf32>
      %eq3A_1055 = arith.cmpf oeq, %get3A_1052, %eq3A_1054 : vector<16xf32>
      %select_n3A_1056 = arith.select %eq3A_1055, %broadcast_in_dim3A_3, %broadcast_in_dim3A_5 : vector<16xi1>, vector<16xf32>
      %add3A_1057 = arith.constant 0 : i32
      %add3A_1058 = arith.addi %add3A_1057, %mul3A_1050 : i32
      %swap3A_1059 = arith.index_cast %add3A_1058 : i32 to index
      %swap3A_1060 = tpu.vector_load %arg7[%swap3A_1059] {strides = array<i32>} : memref<38400xf32, #tpu.memory_space<vmem>>, vector<16xf32>,
      tpu.vector_store %arg7[%swap3A_1059], %select_n3A_1056 {strides = array<i32>} : memref<38400xf32, #tpu.memory_space<vmem>>, vector<16xf32>,
      %eq3A_1061 = arith.constant 1.000000e+00 : f32
      %eq3A_1062 = vector.broadcast %eq3A_1061 : f32 to vector<16xf32>
      %eq3A_1063 = arith.cmpf oeq, %get3A_1052, %eq3A_1062 : vector<16xf32>
      %select_n3A_1064 = arith.select %eq3A_1063, %broadcast_in_dim3A_3, %broadcast_in_dim3A_5 : vector<16xi1>, vector<16xf32>
      %add3A_1065 = arith.constant 3200 : i32
      %add3A_1066 = arith.addi %add3A_1065, %mul3A_1050 : i32
      %swap3A_1067 = arith.index_cast %add3A_1066 : i32 to index
      %swap3A_1068 = tpu.vector_load %arg7[%swap3A_1067] {strides = array<i32>} : memref<38400xf32, #tpu.memory_space<vmem>>, vector<16xf32>,
      tpu.vector_store %arg7[%swap3A_1067], %select_n3A_1064 {strides = array<i32>} : memref<38400xf32, #tpu.memory_space<vmem>>, vector<16xf32>,
      %eq3A_1069 = arith.constant 2.000000e+00 : f32
      %eq3A_1070 = vector.broadcast %eq3A_1069 : f32 to vector<16xf32>
      %eq3A_1071 = arith.cmpf oeq, %get3A_1052, %eq3A_1070 : vector<16xf32>
      %select_n3A_1072 = arith.select %eq3A_1071, %broadcast_in_dim3A_3, %broadcast_in_dim3A_5 : vector<16xi1>, vector<16xf32>
      %add3A_1073 = arith.constant 6400 : i32
      %add3A_1074 = arith.addi %add3A_1073, %mul3A_1050 : i32
      %swap3A_1075 = arith.index_cast %add3A_1074 : i32 to index
      %swap3A_1076 = tpu.vector_load %arg7[%swap3A_1075] {strides = array<i32>} : memref<38400xf32, #tpu.memory_space<vmem>>, vector<16xf32>,
      tpu.vector_store %arg7[%swap3A_1075], %select_n3A_1072 {strides = array<i32>} : memref<38400xf32, #tpu.memory_space<vmem>>, vector<16xf32>,
      %eq3A_1077 = arith.constant 3.000000e+00 : f32
      %eq3A_1078 = vector.broadcast %eq3A_1077 : f32 to vector<16xf32>
      %eq3A_1079 = arith.cmpf oeq, %get3A_1052, %eq3A_1078 : vector<16xf32>
      %select_n3A_1080 = arith.select %eq3A_1079, %broadcast_in_dim3A_3, %broadcast_in_dim3A_5 : vector<16xi1>, vector<16xf32>
      %add3A_1081 = arith.constant 9600 : i32
      %add3A_1082 = arith.addi %add3A_1081, %mul3A_1050 : i32
      %swap3A_1083 = arith.index_cast %add3A_1082 : i32 to index
      %swap3A_1084 = tpu.vector_load %arg7[%swap3A_1083] {strides = array<i32>} : memref<38400xf32, #tpu.memory_space<vmem>>, vector<16xf32>,
      tpu.vector_store %arg7[%swap3A_1083], %select_n3A_1080 {strides = array<i32>} : memref<38400xf32, #tpu.memory_space<vmem>>, vector<16xf32>,
      %eq3A_1085 = arith.constant 4.000000e+00 : f32
      %eq3A_1086 = vector.broadcast %eq3A_1085 : f32 to vector<16xf32>
      %eq3A_1087 = arith.cmpf oeq, %get3A_1052, %eq3A_1086 : vector<16xf32>
      %select_n3A_1088 = arith.select %eq3A_1087, %broadcast_in_dim3A_3, %broadcast_in_dim3A_5 : vector<16xi1>, vector<16xf32>
      %add3A_1089 = arith.constant 12800 : i32
      %add3A_1090 = arith.addi %add3A_1089, %mul3A_1050 : i32
      %swap3A_1091 = arith.index_cast %add3A_1090 : i32 to index
      %swap3A_1092 = tpu.vector_load %arg7[%swap3A_1091] {strides = array<i32>} : memref<38400xf32, #tpu.memory_space<vmem>>, vector<16xf32>,
      tpu.vector_store %arg7[%swap3A_1091], %select_n3A_1088 {strides = array<i32>} : memref<38400xf32, #tpu.memory_space<vmem>>, vector<16xf32>,
      %eq3A_1093 = arith.constant 5.000000e+00 : f32
      %eq3A_1094 = vector.broadcast %eq3A_1093 : f32 to vector<16xf32>
      %eq3A_1095 = arith.cmpf oeq, %get3A_1052, %eq3A_1094 : vector<16xf32>
      %select_n3A_1096 = arith.select %eq3A_1095, %broadcast_in_dim3A_3, %broadcast_in_dim3A_5 : vector<16xi1>, vector<16xf32>
      %add3A_1097 = arith.constant 16000 : i32
      %add3A_1098 = arith.addi %add3A_1097, %mul3A_1050 : i32
      %swap3A_1099 = arith.index_cast %add3A_1098 : i32 to index
      %swap3A_1100 = tpu.vector_load %arg7[%swap3A_1099] {strides = array<i32>} : memref<38400xf32, #tpu.memory_space<vmem>>, vector<16xf32>,
      tpu.vector_store %arg7[%swap3A_1099], %select_n3A_1096 {strides = array<i32>} : memref<38400xf32, #tpu.memory_space<vmem>>, vector<16xf32>,
      %eq3A_1101 = arith.constant 6.000000e+00 : f32
      %eq3A_1102 = vector.broadcast %eq3A_1101 : f32 to vector<16xf32>
      %eq3A_1103 = arith.cmpf oeq, %get3A_1052, %eq3A_1102 : vector<16xf32>
      %select_n3A_1104 = arith.select %eq3A_1103, %broadcast_in_dim3A_3, %broadcast_in_dim3A_5 : vector<16xi1>, vector<16xf32>
      %add3A_1105 = arith.constant 19200 : i32
      %add3A_1106 = arith.addi %add3A_1105, %mul3A_1050 : i32
      %swap3A_1107 = arith.index_cast %add3A_1106 : i32 to index
      %swap3A_1108 = tpu.vector_load %arg7[%swap3A_1107] {strides = array<i32>} : memref<38400xf32, #tpu.memory_space<vmem>>, vector<16xf32>,
      tpu.vector_store %arg7[%swap3A_1107], %select_n3A_1104 {strides = array<i32>} : memref<38400xf32, #tpu.memory_space<vmem>>, vector<16xf32>,
      %eq3A_1109 = arith.constant 7.000000e+00 : f32
      %eq3A_1110 = vector.broadcast %eq3A_1109 : f32 to vector<16xf32>
      %eq3A_1111 = arith.cmpf oeq, %get3A_1052, %eq3A_1110 : vector<16xf32>
      %select_n3A_1112 = arith.select %eq3A_1111, %broadcast_in_dim3A_3, %broadcast_in_dim3A_5 : vector<16xi1>, vector<16xf32>
      %add3A_1113 = arith.constant 22400 : i32
      %add3A_1114 = arith.addi %add3A_1113, %mul3A_1050 : i32
      %swap3A_1115 = arith.index_cast %add3A_1114 : i32 to index
      %swap3A_1116 = tpu.vector_load %arg7[%swap3A_1115] {strides = array<i32>} : memref<38400xf32, #tpu.memory_space<vmem>>, vector<16xf32>,
      tpu.vector_store %arg7[%swap3A_1115], %select_n3A_1112 {strides = array<i32>} : memref<38400xf32, #tpu.memory_space<vmem>>, vector<16xf32>,
      %eq3A_1117 = arith.constant 8.000000e+00 : f32
      %eq3A_1118 = vector.broadcast %eq3A_1117 : f32 to vector<16xf32>
      %eq3A_1119 = arith.cmpf oeq, %get3A_1052, %eq3A_1118 : vector<16xf32>
      %select_n3A_1120 = arith.select %eq3A_1119, %broadcast_in_dim3A_3, %broadcast_in_dim3A_5 : vector<16xi1>, vector<16xf32>
      %add3A_1121 = arith.constant 25600 : i32
      %add3A_1122 = arith.addi %add3A_1121, %mul3A_1050 : i32
      %swap3A_1123 = arith.index_cast %add3A_1122 : i32 to index
      %swap3A_1124 = tpu.vector_load %arg7[%swap3A_1123] {strides = array<i32>} : memref<38400xf32, #tpu.memory_space<vmem>>, vector<16xf32>,
      tpu.vector_store %arg7[%swap3A_1123], %select_n3A_1120 {strides = array<i32>} : memref<38400xf32, #tpu.memory_space<vmem>>, vector<16xf32>,
      %eq3A_1125 = arith.constant 9.000000e+00 : f32
      %eq3A_1126 = vector.broadcast %eq3A_1125 : f32 to vector<16xf32>
      %eq3A_1127 = arith.cmpf oeq, %get3A_1052, %eq3A_1126 : vector<16xf32>
      %select_n3A_1128 = arith.select %eq3A_1127, %broadcast_in_dim3A_3, %broadcast_in_dim3A_5 : vector<16xi1>, vector<16xf32>
      %add3A_1129 = arith.constant 28800 : i32
      %add3A_1130 = arith.addi %add3A_1129, %mul3A_1050 : i32
      %swap3A_1131 = arith.index_cast %add3A_1130 : i32 to index
      %swap3A_1132 = tpu.vector_load %arg7[%swap3A_1131] {strides = array<i32>} : memref<38400xf32, #tpu.memory_space<vmem>>, vector<16xf32>,
      tpu.vector_store %arg7[%swap3A_1131], %select_n3A_1128 {strides = array<i32>} : memref<38400xf32, #tpu.memory_space<vmem>>, vector<16xf32>,
      %eq3A_1133 = arith.constant 1.000000e+01 : f32
      %eq3A_1134 = vector.broadcast %eq3A_1133 : f32 to vector<16xf32>
      %eq3A_1135 = arith.cmpf oeq, %get3A_1052, %eq3A_1134 : vector<16xf32>
      %select_n3A_1136 = arith.select %eq3A_1135, %broadcast_in_dim3A_3, %broadcast_in_dim3A_5 : vector<16xi1>, vector<16xf32>
      %add3A_1137 = arith.constant 32000 : i32
      %add3A_1138 = arith.addi %add3A_1137, %mul3A_1050 : i32
      %swap3A_1139 = arith.index_cast %add3A_1138 : i32 to index
      %swap3A_1140 = tpu.vector_load %arg7[%swap3A_1139] {strides = array<i32>} : memref<38400xf32, #tpu.memory_space<vmem>>, vector<16xf32>,
      tpu.vector_store %arg7[%swap3A_1139], %select_n3A_1136 {strides = array<i32>} : memref<38400xf32, #tpu.memory_space<vmem>>, vector<16xf32>,
      %eq3A_1141 = arith.constant 1.100000e+01 : f32
      %eq3A_1142 = vector.broadcast %eq3A_1141 : f32 to vector<16xf32>
      %eq3A_1143 = arith.cmpf oeq, %get3A_1052, %eq3A_1142 : vector<16xf32>
      %select_n3A_1144 = arith.select %eq3A_1143, %broadcast_in_dim3A_3, %broadcast_in_dim3A_5 : vector<16xi1>, vector<16xf32>
      %add3A_1145 = arith.constant 35200 : i32
      %add3A_1146 = arith.addi %add3A_1145, %mul3A_1050 : i32
      %swap3A_1147 = arith.index_cast %add3A_1146 : i32 to index
      %swap3A_1148 = tpu.vector_load %arg7[%swap3A_1147] {strides = array<i32>} : memref<38400xf32, #tpu.memory_space<vmem>>, vector<16xf32>,
      tpu.vector_store %arg7[%swap3A_1147], %select_n3A_1144 {strides = array<i32>} : memref<38400xf32, #tpu.memory_space<vmem>>, vector<16xf32>,
      %mul3A_1149 = arith.constant 4 : i32
      %mul3A_1150 = arith.muli %mul3A_1149, %add3A_840 : i32
      %add3A_1151 = arith.constant 3 : i32
      %add3A_1152 = arith.addi %mul3A_1150, %add3A_1151 : i32
      %mul3A_1153 = arith.constant 16 : i32
      %mul3A_1154 = arith.muli %add3A_1152, %mul3A_1153 : i32
      %get3A_1155 = arith.index_cast %mul3A_1154 : i32 to index
      %get3A_1156 = tpu.vector_load %arg5[%get3A_1155] {strides = array<i32>} : memref<3200xf32, #tpu.memory_space<vmem>>, vector<16xf32>,
      %eq3A_1157 = arith.constant 0.000000e+00 : f32
      %eq3A_1158 = vector.broadcast %eq3A_1157 : f32 to vector<16xf32>
      %eq3A_1159 = arith.cmpf oeq, %get3A_1156, %eq3A_1158 : vector<16xf32>
      %select_n3A_1160 = arith.select %eq3A_1159, %broadcast_in_dim3A_3, %broadcast_in_dim3A_5 : vector<16xi1>, vector<16xf32>
      %add3A_1161 = arith.constant 0 : i32
      %add3A_1162 = arith.addi %add3A_1161, %mul3A_1154 : i32
      %swap3A_1163 = arith.index_cast %add3A_1162 : i32 to index
      %swap3A_1164 = tpu.vector_load %arg7[%swap3A_1163] {strides = array<i32>} : memref<38400xf32, #tpu.memory_space<vmem>>, vector<16xf32>,
      tpu.vector_store %arg7[%swap3A_1163], %select_n3A_1160 {strides = array<i32>} : memref<38400xf32, #tpu.memory_space<vmem>>, vector<16xf32>,
      %eq3A_1165 = arith.constant 1.000000e+00 : f32
      %eq3A_1166 = vector.broadcast %eq3A_1165 : f32 to vector<16xf32>
      %eq3A_1167 = arith.cmpf oeq, %get3A_1156, %eq3A_1166 : vector<16xf32>
      %select_n3A_1168 = arith.select %eq3A_1167, %broadcast_in_dim3A_3, %broadcast_in_dim3A_5 : vector<16xi1>, vector<16xf32>
      %add3A_1169 = arith.constant 3200 : i32
      %add3A_1170 = arith.addi %add3A_1169, %mul3A_1154 : i32
      %swap3A_1171 = arith.index_cast %add3A_1170 : i32 to index
      %swap3A_1172 = tpu.vector_load %arg7[%swap3A_1171] {strides = array<i32>} : memref<38400xf32, #tpu.memory_space<vmem>>, vector<16xf32>,
      tpu.vector_store %arg7[%swap3A_1171], %select_n3A_1168 {strides = array<i32>} : memref<38400xf32, #tpu.memory_space<vmem>>, vector<16xf32>,
      %eq3A_1173 = arith.constant 2.000000e+00 : f32
      %eq3A_1174 = vector.broadcast %eq3A_1173 : f32 to vector<16xf32>
      %eq3A_1175 = arith.cmpf oeq, %get3A_1156, %eq3A_1174 : vector<16xf32>
      %select_n3A_1176 = arith.select %eq3A_1175, %broadcast_in_dim3A_3, %broadcast_in_dim3A_5 : vector<16xi1>, vector<16xf32>
      %add3A_1177 = arith.constant 6400 : i32
      %add3A_1178 = arith.addi %add3A_1177, %mul3A_1154 : i32
      %swap3A_1179 = arith.index_cast %add3A_1178 : i32 to index
      %swap3A_1180 = tpu.vector_load %arg7[%swap3A_1179] {strides = array<i32>} : memref<38400xf32, #tpu.memory_space<vmem>>, vector<16xf32>,
      tpu.vector_store %arg7[%swap3A_1179], %select_n3A_1176 {strides = array<i32>} : memref<38400xf32, #tpu.memory_space<vmem>>, vector<16xf32>,
      %eq3A_1181 = arith.constant 3.000000e+00 : f32
      %eq3A_1182 = vector.broadcast %eq3A_1181 : f32 to vector<16xf32>
      %eq3A_1183 = arith.cmpf oeq, %get3A_1156, %eq3A_1182 : vector<16xf32>
      %select_n3A_1184 = arith.select %eq3A_1183, %broadcast_in_dim3A_3, %broadcast_in_dim3A_5 : vector<16xi1>, vector<16xf32>
      %add3A_1185 = arith.constant 9600 : i32
      %add3A_1186 = arith.addi %add3A_1185, %mul3A_1154 : i32
      %swap3A_1187 = arith.index_cast %add3A_1186 : i32 to index
      %swap3A_1188 = tpu.vector_load %arg7[%swap3A_1187] {strides = array<i32>} : memref<38400xf32, #tpu.memory_space<vmem>>, vector<16xf32>,
      tpu.vector_store %arg7[%swap3A_1187], %select_n3A_1184 {strides = array<i32>} : memref<38400xf32, #tpu.memory_space<vmem>>, vector<16xf32>,
      %eq3A_1189 = arith.constant 4.000000e+00 : f32
      %eq3A_1190 = vector.broadcast %eq3A_1189 : f32 to vector<16xf32>
      %eq3A_1191 = arith.cmpf oeq, %get3A_1156, %eq3A_1190 : vector<16xf32>
      %select_n3A_1192 = arith.select %eq3A_1191, %broadcast_in_dim3A_3, %broadcast_in_dim3A_5 : vector<16xi1>, vector<16xf32>
      %add3A_1193 = arith.constant 12800 : i32
      %add3A_1194 = arith.addi %add3A_1193, %mul3A_1154 : i32
      %swap3A_1195 = arith.index_cast %add3A_1194 : i32 to index
      %swap3A_1196 = tpu.vector_load %arg7[%swap3A_1195] {strides = array<i32>} : memref<38400xf32, #tpu.memory_space<vmem>>, vector<16xf32>,
      tpu.vector_store %arg7[%swap3A_1195], %select_n3A_1192 {strides = array<i32>} : memref<38400xf32, #tpu.memory_space<vmem>>, vector<16xf32>,
      %eq3A_1197 = arith.constant 5.000000e+00 : f32
      %eq3A_1198 = vector.broadcast %eq3A_1197 : f32 to vector<16xf32>
      %eq3A_1199 = arith.cmpf oeq, %get3A_1156, %eq3A_1198 : vector<16xf32>
      %select_n3A_1200 = arith.select %eq3A_1199, %broadcast_in_dim3A_3, %broadcast_in_dim3A_5 : vector<16xi1>, vector<16xf32>
      %add3A_1201 = arith.constant 16000 : i32
      %add3A_1202 = arith.addi %add3A_1201, %mul3A_1154 : i32
      %swap3A_1203 = arith.index_cast %add3A_1202 : i32 to index
      %swap3A_1204 = tpu.vector_load %arg7[%swap3A_1203] {strides = array<i32>} : memref<38400xf32, #tpu.memory_space<vmem>>, vector<16xf32>,
      tpu.vector_store %arg7[%swap3A_1203], %select_n3A_1200 {strides = array<i32>} : memref<38400xf32, #tpu.memory_space<vmem>>, vector<16xf32>,
      %eq3A_1205 = arith.constant 6.000000e+00 : f32
      %eq3A_1206 = vector.broadcast %eq3A_1205 : f32 to vector<16xf32>
      %eq3A_1207 = arith.cmpf oeq, %get3A_1156, %eq3A_1206 : vector<16xf32>
      %select_n3A_1208 = arith.select %eq3A_1207, %broadcast_in_dim3A_3, %broadcast_in_dim3A_5 : vector<16xi1>, vector<16xf32>
      %add3A_1209 = arith.constant 19200 : i32
      %add3A_1210 = arith.addi %add3A_1209, %mul3A_1154 : i32
      %swap3A_1211 = arith.index_cast %add3A_1210 : i32 to index
      %swap3A_1212 = tpu.vector_load %arg7[%swap3A_1211] {strides = array<i32>} : memref<38400xf32, #tpu.memory_space<vmem>>, vector<16xf32>,
      tpu.vector_store %arg7[%swap3A_1211], %select_n3A_1208 {strides = array<i32>} : memref<38400xf32, #tpu.memory_space<vmem>>, vector<16xf32>,
      %eq3A_1213 = arith.constant 7.000000e+00 : f32
      %eq3A_1214 = vector.broadcast %eq3A_1213 : f32 to vector<16xf32>
      %eq3A_1215 = arith.cmpf oeq, %get3A_1156, %eq3A_1214 : vector<16xf32>
      %select_n3A_1216 = arith.select %eq3A_1215, %broadcast_in_dim3A_3, %broadcast_in_dim3A_5 : vector<16xi1>, vector<16xf32>
      %add3A_1217 = arith.constant 22400 : i32
      %add3A_1218 = arith.addi %add3A_1217, %mul3A_1154 : i32
      %swap3A_1219 = arith.index_cast %add3A_1218 : i32 to index
      %swap3A_1220 = tpu.vector_load %arg7[%swap3A_1219] {strides = array<i32>} : memref<38400xf32, #tpu.memory_space<vmem>>, vector<16xf32>,
      tpu.vector_store %arg7[%swap3A_1219], %select_n3A_1216 {strides = array<i32>} : memref<38400xf32, #tpu.memory_space<vmem>>, vector<16xf32>,
      %eq3A_1221 = arith.constant 8.000000e+00 : f32
      %eq3A_1222 = vector.broadcast %eq3A_1221 : f32 to vector<16xf32>
      %eq3A_1223 = arith.cmpf oeq, %get3A_1156, %eq3A_1222 : vector<16xf32>
      %select_n3A_1224 = arith.select %eq3A_1223, %broadcast_in_dim3A_3, %broadcast_in_dim3A_5 : vector<16xi1>, vector<16xf32>
      %add3A_1225 = arith.constant 25600 : i32
      %add3A_1226 = arith.addi %add3A_1225, %mul3A_1154 : i32
      %swap3A_1227 = arith.index_cast %add3A_1226 : i32 to index
      %swap3A_1228 = tpu.vector_load %arg7[%swap3A_1227] {strides = array<i32>} : memref<38400xf32, #tpu.memory_space<vmem>>, vector<16xf32>,
      tpu.vector_store %arg7[%swap3A_1227], %select_n3A_1224 {strides = array<i32>} : memref<38400xf32, #tpu.memory_space<vmem>>, vector<16xf32>,
      %eq3A_1229 = arith.constant 9.000000e+00 : f32
      %eq3A_1230 = vector.broadcast %eq3A_1229 : f32 to vector<16xf32>
      %eq3A_1231 = arith.cmpf oeq, %get3A_1156, %eq3A_1230 : vector<16xf32>
      %select_n3A_1232 = arith.select %eq3A_1231, %broadcast_in_dim3A_3, %broadcast_in_dim3A_5 : vector<16xi1>, vector<16xf32>
      %add3A_1233 = arith.constant 28800 : i32
      %add3A_1234 = arith.addi %add3A_1233, %mul3A_1154 : i32
      %swap3A_1235 = arith.index_cast %add3A_1234 : i32 to index
      %swap3A_1236 = tpu.vector_load %arg7[%swap3A_1235] {strides = array<i32>} : memref<38400xf32, #tpu.memory_space<vmem>>, vector<16xf32>,
      tpu.vector_store %arg7[%swap3A_1235], %select_n3A_1232 {strides = array<i32>} : memref<38400xf32, #tpu.memory_space<vmem>>, vector<16xf32>,
      %eq3A_1237 = arith.constant 1.000000e+01 : f32
      %eq3A_1238 = vector.broadcast %eq3A_1237 : f32 to vector<16xf32>
      %eq3A_1239 = arith.cmpf oeq, %get3A_1156, %eq3A_1238 : vector<16xf32>
      %select_n3A_1240 = arith.select %eq3A_1239, %broadcast_in_dim3A_3, %broadcast_in_dim3A_5 : vector<16xi1>, vector<16xf32>
      %add3A_1241 = arith.constant 32000 : i32
      %add3A_1242 = arith.addi %add3A_1241, %mul3A_1154 : i32
      %swap3A_1243 = arith.index_cast %add3A_1242 : i32 to index
      %swap3A_1244 = tpu.vector_load %arg7[%swap3A_1243] {strides = array<i32>} : memref<38400xf32, #tpu.memory_space<vmem>>, vector<16xf32>,
      tpu.vector_store %arg7[%swap3A_1243], %select_n3A_1240 {strides = array<i32>} : memref<38400xf32, #tpu.memory_space<vmem>>, vector<16xf32>,
      %eq3A_1245 = arith.constant 1.100000e+01 : f32
      %eq3A_1246 = vector.broadcast %eq3A_1245 : f32 to vector<16xf32>
      %eq3A_1247 = arith.cmpf oeq, %get3A_1156, %eq3A_1246 : vector<16xf32>
      %select_n3A_1248 = arith.select %eq3A_1247, %broadcast_in_dim3A_3, %broadcast_in_dim3A_5 : vector<16xi1>, vector<16xf32>
      %add3A_1249 = arith.constant 35200 : i32
      %add3A_1250 = arith.addi %add3A_1249, %mul3A_1154 : i32
      %swap3A_1251 = arith.index_cast %add3A_1250 : i32 to index
      %swap3A_1252 = tpu.vector_load %arg7[%swap3A_1251] {strides = array<i32>} : memref<38400xf32, #tpu.memory_space<vmem>>, vector<16xf32>,
      tpu.vector_store %arg7[%swap3A_1251], %select_n3A_1248 {strides = array<i32>} : memref<38400xf32, #tpu.memory_space<vmem>>, vector<16xf32>,
    }
    %scan3A_547 = arith.constant 50 : i32
    %add3A_548 = arith.constant 0 : i32
    %add3A_549 = arith.addi %add3A_548, %add3A_542 : i32
    %dma_start3A_550 = arith.constant 0 : i32
    %dma_start3A_551 = tpu.memref_slice %arg7[%dma_start3A_550] : memref<38400xf32, #tpu.memory_space<vmem>> -> memref<3200xf32, #tpu.memory_space<vmem>>
    %dma_start3A_552 = tpu.memref_slice %arg3[%add3A_549] : memref<39321600xf32, #tpu.memory_space<hbm>> -> memref<3200xf32, #tpu.memory_space<hbm>>
    %dma_start3A_553 = tpu.memref_slice %arg3[%add3A_549] : memref<39321600xf32, #tpu.memory_space<hbm>> -> memref<3200xf32, #tpu.memory_space<hbm>>
    %dma_start3A_554 = arith.constant 0 : i32
    %dma_start3A_555 = tpu.memref_slice %arg7[%dma_start3A_554] : memref<38400xf32, #tpu.memory_space<vmem>> -> memref<3200xf32, #tpu.memory_space<vmem>>
    tpu.enqueue_dma source(%dma_start3A_555 : memref<3200xf32, #tpu.memory_space<vmem>>) target(%dma_start3A_553 : memref<3200xf32, #tpu.memory_space<hbm>>) target_semaphore(%arg9 : memref<!tpu.dma_semaphore, #tpu.memory_space<semaphore_mem>>)
    %add3A_556 = arith.constant 3276800 : i32
    %add3A_557 = arith.addi %add3A_556, %add3A_542 : i32
    %dma_start3A_558 = arith.constant 3200 : i32
    %dma_start3A_559 = tpu.memref_slice %arg7[%dma_start3A_558] : memref<38400xf32, #tpu.memory_space<vmem>> -> memref<3200xf32, #tpu.memory_space<vmem>>
    %dma_start3A_560 = tpu.memref_slice %arg3[%add3A_557] : memref<39321600xf32, #tpu.memory_space<hbm>> -> memref<3200xf32, #tpu.memory_space<hbm>>
    %dma_start3A_561 = tpu.memref_slice %arg3[%add3A_557] : memref<39321600xf32, #tpu.memory_space<hbm>> -> memref<3200xf32, #tpu.memory_space<hbm>>
    %dma_start3A_562 = arith.constant 3200 : i32
    %dma_start3A_563 = tpu.memref_slice %arg7[%dma_start3A_562] : memref<38400xf32, #tpu.memory_space<vmem>> -> memref<3200xf32, #tpu.memory_space<vmem>>
    tpu.enqueue_dma source(%dma_start3A_563 : memref<3200xf32, #tpu.memory_space<vmem>>) target(%dma_start3A_561 : memref<3200xf32, #tpu.memory_space<hbm>>) target_semaphore(%arg9 : memref<!tpu.dma_semaphore, #tpu.memory_space<semaphore_mem>>)
    %add3A_564 = arith.constant 6553600 : i32
    %add3A_565 = arith.addi %add3A_564, %add3A_542 : i32
    %dma_start3A_566 = arith.constant 6400 : i32
    %dma_start3A_567 = tpu.memref_slice %arg7[%dma_start3A_566] : memref<38400xf32, #tpu.memory_space<vmem>> -> memref<3200xf32, #tpu.memory_space<vmem>>
    %dma_start3A_568 = tpu.memref_slice %arg3[%add3A_565] : memref<39321600xf32, #tpu.memory_space<hbm>> -> memref<3200xf32, #tpu.memory_space<hbm>>
    %dma_start3A_569 = tpu.memref_slice %arg3[%add3A_565] : memref<39321600xf32, #tpu.memory_space<hbm>> -> memref<3200xf32, #tpu.memory_space<hbm>>
    %dma_start3A_570 = arith.constant 6400 : i32
    %dma_start3A_571 = tpu.memref_slice %arg7[%dma_start3A_570] : memref<38400xf32, #tpu.memory_space<vmem>> -> memref<3200xf32, #tpu.memory_space<vmem>>
    tpu.enqueue_dma source(%dma_start3A_571 : memref<3200xf32, #tpu.memory_space<vmem>>) target(%dma_start3A_569 : memref<3200xf32, #tpu.memory_space<hbm>>) target_semaphore(%arg9 : memref<!tpu.dma_semaphore, #tpu.memory_space<semaphore_mem>>)
    %add3A_572 = arith.constant 9830400 : i32
    %add3A_573 = arith.addi %add3A_572, %add3A_542 : i32
    %dma_start3A_574 = arith.constant 9600 : i32
    %dma_start3A_575 = tpu.memref_slice %arg7[%dma_start3A_574] : memref<38400xf32, #tpu.memory_space<vmem>> -> memref<3200xf32, #tpu.memory_space<vmem>>
    %dma_start3A_576 = tpu.memref_slice %arg3[%add3A_573] : memref<39321600xf32, #tpu.memory_space<hbm>> -> memref<3200xf32, #tpu.memory_space<hbm>>
    %dma_start3A_577 = tpu.memref_slice %arg3[%add3A_573] : memref<39321600xf32, #tpu.memory_space<hbm>> -> memref<3200xf32, #tpu.memory_space<hbm>>
    %dma_start3A_578 = arith.constant 9600 : i32
    %dma_start3A_579 = tpu.memref_slice %arg7[%dma_start3A_578] : memref<38400xf32, #tpu.memory_space<vmem>> -> memref<3200xf32, #tpu.memory_space<vmem>>
    tpu.enqueue_dma source(%dma_start3A_579 : memref<3200xf32, #tpu.memory_space<vmem>>) target(%dma_start3A_577 : memref<3200xf32, #tpu.memory_space<hbm>>) target_semaphore(%arg9 : memref<!tpu.dma_semaphore, #tpu.memory_space<semaphore_mem>>)
    %add3A_580 = arith.constant 13107200 : i32
    %add3A_581 = arith.addi %add3A_580, %add3A_542 : i32
    %dma_start3A_582 = arith.constant 12800 : i32
    %dma_start3A_583 = tpu.memref_slice %arg7[%dma_start3A_582] : memref<38400xf32, #tpu.memory_space<vmem>> -> memref<3200xf32, #tpu.memory_space<vmem>>
    %dma_start3A_584 = tpu.memref_slice %arg3[%add3A_581] : memref<39321600xf32, #tpu.memory_space<hbm>> -> memref<3200xf32, #tpu.memory_space<hbm>>
    %dma_start3A_585 = tpu.memref_slice %arg3[%add3A_581] : memref<39321600xf32, #tpu.memory_space<hbm>> -> memref<3200xf32, #tpu.memory_space<hbm>>
    %dma_start3A_586 = arith.constant 12800 : i32
    %dma_start3A_587 = tpu.memref_slice %arg7[%dma_start3A_586] : memref<38400xf32, #tpu.memory_space<vmem>> -> memref<3200xf32, #tpu.memory_space<vmem>>
    tpu.enqueue_dma source(%dma_start3A_587 : memref<3200xf32, #tpu.memory_space<vmem>>) target(%dma_start3A_585 : memref<3200xf32, #tpu.memory_space<hbm>>) target_semaphore(%arg9 : memref<!tpu.dma_semaphore, #tpu.memory_space<semaphore_mem>>)
    %add3A_588 = arith.constant 16384000 : i32
    %add3A_589 = arith.addi %add3A_588, %add3A_542 : i32
    %dma_start3A_590 = arith.constant 16000 : i32
    %dma_start3A_591 = tpu.memref_slice %arg7[%dma_start3A_590] : memref<38400xf32, #tpu.memory_space<vmem>> -> memref<3200xf32, #tpu.memory_space<vmem>>
    %dma_start3A_592 = tpu.memref_slice %arg3[%add3A_589] : memref<39321600xf32, #tpu.memory_space<hbm>> -> memref<3200xf32, #tpu.memory_space<hbm>>
    %dma_start3A_593 = tpu.memref_slice %arg3[%add3A_589] : memref<39321600xf32, #tpu.memory_space<hbm>> -> memref<3200xf32, #tpu.memory_space<hbm>>
    %dma_start3A_594 = arith.constant 16000 : i32
    %dma_start3A_595 = tpu.memref_slice %arg7[%dma_start3A_594] : memref<38400xf32, #tpu.memory_space<vmem>> -> memref<3200xf32, #tpu.memory_space<vmem>>
    tpu.enqueue_dma source(%dma_start3A_595 : memref<3200xf32, #tpu.memory_space<vmem>>) target(%dma_start3A_593 : memref<3200xf32, #tpu.memory_space<hbm>>) target_semaphore(%arg9 : memref<!tpu.dma_semaphore, #tpu.memory_space<semaphore_mem>>)
    %add3A_596 = arith.constant 19660800 : i32
    %add3A_597 = arith.addi %add3A_596, %add3A_542 : i32
    %dma_start3A_598 = arith.constant 19200 : i32
    %dma_start3A_599 = tpu.memref_slice %arg7[%dma_start3A_598] : memref<38400xf32, #tpu.memory_space<vmem>> -> memref<3200xf32, #tpu.memory_space<vmem>>
    %dma_start3A_600 = tpu.memref_slice %arg3[%add3A_597] : memref<39321600xf32, #tpu.memory_space<hbm>> -> memref<3200xf32, #tpu.memory_space<hbm>>
    %dma_start3A_601 = tpu.memref_slice %arg3[%add3A_597] : memref<39321600xf32, #tpu.memory_space<hbm>> -> memref<3200xf32, #tpu.memory_space<hbm>>
    %dma_start3A_602 = arith.constant 19200 : i32
    %dma_start3A_603 = tpu.memref_slice %arg7[%dma_start3A_602] : memref<38400xf32, #tpu.memory_space<vmem>> -> memref<3200xf32, #tpu.memory_space<vmem>>
    tpu.enqueue_dma source(%dma_start3A_603 : memref<3200xf32, #tpu.memory_space<vmem>>) target(%dma_start3A_601 : memref<3200xf32, #tpu.memory_space<hbm>>) target_semaphore(%arg9 : memref<!tpu.dma_semaphore, #tpu.memory_space<semaphore_mem>>)
    %add3A_604 = arith.constant 22937600 : i32
    %add3A_605 = arith.addi %add3A_604, %add3A_542 : i32
    %dma_start3A_606 = arith.constant 22400 : i32
    %dma_start3A_607 = tpu.memref_slice %arg7[%dma_start3A_606] : memref<38400xf32, #tpu.memory_space<vmem>> -> memref<3200xf32, #tpu.memory_space<vmem>>
    %dma_start3A_608 = tpu.memref_slice %arg3[%add3A_605] : memref<39321600xf32, #tpu.memory_space<hbm>> -> memref<3200xf32, #tpu.memory_space<hbm>>
    %dma_start3A_609 = tpu.memref_slice %arg3[%add3A_605] : memref<39321600xf32, #tpu.memory_space<hbm>> -> memref<3200xf32, #tpu.memory_space<hbm>>
    %dma_start3A_610 = arith.constant 22400 : i32
    %dma_start3A_611 = tpu.memref_slice %arg7[%dma_start3A_610] : memref<38400xf32, #tpu.memory_space<vmem>> -> memref<3200xf32, #tpu.memory_space<vmem>>
    tpu.enqueue_dma source(%dma_start3A_611 : memref<3200xf32, #tpu.memory_space<vmem>>) target(%dma_start3A_609 : memref<3200xf32, #tpu.memory_space<hbm>>) target_semaphore(%arg9 : memref<!tpu.dma_semaphore, #tpu.memory_space<semaphore_mem>>)
    %add3A_612 = arith.constant 26214400 : i32
    %add3A_613 = arith.addi %add3A_612, %add3A_542 : i32
    %dma_start3A_614 = arith.constant 25600 : i32
    %dma_start3A_615 = tpu.memref_slice %arg7[%dma_start3A_614] : memref<38400xf32, #tpu.memory_space<vmem>> -> memref<3200xf32, #tpu.memory_space<vmem>>
    %dma_start3A_616 = tpu.memref_slice %arg3[%add3A_613] : memref<39321600xf32, #tpu.memory_space<hbm>> -> memref<3200xf32, #tpu.memory_space<hbm>>
    %dma_start3A_617 = tpu.memref_slice %arg3[%add3A_613] : memref<39321600xf32, #tpu.memory_space<hbm>> -> memref<3200xf32, #tpu.memory_space<hbm>>
    %dma_start3A_618 = arith.constant 25600 : i32
    %dma_start3A_619 = tpu.memref_slice %arg7[%dma_start3A_618] : memref<38400xf32, #tpu.memory_space<vmem>> -> memref<3200xf32, #tpu.memory_space<vmem>>
    tpu.enqueue_dma source(%dma_start3A_619 : memref<3200xf32, #tpu.memory_space<vmem>>) target(%dma_start3A_617 : memref<3200xf32, #tpu.memory_space<hbm>>) target_semaphore(%arg9 : memref<!tpu.dma_semaphore, #tpu.memory_space<semaphore_mem>>)
    %add3A_620 = arith.constant 29491200 : i32
    %add3A_621 = arith.addi %add3A_620, %add3A_542 : i32
    %dma_start3A_622 = arith.constant 28800 : i32
    %dma_start3A_623 = tpu.memref_slice %arg7[%dma_start3A_622] : memref<38400xf32, #tpu.memory_space<vmem>> -> memref<3200xf32, #tpu.memory_space<vmem>>
    %dma_start3A_624 = tpu.memref_slice %arg3[%add3A_621] : memref<39321600xf32, #tpu.memory_space<hbm>> -> memref<3200xf32, #tpu.memory_space<hbm>>
    %dma_start3A_625 = tpu.memref_slice %arg3[%add3A_621] : memref<39321600xf32, #tpu.memory_space<hbm>> -> memref<3200xf32, #tpu.memory_space<hbm>>
    %dma_start3A_626 = arith.constant 28800 : i32
    %dma_start3A_627 = tpu.memref_slice %arg7[%dma_start3A_626] : memref<38400xf32, #tpu.memory_space<vmem>> -> memref<3200xf32, #tpu.memory_space<vmem>>
    tpu.enqueue_dma source(%dma_start3A_627 : memref<3200xf32, #tpu.memory_space<vmem>>) target(%dma_start3A_625 : memref<3200xf32, #tpu.memory_space<hbm>>) target_semaphore(%arg9 : memref<!tpu.dma_semaphore, #tpu.memory_space<semaphore_mem>>)
    %add3A_628 = arith.constant 32768000 : i32
    %add3A_629 = arith.addi %add3A_628, %add3A_542 : i32
    %dma_start3A_630 = arith.constant 32000 : i32
    %dma_start3A_631 = tpu.memref_slice %arg7[%dma_start3A_630] : memref<38400xf32, #tpu.memory_space<vmem>> -> memref<3200xf32, #tpu.memory_space<vmem>>
    %dma_start3A_632 = tpu.memref_slice %arg3[%add3A_629] : memref<39321600xf32, #tpu.memory_space<hbm>> -> memref<3200xf32, #tpu.memory_space<hbm>>
    %dma_start3A_633 = tpu.memref_slice %arg3[%add3A_629] : memref<39321600xf32, #tpu.memory_space<hbm>> -> memref<3200xf32, #tpu.memory_space<hbm>>
    %dma_start3A_634 = arith.constant 32000 : i32
    %dma_start3A_635 = tpu.memref_slice %arg7[%dma_start3A_634] : memref<38400xf32, #tpu.memory_space<vmem>> -> memref<3200xf32, #tpu.memory_space<vmem>>
    tpu.enqueue_dma source(%dma_start3A_635 : memref<3200xf32, #tpu.memory_space<vmem>>) target(%dma_start3A_633 : memref<3200xf32, #tpu.memory_space<hbm>>) target_semaphore(%arg9 : memref<!tpu.dma_semaphore, #tpu.memory_space<semaphore_mem>>)
    %add3A_636 = arith.constant 36044800 : i32
    %add3A_637 = arith.addi %add3A_636, %add3A_542 : i32
    %dma_start3A_638 = arith.constant 35200 : i32
    %dma_start3A_639 = tpu.memref_slice %arg7[%dma_start3A_638] : memref<38400xf32, #tpu.memory_space<vmem>> -> memref<3200xf32, #tpu.memory_space<vmem>>
    %dma_start3A_640 = tpu.memref_slice %arg3[%add3A_637] : memref<39321600xf32, #tpu.memory_space<hbm>> -> memref<3200xf32, #tpu.memory_space<hbm>>
    %dma_start3A_641 = tpu.memref_slice %arg3[%add3A_637] : memref<39321600xf32, #tpu.memory_space<hbm>> -> memref<3200xf32, #tpu.memory_space<hbm>>
    %dma_start3A_642 = arith.constant 35200 : i32
    %dma_start3A_643 = tpu.memref_slice %arg7[%dma_start3A_642] : memref<38400xf32, #tpu.memory_space<vmem>> -> memref<3200xf32, #tpu.memory_space<vmem>>
    tpu.enqueue_dma source(%dma_start3A_643 : memref<3200xf32, #tpu.memory_space<vmem>>) target(%dma_start3A_641 : memref<3200xf32, #tpu.memory_space<hbm>>) target_semaphore(%arg9 : memref<!tpu.dma_semaphore, #tpu.memory_space<semaphore_mem>>)
    %dma_wait3A_644 = arith.constant 0 : i32
    %dma_wait3A_645 = tpu.memref_slice %arg6[%dma_wait3A_644] : memref<38400xf32, #tpu.memory_space<vmem>> -> memref<3200xf32, #tpu.memory_space<vmem>>
    %dma_wait3A_646 = arith.constant 0 : i32
    %dma_wait3A_647 = tpu.memref_slice %arg3[%dma_wait3A_646] : memref<39321600xf32, #tpu.memory_space<hbm>> -> memref<3200xf32, #tpu.memory_space<hbm>>
    %dma_wait3A_648 = arith.constant 0 : i32
    %dma_wait3A_649 = tpu.memref_slice %arg3[%dma_wait3A_648] : memref<39321600xf32, #tpu.memory_space<hbm>> -> memref<3200xf32, #tpu.memory_space<hbm>>
    %dma_wait3A_650 = arith.constant 0 : i32
    %dma_wait3A_651 = tpu.memref_slice %arg6[%dma_wait3A_650] : memref<38400xf32, #tpu.memory_space<vmem>> -> memref<3200xf32, #tpu.memory_space<vmem>>
    tpu.wait_dma2 semaphore(%arg8 : memref<!tpu.dma_semaphore, #tpu.memory_space<semaphore_mem>>) src(%dma_wait3A_651 : memref<3200xf32, #tpu.memory_space<vmem>>) dst(%dma_wait3A_649 : memref<3200xf32, #tpu.memory_space<hbm>>)
    %dma_wait3A_652 = arith.constant 3200 : i32
    %dma_wait3A_653 = tpu.memref_slice %arg6[%dma_wait3A_652] : memref<38400xf32, #tpu.memory_space<vmem>> -> memref<3200xf32, #tpu.memory_space<vmem>>
    %dma_wait3A_654 = arith.constant 0 : i32
    %dma_wait3A_655 = tpu.memref_slice %arg3[%dma_wait3A_654] : memref<39321600xf32, #tpu.memory_space<hbm>> -> memref<3200xf32, #tpu.memory_space<hbm>>
    %dma_wait3A_656 = arith.constant 0 : i32
    %dma_wait3A_657 = tpu.memref_slice %arg3[%dma_wait3A_656] : memref<39321600xf32, #tpu.memory_space<hbm>> -> memref<3200xf32, #tpu.memory_space<hbm>>
    %dma_wait3A_658 = arith.constant 3200 : i32
    %dma_wait3A_659 = tpu.memref_slice %arg6[%dma_wait3A_658] : memref<38400xf32, #tpu.memory_space<vmem>> -> memref<3200xf32, #tpu.memory_space<vmem>>
    tpu.wait_dma2 semaphore(%arg8 : memref<!tpu.dma_semaphore, #tpu.memory_space<semaphore_mem>>) src(%dma_wait3A_659 : memref<3200xf32, #tpu.memory_space<vmem>>) dst(%dma_wait3A_657 : memref<3200xf32, #tpu.memory_space<hbm>>)
    %dma_wait3A_660 = arith.constant 6400 : i32
    %dma_wait3A_661 = tpu.memref_slice %arg6[%dma_wait3A_660] : memref<38400xf32, #tpu.memory_space<vmem>> -> memref<3200xf32, #tpu.memory_space<vmem>>
    %dma_wait3A_662 = arith.constant 0 : i32
    %dma_wait3A_663 = tpu.memref_slice %arg3[%dma_wait3A_662] : memref<39321600xf32, #tpu.memory_space<hbm>> -> memref<3200xf32, #tpu.memory_space<hbm>>
    %dma_wait3A_664 = arith.constant 0 : i32
    %dma_wait3A_665 = tpu.memref_slice %arg3[%dma_wait3A_664] : memref<39321600xf32, #tpu.memory_space<hbm>> -> memref<3200xf32, #tpu.memory_space<hbm>>
    %dma_wait3A_666 = arith.constant 6400 : i32
    %dma_wait3A_667 = tpu.memref_slice %arg6[%dma_wait3A_666] : memref<38400xf32, #tpu.memory_space<vmem>> -> memref<3200xf32, #tpu.memory_space<vmem>>
    tpu.wait_dma2 semaphore(%arg8 : memref<!tpu.dma_semaphore, #tpu.memory_space<semaphore_mem>>) src(%dma_wait3A_667 : memref<3200xf32, #tpu.memory_space<vmem>>) dst(%dma_wait3A_665 : memref<3200xf32, #tpu.memory_space<hbm>>)
    %dma_wait3A_668 = arith.constant 9600 : i32
    %dma_wait3A_669 = tpu.memref_slice %arg6[%dma_wait3A_668] : memref<38400xf32, #tpu.memory_space<vmem>> -> memref<3200xf32, #tpu.memory_space<vmem>>
    %dma_wait3A_670 = arith.constant 0 : i32
    %dma_wait3A_671 = tpu.memref_slice %arg3[%dma_wait3A_670] : memref<39321600xf32, #tpu.memory_space<hbm>> -> memref<3200xf32, #tpu.memory_space<hbm>>
    %dma_wait3A_672 = arith.constant 0 : i32
    %dma_wait3A_673 = tpu.memref_slice %arg3[%dma_wait3A_672] : memref<39321600xf32, #tpu.memory_space<hbm>> -> memref<3200xf32, #tpu.memory_space<hbm>>
    %dma_wait3A_674 = arith.constant 9600 : i32
    %dma_wait3A_675 = tpu.memref_slice %arg6[%dma_wait3A_674] : memref<38400xf32, #tpu.memory_space<vmem>> -> memref<3200xf32, #tpu.memory_space<vmem>>
    tpu.wait_dma2 semaphore(%arg8 : memref<!tpu.dma_semaphore, #tpu.memory_space<semaphore_mem>>) src(%dma_wait3A_675 : memref<3200xf32, #tpu.memory_space<vmem>>) dst(%dma_wait3A_673 : memref<3200xf32, #tpu.memory_space<hbm>>)
    %dma_wait3A_676 = arith.constant 12800 : i32
    %dma_wait3A_677 = tpu.memref_slice %arg6[%dma_wait3A_676] : memref<38400xf32, #tpu.memory_space<vmem>> -> memref<3200xf32, #tpu.memory_space<vmem>>
    %dma_wait3A_678 = arith.constant 0 : i32
    %dma_wait3A_679 = tpu.memref_slice %arg3[%dma_wait3A_678] : memref<39321600xf32, #tpu.memory_space<hbm>> -> memref<3200xf32, #tpu.memory_space<hbm>>
    %dma_wait3A_680 = arith.constant 0 : i32
    %dma_wait3A_681 = tpu.memref_slice %arg3[%dma_wait3A_680] : memref<39321600xf32, #tpu.memory_space<hbm>> -> memref<3200xf32, #tpu.memory_space<hbm>>
    %dma_wait3A_682 = arith.constant 12800 : i32
    %dma_wait3A_683 = tpu.memref_slice %arg6[%dma_wait3A_682] : memref<38400xf32, #tpu.memory_space<vmem>> -> memref<3200xf32, #tpu.memory_space<vmem>>
    tpu.wait_dma2 semaphore(%arg8 : memref<!tpu.dma_semaphore, #tpu.memory_space<semaphore_mem>>) src(%dma_wait3A_683 : memref<3200xf32, #tpu.memory_space<vmem>>) dst(%dma_wait3A_681 : memref<3200xf32, #tpu.memory_space<hbm>>)
    %dma_wait3A_684 = arith.constant 16000 : i32
    %dma_wait3A_685 = tpu.memref_slice %arg6[%dma_wait3A_684] : memref<38400xf32, #tpu.memory_space<vmem>> -> memref<3200xf32, #tpu.memory_space<vmem>>
    %dma_wait3A_686 = arith.constant 0 : i32
    %dma_wait3A_687 = tpu.memref_slice %arg3[%dma_wait3A_686] : memref<39321600xf32, #tpu.memory_space<hbm>> -> memref<3200xf32, #tpu.memory_space<hbm>>
    %dma_wait3A_688 = arith.constant 0 : i32
    %dma_wait3A_689 = tpu.memref_slice %arg3[%dma_wait3A_688] : memref<39321600xf32, #tpu.memory_space<hbm>> -> memref<3200xf32, #tpu.memory_space<hbm>>
    %dma_wait3A_690 = arith.constant 16000 : i32
    %dma_wait3A_691 = tpu.memref_slice %arg6[%dma_wait3A_690] : memref<38400xf32, #tpu.memory_space<vmem>> -> memref<3200xf32, #tpu.memory_space<vmem>>
    tpu.wait_dma2 semaphore(%arg8 : memref<!tpu.dma_semaphore, #tpu.memory_space<semaphore_mem>>) src(%dma_wait3A_691 : memref<3200xf32, #tpu.memory_space<vmem>>) dst(%dma_wait3A_689 : memref<3200xf32, #tpu.memory_space<hbm>>)
    %dma_wait3A_692 = arith.constant 19200 : i32
    %dma_wait3A_693 = tpu.memref_slice %arg6[%dma_wait3A_692] : memref<38400xf32, #tpu.memory_space<vmem>> -> memref<3200xf32, #tpu.memory_space<vmem>>
    %dma_wait3A_694 = arith.constant 0 : i32
    %dma_wait3A_695 = tpu.memref_slice %arg3[%dma_wait3A_694] : memref<39321600xf32, #tpu.memory_space<hbm>> -> memref<3200xf32, #tpu.memory_space<hbm>>
    %dma_wait3A_696 = arith.constant 0 : i32
    %dma_wait3A_697 = tpu.memref_slice %arg3[%dma_wait3A_696] : memref<39321600xf32, #tpu.memory_space<hbm>> -> memref<3200xf32, #tpu.memory_space<hbm>>
    %dma_wait3A_698 = arith.constant 19200 : i32
    %dma_wait3A_699 = tpu.memref_slice %arg6[%dma_wait3A_698] : memref<38400xf32, #tpu.memory_space<vmem>> -> memref<3200xf32, #tpu.memory_space<vmem>>
    tpu.wait_dma2 semaphore(%arg8 : memref<!tpu.dma_semaphore, #tpu.memory_space<semaphore_mem>>) src(%dma_wait3A_699 : memref<3200xf32, #tpu.memory_space<vmem>>) dst(%dma_wait3A_697 : memref<3200xf32, #tpu.memory_space<hbm>>)
    %dma_wait3A_700 = arith.constant 22400 : i32
    %dma_wait3A_701 = tpu.memref_slice %arg6[%dma_wait3A_700] : memref<38400xf32, #tpu.memory_space<vmem>> -> memref<3200xf32, #tpu.memory_space<vmem>>
    %dma_wait3A_702 = arith.constant 0 : i32
    %dma_wait3A_703 = tpu.memref_slice %arg3[%dma_wait3A_702] : memref<39321600xf32, #tpu.memory_space<hbm>> -> memref<3200xf32, #tpu.memory_space<hbm>>
    %dma_wait3A_704 = arith.constant 0 : i32
    %dma_wait3A_705 = tpu.memref_slice %arg3[%dma_wait3A_704] : memref<39321600xf32, #tpu.memory_space<hbm>> -> memref<3200xf32, #tpu.memory_space<hbm>>
    %dma_wait3A_706 = arith.constant 22400 : i32
    %dma_wait3A_707 = tpu.memref_slice %arg6[%dma_wait3A_706] : memref<38400xf32, #tpu.memory_space<vmem>> -> memref<3200xf32, #tpu.memory_space<vmem>>
    tpu.wait_dma2 semaphore(%arg8 : memref<!tpu.dma_semaphore, #tpu.memory_space<semaphore_mem>>) src(%dma_wait3A_707 : memref<3200xf32, #tpu.memory_space<vmem>>) dst(%dma_wait3A_705 : memref<3200xf32, #tpu.memory_space<hbm>>)
    %dma_wait3A_708 = arith.constant 25600 : i32
    %dma_wait3A_709 = tpu.memref_slice %arg6[%dma_wait3A_708] : memref<38400xf32, #tpu.memory_space<vmem>> -> memref<3200xf32, #tpu.memory_space<vmem>>
    %dma_wait3A_710 = arith.constant 0 : i32
    %dma_wait3A_711 = tpu.memref_slice %arg3[%dma_wait3A_710] : memref<39321600xf32, #tpu.memory_space<hbm>> -> memref<3200xf32, #tpu.memory_space<hbm>>
    %dma_wait3A_712 = arith.constant 0 : i32
    %dma_wait3A_713 = tpu.memref_slice %arg3[%dma_wait3A_712] : memref<39321600xf32, #tpu.memory_space<hbm>> -> memref<3200xf32, #tpu.memory_space<hbm>>
    %dma_wait3A_714 = arith.constant 25600 : i32
    %dma_wait3A_715 = tpu.memref_slice %arg6[%dma_wait3A_714] : memref<38400xf32, #tpu.memory_space<vmem>> -> memref<3200xf32, #tpu.memory_space<vmem>>
    tpu.wait_dma2 semaphore(%arg8 : memref<!tpu.dma_semaphore, #tpu.memory_space<semaphore_mem>>) src(%dma_wait3A_715 : memref<3200xf32, #tpu.memory_space<vmem>>) dst(%dma_wait3A_713 : memref<3200xf32, #tpu.memory_space<hbm>>)
    %dma_wait3A_716 = arith.constant 28800 : i32
    %dma_wait3A_717 = tpu.memref_slice %arg6[%dma_wait3A_716] : memref<38400xf32, #tpu.memory_space<vmem>> -> memref<3200xf32, #tpu.memory_space<vmem>>
    %dma_wait3A_718 = arith.constant 0 : i32
    %dma_wait3A_719 = tpu.memref_slice %arg3[%dma_wait3A_718] : memref<39321600xf32, #tpu.memory_space<hbm>> -> memref<3200xf32, #tpu.memory_space<hbm>>
    %dma_wait3A_720 = arith.constant 0 : i32
    %dma_wait3A_721 = tpu.memref_slice %arg3[%dma_wait3A_720] : memref<39321600xf32, #tpu.memory_space<hbm>> -> memref<3200xf32, #tpu.memory_space<hbm>>
    %dma_wait3A_722 = arith.constant 28800 : i32
    %dma_wait3A_723 = tpu.memref_slice %arg6[%dma_wait3A_722] : memref<38400xf32, #tpu.memory_space<vmem>> -> memref<3200xf32, #tpu.memory_space<vmem>>
    tpu.wait_dma2 semaphore(%arg8 : memref<!tpu.dma_semaphore, #tpu.memory_space<semaphore_mem>>) src(%dma_wait3A_723 : memref<3200xf32, #tpu.memory_space<vmem>>) dst(%dma_wait3A_721 : memref<3200xf32, #tpu.memory_space<hbm>>)
    %dma_wait3A_724 = arith.constant 32000 : i32
    %dma_wait3A_725 = tpu.memref_slice %arg6[%dma_wait3A_724] : memref<38400xf32, #tpu.memory_space<vmem>> -> memref<3200xf32, #tpu.memory_space<vmem>>
    %dma_wait3A_726 = arith.constant 0 : i32
    %dma_wait3A_727 = tpu.memref_slice %arg3[%dma_wait3A_726] : memref<39321600xf32, #tpu.memory_space<hbm>> -> memref<3200xf32, #tpu.memory_space<hbm>>
    %dma_wait3A_728 = arith.constant 0 : i32
    %dma_wait3A_729 = tpu.memref_slice %arg3[%dma_wait3A_728] : memref<39321600xf32, #tpu.memory_space<hbm>> -> memref<3200xf32, #tpu.memory_space<hbm>>
    %dma_wait3A_730 = arith.constant 32000 : i32
    %dma_wait3A_731 = tpu.memref_slice %arg6[%dma_wait3A_730] : memref<38400xf32, #tpu.memory_space<vmem>> -> memref<3200xf32, #tpu.memory_space<vmem>>
    tpu.wait_dma2 semaphore(%arg8 : memref<!tpu.dma_semaphore, #tpu.memory_space<semaphore_mem>>) src(%dma_wait3A_731 : memref<3200xf32, #tpu.memory_space<vmem>>) dst(%dma_wait3A_729 : memref<3200xf32, #tpu.memory_space<hbm>>)
    %dma_wait3A_732 = arith.constant 35200 : i32
    %dma_wait3A_733 = tpu.memref_slice %arg6[%dma_wait3A_732] : memref<38400xf32, #tpu.memory_space<vmem>> -> memref<3200xf32, #tpu.memory_space<vmem>>
    %dma_wait3A_734 = arith.constant 0 : i32
    %dma_wait3A_735 = tpu.memref_slice %arg3[%dma_wait3A_734] : memref<39321600xf32, #tpu.memory_space<hbm>> -> memref<3200xf32, #tpu.memory_space<hbm>>
    %dma_wait3A_736 = arith.constant 0 : i32
    %dma_wait3A_737 = tpu.memref_slice %arg3[%dma_wait3A_736] : memref<39321600xf32, #tpu.memory_space<hbm>> -> memref<3200xf32, #tpu.memory_space<hbm>>
    %dma_wait3A_738 = arith.constant 35200 : i32
    %dma_wait3A_739 = tpu.memref_slice %arg6[%dma_wait3A_738] : memref<38400xf32, #tpu.memory_space<vmem>> -> memref<3200xf32, #tpu.memory_space<vmem>>
    tpu.wait_dma2 semaphore(%arg8 : memref<!tpu.dma_semaphore, #tpu.memory_space<semaphore_mem>>) src(%dma_wait3A_739 : memref<3200xf32, #tpu.memory_space<vmem>>) dst(%dma_wait3A_737 : memref<3200xf32, #tpu.memory_space<hbm>>)
    %dma_wait3A_740 = arith.constant 0 : i32
    %dma_wait3A_741 = tpu.memref_slice %arg7[%dma_wait3A_740] : memref<38400xf32, #tpu.memory_space<vmem>> -> memref<3200xf32, #tpu.memory_space<vmem>>
    %dma_wait3A_742 = arith.constant 0 : i32
    %dma_wait3A_743 = tpu.memref_slice %arg3[%dma_wait3A_742] : memref<39321600xf32, #tpu.memory_space<hbm>> -> memref<3200xf32, #tpu.memory_space<hbm>>
    %dma_wait3A_744 = arith.constant 0 : i32
    %dma_wait3A_745 = tpu.memref_slice %arg3[%dma_wait3A_744] : memref<39321600xf32, #tpu.memory_space<hbm>> -> memref<3200xf32, #tpu.memory_space<hbm>>
    %dma_wait3A_746 = arith.constant 0 : i32
    %dma_wait3A_747 = tpu.memref_slice %arg7[%dma_wait3A_746] : memref<38400xf32, #tpu.memory_space<vmem>> -> memref<3200xf32, #tpu.memory_space<vmem>>
    tpu.wait_dma2 semaphore(%arg9 : memref<!tpu.dma_semaphore, #tpu.memory_space<semaphore_mem>>) src(%dma_wait3A_747 : memref<3200xf32, #tpu.memory_space<vmem>>) dst(%dma_wait3A_745 : memref<3200xf32, #tpu.memory_space<hbm>>)
    %dma_wait3A_748 = arith.constant 3200 : i32
    %dma_wait3A_749 = tpu.memref_slice %arg7[%dma_wait3A_748] : memref<38400xf32, #tpu.memory_space<vmem>> -> memref<3200xf32, #tpu.memory_space<vmem>>
    %dma_wait3A_750 = arith.constant 0 : i32
    %dma_wait3A_751 = tpu.memref_slice %arg3[%dma_wait3A_750] : memref<39321600xf32, #tpu.memory_space<hbm>> -> memref<3200xf32, #tpu.memory_space<hbm>>
    %dma_wait3A_752 = arith.constant 0 : i32
    %dma_wait3A_753 = tpu.memref_slice %arg3[%dma_wait3A_752] : memref<39321600xf32, #tpu.memory_space<hbm>> -> memref<3200xf32, #tpu.memory_space<hbm>>
    %dma_wait3A_754 = arith.constant 3200 : i32
    %dma_wait3A_755 = tpu.memref_slice %arg7[%dma_wait3A_754] : memref<38400xf32, #tpu.memory_space<vmem>> -> memref<3200xf32, #tpu.memory_space<vmem>>
    tpu.wait_dma2 semaphore(%arg9 : memref<!tpu.dma_semaphore, #tpu.memory_space<semaphore_mem>>) src(%dma_wait3A_755 : memref<3200xf32, #tpu.memory_space<vmem>>) dst(%dma_wait3A_753 : memref<3200xf32, #tpu.memory_space<hbm>>)
    %dma_wait3A_756 = arith.constant 6400 : i32
    %dma_wait3A_757 = tpu.memref_slice %arg7[%dma_wait3A_756] : memref<38400xf32, #tpu.memory_space<vmem>> -> memref<3200xf32, #tpu.memory_space<vmem>>
    %dma_wait3A_758 = arith.constant 0 : i32
    %dma_wait3A_759 = tpu.memref_slice %arg3[%dma_wait3A_758] : memref<39321600xf32, #tpu.memory_space<hbm>> -> memref<3200xf32, #tpu.memory_space<hbm>>
    %dma_wait3A_760 = arith.constant 0 : i32
    %dma_wait3A_761 = tpu.memref_slice %arg3[%dma_wait3A_760] : memref<39321600xf32, #tpu.memory_space<hbm>> -> memref<3200xf32, #tpu.memory_space<hbm>>
    %dma_wait3A_762 = arith.constant 6400 : i32
    %dma_wait3A_763 = tpu.memref_slice %arg7[%dma_wait3A_762] : memref<38400xf32, #tpu.memory_space<vmem>> -> memref<3200xf32, #tpu.memory_space<vmem>>
    tpu.wait_dma2 semaphore(%arg9 : memref<!tpu.dma_semaphore, #tpu.memory_space<semaphore_mem>>) src(%dma_wait3A_763 : memref<3200xf32, #tpu.memory_space<vmem>>) dst(%dma_wait3A_761 : memref<3200xf32, #tpu.memory_space<hbm>>)
    %dma_wait3A_764 = arith.constant 9600 : i32
    %dma_wait3A_765 = tpu.memref_slice %arg7[%dma_wait3A_764] : memref<38400xf32, #tpu.memory_space<vmem>> -> memref<3200xf32, #tpu.memory_space<vmem>>
    %dma_wait3A_766 = arith.constant 0 : i32
    %dma_wait3A_767 = tpu.memref_slice %arg3[%dma_wait3A_766] : memref<39321600xf32, #tpu.memory_space<hbm>> -> memref<3200xf32, #tpu.memory_space<hbm>>
    %dma_wait3A_768 = arith.constant 0 : i32
    %dma_wait3A_769 = tpu.memref_slice %arg3[%dma_wait3A_768] : memref<39321600xf32, #tpu.memory_space<hbm>> -> memref<3200xf32, #tpu.memory_space<hbm>>
    %dma_wait3A_770 = arith.constant 9600 : i32
    %dma_wait3A_771 = tpu.memref_slice %arg7[%dma_wait3A_770] : memref<38400xf32, #tpu.memory_space<vmem>> -> memref<3200xf32, #tpu.memory_space<vmem>>
    tpu.wait_dma2 semaphore(%arg9 : memref<!tpu.dma_semaphore, #tpu.memory_space<semaphore_mem>>) src(%dma_wait3A_771 : memref<3200xf32, #tpu.memory_space<vmem>>) dst(%dma_wait3A_769 : memref<3200xf32, #tpu.memory_space<hbm>>)
    %dma_wait3A_772 = arith.constant 12800 : i32
    %dma_wait3A_773 = tpu.memref_slice %arg7[%dma_wait3A_772] : memref<38400xf32, #tpu.memory_space<vmem>> -> memref<3200xf32, #tpu.memory_space<vmem>>
    %dma_wait3A_774 = arith.constant 0 : i32
    %dma_wait3A_775 = tpu.memref_slice %arg3[%dma_wait3A_774] : memref<39321600xf32, #tpu.memory_space<hbm>> -> memref<3200xf32, #tpu.memory_space<hbm>>
    %dma_wait3A_776 = arith.constant 0 : i32
    %dma_wait3A_777 = tpu.memref_slice %arg3[%dma_wait3A_776] : memref<39321600xf32, #tpu.memory_space<hbm>> -> memref<3200xf32, #tpu.memory_space<hbm>>
    %dma_wait3A_778 = arith.constant 12800 : i32
    %dma_wait3A_779 = tpu.memref_slice %arg7[%dma_wait3A_778] : memref<38400xf32, #tpu.memory_space<vmem>> -> memref<3200xf32, #tpu.memory_space<vmem>>
    tpu.wait_dma2 semaphore(%arg9 : memref<!tpu.dma_semaphore, #tpu.memory_space<semaphore_mem>>) src(%dma_wait3A_779 : memref<3200xf32, #tpu.memory_space<vmem>>) dst(%dma_wait3A_777 : memref<3200xf32, #tpu.memory_space<hbm>>)
    %dma_wait3A_780 = arith.constant 16000 : i32
    %dma_wait3A_781 = tpu.memref_slice %arg7[%dma_wait3A_780] : memref<38400xf32, #tpu.memory_space<vmem>> -> memref<3200xf32, #tpu.memory_space<vmem>>
    %dma_wait3A_782 = arith.constant 0 : i32
    %dma_wait3A_783 = tpu.memref_slice %arg3[%dma_wait3A_782] : memref<39321600xf32, #tpu.memory_space<hbm>> -> memref<3200xf32, #tpu.memory_space<hbm>>
    %dma_wait3A_784 = arith.constant 0 : i32
    %dma_wait3A_785 = tpu.memref_slice %arg3[%dma_wait3A_784] : memref<39321600xf32, #tpu.memory_space<hbm>> -> memref<3200xf32, #tpu.memory_space<hbm>>
    %dma_wait3A_786 = arith.constant 16000 : i32
    %dma_wait3A_787 = tpu.memref_slice %arg7[%dma_wait3A_786] : memref<38400xf32, #tpu.memory_space<vmem>> -> memref<3200xf32, #tpu.memory_space<vmem>>
    tpu.wait_dma2 semaphore(%arg9 : memref<!tpu.dma_semaphore, #tpu.memory_space<semaphore_mem>>) src(%dma_wait3A_787 : memref<3200xf32, #tpu.memory_space<vmem>>) dst(%dma_wait3A_785 : memref<3200xf32, #tpu.memory_space<hbm>>)
    %dma_wait3A_788 = arith.constant 19200 : i32
    %dma_wait3A_789 = tpu.memref_slice %arg7[%dma_wait3A_788] : memref<38400xf32, #tpu.memory_space<vmem>> -> memref<3200xf32, #tpu.memory_space<vmem>>
    %dma_wait3A_790 = arith.constant 0 : i32
    %dma_wait3A_791 = tpu.memref_slice %arg3[%dma_wait3A_790] : memref<39321600xf32, #tpu.memory_space<hbm>> -> memref<3200xf32, #tpu.memory_space<hbm>>
    %dma_wait3A_792 = arith.constant 0 : i32
    %dma_wait3A_793 = tpu.memref_slice %arg3[%dma_wait3A_792] : memref<39321600xf32, #tpu.memory_space<hbm>> -> memref<3200xf32, #tpu.memory_space<hbm>>
    %dma_wait3A_794 = arith.constant 19200 : i32
    %dma_wait3A_795 = tpu.memref_slice %arg7[%dma_wait3A_794] : memref<38400xf32, #tpu.memory_space<vmem>> -> memref<3200xf32, #tpu.memory_space<vmem>>
    tpu.wait_dma2 semaphore(%arg9 : memref<!tpu.dma_semaphore, #tpu.memory_space<semaphore_mem>>) src(%dma_wait3A_795 : memref<3200xf32, #tpu.memory_space<vmem>>) dst(%dma_wait3A_793 : memref<3200xf32, #tpu.memory_space<hbm>>)
    %dma_wait3A_796 = arith.constant 22400 : i32
    %dma_wait3A_797 = tpu.memref_slice %arg7[%dma_wait3A_796] : memref<38400xf32, #tpu.memory_space<vmem>> -> memref<3200xf32, #tpu.memory_space<vmem>>
    %dma_wait3A_798 = arith.constant 0 : i32
    %dma_wait3A_799 = tpu.memref_slice %arg3[%dma_wait3A_798] : memref<39321600xf32, #tpu.memory_space<hbm>> -> memref<3200xf32, #tpu.memory_space<hbm>>
    %dma_wait3A_800 = arith.constant 0 : i32
    %dma_wait3A_801 = tpu.memref_slice %arg3[%dma_wait3A_800] : memref<39321600xf32, #tpu.memory_space<hbm>> -> memref<3200xf32, #tpu.memory_space<hbm>>
    %dma_wait3A_802 = arith.constant 22400 : i32
    %dma_wait3A_803 = tpu.memref_slice %arg7[%dma_wait3A_802] : memref<38400xf32, #tpu.memory_space<vmem>> -> memref<3200xf32, #tpu.memory_space<vmem>>
    tpu.wait_dma2 semaphore(%arg9 : memref<!tpu.dma_semaphore, #tpu.memory_space<semaphore_mem>>) src(%dma_wait3A_803 : memref<3200xf32, #tpu.memory_space<vmem>>) dst(%dma_wait3A_801 : memref<3200xf32, #tpu.memory_space<hbm>>)
    %dma_wait3A_804 = arith.constant 25600 : i32
    %dma_wait3A_805 = tpu.memref_slice %arg7[%dma_wait3A_804] : memref<38400xf32, #tpu.memory_space<vmem>> -> memref<3200xf32, #tpu.memory_space<vmem>>
    %dma_wait3A_806 = arith.constant 0 : i32
    %dma_wait3A_807 = tpu.memref_slice %arg3[%dma_wait3A_806] : memref<39321600xf32, #tpu.memory_space<hbm>> -> memref<3200xf32, #tpu.memory_space<hbm>>
    %dma_wait3A_808 = arith.constant 0 : i32
    %dma_wait3A_809 = tpu.memref_slice %arg3[%dma_wait3A_808] : memref<39321600xf32, #tpu.memory_space<hbm>> -> memref<3200xf32, #tpu.memory_space<hbm>>
    %dma_wait3A_810 = arith.constant 25600 : i32
    %dma_wait3A_811 = tpu.memref_slice %arg7[%dma_wait3A_810] : memref<38400xf32, #tpu.memory_space<vmem>> -> memref<3200xf32, #tpu.memory_space<vmem>>
    tpu.wait_dma2 semaphore(%arg9 : memref<!tpu.dma_semaphore, #tpu.memory_space<semaphore_mem>>) src(%dma_wait3A_811 : memref<3200xf32, #tpu.memory_space<vmem>>) dst(%dma_wait3A_809 : memref<3200xf32, #tpu.memory_space<hbm>>)
    %dma_wait3A_812 = arith.constant 28800 : i32
    %dma_wait3A_813 = tpu.memref_slice %arg7[%dma_wait3A_812] : memref<38400xf32, #tpu.memory_space<vmem>> -> memref<3200xf32, #tpu.memory_space<vmem>>
    %dma_wait3A_814 = arith.constant 0 : i32
    %dma_wait3A_815 = tpu.memref_slice %arg3[%dma_wait3A_814] : memref<39321600xf32, #tpu.memory_space<hbm>> -> memref<3200xf32, #tpu.memory_space<hbm>>
    %dma_wait3A_816 = arith.constant 0 : i32
    %dma_wait3A_817 = tpu.memref_slice %arg3[%dma_wait3A_816] : memref<39321600xf32, #tpu.memory_space<hbm>> -> memref<3200xf32, #tpu.memory_space<hbm>>
    %dma_wait3A_818 = arith.constant 28800 : i32
    %dma_wait3A_819 = tpu.memref_slice %arg7[%dma_wait3A_818] : memref<38400xf32, #tpu.memory_space<vmem>> -> memref<3200xf32, #tpu.memory_space<vmem>>
    tpu.wait_dma2 semaphore(%arg9 : memref<!tpu.dma_semaphore, #tpu.memory_space<semaphore_mem>>) src(%dma_wait3A_819 : memref<3200xf32, #tpu.memory_space<vmem>>) dst(%dma_wait3A_817 : memref<3200xf32, #tpu.memory_space<hbm>>)
    %dma_wait3A_820 = arith.constant 32000 : i32
    %dma_wait3A_821 = tpu.memref_slice %arg7[%dma_wait3A_820] : memref<38400xf32, #tpu.memory_space<vmem>> -> memref<3200xf32, #tpu.memory_space<vmem>>
    %dma_wait3A_822 = arith.constant 0 : i32
    %dma_wait3A_823 = tpu.memref_slice %arg3[%dma_wait3A_822] : memref<39321600xf32, #tpu.memory_space<hbm>> -> memref<3200xf32, #tpu.memory_space<hbm>>
    %dma_wait3A_824 = arith.constant 0 : i32
    %dma_wait3A_825 = tpu.memref_slice %arg3[%dma_wait3A_824] : memref<39321600xf32, #tpu.memory_space<hbm>> -> memref<3200xf32, #tpu.memory_space<hbm>>
    %dma_wait3A_826 = arith.constant 32000 : i32
    %dma_wait3A_827 = tpu.memref_slice %arg7[%dma_wait3A_826] : memref<38400xf32, #tpu.memory_space<vmem>> -> memref<3200xf32, #tpu.memory_space<vmem>>
    tpu.wait_dma2 semaphore(%arg9 : memref<!tpu.dma_semaphore, #tpu.memory_space<semaphore_mem>>) src(%dma_wait3A_827 : memref<3200xf32, #tpu.memory_space<vmem>>) dst(%dma_wait3A_825 : memref<3200xf32, #tpu.memory_space<hbm>>)
    %dma_wait3A_828 = arith.constant 35200 : i32
    %dma_wait3A_829 = tpu.memref_slice %arg7[%dma_wait3A_828] : memref<38400xf32, #tpu.memory_space<vmem>> -> memref<3200xf32, #tpu.memory_space<vmem>>
    %dma_wait3A_830 = arith.constant 0 : i32
    %dma_wait3A_831 = tpu.memref_slice %arg3[%dma_wait3A_830] : memref<39321600xf32, #tpu.memory_space<hbm>> -> memref<3200xf32, #tpu.memory_space<hbm>>
    %dma_wait3A_832 = arith.constant 0 : i32
    %dma_wait3A_833 = tpu.memref_slice %arg3[%dma_wait3A_832] : memref<39321600xf32, #tpu.memory_space<hbm>> -> memref<3200xf32, #tpu.memory_space<hbm>>
    %dma_wait3A_834 = arith.constant 35200 : i32
    %dma_wait3A_835 = tpu.memref_slice %arg7[%dma_wait3A_834] : memref<38400xf32, #tpu.memory_space<vmem>> -> memref<3200xf32, #tpu.memory_space<vmem>>
    tpu.wait_dma2 semaphore(%arg9 : memref<!tpu.dma_semaphore, #tpu.memory_space<semaphore_mem>>) src(%dma_wait3A_835 : memref<3200xf32, #tpu.memory_space<vmem>>) dst(%dma_wait3A_833 : memref<3200xf32, #tpu.memory_space<hbm>>)
    return
  }
}

</mosaic_0001>

<sc_bundles>
// kernel: kernel.3.cloned.1.call-start
scs
__scs_entry_jumppad:
0x0: {  	(pc) =	sbr.rel $0x88, $3  }
0x1: {  	(tag) =	ssettag $0x0;
	lr =	simm.s32 $0x1  }
0x2: {  	[smem:$0x3FA0] =	sst lr;
	_ =	strace $0xD0000000  }
0x3: {  	_ = 	snop  }
0x4: {  	_ = 	snop  }
0x5: {  	_ = 	snop  }
0x6: {  	_ = 	snop  }
0x7: {  	_ = 	snop  }
__scs_overlays_trampoline_lowered:
0x8: {  	[smem:$0x3FAF] =	sst s0  }
0x9: {  	[smem:$0x3FB0] =	sst s1  }
0xa: {  	[smem:$0x3FB1] =	sst s2  }
0xb: {  	[smem:$0x3FB2] =	sst s3  }
0xc: {  	[smem:$0x3FB3] =	sst s4  }
0xd: {  	[smem:$0x3FB4] =	sst s5  }
0xe: {  	[smem:$0x3FB5] =	sst s6  }
0xf: {  	[smem:$0x3FB6] =	sst s7  }
0x10: {  	[smem:$0x3FB7] =	sst s8  }
0x11: {  	[smem:$0x3FB8] =	sst s9;
	s0 =	simm.s32 @!p0 $0x0  }
0x12: {  	s1 =	sld [smem:$0x3F9E];
	s0 =	simm.s32 @p0 $0x1  }
0x13: {  	[smem:$0x3FB9] =	sst s0;
	s0 =	simm.s32 @!p1 $0x0  }
0x14: {  	s2 =	sld [smem:$0x3F9D];
	s0 =	simm.s32 @p1 $0x1  }
0x15: {  	[smem:$0x3FBA] =	sst s0;
	s0 =	simm.s32 @!p2 $0x0  }
0x16: {  	s3 =	sld [smem:$0x3FDB];
	s0 =	simm.s32 @p2 $0x1  }
0x17: {  	s4 =	simm.s32 $0x1BF5;
	[smem:$0x3FBC] =	sst s0  }
0x18: {  	s0 =	sld [smem:$0x3F9F];
	_ =	swait.ge [sflag:s4], $0x0  }
0x19: {  	s7 =	sld [smem:$0x3FA0]  }
0x1a: {  	s8 =	sadd.s32 $0xFFFFE003, lr  }
0x1b: {  	s9 =	sadd.s32 $0xFFFFFEF7, lr;
	s5 =	simm.s32 $0xFFFFFFFF;
	p2 =	slt.u32 s8, $0xFFFFF086  }
0x1c: {  	p1 =	slt.u32 s9, $0xF7A;
	s5 =	simm.s32 @!p2 $0x0  }
0x1d: {  	s5 =	simm.s32 @p1 $0x1;
	p0 =	seq.s32 s7, s2  }
0x1e: {  	s7 =	smul.u32 @!p0 $0xF7A, s2;
	p2 =	seq.s32 @!p0 s5, $0x0  }
0x1f: {  	s9 =	smul.u32 $0xF7A, s1;
	s8 =	simm.s32 @!p0 $0x1BF5;
	p2 =	por !p2, p0  }
0x20: {  	[sflag:s8] =	ssyncset.s32 @!p0 $0xFFFFF086;
	s6 =	sadd.s32 @!p0 s3, s7;
	s7 =	simm.s32 @!p0 $0x108  }
0x21: {  	s3 =	sadd.s32 s3, s9;
	s6 =	sadd.s32 @!p0 $0x88, s6;
	s7 =	simm.s32 @p2 $0x1082  }
0x22: {  	[simem:s7], [sflag:s8] =	dma.local @!p0 [hbm:s6], $0xF7A  }
0x23: {  	s9 =	sor.u32 $0xD0000000, s2;
	s6 =	simm.s32 $0x108;
	_ =	swait.ge @!p0 [sflag:s8], $0x0  }
0x24: {  	s3 =	sadd.s32 $0x88, s3;
	s6 =	simm.s32 @!p1 $0x1082;
	[sflag:s4] =	ssyncset.s32 $0xFFFFF086  }
0x25: {  	[simem:s6], [sflag:s4] =	dma.local [hbm:s3], $0xF7A  }
0x26: {  	[smem:$0x3FA0] =	sst s1;
	(tag) =	ssettag s2;
	_ =	strace s9  }
0x27: {  	s1 =	sld [smem:$0x3FB0]  }
0x28: {  	s2 =	sld [smem:$0x3FB1]  }
0x29: {  	s4 =	sld [smem:$0x3FB3]  }
0x2a: {  	p0 =	seq.s32 s5, $0x0;
	s5 =	sld [smem:$0x3FB4]  }
0x2b: {  	s6 =	sld [smem:$0x3FB5]  }
0x2c: {  	s7 =	sld [smem:$0x3FB6]  }
0x2d: {  	s3 =	simm.s32 $0x108;
	s8 =	sld [smem:$0x3FB7]  }
0x2e: {  	s3 =	simm.s32 @!p0 $0x1082;
	s9 =	sld [smem:$0x3FB8]  }
0x2f: {  	lr =	sadd.s32 s0, s3;
	s0 =	sld [smem:$0x3FAF]  }
0x30: {  	s3 =	sld [smem:$0x3FB2]  }
0x31: {  	[smem:$0x3FBB] =	sst s10  }
0x32: {  	s10 =	sld [smem:$0x3FB9];
	_ =	sdelay $0x3  }
0x33: {  	p0 =	seq.s32 s10, $0x1;
	s10 =	sld [smem:$0x3FBB];
	_ =	sdelay $0x3  }
0x34: {  	[smem:$0x3FBB] =	sst s10  }
0x35: {  	s10 =	sld [smem:$0x3FBA];
	_ =	sdelay $0x3  }
0x36: {  	p1 =	seq.s32 s10, $0x1;
	s10 =	sld [smem:$0x3FBB];
	_ =	sdelay $0x3  }
0x37: {  	[smem:$0x3FBB] =	sst s10  }
0x38: {  	s10 =	sld [smem:$0x3FBC]  }
0x39: {  	_ = 	snop;
	(pc) =	sbr.ind lr, $3  }
0x3a: {  	_ = 	snop  }
0x3b: {  	_ = 	snop  }
0x3c: {  	p2 =	seq.s32 s10, $0x1;
	s10 =	sld [smem:$0x3FBB]  }
0x3d: {  	_ =	shalt  }
0x3e: {  	_ =	shalt  }
0x3f: {  	_ =	shalt  }
0x40: {  	_ =	shalt  }
0x41: {  	_ =	shalt  }
0x42: {  	_ =	shalt  }
0x43: {  	_ =	shalt  }
0x44: {  	_ =	shalt  }
0x45: {  	_ =	shalt  }
0x46: {  	_ =	shalt  }
0x47: {  	_ =	shalt  }
0x48: {  	_ =	shalt  }
0x49: {  	_ =	shalt  }
0x4a: {  	_ =	shalt  }
0x4b: {  	_ =	shalt  }
0x4c: {  	_ =	shalt  }
0x4d: {  	_ =	shalt  }
0x4e: {  	_ =	shalt  }
0x4f: {  	_ =	shalt  }
0x50: {  	_ =	shalt  }
0x51: {  	_ =	shalt  }
0x52: {  	_ =	shalt  }
0x53: {  	_ =	shalt  }
0x54: {  	_ =	shalt  }
0x55: {  	_ =	shalt  }
0x56: {  	_ =	shalt  }
0x57: {  	_ =	shalt  }
0x58: {  	_ =	shalt  }
0x59: {  	_ =	shalt  }
0x5a: {  	_ =	shalt  }
0x5b: {  	_ =	shalt  }
0x5c: {  	_ =	shalt  }
0x5d: {  	_ =	shalt  }
0x5e: {  	_ =	shalt  }
0x5f: {  	_ =	shalt  }
0x60: {  	_ =	shalt  }
0x61: {  	_ =	shalt  }
0x62: {  	_ =	shalt  }
0x63: {  	_ =	shalt  }
0x64: {  	_ =	shalt  }
0x65: {  	_ =	shalt  }
0x66: {  	_ =	shalt  }
0x67: {  	_ =	shalt  }
0x68: {  	_ =	shalt  }
0x69: {  	_ =	shalt  }
0x6a: {  	_ =	shalt  }
0x6b: {  	_ =	shalt  }
0x6c: {  	_ =	shalt  }
0x6d: {  	_ =	shalt  }
0x6e: {  	_ =	shalt  }
0x6f: {  	_ =	shalt  }
0x70: {  	_ =	shalt  }
0x71: {  	_ =	shalt  }
0x72: {  	_ =	shalt  }
0x73: {  	_ =	shalt  }
0x74: {  	_ =	shalt  }
0x75: {  	_ =	shalt  }
0x76: {  	_ =	shalt  }
0x77: {  	_ =	shalt  }
0x78: {  	_ =	shalt  }
0x79: {  	_ =	shalt  }
0x7a: {  	_ =	shalt  }
0x7b: {  	_ =	shalt  }
0x7c: {  	_ =	shalt  }
0x7d: {  	_ =	shalt  }
0x7e: {  	_ =	shalt  }
0x7f: {  	_ =	shalt  }
0x80: {  	_ =	shalt  }
0x81: {  	_ =	shalt  }
0x82: {  	_ =	shalt  }
0x83: {  	_ =	shalt  }
0x84: {  	_ =	shalt  }
0x85: {  	_ =	shalt  }
0x86: {  	_ =	shalt  }
0x87: {  	_ =	shalt  }
.Lfunc_end0:
.L_simem_size_0:
called_computation_lowered:
.L_overlay_start_0:
0x88: {  	s2 =	sld [smem:$0x3FD9]  }
0x89: {  	s3 =	sld [smem:$0x3FFE];
	_ =	sdelay $0x1  }
0x8a: {  	s1 =	srdreg.scid  }
0x8b: {  	s0 =	sand.u32 $0x1, s1  }
0x8c: {  	s17 =	sshll.u32 s0, $0xA;
	s2 =	sadd.s32 s3, s2  }
0x8d: {  	s2 =	sadd.s32 s2, s17  }
0x8e: {  	[smem:$0x3FC7] =	sst s2  }
0x8f: {  	_ = 	snop  }
0x90: {  	s2 =	sld [smem:$0x3FD0];
	(tm) =	ssettm $0x1  }
0x91: {  	s18 =	sld [smem:$0x3FFB];
	_ =	sdelay $0x3  }
0x92: {  	_ =	strace s18  }
0x93: {  	s3 =	sld [smem:$0x3FFC];
	_ =	sdelay $0x3  }
0x94: {  	_ =	strace s3  }
0x95: {  	s3 =	sld [smem:$0x3FFD];
	_ =	sdelay $0x3  }
0x96: {  	_ =	strace s3  }
0x97: {  	_ =	strace $0x8FFFFFFF  }
0x98: {  	s19 =	sld [smem:$0x3FDB];
	_ =	sdelay $0x1  }
0x99: {  	s4 =	simm.s32 $_scs_section_size  }
0x9a: {  	s5 =	simm.s32 $_size__tile_overlayer_lowered;
	s6 =	simm.s32 $_tile_overlayer_lowered  }
0x9b: {  	s22 =	simm.s32 $0x1BFF;
	s21 =	sshll.u32 s6, $0x1;
	s3 =	sadd.s32 s4, s19  }
0x9c: {  	s7 =	simm.s32 $0x0;
	s20 =	sshll.u32 s5, $0x1;
	s5 =	sadd.s32 s21, s3  }
0x9d: {  	[timem:s7], [sflag:s22] =	dma.local [hbm:s5], s20  }
0x9e: {  	_ =	swait.ge [sflag:s22], s20  }
0x9f: {  	s4 =	ssub.s32 $0x0, s20;
	[sflag:s22] =	ssyncset.done $0x0  }
0xa0: {  	[sflag:s22] =	ssyncadd.s32 s4;
	_ =	sdelay $0x1  }
0xa1: {  	s23 =	simm.s32 $0x1B8B  }
0xa2: {  	_ =	swait.ge [sflag:s23], $0x1  }
0xa3: {  	[sflag:s23] =	ssyncset.done $0x0  }
0xa4: {  	s25 =	simm.s32 $0x1B8E;
	s24 =	sld [smem:$0x3FFE];
	[sflag:s23] =	ssyncadd.s32 $0xFFFFFFFF  }
0xa5: {  	s26 =	simm.s32 $execute0_lowered;
	[smem:$0x3FD2] =	sst s25  }
0xa6: {  	s5 =	sshll.u32 s26, $0x1;
	_ =	strace $0x80000046;
	[dreg:$0x1] =	wrdreg $0xFFFFFFFF  }
0xa7: {  	s28 =	simm.s32 $_size_execute0_lowered;
	s3 =	sadd.s32 s3, s5;
	[dreg:$0x0] =	wrdreg $0x0  }
0xa8: {  	s5 =	sshll.u32 s28, $0x1;
	[dreg:$0x2] =	wrdreg s3  }
0xa9: {  	[dreg:$0x3] =	wrdreg s5  }
0xaa: {  	[dreg:$0x4] =	wrdreg $0xC0  }
0xab: {  	_ =	task [dreg:s7], $0x5FFFF  }
0xac: {  	[dreg:$0x1] =	wrdreg $0xFFFFFFFF  }
0xad: {  	[dreg:$0x0] =	wrdreg $0x60  }
0xae: {  	[dreg:$0x2] =	wrdreg s2  }
0xaf: {  	[dreg:$0x3] =	wrdreg s24  }
0xb0: {  	[dreg:$0x4] =	wrdreg $0x9  }
0xb1: {  	_ =	task.clear_ibuf [dreg:s7], $0x5FFFF;
	_ =	strace $0x90000046  }
0xb2: {  	s29 =	simm.s32 $0x9;
	_ =	strace $0x80000048  }
0xb3: {  	_ =	swait.ge [sflag:s29], $0x1  }
0xb4: {  	[sflag:s29] =	ssyncadd.s32 $0xFFFFFFFF  }
0xb5: {  	_ =	strace $0x90000048  }
0xb6: {  	_ =	sfence  }
0xb7: {  	s30 =	sld [smem:$0x0];
	_ =	sdelay $0x2  }
0xb8: {  	s31 =	sshll.u32 s1, $0xD;
	s1 =	sshrl.u32 s1, $0x2  }
0xb9: {  	s3 =	sand.u32 $0x4000, s31;
	s1 =	sadd.s32 s1, s30  }
0xba: {  	s0 =	sor.u32 s3, s0;
	s1 =	sshll.u32 s1, $0x11  }
0xbb: {  	s0 =	sor.u32 s1, s0  }
0xbc: {  	s0 =	sadd.s32 $0x8F2B, s0  }
0xbd: {  	[sflag:s0] =	ssyncadd.remote.s32 $0x1  }
0xbe: {  	_ =	sfence.sel $0xFFFF  }
0xbf: {  	[dreg:$0x0] =	wrdreg $0xFFFFFFFF;
	(pc) =	sbr.abs _section_cstart, $3  }
0xc0: {  	[dreg:$0x1] =	wrdreg $0xFFFFFFFF  }
0xc1: {  	_ =	task.clear_ibuf [dreg:s7], $0x2FFFF;
	_ =	strace $0x9FFFFFFF  }
0xc2: {  	(tm) =	ssettm $0x7FFFFFFF  }
0xc3: {  	_ =	shalt  }
tec
execute0_lowered:
.L_overlay_start_1:
0x0: {  	(tag) =	ssettag $0x1  }
0x1: {  	s0 =	srdreg.scid;
	s1 =	stileid.u32  }
0x2: {  	s2 =	rddreg [dreg:$0x0];
	s0 =	sand.u32 $0x1, s0;
	s1 =	sshll.u32 s1, $0x1  }
0x3: {  	s4 =	rddreg [dreg:$0x1];
	s1 =	sor.u32 s0, s1;
	s0 =	ssub.s32 $0x2, s0  }
0x4: {  	s3 =	simm.s32 $0x0;
	s1 =	smul.u32 $0x19000, s1;
	s6 =	sshrl.u32 s0, $0x1  }
0x5: {  	[smem:$0x7FF] =	sst s3;
	s0 =	ssub.s32 s0, s6  }
0x6: {  	s4 =	sadd.s32 $0x400, s4;
	s5 =	sshrl.u32 s1, $0x3;
	s0 =	smax.u32 s0, $0x1  }
0x7: {  	_ =	strace $0x80000047;
	s7 =	sadd.s32 s4, s5;
	[smem:$0x7FB] =	sst s0  }
0x8: {  	s13 =	sadd.s32 $0x64000, s7;
	[dreg:$0x3] =	wrdreg s7  }
0x9: {  	s14 =	sadd.s32 $0xC8000, s7;
	[dreg:$0x4] =	wrdreg s13  }
0xa: {  	s15 =	sadd.s32 $0x12C000, s7;
	[dreg:$0x5] =	wrdreg s14  }
0xb: {  	s16 =	sadd.s32 $0x1F4000, s7;
	[dreg:$0x6] =	wrdreg s15  }
0xc: {  	s17 =	sadd.s32 $0x258000, s7;
	[dreg:$0x7] =	wrdreg s16  }
0xd: {  	s18 =	sadd.s32 $0x2BC000, s7;
	[dreg:$0x8] =	wrdreg s17  }
0xe: {  	s19 =	sadd.s32 $0x320000, s7;
	[dreg:$0x9] =	wrdreg s18  }
0xf: {  	s20 =	sadd.s32 $0x384000, s7;
	[dreg:$0xa] =	wrdreg s19  }
0x10: {  	s21 =	sadd.s32 $0x3E8000, s7;
	[dreg:$0xb] =	wrdreg s20  }
0x11: {  	s22 =	sadd.s32 $0x44C000, s7;
	[dreg:$0xc] =	wrdreg s21  }
0x12: {  	s23 =	sadd.s32 $0x64190, s7;
	[dreg:$0xd] =	wrdreg s22  }
0x13: {  	s24 =	sadd.s32 $0xC8190, s7;
	[dreg:$0xe] =	wrdreg s23  }
0x14: {  	s25 =	sadd.s32 $0x12C190, s7;
	[dreg:$0xf] =	wrdreg s24  }
0x15: {  	s26 =	sadd.s32 $0x190190, s7;
	[dreg:$0x10] =	wrdreg s25  }
0x16: {  	s28 =	sadd.s32 $0x1F4190, s7;
	[dreg:$0x11] =	wrdreg s26  }
0x17: {  	s6 =	sadd.s32 $0x258190, s7;
	[dreg:$0x12] =	wrdreg s28  }
0x18: {  	s8 =	sadd.s32 $0x2BC190, s7;
	s9 =	sadd.s32 $0x190000, s7;
	[dreg:$0x14] =	wrdreg s6  }
0x19: {  	s10 =	sadd.s32 $0x320190, s7;
	s11 =	sadd.s32 $0x384190, s7;
	[dreg:$0x15] =	wrdreg s8  }
0x1a: {  	s16 =	sadd.s32 $0x1900, s1;
	s20 =	sadd.s32 $0x2580, s1;
	[dreg:$0x16] =	wrdreg s9  }
0x1b: {  	s21 =	sadd.s32 $0x3200, s1;
	s22 =	sadd.s32 $0x3E80, s1;
	[dreg:$0x17] =	wrdreg s10  }
0x1c: {  	s1 =	sor.u32 $0x190, s5;
	s5 =	sadd.s32 s2, s5;
	[dreg:$0x18] =	wrdreg s11  }
0x1d: {  	s13 =	sadd.s32 $0x3E8190, s7;
	[dreg:$0x13] =	wrdreg s5  }
0x1e: {  	s14 =	sadd.s32 $0x44C190, s7;
	[dreg:$0x19] =	wrdreg s13  }
0x1f: {  	s15 =	sadd.s32 $0x66EE0, s7;
	[dreg:$0x1a] =	wrdreg s14  }
0x20: {  	s17 =	sadd.s32 $0xCAEE0, s7;
	[dreg:$0x1b] =	wrdreg s15  }
0x21: {  	s18 =	sadd.s32 $0x12EEE0, s7;
	[dreg:$0x1c] =	wrdreg s17  }
0x22: {  	s19 =	sadd.s32 $0x192EE0, s7;
	[dreg:$0x1d] =	wrdreg s18  }
0x23: {  	s23 =	sadd.s32 $0x1F6EE0, s7;
	[dreg:$0x1f] =	wrdreg s19  }
0x24: {  	s25 =	sadd.s32 $0x25AEE0, s7;
	[smem:$0x7E6] =	sst s23  }
0x25: {  	s26 =	sadd.s32 $0x2BEEE0, s7;
	[smem:$0x7E8] =	sst s25  }
0x26: {  	s28 =	sadd.s32 $0x2EE0, s7;
	[smem:$0x7E9] =	sst s26  }
0x27: {  	s6 =	sadd.s32 $0x322EE0, s7;
	[smem:$0x7EA] =	sst s28  }
0x28: {  	s8 =	sadd.s32 $0x386EE0, s7;
	[smem:$0x7EB] =	sst s6  }
0x29: {  	s9 =	sadd.s32 $0x3EAEE0, s7;
	[smem:$0x7EC] =	sst s8  }
0x2a: {  	s10 =	sadd.s32 $0x44EEE0, s7;
	[smem:$0x7EE] =	sst s9  }
0x2b: {  	s29 =	simm.s32 $0x9600;
	s11 =	sadd.s32 $0x67070, s7;
	[smem:$0x7EF] =	sst s10  }
0x2c: {  	s24 =	sadd.s32 s2, s1;
	[smem:$0x7F0] =	sst s11;
	s13 =	sadd.s32 $0x12F070, s7  }
0x2d: {  	s1 =	sadd.s32 s4, s1;
	s15 =	sadd.s32 $0x193070, s7;
	[smem:$0x7E7] =	sst s24  }
0x2e: {  	s30 =	simm.s32 $0xA280;
	s17 =	sadd.s32 $0x1F7070, s7;
	[smem:$0x7ED] =	sst s1  }
0x2f: {  	s31 =	simm.s32 $0x4;
	s18 =	sadd.s32 $0x25B070, s7;
	[smem:$0x7F2] =	sst s13  }
0x30: {  	s0 =	simm.s32 $0xBB80;
	s19 =	sadd.s32 $0x2BF070, s7;
	[smem:$0x7F3] =	sst s15  }
0x31: {  	s12 =	sshrl.u32 s16, $0x3;
	s25 =	sadd.s32 $0x387070, s7;
	[smem:$0x7F4] =	sst s17  }
0x32: {  	s14 =	sshrl.u32 s20, $0x3;
	s26 =	sadd.s32 $0x3EB070, s7;
	[smem:$0x7F6] =	sst s18  }
0x33: {  	s23 =	sadd.s32 $0x3070, s7;
	s28 =	sadd.s32 $0x44F070, s7;
	[smem:$0x7F7] =	sst s19  }
0x34: {  	s6 =	simm.s32 $0xC800;
	s8 =	simm.s32 $0xE100;
	[smem:$0x7F8] =	sst s23  }
0x35: {  	s9 =	simm.s32 $0xED80;
	s10 =	simm.s32 $0xFA00;
	[smem:$0x7FA] =	sst s25  }
0x36: {  	s11 =	simm.s32 $0x10680;
	s5 =	sadd.s32 s2, s12;
	[smem:$0x7FC] =	sst s26  }
0x37: {  	s12 =	sadd.s32 $0xCB070, s7;
	s1 =	sadd.s32 s2, s14;
	[smem:$0x7FD] =	sst s28  }
0x38: {  	s24 =	sadd.s32 $0x323070, s7;
	s13 =	simm.s32 $0x3;
	[dreg:$0x1e] =	wrdreg s5  }
0x39: {  	s7 =	simm.s32 $0xD480;
	s14 =	simm.s32 $0x12C00;
	[smem:$0x7F1] =	sst s12  }
0x3a: {  	s15 =	simm.s32 $0x13880;
	s17 =	simm.s32 $0x1;
	[smem:$0x7F5] =	sst s1  }
0x3b: {  	s18 =	simm.s32 $0x2;
	s23 =	simm.s32 $0x0;
	[smem:$0x7F9] =	sst s24  }
0x3c: {  	v0 =	vimm.f32 $0.0e+00;
	s1 =	simm.s32 $0xAF00;
	s5 =	simm.s32 $0x11300;
	s12 =	simm.s32 $0x11F80  }
.LBB2_1:
0x3d: {  	s19 =	rddreg [dreg:$0x13]  }
0x3e: {  	s26 =	sld [smem:$0x7E7]  }
0x3f: {  	[tilespmem:s3], [sflag:$0x3] =	stream.linear.gather [hbm4b:s19+s3], $0xC80, $0x38;
	[tilespmem:$0x14500] =	vst v63  }
0x40: {  	[smem:$0x7E5] =	sst s23;
	s28 =	simm.s32 $0xC80  }
0x41: {  	[tilespmem:s28], [sflag:$0x4] =	stream.linear.gather [hbm4b:s26+s3], $0xC80, $0x38;
	[tilespmem:$0x14500] =	vst v63  }
0x42: {  	_ =	swait.ge [sflag:s13], $0xC80  }
0x43: {  	[sflag:s13] =	ssyncset.done $0x0  }
0x44: {  	s23 =	simm.s32 $0x0;
	s19 =	simm.s32 $0x0;
	[sflag:s13] =	ssyncadd.s32 $0xFFFFF380  }
.LBB2_2:
0x45: {  	s24 =	sshra.s32 s23, $0x2  }
0x46: {  	v1 =	vld [tilespmem:s24+$0x0];
	_ =	sdelay $0x4  }
0x47: {  	vm0 =	veq.f32 v1, $0.0e+00;
	vm5 =	veq.f32 v1, $1.000000000e+00;
	vm6 =	veq.f32 v1, $2.000000000e+00  }
0x48: {  	vm7 =	veq.f32 v1, $3.000000000e+00;
	vm8 =	veq.f32 v1, $4.000000000e+00;
	vm9 =	veq.f32 v1, $5.000000000e+00  }
0x49: {  	vm10 =	veq.f32 v1, $6.000000000e+00;
	vm11 =	veq.f32 v1, $7.000000000e+00;
	v2 =	vsel vm0, $0x3F800000, v0  }
0x4a: {  	s25 =	sand.u32 $0xFC0, s19;
	vm12 =	veq.f32 v1, $8.000000000e+00;
	vm15 =	veq.f32 v1, $1.100000000e+01;
	[tilespmem:s24+$0x1900] =	vst v2;
	v2 =	vsel vm5, $0x3F800000, v0  }
0x4b: {  	vm13 =	veq.f32 v1, $9.000000000e+00;
	vm14 =	veq.f32 v1, $1.000000000e+01;
	v1 =	vsel vm15, $0x3F800000, v0;
	[tilespmem:s25+$0x2580] =	vst v2  }
0x4c: {  	v2 =	vsel vm6, $0x3F800000, v0;
	[tilespmem:s25+$0xA280] =	vst v1  }
0x4d: {  	[tilespmem:s25+$0x3200] =	vst v2;
	v2 =	vsel vm7, $0x3F800000, v0  }
0x4e: {  	[tilespmem:s25+$0x3E80] =	vst v2;
	v2 =	vsel vm8, $0x3F800000, v0  }
0x4f: {  	[tilespmem:s25+$0x4B00] =	vst v2;
	v2 =	vsel vm9, $0x3F800000, v0  }
0x50: {  	[tilespmem:s25+$0x5780] =	vst v2;
	v2 =	vsel vm10, $0x3F800000, v0  }
0x51: {  	[tilespmem:s25+$0x6400] =	vst v2;
	v2 =	vsel vm11, $0x3F800000, v0  }
0x52: {  	[tilespmem:s25+$0x7080] =	vst v2;
	v2 =	vsel vm12, $0x3F800000, v0  }
0x53: {  	[tilespmem:s25+$0x7D00] =	vst v2;
	v2 =	vsel vm13, $0x3F800000, v0  }
0x54: {  	[tilespmem:s25+$0x8980] =	vst v2;
	v2 =	vsel vm14, $0x3F800000, v0  }
0x55: {  	[tilespmem:s25+$0x9600] =	vst v2  }
0x56: {  	v1 =	vld [tilespmem:s24+$0x10];
	_ =	sdelay $0x4  }
0x57: {  	v3 =	vld [tilespmem:s24+$0x20];
	vm4 =	veq.f32 v1, $0.0e+00;
	vm5 =	veq.f32 v1, $1.000000000e+00  }
0x58: {  	vm6 =	veq.f32 v1, $2.000000000e+00;
	vm7 =	veq.f32 v1, $3.000000000e+00;
	vm8 =	veq.f32 v1, $4.000000000e+00  }
0x59: {  	vm9 =	veq.f32 v1, $5.000000000e+00;
	vm10 =	veq.f32 v1, $6.000000000e+00;
	vm11 =	veq.f32 v1, $7.000000000e+00  }
0x5a: {  	vm12 =	veq.f32 v1, $8.000000000e+00;
	vm15 =	veq.f32 v1, $1.100000000e+01;
	v2 =	vsel vm4, $0x3F800000, v0  }
0x5b: {  	vm13 =	veq.f32 v1, $9.000000000e+00;
	vm14 =	veq.f32 v1, $1.000000000e+01;
	v1 =	vsel vm15, $0x3F800000, v0;
	[tilespmem:s24+$0x1910] =	vst v2  }
0x5c: {  	vm4 =	veq.f32 v3, $0.0e+00;
	v2 =	vsel vm5, $0x3F800000, v0;
	[tilespmem:s24+$0xA290] =	vst v1  }
0x5d: {  	v1 =	vsel vm4, $0x3F800000, v0;
	[tilespmem:s24+$0x2590] =	vst v2  }
0x5e: {  	vm5 =	veq.f32 v3, $1.000000000e+00;
	v2 =	vsel vm6, $0x3F800000, v0;
	[tilespmem:s24+$0x1920] =	vst v1  }
0x5f: {  	v1 =	vsel vm5, $0x3F800000, v0;
	[tilespmem:s24+$0x3210] =	vst v2  }
0x60: {  	vm6 =	veq.f32 v3, $2.000000000e+00;
	v2 =	vsel vm7, $0x3F800000, v0;
	[tilespmem:s24+$0x25A0] =	vst v1  }
0x61: {  	v1 =	vsel vm6, $0x3F800000, v0;
	[tilespmem:s24+$0x3E90] =	vst v2  }
0x62: {  	vm7 =	veq.f32 v3, $3.000000000e+00;
	v2 =	vsel vm8, $0x3F800000, v0;
	[tilespmem:s24+$0x3220] =	vst v1  }
0x63: {  	v1 =	vsel vm7, $0x3F800000, v0;
	[tilespmem:s24+$0x4B10] =	vst v2  }
0x64: {  	vm8 =	veq.f32 v3, $4.000000000e+00;
	v2 =	vsel vm9, $0x3F800000, v0;
	[tilespmem:s24+$0x3EA0] =	vst v1  }
0x65: {  	v1 =	vsel vm8, $0x3F800000, v0;
	[tilespmem:s24+$0x5790] =	vst v2  }
0x66: {  	vm9 =	veq.f32 v3, $5.000000000e+00;
	v2 =	vsel vm10, $0x3F800000, v0;
	[tilespmem:s24+$0x4B20] =	vst v1  }
0x67: {  	v1 =	vsel vm9, $0x3F800000, v0;
	[tilespmem:s24+$0x6410] =	vst v2  }
0x68: {  	v2 =	vsel vm11, $0x3F800000, v0;
	[tilespmem:s24+$0x57A0] =	vst v1  }
0x69: {  	[tilespmem:s24+$0x7090] =	vst v2;
	v2 =	vsel vm12, $0x3F800000, v0  }
0x6a: {  	[tilespmem:s24+$0x7D10] =	vst v2;
	v2 =	vsel vm13, $0x3F800000, v0  }
0x6b: {  	vm10 =	veq.f32 v3, $6.000000000e+00;
	[tilespmem:s24+$0x8990] =	vst v2;
	v2 =	vsel vm14, $0x3F800000, v0  }
0x6c: {  	v1 =	vsel vm10, $0x3F800000, v0;
	vm11 =	veq.f32 v3, $7.000000000e+00;
	[tilespmem:s24+$0x9610] =	vst v2;
	v2 =	vld [tilespmem:s24+$0x30]  }
0x6d: {  	[tilespmem:s24+$0x6420] =	vst v1;
	v1 =	vsel vm11, $0x3F800000, v0;
	vm12 =	veq.f32 v3, $8.000000000e+00  }
0x6e: {  	[tilespmem:s24+$0x70A0] =	vst v1;
	v1 =	vsel vm12, $0x3F800000, v0;
	vm13 =	veq.f32 v3, $9.000000000e+00  }
0x6f: {  	[tilespmem:s24+$0x7D20] =	vst v1;
	v1 =	vsel vm13, $0x3F800000, v0;
	vm14 =	veq.f32 v3, $1.000000000e+01  }
0x70: {  	vm15 =	veq.f32 v3, $1.100000000e+01;
	[tilespmem:s24+$0x89A0] =	vst v1;
	v1 =	vsel vm14, $0x3F800000, v0  }
0x71: {  	[tilespmem:s24+$0x9620] =	vst v1;
	v1 =	vsel vm15, $0x3F800000, v0;
	vm4 =	veq.f32 v2, $0.0e+00  }
0x72: {  	[tilespmem:s24+$0xA2A0] =	vst v1;
	vm5 =	veq.f32 v2, $1.000000000e+00;
	v1 =	vsel vm4, $0x3F800000, v0  }
0x73: {  	vm6 =	veq.f32 v2, $2.000000000e+00;
	[tilespmem:s24+$0x1930] =	vst v1;
	v1 =	vsel vm5, $0x3F800000, v0  }
0x74: {  	vm7 =	veq.f32 v2, $3.000000000e+00;
	[tilespmem:s24+$0x25B0] =	vst v1;
	v1 =	vsel vm6, $0x3F800000, v0  }
0x75: {  	vm8 =	veq.f32 v2, $4.000000000e+00;
	[tilespmem:s24+$0x3230] =	vst v1;
	v1 =	vsel vm7, $0x3F800000, v0  }
0x76: {  	vm9 =	veq.f32 v2, $5.000000000e+00;
	[tilespmem:s24+$0x3EB0] =	vst v1;
	v1 =	vsel vm8, $0x3F800000, v0  }
0x77: {  	vm10 =	veq.f32 v2, $6.000000000e+00;
	[tilespmem:s24+$0x4B30] =	vst v1;
	v1 =	vsel vm9, $0x3F800000, v0  }
0x78: {  	vm11 =	veq.f32 v2, $7.000000000e+00;
	[tilespmem:s24+$0x57B0] =	vst v1;
	v1 =	vsel vm10, $0x3F800000, v0  }
0x79: {  	p0 =	sne.s32 s23, $0x3100;
	vm12 =	veq.f32 v2, $8.000000000e+00;
	[tilespmem:s24+$0x6430] =	vst v1;
	v1 =	vsel vm11, $0x3F800000, v0  }
.Ltmp0:
0x7a: {  	vm13 =	veq.f32 v2, $9.000000000e+00;
	[tilespmem:s24+$0x70B0] =	vst v1;
	v1 =	vsel vm12, $0x3F800000, v0;
	(pc) =	sbr.rel @p0 .LBB2_2-.Ltmp0, $4  }
0x7b: {  	vm14 =	veq.f32 v2, $1.000000000e+01;
	[tilespmem:s24+$0x7D30] =	vst v1;
	v1 =	vsel vm13, $0x3F800000, v0  }
0x7c: {  	vm15 =	veq.f32 v2, $1.100000000e+01;
	[tilespmem:s24+$0x89B0] =	vst v1;
	v1 =	vsel vm14, $0x3F800000, v0  }
0x7d: {  	[tilespmem:s24+$0x9630] =	vst v1;
	v1 =	vsel vm15, $0x3F800000, v0  }
0x7e: {  	s19 =	sadd.s32 $0x40, s19;
	s23 =	sadd.s32 $0x100, s23;
	[tilespmem:s24+$0xA2B0] =	vst v1  }
0x7f: {  	s19 =	simm.s32 $0x0;
	s23 =	rddreg [dreg:$0x3];
	s24 =	simm.s32 $0x1900  }
0x80: {  	[hbm4b:s23+s19] =	stream.linear.scatter [tilespmem:s24], [sflag:$0x1], $0xC80, $0x38;
	[tilespmem:$0x14500] =	vst v63  }
0x81: {  	s26 =	rddreg [dreg:$0x4];
	s28 =	simm.s32 $0x2580  }
0x82: {  	[hbm4b:s26+s19] =	stream.linear.scatter [tilespmem:s28], [sflag:$0x1], $0xC80, $0x38;
	[tilespmem:$0x14500] =	vst v63  }
0x83: {  	s25 =	simm.s32 $0x3200;
	s24 =	rddreg [dreg:$0x5]  }
0x84: {  	[hbm4b:s24+s19] =	stream.linear.scatter [tilespmem:s25], [sflag:$0x1], $0xC80, $0x38;
	[tilespmem:$0x14500] =	vst v63  }
0x85: {  	s26 =	rddreg [dreg:$0x6];
	s28 =	simm.s32 $0x3E80  }
0x86: {  	[hbm4b:s26+s19] =	stream.linear.scatter [tilespmem:s28], [sflag:$0x1], $0xC80, $0x38;
	[tilespmem:$0x14500] =	vst v63  }
0x87: {  	s24 =	rddreg [dreg:$0x16];
	s25 =	simm.s32 $0x4B00  }
0x88: {  	[hbm4b:s24+s19] =	stream.linear.scatter [tilespmem:s25], [sflag:$0x1], $0xC80, $0x38;
	[tilespmem:$0x14500] =	vst v63  }
0x89: {  	s26 =	rddreg [dreg:$0x7];
	s28 =	simm.s32 $0x5780  }
0x8a: {  	[hbm4b:s26+s19] =	stream.linear.scatter [tilespmem:s28], [sflag:$0x1], $0xC80, $0x38;
	[tilespmem:$0x14500] =	vst v63  }
0x8b: {  	s24 =	rddreg [dreg:$0x8];
	s25 =	simm.s32 $0x6400  }
0x8c: {  	[hbm4b:s24+s19] =	stream.linear.scatter [tilespmem:s25], [sflag:$0x1], $0xC80, $0x38;
	[tilespmem:$0x14500] =	vst v63  }
0x8d: {  	s26 =	rddreg [dreg:$0x9];
	s28 =	simm.s32 $0x7080  }
0x8e: {  	[hbm4b:s26+s19] =	stream.linear.scatter [tilespmem:s28], [sflag:$0x1], $0xC80, $0x38;
	[tilespmem:$0x14500] =	vst v63  }
0x8f: {  	s24 =	rddreg [dreg:$0xa];
	s25 =	simm.s32 $0x7D00  }
0x90: {  	[hbm4b:s24+s19] =	stream.linear.scatter [tilespmem:s25], [sflag:$0x1], $0xC80, $0x38;
	[tilespmem:$0x14500] =	vst v63  }
0x91: {  	s26 =	rddreg [dreg:$0xb];
	s28 =	simm.s32 $0x8980  }
0x92: {  	[hbm4b:s26+s19] =	stream.linear.scatter [tilespmem:s28], [sflag:$0x1], $0xC80, $0x38;
	[tilespmem:$0x14500] =	vst v63  }
0x93: {  	s25 =	rddreg [dreg:$0xc]  }
0x94: {  	[hbm4b:s25+s19] =	stream.linear.scatter [tilespmem:s29], [sflag:$0x1], $0xC80, $0x38;
	[tilespmem:$0x14500] =	vst v63  }
0x95: {  	s26 =	rddreg [dreg:$0xd]  }
0x96: {  	[hbm4b:s26+s19] =	stream.linear.scatter [tilespmem:s30], [sflag:$0x1], $0xC80, $0x38;
	[tilespmem:$0x14500] =	vst v63  }
0x97: {  	s28 =	rddreg [dreg:$0x1e]  }
0x98: {  	[tilespmem:s19], [sflag:$0x3] =	stream.linear.gather [hbm4b:s28+s19], $0xC80, $0x38;
	[tilespmem:$0x14500] =	vst v63  }
0x99: {  	_ =	swait.ge [sflag:s31], $0xC80  }
0x9a: {  	[sflag:s31] =	ssyncset.done $0x0  }
0x9b: {  	s23 =	simm.s32 $0x0;
	[sflag:s31] =	ssyncadd.s32 $0xFFFFF380  }
.LBB2_4:
0x9c: {  	s24 =	sshra.s32 s23, $0x2  }
0x9d: {  	v1 =	vld [tilespmem:s24+$0xC80];
	_ =	sdelay $0x4  }
0x9e: {  	vm0 =	veq.f32 v1, $0.0e+00;
	vm5 =	veq.f32 v1, $1.000000000e+00;
	vm6 =	veq.f32 v1, $2.000000000e+00  }
0x9f: {  	vm7 =	veq.f32 v1, $3.000000000e+00;
	vm8 =	veq.f32 v1, $4.000000000e+00;
	vm9 =	veq.f32 v1, $5.000000000e+00  }
0xa0: {  	vm10 =	veq.f32 v1, $6.000000000e+00;
	vm11 =	veq.f32 v1, $7.000000000e+00;
	v2 =	vsel vm0, $0x3F800000, v0  }
0xa1: {  	s25 =	sand.u32 $0xFC0, s19;
	vm12 =	veq.f32 v1, $8.000000000e+00;
	vm15 =	veq.f32 v1, $1.100000000e+01;
	[tilespmem:s24+$0xAF00] =	vst v2;
	v2 =	vsel vm5, $0x3F800000, v0  }
0xa2: {  	vm13 =	veq.f32 v1, $9.000000000e+00;
	vm14 =	veq.f32 v1, $1.000000000e+01;
	v1 =	vsel vm15, $0x3F800000, v0;
	[tilespmem:s25+$0xBB80] =	vst v2  }
0xa3: {  	v2 =	vsel vm6, $0x3F800000, v0;
	[tilespmem:s25+$0x13880] =	vst v1  }
0xa4: {  	[tilespmem:s25+$0xC800] =	vst v2;
	v2 =	vsel vm7, $0x3F800000, v0  }
0xa5: {  	[tilespmem:s25+$0xD480] =	vst v2;
	v2 =	vsel vm8, $0x3F800000, v0  }
0xa6: {  	[tilespmem:s25+$0xE100] =	vst v2;
	v2 =	vsel vm9, $0x3F800000, v0  }
0xa7: {  	[tilespmem:s25+$0xED80] =	vst v2;
	v2 =	vsel vm10, $0x3F800000, v0  }
0xa8: {  	[tilespmem:s25+$0xFA00] =	vst v2;
	v2 =	vsel vm11, $0x3F800000, v0  }
0xa9: {  	[tilespmem:s25+$0x10680] =	vst v2;
	v2 =	vsel vm12, $0x3F800000, v0  }
0xaa: {  	[tilespmem:s25+$0x11300] =	vst v2;
	v2 =	vsel vm13, $0x3F800000, v0  }
0xab: {  	[tilespmem:s25+$0x11F80] =	vst v2;
	v2 =	vsel vm14, $0x3F800000, v0  }
0xac: {  	[tilespmem:s25+$0x12C00] =	vst v2  }
0xad: {  	v1 =	vld [tilespmem:s24+$0xC90];
	_ =	sdelay $0x4  }
0xae: {  	v3 =	vld [tilespmem:s24+$0xCA0];
	vm4 =	veq.f32 v1, $0.0e+00;
	vm5 =	veq.f32 v1, $1.000000000e+00  }
0xaf: {  	vm6 =	veq.f32 v1, $2.000000000e+00;
	vm7 =	veq.f32 v1, $3.000000000e+00;
	vm8 =	veq.f32 v1, $4.000000000e+00  }
0xb0: {  	vm9 =	veq.f32 v1, $5.000000000e+00;
	vm10 =	veq.f32 v1, $6.000000000e+00;
	vm11 =	veq.f32 v1, $7.000000000e+00  }
0xb1: {  	vm12 =	veq.f32 v1, $8.000000000e+00;
	vm15 =	veq.f32 v1, $1.100000000e+01;
	v2 =	vsel vm4, $0x3F800000, v0  }
0xb2: {  	vm13 =	veq.f32 v1, $9.000000000e+00;
	vm14 =	veq.f32 v1, $1.000000000e+01;
	v1 =	vsel vm15, $0x3F800000, v0;
	[tilespmem:s24+$0xAF10] =	vst v2  }
0xb3: {  	vm4 =	veq.f32 v3, $0.0e+00;
	v2 =	vsel vm5, $0x3F800000, v0;
	[tilespmem:s24+$0x13890] =	vst v1  }
0xb4: {  	v1 =	vsel vm4, $0x3F800000, v0;
	[tilespmem:s24+$0xBB90] =	vst v2  }
0xb5: {  	vm5 =	veq.f32 v3, $1.000000000e+00;
	v2 =	vsel vm6, $0x3F800000, v0;
	[tilespmem:s24+$0xAF20] =	vst v1  }
0xb6: {  	v1 =	vsel vm5, $0x3F800000, v0;
	[tilespmem:s24+$0xC810] =	vst v2  }
0xb7: {  	vm6 =	veq.f32 v3, $2.000000000e+00;
	v2 =	vsel vm7, $0x3F800000, v0;
	[tilespmem:s24+$0xBBA0] =	vst v1  }
0xb8: {  	v1 =	vsel vm6, $0x3F800000, v0;
	[tilespmem:s24+$0xD490] =	vst v2  }
0xb9: {  	vm7 =	veq.f32 v3, $3.000000000e+00;
	v2 =	vsel vm8, $0x3F800000, v0;
	[tilespmem:s24+$0xC820] =	vst v1  }
0xba: {  	v1 =	vsel vm7, $0x3F800000, v0;
	[tilespmem:s24+$0xE110] =	vst v2  }
0xbb: {  	vm8 =	veq.f32 v3, $4.000000000e+00;
	v2 =	vsel vm9, $0x3F800000, v0;
	[tilespmem:s24+$0xD4A0] =	vst v1  }
0xbc: {  	v1 =	vsel vm8, $0x3F800000, v0;
	[tilespmem:s24+$0xED90] =	vst v2  }
0xbd: {  	vm9 =	veq.f32 v3, $5.000000000e+00;
	v2 =	vsel vm10, $0x3F800000, v0;
	[tilespmem:s24+$0xE120] =	vst v1  }
0xbe: {  	v1 =	vsel vm9, $0x3F800000, v0;
	[tilespmem:s24+$0xFA10] =	vst v2  }
0xbf: {  	v2 =	vsel vm11, $0x3F800000, v0;
	[tilespmem:s24+$0xEDA0] =	vst v1  }
0xc0: {  	[tilespmem:s24+$0x10690] =	vst v2;
	v2 =	vsel vm12, $0x3F800000, v0  }
0xc1: {  	[tilespmem:s24+$0x11310] =	vst v2;
	v2 =	vsel vm13, $0x3F800000, v0  }
0xc2: {  	vm10 =	veq.f32 v3, $6.000000000e+00;
	[tilespmem:s24+$0x11F90] =	vst v2;
	v2 =	vsel vm14, $0x3F800000, v0  }
0xc3: {  	v1 =	vsel vm10, $0x3F800000, v0;
	vm11 =	veq.f32 v3, $7.000000000e+00;
	[tilespmem:s24+$0x12C10] =	vst v2;
	v2 =	vld [tilespmem:s24+$0xCB0]  }
0xc4: {  	[tilespmem:s24+$0xFA20] =	vst v1;
	v1 =	vsel vm11, $0x3F800000, v0;
	vm12 =	veq.f32 v3, $8.000000000e+00  }
0xc5: {  	[tilespmem:s24+$0x106A0] =	vst v1;
	v1 =	vsel vm12, $0x3F800000, v0;
	vm13 =	veq.f32 v3, $9.000000000e+00  }
0xc6: {  	[tilespmem:s24+$0x11320] =	vst v1;
	v1 =	vsel vm13, $0x3F800000, v0;
	vm14 =	veq.f32 v3, $1.000000000e+01  }
0xc7: {  	vm15 =	veq.f32 v3, $1.100000000e+01;
	[tilespmem:s24+$0x11FA0] =	vst v1;
	v1 =	vsel vm14, $0x3F800000, v0  }
0xc8: {  	[tilespmem:s24+$0x12C20] =	vst v1;
	v1 =	vsel vm15, $0x3F800000, v0;
	vm4 =	veq.f32 v2, $0.0e+00  }
0xc9: {  	[tilespmem:s24+$0x138A0] =	vst v1;
	vm5 =	veq.f32 v2, $1.000000000e+00;
	v1 =	vsel vm4, $0x3F800000, v0  }
0xca: {  	vm6 =	veq.f32 v2, $2.000000000e+00;
	[tilespmem:s24+$0xAF30] =	vst v1;
	v1 =	vsel vm5, $0x3F800000, v0  }
0xcb: {  	vm7 =	veq.f32 v2, $3.000000000e+00;
	[tilespmem:s24+$0xBBB0] =	vst v1;
	v1 =	vsel vm6, $0x3F800000, v0  }
0xcc: {  	vm8 =	veq.f32 v2, $4.000000000e+00;
	[tilespmem:s24+$0xC830] =	vst v1;
	v1 =	vsel vm7, $0x3F800000, v0  }
0xcd: {  	vm9 =	veq.f32 v2, $5.000000000e+00;
	[tilespmem:s24+$0xD4B0] =	vst v1;
	v1 =	vsel vm8, $0x3F800000, v0  }
0xce: {  	vm10 =	veq.f32 v2, $6.000000000e+00;
	[tilespmem:s24+$0xE130] =	vst v1;
	v1 =	vsel vm9, $0x3F800000, v0  }
0xcf: {  	vm11 =	veq.f32 v2, $7.000000000e+00;
	[tilespmem:s24+$0xEDB0] =	vst v1;
	v1 =	vsel vm10, $0x3F800000, v0  }
0xd0: {  	p0 =	sne.s32 s23, $0x3100;
	vm12 =	veq.f32 v2, $8.000000000e+00;
	[tilespmem:s24+$0xFA30] =	vst v1;
	v1 =	vsel vm11, $0x3F800000, v0  }
.Ltmp1:
0xd1: {  	vm13 =	veq.f32 v2, $9.000000000e+00;
	[tilespmem:s24+$0x106B0] =	vst v1;
	v1 =	vsel vm12, $0x3F800000, v0;
	(pc) =	sbr.rel @p0 .LBB2_4-.Ltmp1, $4  }
0xd2: {  	vm14 =	veq.f32 v2, $1.000000000e+01;
	[tilespmem:s24+$0x11330] =	vst v1;
	v1 =	vsel vm13, $0x3F800000, v0  }
0xd3: {  	vm15 =	veq.f32 v2, $1.100000000e+01;
	[tilespmem:s24+$0x11FB0] =	vst v1;
	v1 =	vsel vm14, $0x3F800000, v0  }
0xd4: {  	[tilespmem:s24+$0x12C30] =	vst v1;
	v1 =	vsel vm15, $0x3F800000, v0  }
0xd5: {  	s19 =	sadd.s32 $0x40, s19;
	s23 =	sadd.s32 $0x100, s23;
	[tilespmem:s24+$0x138B0] =	vst v1  }
0xd6: {  	s23 =	sld [smem:$0x7ED];
	_ =	sdelay $0x1  }
0xd7: {  	s19 =	simm.s32 $0x0;
	s24 =	rddreg [dreg:$0xe]  }
0xd8: {  	[hbm4b:s23+s19] =	stream.linear.scatter [tilespmem:s1], [sflag:$0x2], $0xC80, $0x38;
	[tilespmem:$0x14500] =	vst v63  }
0xd9: {  	s25 =	rddreg [dreg:$0xf]  }
0xda: {  	[hbm4b:s24+s19] =	stream.linear.scatter [tilespmem:s0], [sflag:$0x2], $0xC80, $0x38;
	[tilespmem:$0x14500] =	vst v63  }
0xdb: {  	s26 =	rddreg [dreg:$0x10]  }
0xdc: {  	[hbm4b:s25+s19] =	stream.linear.scatter [tilespmem:s6], [sflag:$0x2], $0xC80, $0x38;
	[tilespmem:$0x14500] =	vst v63  }
0xdd: {  	s28 =	rddreg [dreg:$0x11]  }
0xde: {  	[hbm4b:s26+s19] =	stream.linear.scatter [tilespmem:s7], [sflag:$0x2], $0xC80, $0x38;
	[tilespmem:$0x14500] =	vst v63  }
0xdf: {  	s24 =	rddreg [dreg:$0x12]  }
0xe0: {  	[hbm4b:s28+s19] =	stream.linear.scatter [tilespmem:s8], [sflag:$0x2], $0xC80, $0x38;
	[tilespmem:$0x14500] =	vst v63  }
0xe1: {  	s25 =	rddreg [dreg:$0x14]  }
0xe2: {  	[hbm4b:s24+s19] =	stream.linear.scatter [tilespmem:s9], [sflag:$0x2], $0xC80, $0x38;
	[tilespmem:$0x14500] =	vst v63  }
0xe3: {  	s26 =	rddreg [dreg:$0x15]  }
0xe4: {  	[hbm4b:s25+s19] =	stream.linear.scatter [tilespmem:s10], [sflag:$0x2], $0xC80, $0x38;
	[tilespmem:$0x14500] =	vst v63  }
0xe5: {  	s28 =	rddreg [dreg:$0x17]  }
0xe6: {  	[hbm4b:s26+s19] =	stream.linear.scatter [tilespmem:s11], [sflag:$0x2], $0xC80, $0x38;
	[tilespmem:$0x14500] =	vst v63  }
0xe7: {  	s24 =	rddreg [dreg:$0x18]  }
0xe8: {  	[hbm4b:s28+s19] =	stream.linear.scatter [tilespmem:s5], [sflag:$0x2], $0xC80, $0x38;
	[tilespmem:$0x14500] =	vst v63  }
0xe9: {  	s25 =	rddreg [dreg:$0x19]  }
0xea: {  	[hbm4b:s24+s19] =	stream.linear.scatter [tilespmem:s12], [sflag:$0x2], $0xC80, $0x38;
	[tilespmem:$0x14500] =	vst v63  }
0xeb: {  	s26 =	rddreg [dreg:$0x1a]  }
0xec: {  	[hbm4b:s25+s19] =	stream.linear.scatter [tilespmem:s14], [sflag:$0x2], $0xC80, $0x38;
	[tilespmem:$0x14500] =	vst v63  }
0xed: {  	s28 =	sld [smem:$0x7F5]  }
0xee: {  	[hbm4b:s26+s19] =	stream.linear.scatter [tilespmem:s15], [sflag:$0x2], $0xC80, $0x38;
	[tilespmem:$0x14500] =	vst v63  }
0xef: {  	s24 =	simm.s32 $0xC80  }
0xf0: {  	[tilespmem:s24], [sflag:$0x4] =	stream.linear.gather [hbm4b:s28+s19], $0xC80, $0x38;
	[tilespmem:$0x14500] =	vst v63  }
.LBB2_6:
0xf1: {  	_ =	swait.ge [sflag:s17], $0xC80  }
0xf2: {  	[sflag:s17] =	ssyncset.done $0x0  }
0xf3: {  	[sflag:s17] =	ssyncadd.s32 $0xFFFFF380  }
0xf4: {  	_ =	swait.ge [sflag:s17], $0xC80  }
0xf5: {  	[sflag:s17] =	ssyncset.done $0x0  }
0xf6: {  	[sflag:s17] =	ssyncadd.s32 $0xFFFFF380  }
0xf7: {  	_ =	swait.ge [sflag:s17], $0xC80  }
0xf8: {  	[sflag:s17] =	ssyncset.done $0x0  }
0xf9: {  	[sflag:s17] =	ssyncadd.s32 $0xFFFFF380  }
0xfa: {  	_ =	swait.ge [sflag:s17], $0xC80  }
0xfb: {  	[sflag:s17] =	ssyncset.done $0x0  }
0xfc: {  	[sflag:s17] =	ssyncadd.s32 $0xFFFFF380  }
0xfd: {  	_ =	swait.ge [sflag:s17], $0xC80  }
0xfe: {  	[sflag:s17] =	ssyncset.done $0x0  }
0xff: {  	[sflag:s17] =	ssyncadd.s32 $0xFFFFF380  }
0x100: {  	_ =	swait.ge [sflag:s17], $0xC80  }
0x101: {  	[sflag:s17] =	ssyncset.done $0x0  }
0x102: {  	[sflag:s17] =	ssyncadd.s32 $0xFFFFF380  }
0x103: {  	_ =	swait.ge [sflag:s17], $0xC80  }
0x104: {  	[sflag:s17] =	ssyncset.done $0x0  }
0x105: {  	[sflag:s17] =	ssyncadd.s32 $0xFFFFF380  }
0x106: {  	_ =	swait.ge [sflag:s17], $0xC80  }
0x107: {  	[sflag:s17] =	ssyncset.done $0x0  }
0x108: {  	[sflag:s17] =	ssyncadd.s32 $0xFFFFF380  }
0x109: {  	_ =	swait.ge [sflag:s17], $0xC80  }
0x10a: {  	[sflag:s17] =	ssyncset.done $0x0  }
0x10b: {  	[sflag:s17] =	ssyncadd.s32 $0xFFFFF380  }
0x10c: {  	_ =	swait.ge [sflag:s17], $0xC80  }
0x10d: {  	[sflag:s17] =	ssyncset.done $0x0  }
0x10e: {  	[sflag:s17] =	ssyncadd.s32 $0xFFFFF380  }
0x10f: {  	_ =	swait.ge [sflag:s17], $0xC80  }
0x110: {  	[sflag:s17] =	ssyncset.done $0x0  }
0x111: {  	[sflag:s17] =	ssyncadd.s32 $0xFFFFF380  }
0x112: {  	_ =	swait.ge [sflag:s17], $0xC80  }
0x113: {  	[sflag:s17] =	ssyncset.done $0x0  }
0x114: {  	[sflag:s17] =	ssyncadd.s32 $0xFFFFF380  }
0x115: {  	_ =	swait.ge [sflag:s13], $0xC80  }
0x116: {  	[sflag:s13] =	ssyncset.done $0x0  }
0x117: {  	s23 =	simm.s32 $0x0;
	s24 =	simm.s32 $0x0;
	[sflag:s13] =	ssyncadd.s32 $0xFFFFF380  }
.LBB2_7:
0x118: {  	s25 =	sshra.s32 s24, $0x2  }
0x119: {  	v1 =	vld [tilespmem:s25+$0x0];
	_ =	sdelay $0x4  }
0x11a: {  	vm0 =	veq.f32 v1, $0.0e+00;
	vm5 =	veq.f32 v1, $1.000000000e+00;
	vm6 =	veq.f32 v1, $2.000000000e+00  }
0x11b: {  	vm7 =	veq.f32 v1, $3.000000000e+00;
	vm8 =	veq.f32 v1, $4.000000000e+00;
	vm9 =	veq.f32 v1, $5.000000000e+00  }
0x11c: {  	vm10 =	veq.f32 v1, $6.000000000e+00;
	vm11 =	veq.f32 v1, $7.000000000e+00;
	v2 =	vsel vm0, $0x3F800000, v0  }
0x11d: {  	s26 =	sand.u32 $0xFC0, s23;
	vm12 =	veq.f32 v1, $8.000000000e+00;
	vm15 =	veq.f32 v1, $1.100000000e+01;
	[tilespmem:s25+$0x1900] =	vst v2;
	v2 =	vsel vm5, $0x3F800000, v0  }
0x11e: {  	vm13 =	veq.f32 v1, $9.000000000e+00;
	vm14 =	veq.f32 v1, $1.000000000e+01;
	v1 =	vsel vm15, $0x3F800000, v0;
	[tilespmem:s26+$0x2580] =	vst v2  }
0x11f: {  	v2 =	vsel vm6, $0x3F800000, v0;
	[tilespmem:s26+$0xA280] =	vst v1  }
0x120: {  	[tilespmem:s26+$0x3200] =	vst v2;
	v2 =	vsel vm7, $0x3F800000, v0  }
0x121: {  	[tilespmem:s26+$0x3E80] =	vst v2;
	v2 =	vsel vm8, $0x3F800000, v0  }
0x122: {  	[tilespmem:s26+$0x4B00] =	vst v2;
	v2 =	vsel vm9, $0x3F800000, v0  }
0x123: {  	[tilespmem:s26+$0x5780] =	vst v2;
	v2 =	vsel vm10, $0x3F800000, v0  }
0x124: {  	[tilespmem:s26+$0x6400] =	vst v2;
	v2 =	vsel vm11, $0x3F800000, v0  }
0x125: {  	[tilespmem:s26+$0x7080] =	vst v2;
	v2 =	vsel vm12, $0x3F800000, v0  }
0x126: {  	[tilespmem:s26+$0x7D00] =	vst v2;
	v2 =	vsel vm13, $0x3F800000, v0  }
0x127: {  	[tilespmem:s26+$0x8980] =	vst v2;
	v2 =	vsel vm14, $0x3F800000, v0  }
0x128: {  	[tilespmem:s26+$0x9600] =	vst v2  }
0x129: {  	v1 =	vld [tilespmem:s25+$0x10];
	_ =	sdelay $0x4  }
0x12a: {  	v3 =	vld [tilespmem:s25+$0x20];
	vm4 =	veq.f32 v1, $0.0e+00;
	vm5 =	veq.f32 v1, $1.000000000e+00  }
0x12b: {  	vm6 =	veq.f32 v1, $2.000000000e+00;
	vm7 =	veq.f32 v1, $3.000000000e+00;
	vm8 =	veq.f32 v1, $4.000000000e+00  }
0x12c: {  	vm9 =	veq.f32 v1, $5.000000000e+00;
	vm10 =	veq.f32 v1, $6.000000000e+00;
	vm11 =	veq.f32 v1, $7.000000000e+00  }
0x12d: {  	vm12 =	veq.f32 v1, $8.000000000e+00;
	vm15 =	veq.f32 v1, $1.100000000e+01;
	v2 =	vsel vm4, $0x3F800000, v0  }
0x12e: {  	vm13 =	veq.f32 v1, $9.000000000e+00;
	vm14 =	veq.f32 v1, $1.000000000e+01;
	v1 =	vsel vm15, $0x3F800000, v0;
	[tilespmem:s25+$0x1910] =	vst v2  }
0x12f: {  	vm4 =	veq.f32 v3, $0.0e+00;
	v2 =	vsel vm5, $0x3F800000, v0;
	[tilespmem:s25+$0xA290] =	vst v1  }
0x130: {  	v1 =	vsel vm4, $0x3F800000, v0;
	[tilespmem:s25+$0x2590] =	vst v2  }
0x131: {  	vm5 =	veq.f32 v3, $1.000000000e+00;
	v2 =	vsel vm6, $0x3F800000, v0;
	[tilespmem:s25+$0x1920] =	vst v1  }
0x132: {  	v1 =	vsel vm5, $0x3F800000, v0;
	[tilespmem:s25+$0x3210] =	vst v2  }
0x133: {  	vm6 =	veq.f32 v3, $2.000000000e+00;
	v2 =	vsel vm7, $0x3F800000, v0;
	[tilespmem:s25+$0x25A0] =	vst v1  }
0x134: {  	v1 =	vsel vm6, $0x3F800000, v0;
	[tilespmem:s25+$0x3E90] =	vst v2  }
0x135: {  	vm7 =	veq.f32 v3, $3.000000000e+00;
	v2 =	vsel vm8, $0x3F800000, v0;
	[tilespmem:s25+$0x3220] =	vst v1  }
0x136: {  	v1 =	vsel vm7, $0x3F800000, v0;
	[tilespmem:s25+$0x4B10] =	vst v2  }
0x137: {  	vm8 =	veq.f32 v3, $4.000000000e+00;
	v2 =	vsel vm9, $0x3F800000, v0;
	[tilespmem:s25+$0x3EA0] =	vst v1  }
0x138: {  	v1 =	vsel vm8, $0x3F800000, v0;
	[tilespmem:s25+$0x5790] =	vst v2  }
0x139: {  	vm9 =	veq.f32 v3, $5.000000000e+00;
	v2 =	vsel vm10, $0x3F800000, v0;
	[tilespmem:s25+$0x4B20] =	vst v1  }
0x13a: {  	v1 =	vsel vm9, $0x3F800000, v0;
	[tilespmem:s25+$0x6410] =	vst v2  }
0x13b: {  	v2 =	vsel vm11, $0x3F800000, v0;
	[tilespmem:s25+$0x57A0] =	vst v1  }
0x13c: {  	[tilespmem:s25+$0x7090] =	vst v2;
	v2 =	vsel vm12, $0x3F800000, v0  }
0x13d: {  	[tilespmem:s25+$0x7D10] =	vst v2;
	v2 =	vsel vm13, $0x3F800000, v0  }
0x13e: {  	vm10 =	veq.f32 v3, $6.000000000e+00;
	[tilespmem:s25+$0x8990] =	vst v2;
	v2 =	vsel vm14, $0x3F800000, v0  }
0x13f: {  	v1 =	vsel vm10, $0x3F800000, v0;
	vm11 =	veq.f32 v3, $7.000000000e+00;
	[tilespmem:s25+$0x9610] =	vst v2;
	v2 =	vld [tilespmem:s25+$0x30]  }
0x140: {  	[tilespmem:s25+$0x6420] =	vst v1;
	v1 =	vsel vm11, $0x3F800000, v0;
	vm12 =	veq.f32 v3, $8.000000000e+00  }
0x141: {  	[tilespmem:s25+$0x70A0] =	vst v1;
	v1 =	vsel vm12, $0x3F800000, v0;
	vm13 =	veq.f32 v3, $9.000000000e+00  }
0x142: {  	[tilespmem:s25+$0x7D20] =	vst v1;
	v1 =	vsel vm13, $0x3F800000, v0;
	vm14 =	veq.f32 v3, $1.000000000e+01  }
0x143: {  	vm15 =	veq.f32 v3, $1.100000000e+01;
	[tilespmem:s25+$0x89A0] =	vst v1;
	v1 =	vsel vm14, $0x3F800000, v0  }
0x144: {  	[tilespmem:s25+$0x9620] =	vst v1;
	v1 =	vsel vm15, $0x3F800000, v0;
	vm4 =	veq.f32 v2, $0.0e+00  }
0x145: {  	[tilespmem:s25+$0xA2A0] =	vst v1;
	vm5 =	veq.f32 v2, $1.000000000e+00;
	v1 =	vsel vm4, $0x3F800000, v0  }
0x146: {  	vm6 =	veq.f32 v2, $2.000000000e+00;
	[tilespmem:s25+$0x1930] =	vst v1;
	v1 =	vsel vm5, $0x3F800000, v0  }
0x147: {  	vm7 =	veq.f32 v2, $3.000000000e+00;
	[tilespmem:s25+$0x25B0] =	vst v1;
	v1 =	vsel vm6, $0x3F800000, v0  }
0x148: {  	vm8 =	veq.f32 v2, $4.000000000e+00;
	[tilespmem:s25+$0x3230] =	vst v1;
	v1 =	vsel vm7, $0x3F800000, v0  }
0x149: {  	vm9 =	veq.f32 v2, $5.000000000e+00;
	[tilespmem:s25+$0x3EB0] =	vst v1;
	v1 =	vsel vm8, $0x3F800000, v0  }
0x14a: {  	vm10 =	veq.f32 v2, $6.000000000e+00;
	[tilespmem:s25+$0x4B30] =	vst v1;
	v1 =	vsel vm9, $0x3F800000, v0  }
0x14b: {  	vm11 =	veq.f32 v2, $7.000000000e+00;
	[tilespmem:s25+$0x57B0] =	vst v1;
	v1 =	vsel vm10, $0x3F800000, v0  }
0x14c: {  	p0 =	sne.s32 s24, $0x3100;
	vm12 =	veq.f32 v2, $8.000000000e+00;
	[tilespmem:s25+$0x6430] =	vst v1;
	v1 =	vsel vm11, $0x3F800000, v0  }
.Ltmp2:
0x14d: {  	vm13 =	veq.f32 v2, $9.000000000e+00;
	[tilespmem:s25+$0x70B0] =	vst v1;
	v1 =	vsel vm12, $0x3F800000, v0;
	(pc) =	sbr.rel @p0 .LBB2_7-.Ltmp2, $4  }
0x14e: {  	vm14 =	veq.f32 v2, $1.000000000e+01;
	[tilespmem:s25+$0x7D30] =	vst v1;
	v1 =	vsel vm13, $0x3F800000, v0  }
0x14f: {  	vm15 =	veq.f32 v2, $1.100000000e+01;
	[tilespmem:s25+$0x89B0] =	vst v1;
	v1 =	vsel vm14, $0x3F800000, v0  }
0x150: {  	[tilespmem:s25+$0x9630] =	vst v1;
	v1 =	vsel vm15, $0x3F800000, v0  }
0x151: {  	s23 =	sadd.s32 $0x40, s23;
	s24 =	sadd.s32 $0x100, s24;
	[tilespmem:s25+$0xA2B0] =	vst v1  }
0x152: {  	s23 =	smul.u32 $0x1900, s19;
	_ =	sdelay $0x1  }
0x153: {  	s24 =	sadd.s32 s23, s16  }
0x154: {  	s24 =	sshrl.u32 s24, $0x3  }
0x155: {  	s26 =	simm.s32 $0x1900;
	s25 =	sadd.s32 s4, s24;
	s24 =	simm.s32 $0x0  }
0x156: {  	[hbm4b:s25+s24] =	stream.linear.scatter [tilespmem:s26], [sflag:$0x1], $0xC80, $0x38;
	[tilespmem:$0x14500] =	vst v63  }
0x157: {  	s28 =	simm.s32 $0x2580;
	s26 =	sadd.s32 $0x64000, s25  }
0x158: {  	[hbm4b:s26+s24] =	stream.linear.scatter [tilespmem:s28], [sflag:$0x1], $0xC80, $0x38;
	[tilespmem:$0x14500] =	vst v63  }
0x159: {  	s26 =	sadd.s32 $0xC8000, s25;
	s28 =	simm.s32 $0x3200  }
0x15a: {  	[hbm4b:s26+s24] =	stream.linear.scatter [tilespmem:s28], [sflag:$0x1], $0xC80, $0x38;
	[tilespmem:$0x14500] =	vst v63  }
0x15b: {  	s26 =	sadd.s32 $0x12C000, s25;
	s28 =	simm.s32 $0x3E80  }
0x15c: {  	[hbm4b:s26+s24] =	stream.linear.scatter [tilespmem:s28], [sflag:$0x1], $0xC80, $0x38;
	[tilespmem:$0x14500] =	vst v63  }
0x15d: {  	s26 =	sadd.s32 $0x190000, s25;
	s28 =	simm.s32 $0x4B00  }
0x15e: {  	[hbm4b:s26+s24] =	stream.linear.scatter [tilespmem:s28], [sflag:$0x1], $0xC80, $0x38;
	[tilespmem:$0x14500] =	vst v63  }
0x15f: {  	s26 =	sadd.s32 $0x1F4000, s25;
	s28 =	simm.s32 $0x5780  }
0x160: {  	[hbm4b:s26+s24] =	stream.linear.scatter [tilespmem:s28], [sflag:$0x1], $0xC80, $0x38;
	[tilespmem:$0x14500] =	vst v63  }
0x161: {  	s26 =	sadd.s32 $0x258000, s25;
	s28 =	simm.s32 $0x6400  }
0x162: {  	[hbm4b:s26+s24] =	stream.linear.scatter [tilespmem:s28], [sflag:$0x1], $0xC80, $0x38;
	[tilespmem:$0x14500] =	vst v63  }
0x163: {  	s26 =	sadd.s32 $0x2BC000, s25;
	s28 =	simm.s32 $0x7080  }
0x164: {  	[hbm4b:s26+s24] =	stream.linear.scatter [tilespmem:s28], [sflag:$0x1], $0xC80, $0x38;
	[tilespmem:$0x14500] =	vst v63  }
0x165: {  	s26 =	sadd.s32 $0x320000, s25;
	s28 =	simm.s32 $0x7D00  }
0x166: {  	[hbm4b:s26+s24] =	stream.linear.scatter [tilespmem:s28], [sflag:$0x1], $0xC80, $0x38;
	[tilespmem:$0x14500] =	vst v63  }
0x167: {  	s26 =	sadd.s32 $0x384000, s25;
	s28 =	simm.s32 $0x8980  }
0x168: {  	[hbm4b:s26+s24] =	stream.linear.scatter [tilespmem:s28], [sflag:$0x1], $0xC80, $0x38;
	[tilespmem:$0x14500] =	vst v63  }
0x169: {  	s28 =	sadd.s32 $0x3E8000, s25  }
0x16a: {  	[hbm4b:s28+s24] =	stream.linear.scatter [tilespmem:s29], [sflag:$0x1], $0xC80, $0x38;
	[tilespmem:$0x14500] =	vst v63  }
0x16b: {  	s25 =	sadd.s32 $0x44C000, s25;
	s28 =	sadd.s32 s23, s21  }
0x16c: {  	[hbm4b:s25+s24] =	stream.linear.scatter [tilespmem:s30], [sflag:$0x1], $0xC80, $0x38;
	[tilespmem:$0x14500] =	vst v63  }
0x16d: {  	s25 =	sshrl.u32 s28, $0x3  }
0x16e: {  	s25 =	sadd.s32 s2, s25  }
0x16f: {  	[tilespmem:s24], [sflag:$0x3] =	stream.linear.gather [hbm4b:s25+s24], $0xC80, $0x38;
	[tilespmem:$0x14500] =	vst v63  }
0x170: {  	_ =	swait.ge [sflag:s18], $0xC80  }
0x171: {  	[sflag:s18] =	ssyncset.done $0x0  }
0x172: {  	[sflag:s18] =	ssyncadd.s32 $0xFFFFF380  }
0x173: {  	_ =	swait.ge [sflag:s18], $0xC80  }
0x174: {  	[sflag:s18] =	ssyncset.done $0x0  }
0x175: {  	[sflag:s18] =	ssyncadd.s32 $0xFFFFF380  }
0x176: {  	_ =	swait.ge [sflag:s18], $0xC80  }
0x177: {  	[sflag:s18] =	ssyncset.done $0x0  }
0x178: {  	[sflag:s18] =	ssyncadd.s32 $0xFFFFF380  }
0x179: {  	_ =	swait.ge [sflag:s18], $0xC80  }
0x17a: {  	[sflag:s18] =	ssyncset.done $0x0  }
0x17b: {  	[sflag:s18] =	ssyncadd.s32 $0xFFFFF380  }
0x17c: {  	_ =	swait.ge [sflag:s18], $0xC80  }
0x17d: {  	[sflag:s18] =	ssyncset.done $0x0  }
0x17e: {  	[sflag:s18] =	ssyncadd.s32 $0xFFFFF380  }
0x17f: {  	_ =	swait.ge [sflag:s18], $0xC80  }
0x180: {  	[sflag:s18] =	ssyncset.done $0x0  }
0x181: {  	[sflag:s18] =	ssyncadd.s32 $0xFFFFF380  }
0x182: {  	_ =	swait.ge [sflag:s18], $0xC80  }
0x183: {  	[sflag:s18] =	ssyncset.done $0x0  }
0x184: {  	[sflag:s18] =	ssyncadd.s32 $0xFFFFF380  }
0x185: {  	_ =	swait.ge [sflag:s18], $0xC80  }
0x186: {  	[sflag:s18] =	ssyncset.done $0x0  }
0x187: {  	[sflag:s18] =	ssyncadd.s32 $0xFFFFF380  }
0x188: {  	_ =	swait.ge [sflag:s18], $0xC80  }
0x189: {  	[sflag:s18] =	ssyncset.done $0x0  }
0x18a: {  	[sflag:s18] =	ssyncadd.s32 $0xFFFFF380  }
0x18b: {  	_ =	swait.ge [sflag:s18], $0xC80  }
0x18c: {  	[sflag:s18] =	ssyncset.done $0x0  }
0x18d: {  	[sflag:s18] =	ssyncadd.s32 $0xFFFFF380  }
0x18e: {  	_ =	swait.ge [sflag:s18], $0xC80  }
0x18f: {  	[sflag:s18] =	ssyncset.done $0x0  }
0x190: {  	[sflag:s18] =	ssyncadd.s32 $0xFFFFF380  }
0x191: {  	_ =	swait.ge [sflag:s18], $0xC80  }
0x192: {  	[sflag:s18] =	ssyncset.done $0x0  }
0x193: {  	[sflag:s18] =	ssyncadd.s32 $0xFFFFF380  }
0x194: {  	_ =	swait.ge [sflag:s31], $0xC80  }
0x195: {  	[sflag:s31] =	ssyncset.done $0x0  }
0x196: {  	s25 =	simm.s32 $0x0;
	[sflag:s31] =	ssyncadd.s32 $0xFFFFF380  }
.LBB2_9:
0x197: {  	s26 =	sshra.s32 s25, $0x2  }
0x198: {  	v1 =	vld [tilespmem:s26+$0xC80];
	_ =	sdelay $0x4  }
0x199: {  	vm0 =	veq.f32 v1, $0.0e+00;
	vm5 =	veq.f32 v1, $1.000000000e+00;
	vm6 =	veq.f32 v1, $2.000000000e+00  }
0x19a: {  	vm7 =	veq.f32 v1, $3.000000000e+00;
	vm8 =	veq.f32 v1, $4.000000000e+00;
	vm9 =	veq.f32 v1, $5.000000000e+00  }
0x19b: {  	vm10 =	veq.f32 v1, $6.000000000e+00;
	vm11 =	veq.f32 v1, $7.000000000e+00;
	v2 =	vsel vm0, $0x3F800000, v0  }
0x19c: {  	s28 =	sand.u32 $0xFC0, s24;
	vm12 =	veq.f32 v1, $8.000000000e+00;
	vm15 =	veq.f32 v1, $1.100000000e+01;
	[tilespmem:s26+$0xAF00] =	vst v2;
	v2 =	vsel vm5, $0x3F800000, v0  }
0x19d: {  	vm13 =	veq.f32 v1, $9.000000000e+00;
	vm14 =	veq.f32 v1, $1.000000000e+01;
	v1 =	vsel vm15, $0x3F800000, v0;
	[tilespmem:s28+$0xBB80] =	vst v2  }
0x19e: {  	v2 =	vsel vm6, $0x3F800000, v0;
	[tilespmem:s28+$0x13880] =	vst v1  }
0x19f: {  	[tilespmem:s28+$0xC800] =	vst v2;
	v2 =	vsel vm7, $0x3F800000, v0  }
0x1a0: {  	[tilespmem:s28+$0xD480] =	vst v2;
	v2 =	vsel vm8, $0x3F800000, v0  }
0x1a1: {  	[tilespmem:s28+$0xE100] =	vst v2;
	v2 =	vsel vm9, $0x3F800000, v0  }
0x1a2: {  	[tilespmem:s28+$0xED80] =	vst v2;
	v2 =	vsel vm10, $0x3F800000, v0  }
0x1a3: {  	[tilespmem:s28+$0xFA00] =	vst v2;
	v2 =	vsel vm11, $0x3F800000, v0  }
0x1a4: {  	[tilespmem:s28+$0x10680] =	vst v2;
	v2 =	vsel vm12, $0x3F800000, v0  }
0x1a5: {  	[tilespmem:s28+$0x11300] =	vst v2;
	v2 =	vsel vm13, $0x3F800000, v0  }
0x1a6: {  	[tilespmem:s28+$0x11F80] =	vst v2;
	v2 =	vsel vm14, $0x3F800000, v0  }
0x1a7: {  	[tilespmem:s28+$0x12C00] =	vst v2  }
0x1a8: {  	v1 =	vld [tilespmem:s26+$0xC90];
	_ =	sdelay $0x4  }
0x1a9: {  	v3 =	vld [tilespmem:s26+$0xCA0];
	vm4 =	veq.f32 v1, $0.0e+00;
	vm5 =	veq.f32 v1, $1.000000000e+00  }
0x1aa: {  	vm6 =	veq.f32 v1, $2.000000000e+00;
	vm7 =	veq.f32 v1, $3.000000000e+00;
	vm8 =	veq.f32 v1, $4.000000000e+00  }
0x1ab: {  	vm9 =	veq.f32 v1, $5.000000000e+00;
	vm10 =	veq.f32 v1, $6.000000000e+00;
	vm11 =	veq.f32 v1, $7.000000000e+00  }
0x1ac: {  	vm12 =	veq.f32 v1, $8.000000000e+00;
	vm15 =	veq.f32 v1, $1.100000000e+01;
	v2 =	vsel vm4, $0x3F800000, v0  }
0x1ad: {  	vm13 =	veq.f32 v1, $9.000000000e+00;
	vm14 =	veq.f32 v1, $1.000000000e+01;
	v1 =	vsel vm15, $0x3F800000, v0;
	[tilespmem:s26+$0xAF10] =	vst v2  }
0x1ae: {  	vm4 =	veq.f32 v3, $0.0e+00;
	v2 =	vsel vm5, $0x3F800000, v0;
	[tilespmem:s26+$0x13890] =	vst v1  }
0x1af: {  	v1 =	vsel vm4, $0x3F800000, v0;
	[tilespmem:s26+$0xBB90] =	vst v2  }
0x1b0: {  	vm5 =	veq.f32 v3, $1.000000000e+00;
	v2 =	vsel vm6, $0x3F800000, v0;
	[tilespmem:s26+$0xAF20] =	vst v1  }
0x1b1: {  	v1 =	vsel vm5, $0x3F800000, v0;
	[tilespmem:s26+$0xC810] =	vst v2  }
0x1b2: {  	vm6 =	veq.f32 v3, $2.000000000e+00;
	v2 =	vsel vm7, $0x3F800000, v0;
	[tilespmem:s26+$0xBBA0] =	vst v1  }
0x1b3: {  	v1 =	vsel vm6, $0x3F800000, v0;
	[tilespmem:s26+$0xD490] =	vst v2  }
0x1b4: {  	vm7 =	veq.f32 v3, $3.000000000e+00;
	v2 =	vsel vm8, $0x3F800000, v0;
	[tilespmem:s26+$0xC820] =	vst v1  }
0x1b5: {  	v1 =	vsel vm7, $0x3F800000, v0;
	[tilespmem:s26+$0xE110] =	vst v2  }
0x1b6: {  	vm8 =	veq.f32 v3, $4.000000000e+00;
	v2 =	vsel vm9, $0x3F800000, v0;
	[tilespmem:s26+$0xD4A0] =	vst v1  }
0x1b7: {  	v1 =	vsel vm8, $0x3F800000, v0;
	[tilespmem:s26+$0xED90] =	vst v2  }
0x1b8: {  	vm9 =	veq.f32 v3, $5.000000000e+00;
	v2 =	vsel vm10, $0x3F800000, v0;
	[tilespmem:s26+$0xE120] =	vst v1  }
0x1b9: {  	v1 =	vsel vm9, $0x3F800000, v0;
	[tilespmem:s26+$0xFA10] =	vst v2  }
0x1ba: {  	v2 =	vsel vm11, $0x3F800000, v0;
	[tilespmem:s26+$0xEDA0] =	vst v1  }
0x1bb: {  	[tilespmem:s26+$0x10690] =	vst v2;
	v2 =	vsel vm12, $0x3F800000, v0  }
0x1bc: {  	[tilespmem:s26+$0x11310] =	vst v2;
	v2 =	vsel vm13, $0x3F800000, v0  }
0x1bd: {  	vm10 =	veq.f32 v3, $6.000000000e+00;
	[tilespmem:s26+$0x11F90] =	vst v2;
	v2 =	vsel vm14, $0x3F800000, v0  }
0x1be: {  	v1 =	vsel vm10, $0x3F800000, v0;
	vm11 =	veq.f32 v3, $7.000000000e+00;
	[tilespmem:s26+$0x12C10] =	vst v2;
	v2 =	vld [tilespmem:s26+$0xCB0]  }
0x1bf: {  	[tilespmem:s26+$0xFA20] =	vst v1;
	v1 =	vsel vm11, $0x3F800000, v0;
	vm12 =	veq.f32 v3, $8.000000000e+00  }
0x1c0: {  	[tilespmem:s26+$0x106A0] =	vst v1;
	v1 =	vsel vm12, $0x3F800000, v0;
	vm13 =	veq.f32 v3, $9.000000000e+00  }
0x1c1: {  	[tilespmem:s26+$0x11320] =	vst v1;
	v1 =	vsel vm13, $0x3F800000, v0;
	vm14 =	veq.f32 v3, $1.000000000e+01  }
0x1c2: {  	vm15 =	veq.f32 v3, $1.100000000e+01;
	[tilespmem:s26+$0x11FA0] =	vst v1;
	v1 =	vsel vm14, $0x3F800000, v0  }
0x1c3: {  	[tilespmem:s26+$0x12C20] =	vst v1;
	v1 =	vsel vm15, $0x3F800000, v0;
	vm4 =	veq.f32 v2, $0.0e+00  }
0x1c4: {  	[tilespmem:s26+$0x138A0] =	vst v1;
	vm5 =	veq.f32 v2, $1.000000000e+00;
	v1 =	vsel vm4, $0x3F800000, v0  }
0x1c5: {  	vm6 =	veq.f32 v2, $2.000000000e+00;
	[tilespmem:s26+$0xAF30] =	vst v1;
	v1 =	vsel vm5, $0x3F800000, v0  }
0x1c6: {  	vm7 =	veq.f32 v2, $3.000000000e+00;
	[tilespmem:s26+$0xBBB0] =	vst v1;
	v1 =	vsel vm6, $0x3F800000, v0  }
0x1c7: {  	vm8 =	veq.f32 v2, $4.000000000e+00;
	[tilespmem:s26+$0xC830] =	vst v1;
	v1 =	vsel vm7, $0x3F800000, v0  }
0x1c8: {  	vm9 =	veq.f32 v2, $5.000000000e+00;
	[tilespmem:s26+$0xD4B0] =	vst v1;
	v1 =	vsel vm8, $0x3F800000, v0  }
0x1c9: {  	vm10 =	veq.f32 v2, $6.000000000e+00;
	[tilespmem:s26+$0xE130] =	vst v1;
	v1 =	vsel vm9, $0x3F800000, v0  }
0x1ca: {  	vm11 =	veq.f32 v2, $7.000000000e+00;
	[tilespmem:s26+$0xEDB0] =	vst v1;
	v1 =	vsel vm10, $0x3F800000, v0  }
0x1cb: {  	p0 =	sne.s32 s25, $0x3100;
	vm12 =	veq.f32 v2, $8.000000000e+00;
	[tilespmem:s26+$0xFA30] =	vst v1;
	v1 =	vsel vm11, $0x3F800000, v0  }
.Ltmp3:
0x1cc: {  	vm13 =	veq.f32 v2, $9.000000000e+00;
	[tilespmem:s26+$0x106B0] =	vst v1;
	v1 =	vsel vm12, $0x3F800000, v0;
	(pc) =	sbr.rel @p0 .LBB2_9-.Ltmp3, $4  }
0x1cd: {  	vm14 =	veq.f32 v2, $1.000000000e+01;
	[tilespmem:s26+$0x11330] =	vst v1;
	v1 =	vsel vm13, $0x3F800000, v0  }
0x1ce: {  	vm15 =	veq.f32 v2, $1.100000000e+01;
	[tilespmem:s26+$0x11FB0] =	vst v1;
	v1 =	vsel vm14, $0x3F800000, v0  }
0x1cf: {  	[tilespmem:s26+$0x12C30] =	vst v1;
	v1 =	vsel vm15, $0x3F800000, v0  }
0x1d0: {  	s24 =	sadd.s32 $0x40, s24;
	s25 =	sadd.s32 $0x100, s25;
	[tilespmem:s26+$0x138B0] =	vst v1  }
0x1d1: {  	s24 =	sadd.s32 s23, s20  }
0x1d2: {  	s24 =	sshrl.u32 s24, $0x3  }
0x1d3: {  	s24 =	sadd.s32 s4, s24  }
0x1d4: {  	[hbm4b:s24+s3] =	stream.linear.scatter [tilespmem:s1], [sflag:$0x2], $0xC80, $0x38;
	[tilespmem:$0x14500] =	vst v63  }
0x1d5: {  	s25 =	sadd.s32 $0x64000, s24  }
0x1d6: {  	[hbm4b:s25+s3] =	stream.linear.scatter [tilespmem:s0], [sflag:$0x2], $0xC80, $0x38;
	[tilespmem:$0x14500] =	vst v63  }
0x1d7: {  	s28 =	sadd.s32 $0xC8000, s24  }
0x1d8: {  	[hbm4b:s28+s3] =	stream.linear.scatter [tilespmem:s6], [sflag:$0x2], $0xC80, $0x38;
	[tilespmem:$0x14500] =	vst v63  }
0x1d9: {  	s26 =	sadd.s32 $0x12C000, s24  }
0x1da: {  	[hbm4b:s26+s3] =	stream.linear.scatter [tilespmem:s7], [sflag:$0x2], $0xC80, $0x38;
	[tilespmem:$0x14500] =	vst v63  }
0x1db: {  	s28 =	sadd.s32 $0x190000, s24  }
0x1dc: {  	[hbm4b:s28+s3] =	stream.linear.scatter [tilespmem:s8], [sflag:$0x2], $0xC80, $0x38;
	[tilespmem:$0x14500] =	vst v63  }
0x1dd: {  	s26 =	sadd.s32 $0x1F4000, s24  }
0x1de: {  	[hbm4b:s26+s3] =	stream.linear.scatter [tilespmem:s9], [sflag:$0x2], $0xC80, $0x38;
	[tilespmem:$0x14500] =	vst v63  }
0x1df: {  	s28 =	sadd.s32 $0x258000, s24  }
0x1e0: {  	[hbm4b:s28+s3] =	stream.linear.scatter [tilespmem:s10], [sflag:$0x2], $0xC80, $0x38;
	[tilespmem:$0x14500] =	vst v63  }
0x1e1: {  	s26 =	sadd.s32 $0x2BC000, s24  }
0x1e2: {  	[hbm4b:s26+s3] =	stream.linear.scatter [tilespmem:s11], [sflag:$0x2], $0xC80, $0x38;
	[tilespmem:$0x14500] =	vst v63  }
0x1e3: {  	s28 =	sadd.s32 $0x320000, s24  }
0x1e4: {  	[hbm4b:s28+s3] =	stream.linear.scatter [tilespmem:s5], [sflag:$0x2], $0xC80, $0x38;
	[tilespmem:$0x14500] =	vst v63  }
0x1e5: {  	s19 =	sadd.s32 $0x1, s19;
	s26 =	sadd.s32 $0x384000, s24  }
0x1e6: {  	[hbm4b:s26+s3] =	stream.linear.scatter [tilespmem:s12], [sflag:$0x2], $0xC80, $0x38;
	[tilespmem:$0x14500] =	vst v63  }
0x1e7: {  	p0 =	sne.s32 s19, $0xE;
	s28 =	sadd.s32 $0x3E8000, s24  }
0x1e8: {  	[hbm4b:s28+s3] =	stream.linear.scatter [tilespmem:s14], [sflag:$0x2], $0xC80, $0x38;
	[tilespmem:$0x14500] =	vst v63  }
.Ltmp4:
0x1e9: {  	s26 =	sadd.s32 s23, s22;
	(pc) =	sbr.rel @p0 .LBB2_6-.Ltmp4, $4  }
0x1ea: {  	s24 =	sadd.s32 $0x44C000, s24;
	s23 =	sshrl.u32 s26, $0x3  }
0x1eb: {  	[hbm4b:s24+s3] =	stream.linear.scatter [tilespmem:s15], [sflag:$0x2], $0xC80, $0x38;
	[tilespmem:$0x14500] =	vst v63  }
0x1ec: {  	s23 =	sadd.s32 s2, s23;
	s28 =	simm.s32 $0xC80  }
0x1ed: {  	[tilespmem:s28], [sflag:$0x4] =	stream.linear.gather [hbm4b:s23+s3], $0xC80, $0x38;
	[tilespmem:$0x14500] =	vst v63  }
0x1ee: {  	_ =	swait.ge [sflag:s17], $0xC80  }
0x1ef: {  	[sflag:s17] =	ssyncset.done $0x0  }
0x1f0: {  	[sflag:s17] =	ssyncadd.s32 $0xFFFFF380  }
0x1f1: {  	_ =	swait.ge [sflag:s17], $0xC80  }
0x1f2: {  	[sflag:s17] =	ssyncset.done $0x0  }
0x1f3: {  	[sflag:s17] =	ssyncadd.s32 $0xFFFFF380  }
0x1f4: {  	_ =	swait.ge [sflag:s17], $0xC80  }
0x1f5: {  	[sflag:s17] =	ssyncset.done $0x0  }
0x1f6: {  	[sflag:s17] =	ssyncadd.s32 $0xFFFFF380  }
0x1f7: {  	_ =	swait.ge [sflag:s17], $0xC80  }
0x1f8: {  	[sflag:s17] =	ssyncset.done $0x0  }
0x1f9: {  	[sflag:s17] =	ssyncadd.s32 $0xFFFFF380  }
0x1fa: {  	_ =	swait.ge [sflag:s17], $0xC80  }
0x1fb: {  	[sflag:s17] =	ssyncset.done $0x0  }
0x1fc: {  	[sflag:s17] =	ssyncadd.s32 $0xFFFFF380  }
0x1fd: {  	_ =	swait.ge [sflag:s17], $0xC80  }
0x1fe: {  	[sflag:s17] =	ssyncset.done $0x0  }
0x1ff: {  	[sflag:s17] =	ssyncadd.s32 $0xFFFFF380  }
0x200: {  	_ =	swait.ge [sflag:s17], $0xC80  }
0x201: {  	[sflag:s17] =	ssyncset.done $0x0  }
0x202: {  	[sflag:s17] =	ssyncadd.s32 $0xFFFFF380  }
0x203: {  	_ =	swait.ge [sflag:s17], $0xC80  }
0x204: {  	[sflag:s17] =	ssyncset.done $0x0  }
0x205: {  	[sflag:s17] =	ssyncadd.s32 $0xFFFFF380  }
0x206: {  	_ =	swait.ge [sflag:s17], $0xC80  }
0x207: {  	[sflag:s17] =	ssyncset.done $0x0  }
0x208: {  	[sflag:s17] =	ssyncadd.s32 $0xFFFFF380  }
0x209: {  	_ =	swait.ge [sflag:s17], $0xC80  }
0x20a: {  	[sflag:s17] =	ssyncset.done $0x0  }
0x20b: {  	[sflag:s17] =	ssyncadd.s32 $0xFFFFF380  }
0x20c: {  	_ =	swait.ge [sflag:s17], $0xC80  }
0x20d: {  	[sflag:s17] =	ssyncset.done $0x0  }
0x20e: {  	[sflag:s17] =	ssyncadd.s32 $0xFFFFF380  }
0x20f: {  	_ =	swait.ge [sflag:s17], $0xC80  }
0x210: {  	[sflag:s17] =	ssyncset.done $0x0  }
0x211: {  	[sflag:s17] =	ssyncadd.s32 $0xFFFFF380  }
0x212: {  	_ =	swait.ge [sflag:s13], $0xC80  }
0x213: {  	[sflag:s13] =	ssyncset.done $0x0  }
0x214: {  	s19 =	simm.s32 $0x0;
	s23 =	simm.s32 $0x0;
	[sflag:s13] =	ssyncadd.s32 $0xFFFFF380  }
.LBB2_12:
0x215: {  	s24 =	sshra.s32 s23, $0x2  }
0x216: {  	v1 =	vld [tilespmem:s24+$0x0];
	_ =	sdelay $0x4  }
0x217: {  	vm0 =	veq.f32 v1, $0.0e+00;
	vm5 =	veq.f32 v1, $1.000000000e+00;
	vm6 =	veq.f32 v1, $2.000000000e+00  }
0x218: {  	vm7 =	veq.f32 v1, $3.000000000e+00;
	vm8 =	veq.f32 v1, $4.000000000e+00;
	vm9 =	veq.f32 v1, $5.000000000e+00  }
0x219: {  	vm10 =	veq.f32 v1, $6.000000000e+00;
	vm11 =	veq.f32 v1, $7.000000000e+00;
	v2 =	vsel vm0, $0x3F800000, v0  }
0x21a: {  	s25 =	sand.u32 $0xFC0, s19;
	vm12 =	veq.f32 v1, $8.000000000e+00;
	vm15 =	veq.f32 v1, $1.100000000e+01;
	[tilespmem:s24+$0x1900] =	vst v2;
	v2 =	vsel vm5, $0x3F800000, v0  }
0x21b: {  	vm13 =	veq.f32 v1, $9.000000000e+00;
	vm14 =	veq.f32 v1, $1.000000000e+01;
	v1 =	vsel vm15, $0x3F800000, v0;
	[tilespmem:s25+$0x2580] =	vst v2  }
0x21c: {  	v2 =	vsel vm6, $0x3F800000, v0;
	[tilespmem:s25+$0xA280] =	vst v1  }
0x21d: {  	[tilespmem:s25+$0x3200] =	vst v2;
	v2 =	vsel vm7, $0x3F800000, v0  }
0x21e: {  	[tilespmem:s25+$0x3E80] =	vst v2;
	v2 =	vsel vm8, $0x3F800000, v0  }
0x21f: {  	[tilespmem:s25+$0x4B00] =	vst v2;
	v2 =	vsel vm9, $0x3F800000, v0  }
0x220: {  	[tilespmem:s25+$0x5780] =	vst v2;
	v2 =	vsel vm10, $0x3F800000, v0  }
0x221: {  	[tilespmem:s25+$0x6400] =	vst v2;
	v2 =	vsel vm11, $0x3F800000, v0  }
0x222: {  	[tilespmem:s25+$0x7080] =	vst v2;
	v2 =	vsel vm12, $0x3F800000, v0  }
0x223: {  	[tilespmem:s25+$0x7D00] =	vst v2;
	v2 =	vsel vm13, $0x3F800000, v0  }
0x224: {  	[tilespmem:s25+$0x8980] =	vst v2;
	v2 =	vsel vm14, $0x3F800000, v0  }
0x225: {  	[tilespmem:s25+$0x9600] =	vst v2  }
0x226: {  	v1 =	vld [tilespmem:s24+$0x10];
	_ =	sdelay $0x4  }
0x227: {  	v3 =	vld [tilespmem:s24+$0x20];
	vm4 =	veq.f32 v1, $0.0e+00;
	vm5 =	veq.f32 v1, $1.000000000e+00  }
0x228: {  	vm6 =	veq.f32 v1, $2.000000000e+00;
	vm7 =	veq.f32 v1, $3.000000000e+00;
	vm8 =	veq.f32 v1, $4.000000000e+00  }
0x229: {  	vm9 =	veq.f32 v1, $5.000000000e+00;
	vm10 =	veq.f32 v1, $6.000000000e+00;
	vm11 =	veq.f32 v1, $7.000000000e+00  }
0x22a: {  	vm12 =	veq.f32 v1, $8.000000000e+00;
	vm15 =	veq.f32 v1, $1.100000000e+01;
	v2 =	vsel vm4, $0x3F800000, v0  }
0x22b: {  	vm13 =	veq.f32 v1, $9.000000000e+00;
	vm14 =	veq.f32 v1, $1.000000000e+01;
	v1 =	vsel vm15, $0x3F800000, v0;
	[tilespmem:s24+$0x1910] =	vst v2  }
0x22c: {  	vm4 =	veq.f32 v3, $0.0e+00;
	v2 =	vsel vm5, $0x3F800000, v0;
	[tilespmem:s24+$0xA290] =	vst v1  }
0x22d: {  	v1 =	vsel vm4, $0x3F800000, v0;
	[tilespmem:s24+$0x2590] =	vst v2  }
0x22e: {  	vm5 =	veq.f32 v3, $1.000000000e+00;
	v2 =	vsel vm6, $0x3F800000, v0;
	[tilespmem:s24+$0x1920] =	vst v1  }
0x22f: {  	v1 =	vsel vm5, $0x3F800000, v0;
	[tilespmem:s24+$0x3210] =	vst v2  }
0x230: {  	vm6 =	veq.f32 v3, $2.000000000e+00;
	v2 =	vsel vm7, $0x3F800000, v0;
	[tilespmem:s24+$0x25A0] =	vst v1  }
0x231: {  	v1 =	vsel vm6, $0x3F800000, v0;
	[tilespmem:s24+$0x3E90] =	vst v2  }
0x232: {  	vm7 =	veq.f32 v3, $3.000000000e+00;
	v2 =	vsel vm8, $0x3F800000, v0;
	[tilespmem:s24+$0x3220] =	vst v1  }
0x233: {  	v1 =	vsel vm7, $0x3F800000, v0;
	[tilespmem:s24+$0x4B10] =	vst v2  }
0x234: {  	vm8 =	veq.f32 v3, $4.000000000e+00;
	v2 =	vsel vm9, $0x3F800000, v0;
	[tilespmem:s24+$0x3EA0] =	vst v1  }
0x235: {  	v1 =	vsel vm8, $0x3F800000, v0;
	[tilespmem:s24+$0x5790] =	vst v2  }
0x236: {  	vm9 =	veq.f32 v3, $5.000000000e+00;
	v2 =	vsel vm10, $0x3F800000, v0;
	[tilespmem:s24+$0x4B20] =	vst v1  }
0x237: {  	v1 =	vsel vm9, $0x3F800000, v0;
	[tilespmem:s24+$0x6410] =	vst v2  }
0x238: {  	v2 =	vsel vm11, $0x3F800000, v0;
	[tilespmem:s24+$0x57A0] =	vst v1  }
0x239: {  	[tilespmem:s24+$0x7090] =	vst v2;
	v2 =	vsel vm12, $0x3F800000, v0  }
0x23a: {  	[tilespmem:s24+$0x7D10] =	vst v2;
	v2 =	vsel vm13, $0x3F800000, v0  }
0x23b: {  	vm10 =	veq.f32 v3, $6.000000000e+00;
	[tilespmem:s24+$0x8990] =	vst v2;
	v2 =	vsel vm14, $0x3F800000, v0  }
0x23c: {  	v1 =	vsel vm10, $0x3F800000, v0;
	vm11 =	veq.f32 v3, $7.000000000e+00;
	[tilespmem:s24+$0x9610] =	vst v2;
	v2 =	vld [tilespmem:s24+$0x30]  }
0x23d: {  	[tilespmem:s24+$0x6420] =	vst v1;
	v1 =	vsel vm11, $0x3F800000, v0;
	vm12 =	veq.f32 v3, $8.000000000e+00  }
0x23e: {  	[tilespmem:s24+$0x70A0] =	vst v1;
	v1 =	vsel vm12, $0x3F800000, v0;
	vm13 =	veq.f32 v3, $9.000000000e+00  }
0x23f: {  	[tilespmem:s24+$0x7D20] =	vst v1;
	v1 =	vsel vm13, $0x3F800000, v0;
	vm14 =	veq.f32 v3, $1.000000000e+01  }
0x240: {  	vm15 =	veq.f32 v3, $1.100000000e+01;
	[tilespmem:s24+$0x89A0] =	vst v1;
	v1 =	vsel vm14, $0x3F800000, v0  }
0x241: {  	[tilespmem:s24+$0x9620] =	vst v1;
	v1 =	vsel vm15, $0x3F800000, v0;
	vm4 =	veq.f32 v2, $0.0e+00  }
0x242: {  	[tilespmem:s24+$0xA2A0] =	vst v1;
	vm5 =	veq.f32 v2, $1.000000000e+00;
	v1 =	vsel vm4, $0x3F800000, v0  }
0x243: {  	vm6 =	veq.f32 v2, $2.000000000e+00;
	[tilespmem:s24+$0x1930] =	vst v1;
	v1 =	vsel vm5, $0x3F800000, v0  }
0x244: {  	vm7 =	veq.f32 v2, $3.000000000e+00;
	[tilespmem:s24+$0x25B0] =	vst v1;
	v1 =	vsel vm6, $0x3F800000, v0  }
0x245: {  	vm8 =	veq.f32 v2, $4.000000000e+00;
	[tilespmem:s24+$0x3230] =	vst v1;
	v1 =	vsel vm7, $0x3F800000, v0  }
0x246: {  	vm9 =	veq.f32 v2, $5.000000000e+00;
	[tilespmem:s24+$0x3EB0] =	vst v1;
	v1 =	vsel vm8, $0x3F800000, v0  }
0x247: {  	vm10 =	veq.f32 v2, $6.000000000e+00;
	[tilespmem:s24+$0x4B30] =	vst v1;
	v1 =	vsel vm9, $0x3F800000, v0  }
0x248: {  	vm11 =	veq.f32 v2, $7.000000000e+00;
	[tilespmem:s24+$0x57B0] =	vst v1;
	v1 =	vsel vm10, $0x3F800000, v0  }
0x249: {  	p0 =	sne.s32 s23, $0x3100;
	vm12 =	veq.f32 v2, $8.000000000e+00;
	[tilespmem:s24+$0x6430] =	vst v1;
	v1 =	vsel vm11, $0x3F800000, v0  }
.Ltmp5:
0x24a: {  	vm13 =	veq.f32 v2, $9.000000000e+00;
	[tilespmem:s24+$0x70B0] =	vst v1;
	v1 =	vsel vm12, $0x3F800000, v0;
	(pc) =	sbr.rel @p0 .LBB2_12-.Ltmp5, $4  }
0x24b: {  	vm14 =	veq.f32 v2, $1.000000000e+01;
	[tilespmem:s24+$0x7D30] =	vst v1;
	v1 =	vsel vm13, $0x3F800000, v0  }
0x24c: {  	vm15 =	veq.f32 v2, $1.100000000e+01;
	[tilespmem:s24+$0x89B0] =	vst v1;
	v1 =	vsel vm14, $0x3F800000, v0  }
0x24d: {  	[tilespmem:s24+$0x9630] =	vst v1;
	v1 =	vsel vm15, $0x3F800000, v0  }
0x24e: {  	s19 =	sadd.s32 $0x40, s19;
	s23 =	sadd.s32 $0x100, s23;
	[tilespmem:s24+$0xA2B0] =	vst v1  }
0x24f: {  	s23 =	sld [smem:$0x7EA];
	_ =	sdelay $0x1  }
0x250: {  	s19 =	simm.s32 $0x0;
	s24 =	simm.s32 $0x1900;
	s26 =	rddreg [dreg:$0x1c]  }
0x251: {  	[hbm4b:s23+s19] =	stream.linear.scatter [tilespmem:s24], [sflag:$0x1], $0xC80, $0x38;
	[tilespmem:$0x14500] =	vst v63  }
0x252: {  	s25 =	simm.s32 $0x2580;
	s24 =	rddreg [dreg:$0x1b]  }
0x253: {  	[hbm4b:s24+s19] =	stream.linear.scatter [tilespmem:s25], [sflag:$0x1], $0xC80, $0x38;
	[tilespmem:$0x14500] =	vst v63  }
0x254: {  	s28 =	simm.s32 $0x3200;
	s24 =	rddreg [dreg:$0x1d]  }
0x255: {  	[hbm4b:s26+s19] =	stream.linear.scatter [tilespmem:s28], [sflag:$0x1], $0xC80, $0x38;
	[tilespmem:$0x14500] =	vst v63  }
0x256: {  	s25 =	simm.s32 $0x3E80;
	s26 =	rddreg [dreg:$0x1f]  }
0x257: {  	[hbm4b:s24+s19] =	stream.linear.scatter [tilespmem:s25], [sflag:$0x1], $0xC80, $0x38;
	[tilespmem:$0x14500] =	vst v63  }
0x258: {  	s28 =	simm.s32 $0x4B00;
	s24 =	sld [smem:$0x7E6]  }
0x259: {  	[hbm4b:s26+s19] =	stream.linear.scatter [tilespmem:s28], [sflag:$0x1], $0xC80, $0x38;
	[tilespmem:$0x14500] =	vst v63  }
0x25a: {  	s25 =	simm.s32 $0x5780;
	s26 =	sld [smem:$0x7E8]  }
0x25b: {  	[hbm4b:s24+s19] =	stream.linear.scatter [tilespmem:s25], [sflag:$0x1], $0xC80, $0x38;
	[tilespmem:$0x14500] =	vst v63  }
0x25c: {  	s28 =	simm.s32 $0x6400;
	s24 =	sld [smem:$0x7E9]  }
0x25d: {  	[hbm4b:s26+s19] =	stream.linear.scatter [tilespmem:s28], [sflag:$0x1], $0xC80, $0x38;
	[tilespmem:$0x14500] =	vst v63  }
0x25e: {  	s25 =	simm.s32 $0x7080;
	s26 =	sld [smem:$0x7EB]  }
0x25f: {  	[hbm4b:s24+s19] =	stream.linear.scatter [tilespmem:s25], [sflag:$0x1], $0xC80, $0x38;
	[tilespmem:$0x14500] =	vst v63  }
0x260: {  	s28 =	simm.s32 $0x7D00;
	s24 =	sld [smem:$0x7EC]  }
0x261: {  	[hbm4b:s26+s19] =	stream.linear.scatter [tilespmem:s28], [sflag:$0x1], $0xC80, $0x38;
	[tilespmem:$0x14500] =	vst v63  }
0x262: {  	s25 =	simm.s32 $0x8980;
	s26 =	sld [smem:$0x7EE]  }
0x263: {  	[hbm4b:s24+s19] =	stream.linear.scatter [tilespmem:s25], [sflag:$0x1], $0xC80, $0x38;
	[tilespmem:$0x14500] =	vst v63  }
0x264: {  	s28 =	sld [smem:$0x7EF]  }
0x265: {  	[hbm4b:s26+s19] =	stream.linear.scatter [tilespmem:s29], [sflag:$0x1], $0xC80, $0x38;
	[tilespmem:$0x14500] =	vst v63  }
0x266: {  	_ = 	snop  }
0x267: {  	[hbm4b:s28+s19] =	stream.linear.scatter [tilespmem:s30], [sflag:$0x1], $0xC80, $0x38;
	[tilespmem:$0x14500] =	vst v63  }
0x268: {  	_ =	swait.ge [sflag:s18], $0xC80  }
0x269: {  	[sflag:s18] =	ssyncset.done $0x0  }
0x26a: {  	[sflag:s18] =	ssyncadd.s32 $0xFFFFF380  }
0x26b: {  	_ =	swait.ge [sflag:s18], $0xC80  }
0x26c: {  	[sflag:s18] =	ssyncset.done $0x0  }
0x26d: {  	[sflag:s18] =	ssyncadd.s32 $0xFFFFF380  }
0x26e: {  	_ =	swait.ge [sflag:s18], $0xC80  }
0x26f: {  	[sflag:s18] =	ssyncset.done $0x0  }
0x270: {  	[sflag:s18] =	ssyncadd.s32 $0xFFFFF380  }
0x271: {  	_ =	swait.ge [sflag:s18], $0xC80  }
0x272: {  	[sflag:s18] =	ssyncset.done $0x0  }
0x273: {  	[sflag:s18] =	ssyncadd.s32 $0xFFFFF380  }
0x274: {  	_ =	swait.ge [sflag:s18], $0xC80  }
0x275: {  	[sflag:s18] =	ssyncset.done $0x0  }
0x276: {  	[sflag:s18] =	ssyncadd.s32 $0xFFFFF380  }
0x277: {  	_ =	swait.ge [sflag:s18], $0xC80  }
0x278: {  	[sflag:s18] =	ssyncset.done $0x0  }
0x279: {  	[sflag:s18] =	ssyncadd.s32 $0xFFFFF380  }
0x27a: {  	_ =	swait.ge [sflag:s18], $0xC80  }
0x27b: {  	[sflag:s18] =	ssyncset.done $0x0  }
0x27c: {  	[sflag:s18] =	ssyncadd.s32 $0xFFFFF380  }
0x27d: {  	_ =	swait.ge [sflag:s18], $0xC80  }
0x27e: {  	[sflag:s18] =	ssyncset.done $0x0  }
0x27f: {  	[sflag:s18] =	ssyncadd.s32 $0xFFFFF380  }
0x280: {  	_ =	swait.ge [sflag:s18], $0xC80  }
0x281: {  	[sflag:s18] =	ssyncset.done $0x0  }
0x282: {  	[sflag:s18] =	ssyncadd.s32 $0xFFFFF380  }
0x283: {  	_ =	swait.ge [sflag:s18], $0xC80  }
0x284: {  	[sflag:s18] =	ssyncset.done $0x0  }
0x285: {  	[sflag:s18] =	ssyncadd.s32 $0xFFFFF380  }
0x286: {  	_ =	swait.ge [sflag:s18], $0xC80  }
0x287: {  	[sflag:s18] =	ssyncset.done $0x0  }
0x288: {  	[sflag:s18] =	ssyncadd.s32 $0xFFFFF380  }
0x289: {  	_ =	swait.ge [sflag:s18], $0xC80  }
0x28a: {  	[sflag:s18] =	ssyncset.done $0x0  }
0x28b: {  	[sflag:s18] =	ssyncadd.s32 $0xFFFFF380  }
0x28c: {  	_ =	swait.ge [sflag:s31], $0xC80  }
0x28d: {  	[sflag:s31] =	ssyncset.done $0x0  }
0x28e: {  	s23 =	simm.s32 $0x0;
	[sflag:s31] =	ssyncadd.s32 $0xFFFFF380  }
.LBB2_14:
0x28f: {  	s24 =	sshra.s32 s23, $0x2  }
0x290: {  	v1 =	vld [tilespmem:s24+$0xC80];
	_ =	sdelay $0x4  }
0x291: {  	vm0 =	veq.f32 v1, $0.0e+00;
	vm5 =	veq.f32 v1, $1.000000000e+00;
	vm6 =	veq.f32 v1, $2.000000000e+00  }
0x292: {  	vm7 =	veq.f32 v1, $3.000000000e+00;
	vm8 =	veq.f32 v1, $4.000000000e+00;
	vm9 =	veq.f32 v1, $5.000000000e+00  }
0x293: {  	vm10 =	veq.f32 v1, $6.000000000e+00;
	vm11 =	veq.f32 v1, $7.000000000e+00;
	v2 =	vsel vm0, $0x3F800000, v0  }
0x294: {  	s25 =	sand.u32 $0xFC0, s19;
	vm12 =	veq.f32 v1, $8.000000000e+00;
	vm15 =	veq.f32 v1, $1.100000000e+01;
	[tilespmem:s24+$0xAF00] =	vst v2;
	v2 =	vsel vm5, $0x3F800000, v0  }
0x295: {  	vm13 =	veq.f32 v1, $9.000000000e+00;
	vm14 =	veq.f32 v1, $1.000000000e+01;
	v1 =	vsel vm15, $0x3F800000, v0;
	[tilespmem:s25+$0xBB80] =	vst v2  }
0x296: {  	v2 =	vsel vm6, $0x3F800000, v0;
	[tilespmem:s25+$0x13880] =	vst v1  }
0x297: {  	[tilespmem:s25+$0xC800] =	vst v2;
	v2 =	vsel vm7, $0x3F800000, v0  }
0x298: {  	[tilespmem:s25+$0xD480] =	vst v2;
	v2 =	vsel vm8, $0x3F800000, v0  }
0x299: {  	[tilespmem:s25+$0xE100] =	vst v2;
	v2 =	vsel vm9, $0x3F800000, v0  }
0x29a: {  	[tilespmem:s25+$0xED80] =	vst v2;
	v2 =	vsel vm10, $0x3F800000, v0  }
0x29b: {  	[tilespmem:s25+$0xFA00] =	vst v2;
	v2 =	vsel vm11, $0x3F800000, v0  }
0x29c: {  	[tilespmem:s25+$0x10680] =	vst v2;
	v2 =	vsel vm12, $0x3F800000, v0  }
0x29d: {  	[tilespmem:s25+$0x11300] =	vst v2;
	v2 =	vsel vm13, $0x3F800000, v0  }
0x29e: {  	[tilespmem:s25+$0x11F80] =	vst v2;
	v2 =	vsel vm14, $0x3F800000, v0  }
0x29f: {  	[tilespmem:s25+$0x12C00] =	vst v2  }
0x2a0: {  	v1 =	vld [tilespmem:s24+$0xC90];
	_ =	sdelay $0x4  }
0x2a1: {  	v3 =	vld [tilespmem:s24+$0xCA0];
	vm4 =	veq.f32 v1, $0.0e+00;
	vm5 =	veq.f32 v1, $1.000000000e+00  }
0x2a2: {  	vm6 =	veq.f32 v1, $2.000000000e+00;
	vm7 =	veq.f32 v1, $3.000000000e+00;
	vm8 =	veq.f32 v1, $4.000000000e+00  }
0x2a3: {  	vm9 =	veq.f32 v1, $5.000000000e+00;
	vm10 =	veq.f32 v1, $6.000000000e+00;
	vm11 =	veq.f32 v1, $7.000000000e+00  }
0x2a4: {  	vm12 =	veq.f32 v1, $8.000000000e+00;
	vm15 =	veq.f32 v1, $1.100000000e+01;
	v2 =	vsel vm4, $0x3F800000, v0  }
0x2a5: {  	vm13 =	veq.f32 v1, $9.000000000e+00;
	vm14 =	veq.f32 v1, $1.000000000e+01;
	v1 =	vsel vm15, $0x3F800000, v0;
	[tilespmem:s24+$0xAF10] =	vst v2  }
0x2a6: {  	vm4 =	veq.f32 v3, $0.0e+00;
	v2 =	vsel vm5, $0x3F800000, v0;
	[tilespmem:s24+$0x13890] =	vst v1  }
0x2a7: {  	v1 =	vsel vm4, $0x3F800000, v0;
	[tilespmem:s24+$0xBB90] =	vst v2  }
0x2a8: {  	vm5 =	veq.f32 v3, $1.000000000e+00;
	v2 =	vsel vm6, $0x3F800000, v0;
	[tilespmem:s24+$0xAF20] =	vst v1  }
0x2a9: {  	v1 =	vsel vm5, $0x3F800000, v0;
	[tilespmem:s24+$0xC810] =	vst v2  }
0x2aa: {  	vm6 =	veq.f32 v3, $2.000000000e+00;
	v2 =	vsel vm7, $0x3F800000, v0;
	[tilespmem:s24+$0xBBA0] =	vst v1  }
0x2ab: {  	v1 =	vsel vm6, $0x3F800000, v0;
	[tilespmem:s24+$0xD490] =	vst v2  }
0x2ac: {  	vm7 =	veq.f32 v3, $3.000000000e+00;
	v2 =	vsel vm8, $0x3F800000, v0;
	[tilespmem:s24+$0xC820] =	vst v1  }
0x2ad: {  	v1 =	vsel vm7, $0x3F800000, v0;
	[tilespmem:s24+$0xE110] =	vst v2  }
0x2ae: {  	vm8 =	veq.f32 v3, $4.000000000e+00;
	v2 =	vsel vm9, $0x3F800000, v0;
	[tilespmem:s24+$0xD4A0] =	vst v1  }
0x2af: {  	v1 =	vsel vm8, $0x3F800000, v0;
	[tilespmem:s24+$0xED90] =	vst v2  }
0x2b0: {  	vm9 =	veq.f32 v3, $5.000000000e+00;
	v2 =	vsel vm10, $0x3F800000, v0;
	[tilespmem:s24+$0xE120] =	vst v1  }
0x2b1: {  	v1 =	vsel vm9, $0x3F800000, v0;
	[tilespmem:s24+$0xFA10] =	vst v2  }
0x2b2: {  	v2 =	vsel vm11, $0x3F800000, v0;
	[tilespmem:s24+$0xEDA0] =	vst v1  }
0x2b3: {  	[tilespmem:s24+$0x10690] =	vst v2;
	v2 =	vsel vm12, $0x3F800000, v0  }
0x2b4: {  	[tilespmem:s24+$0x11310] =	vst v2;
	v2 =	vsel vm13, $0x3F800000, v0  }
0x2b5: {  	vm10 =	veq.f32 v3, $6.000000000e+00;
	[tilespmem:s24+$0x11F90] =	vst v2;
	v2 =	vsel vm14, $0x3F800000, v0  }
0x2b6: {  	v1 =	vsel vm10, $0x3F800000, v0;
	vm11 =	veq.f32 v3, $7.000000000e+00;
	[tilespmem:s24+$0x12C10] =	vst v2;
	v2 =	vld [tilespmem:s24+$0xCB0]  }
0x2b7: {  	[tilespmem:s24+$0xFA20] =	vst v1;
	v1 =	vsel vm11, $0x3F800000, v0;
	vm12 =	veq.f32 v3, $8.000000000e+00  }
0x2b8: {  	[tilespmem:s24+$0x106A0] =	vst v1;
	v1 =	vsel vm12, $0x3F800000, v0;
	vm13 =	veq.f32 v3, $9.000000000e+00  }
0x2b9: {  	[tilespmem:s24+$0x11320] =	vst v1;
	v1 =	vsel vm13, $0x3F800000, v0;
	vm14 =	veq.f32 v3, $1.000000000e+01  }
0x2ba: {  	vm15 =	veq.f32 v3, $1.100000000e+01;
	[tilespmem:s24+$0x11FA0] =	vst v1;
	v1 =	vsel vm14, $0x3F800000, v0  }
0x2bb: {  	[tilespmem:s24+$0x12C20] =	vst v1;
	v1 =	vsel vm15, $0x3F800000, v0;
	vm4 =	veq.f32 v2, $0.0e+00  }
0x2bc: {  	[tilespmem:s24+$0x138A0] =	vst v1;
	vm5 =	veq.f32 v2, $1.000000000e+00;
	v1 =	vsel vm4, $0x3F800000, v0  }
0x2bd: {  	vm6 =	veq.f32 v2, $2.000000000e+00;
	[tilespmem:s24+$0xAF30] =	vst v1;
	v1 =	vsel vm5, $0x3F800000, v0  }
0x2be: {  	vm7 =	veq.f32 v2, $3.000000000e+00;
	[tilespmem:s24+$0xBBB0] =	vst v1;
	v1 =	vsel vm6, $0x3F800000, v0  }
0x2bf: {  	vm8 =	veq.f32 v2, $4.000000000e+00;
	[tilespmem:s24+$0xC830] =	vst v1;
	v1 =	vsel vm7, $0x3F800000, v0  }
0x2c0: {  	vm9 =	veq.f32 v2, $5.000000000e+00;
	[tilespmem:s24+$0xD4B0] =	vst v1;
	v1 =	vsel vm8, $0x3F800000, v0  }
0x2c1: {  	vm10 =	veq.f32 v2, $6.000000000e+00;
	[tilespmem:s24+$0xE130] =	vst v1;
	v1 =	vsel vm9, $0x3F800000, v0  }
0x2c2: {  	vm11 =	veq.f32 v2, $7.000000000e+00;
	[tilespmem:s24+$0xEDB0] =	vst v1;
	v1 =	vsel vm10, $0x3F800000, v0  }
0x2c3: {  	p0 =	sne.s32 s23, $0x3100;
	vm12 =	veq.f32 v2, $8.000000000e+00;
	[tilespmem:s24+$0xFA30] =	vst v1;
	v1 =	vsel vm11, $0x3F800000, v0  }
.Ltmp6:
0x2c4: {  	vm13 =	veq.f32 v2, $9.000000000e+00;
	[tilespmem:s24+$0x106B0] =	vst v1;
	v1 =	vsel vm12, $0x3F800000, v0;
	(pc) =	sbr.rel @p0 .LBB2_14-.Ltmp6, $4  }
0x2c5: {  	vm14 =	veq.f32 v2, $1.000000000e+01;
	[tilespmem:s24+$0x11330] =	vst v1;
	v1 =	vsel vm13, $0x3F800000, v0  }
0x2c6: {  	vm15 =	veq.f32 v2, $1.100000000e+01;
	[tilespmem:s24+$0x11FB0] =	vst v1;
	v1 =	vsel vm14, $0x3F800000, v0  }
0x2c7: {  	[tilespmem:s24+$0x12C30] =	vst v1;
	v1 =	vsel vm15, $0x3F800000, v0  }
0x2c8: {  	s19 =	sadd.s32 $0x40, s19;
	s23 =	sadd.s32 $0x100, s23;
	[tilespmem:s24+$0x138B0] =	vst v1  }
0x2c9: {  	s19 =	sld [smem:$0x7F8];
	_ =	sdelay $0x1  }
0x2ca: {  	s26 =	sld [smem:$0x7F0]  }
0x2cb: {  	[hbm4b:s19+s3] =	stream.linear.scatter [tilespmem:s1], [sflag:$0x2], $0xC80, $0x38;
	[tilespmem:$0x14500] =	vst v63  }
0x2cc: {  	s28 =	sld [smem:$0x7F1]  }
0x2cd: {  	[hbm4b:s26+s3] =	stream.linear.scatter [tilespmem:s0], [sflag:$0x2], $0xC80, $0x38;
	[tilespmem:$0x14500] =	vst v63  }
0x2ce: {  	s23 =	sld [smem:$0x7F2]  }
0x2cf: {  	[hbm4b:s28+s3] =	stream.linear.scatter [tilespmem:s6], [sflag:$0x2], $0xC80, $0x38;
	[tilespmem:$0x14500] =	vst v63  }
0x2d0: {  	s24 =	sld [smem:$0x7F3]  }
0x2d1: {  	[hbm4b:s23+s3] =	stream.linear.scatter [tilespmem:s7], [sflag:$0x2], $0xC80, $0x38;
	[tilespmem:$0x14500] =	vst v63  }
0x2d2: {  	s25 =	sld [smem:$0x7F4]  }
0x2d3: {  	[hbm4b:s24+s3] =	stream.linear.scatter [tilespmem:s8], [sflag:$0x2], $0xC80, $0x38;
	[tilespmem:$0x14500] =	vst v63  }
0x2d4: {  	s26 =	sld [smem:$0x7F6]  }
0x2d5: {  	[hbm4b:s25+s3] =	stream.linear.scatter [tilespmem:s9], [sflag:$0x2], $0xC80, $0x38;
	[tilespmem:$0x14500] =	vst v63  }
0x2d6: {  	s28 =	sld [smem:$0x7F7]  }
0x2d7: {  	[hbm4b:s26+s3] =	stream.linear.scatter [tilespmem:s10], [sflag:$0x2], $0xC80, $0x38;
	[tilespmem:$0x14500] =	vst v63  }
0x2d8: {  	s23 =	sld [smem:$0x7F9]  }
0x2d9: {  	[hbm4b:s28+s3] =	stream.linear.scatter [tilespmem:s11], [sflag:$0x2], $0xC80, $0x38;
	[tilespmem:$0x14500] =	vst v63  }
0x2da: {  	s24 =	sld [smem:$0x7FA]  }
0x2db: {  	[hbm4b:s23+s3] =	stream.linear.scatter [tilespmem:s5], [sflag:$0x2], $0xC80, $0x38;
	[tilespmem:$0x14500] =	vst v63  }
0x2dc: {  	s25 =	sld [smem:$0x7FC]  }
0x2dd: {  	[hbm4b:s24+s3] =	stream.linear.scatter [tilespmem:s12], [sflag:$0x2], $0xC80, $0x38;
	[tilespmem:$0x14500] =	vst v63  }
0x2de: {  	s26 =	sld [smem:$0x7FD]  }
0x2df: {  	[hbm4b:s25+s3] =	stream.linear.scatter [tilespmem:s14], [sflag:$0x2], $0xC80, $0x38;
	[tilespmem:$0x14500] =	vst v63  }
0x2e0: {  	_ = 	snop  }
0x2e1: {  	[hbm4b:s26+s3] =	stream.linear.scatter [tilespmem:s15], [sflag:$0x2], $0xC80, $0x38;
	[tilespmem:$0x14500] =	vst v63  }
0x2e2: {  	_ =	swait.ge [sflag:s17], $0xC80  }
0x2e3: {  	[sflag:s17] =	ssyncset.done $0x0  }
0x2e4: {  	[sflag:s17] =	ssyncadd.s32 $0xFFFFF380  }
0x2e5: {  	_ =	swait.ge [sflag:s17], $0xC80  }
0x2e6: {  	[sflag:s17] =	ssyncset.done $0x0  }
0x2e7: {  	[sflag:s17] =	ssyncadd.s32 $0xFFFFF380  }
0x2e8: {  	_ =	swait.ge [sflag:s17], $0xC80  }
0x2e9: {  	[sflag:s17] =	ssyncset.done $0x0  }
0x2ea: {  	[sflag:s17] =	ssyncadd.s32 $0xFFFFF380  }
0x2eb: {  	_ =	swait.ge [sflag:s17], $0xC80  }
0x2ec: {  	[sflag:s17] =	ssyncset.done $0x0  }
0x2ed: {  	[sflag:s17] =	ssyncadd.s32 $0xFFFFF380  }
0x2ee: {  	_ =	swait.ge [sflag:s17], $0xC80  }
0x2ef: {  	[sflag:s17] =	ssyncset.done $0x0  }
0x2f0: {  	[sflag:s17] =	ssyncadd.s32 $0xFFFFF380  }
0x2f1: {  	_ =	swait.ge [sflag:s17], $0xC80  }
0x2f2: {  	[sflag:s17] =	ssyncset.done $0x0  }
0x2f3: {  	[sflag:s17] =	ssyncadd.s32 $0xFFFFF380  }
0x2f4: {  	_ =	swait.ge [sflag:s17], $0xC80  }
0x2f5: {  	[sflag:s17] =	ssyncset.done $0x0  }
0x2f6: {  	[sflag:s17] =	ssyncadd.s32 $0xFFFFF380  }
0x2f7: {  	_ =	swait.ge [sflag:s17], $0xC80  }
0x2f8: {  	[sflag:s17] =	ssyncset.done $0x0  }
0x2f9: {  	[sflag:s17] =	ssyncadd.s32 $0xFFFFF380  }
0x2fa: {  	_ =	swait.ge [sflag:s17], $0xC80  }
0x2fb: {  	[sflag:s17] =	ssyncset.done $0x0  }
0x2fc: {  	[sflag:s17] =	ssyncadd.s32 $0xFFFFF380  }
0x2fd: {  	_ =	swait.ge [sflag:s17], $0xC80  }
0x2fe: {  	[sflag:s17] =	ssyncset.done $0x0  }
0x2ff: {  	[sflag:s17] =	ssyncadd.s32 $0xFFFFF380  }
0x300: {  	_ =	swait.ge [sflag:s17], $0xC80  }
0x301: {  	[sflag:s17] =	ssyncset.done $0x0  }
0x302: {  	[sflag:s17] =	ssyncadd.s32 $0xFFFFF380  }
0x303: {  	_ =	swait.ge [sflag:s17], $0xC80  }
0x304: {  	[sflag:s17] =	ssyncset.done $0x0  }
0x305: {  	[sflag:s17] =	ssyncadd.s32 $0xFFFFF380  }
0x306: {  	_ =	swait.ge [sflag:s18], $0xC80  }
0x307: {  	[sflag:s18] =	ssyncset.done $0x0  }
0x308: {  	[sflag:s18] =	ssyncadd.s32 $0xFFFFF380  }
0x309: {  	_ =	swait.ge [sflag:s18], $0xC80  }
0x30a: {  	[sflag:s18] =	ssyncset.done $0x0  }
0x30b: {  	[sflag:s18] =	ssyncadd.s32 $0xFFFFF380  }
0x30c: {  	_ =	swait.ge [sflag:s18], $0xC80  }
0x30d: {  	[sflag:s18] =	ssyncset.done $0x0  }
0x30e: {  	[sflag:s18] =	ssyncadd.s32 $0xFFFFF380  }
0x30f: {  	_ =	swait.ge [sflag:s18], $0xC80  }
0x310: {  	[sflag:s18] =	ssyncset.done $0x0  }
0x311: {  	[sflag:s18] =	ssyncadd.s32 $0xFFFFF380  }
0x312: {  	_ =	swait.ge [sflag:s18], $0xC80  }
0x313: {  	[sflag:s18] =	ssyncset.done $0x0  }
0x314: {  	[sflag:s18] =	ssyncadd.s32 $0xFFFFF380  }
0x315: {  	_ =	swait.ge [sflag:s18], $0xC80  }
0x316: {  	[sflag:s18] =	ssyncset.done $0x0  }
0x317: {  	[sflag:s18] =	ssyncadd.s32 $0xFFFFF380  }
0x318: {  	_ =	swait.ge [sflag:s18], $0xC80  }
0x319: {  	[sflag:s18] =	ssyncset.done $0x0  }
0x31a: {  	[sflag:s18] =	ssyncadd.s32 $0xFFFFF380  }
0x31b: {  	_ =	swait.ge [sflag:s18], $0xC80  }
0x31c: {  	[sflag:s18] =	ssyncset.done $0x0  }
0x31d: {  	[sflag:s18] =	ssyncadd.s32 $0xFFFFF380  }
0x31e: {  	_ =	swait.ge [sflag:s18], $0xC80  }
0x31f: {  	[sflag:s18] =	ssyncset.done $0x0  }
0x320: {  	[sflag:s18] =	ssyncadd.s32 $0xFFFFF380  }
0x321: {  	_ =	swait.ge [sflag:s18], $0xC80  }
0x322: {  	[sflag:s18] =	ssyncset.done $0x0  }
0x323: {  	[sflag:s18] =	ssyncadd.s32 $0xFFFFF380  }
0x324: {  	_ =	swait.ge [sflag:s18], $0xC80  }
0x325: {  	[sflag:s18] =	ssyncset.done $0x0  }
0x326: {  	[sflag:s18] =	ssyncadd.s32 $0xFFFFF380  }
0x327: {  	_ =	swait.ge [sflag:s18], $0xC80  }
0x328: {  	s23 =	sld [smem:$0x7E5]  }
0x329: {  	s28 =	sld [smem:$0x7FB];
	_ =	sdelay $0x1  }
0x32a: {  	s23 =	sadd.s32 $0x1, s23  }
0x32b: {  	p0 =	sne.s32 s23, s28  }
.Ltmp7:
0x32c: {  	_ = 	snop;
	(pc) =	sbr.rel @p0 .LBB2_1-.Ltmp7, $3  }
0x32d: {  	_ =	sdelay $0x1  }
0x32e: {  	[sflag:s18] =	ssyncset.done $0x0  }
0x32f: {  	[sflag:s18] =	ssyncadd.s32 $0xFFFFF380  }
0x330: {  	_ =	sfence.sel $0x180000  }
0x331: {  	[bflag:$0x0] =	sbarrier.arrive $0xFFFF  }
0x332: {  	_ =	strace $0x90000047  }
0x333: {  	s0 =	stileid.u32;
	[bflag:$0x2] =	sbarrier.arrive $0xFFFF  }
0x334: {  	p0 =	sne.s32 s0, $0x0;
	s0 =	rddreg [dreg:$0x2]  }
0x335: {  	s0 =	sadd.s32 @!p0 $0x100000, s0  }
0x336: {  	[sflag:s0] =	ssyncadd.tile.s32 @!p0 $0x1;
	_ =	shalt  }
.Lfunc_end2:
_tile_overlayer_lowered:
.L_overlay_start_2:
0x337: {  	(tag) =	ssettag $0x2  }
0x338: {  	s0 =	rddreg [dreg:$0x0];
	s2 =	stileid.u32  }
0x339: {  	s1 =	rddreg [dreg:$0x1];
	p0 =	sne.s32 s2, $0x0  }
0x33a: {  	s3 =	rddreg [dreg:$0x2];
	[bflag:$0x3] =	sbarrier.arrive $0xFFFF;
	s2 =	simm.s32 @!p0 $0x1C05  }
0x33b: {  	[timem:s3], [sflag:s2] =	dma.local @!p0 [hbm:s0], s1  }
0x33c: {  	s0 =	simm.s32 @!p0 $0x5  }
0x33d: {  	_ =	swait.ge @!p0 [sflag:s0], s1  }
0x33e: {  	s1 =	ssub.s32 @!p0 $0x0, s1;
	[sflag:s0] =	ssyncset.done @!p0 $0x0  }
0x33f: {  	[sflag:s0] =	ssyncadd.s32 @!p0 s1  }
0x340: {  	[bflag:$0x3] =	sbarrier.arrive $0xFFFF  }
0x341: {  	_ =	shalt  }

</sc_bundles>
